<compile_context>
chip_gen: v7x
topology: tpu7x:2x2x1
jax: 0.10.2.dev20260603
libtpu: 0.0.44.dev20260713+nightly
codegen_flags: <defaults>
</compile_context>

<pallas_src>
import functools

import jax
import jax.numpy as jnp
from jax import lax
from jax.experimental import pallas as pl
from jax.experimental.pallas import tpu as pltpu
from jax.experimental.pallas import tpu_sc as plsc

N = 10000
D = 128
E = 320000
W_AGG = 32
NW = 32
CPT_A = 90
CPT_B = 72
CPT_MAX = max(CPT_A, CPT_B)
NCHUNK = 16 * (CPT_A + CPT_B)
E_PAD = NCHUNK * 128
N_PAD = 10240
RPT = N_PAD // 16
BLK = 1024


def _sc_mesh():
    return plsc.VectorSubcoreMesh(core_axis_name="c", subcore_axis_name="s")


_SC_PARAMS = pltpu.CompilerParams(
    use_tc_tiling_on_sc=False, needs_layout_passes=False)



def _stage_chunks(hbm2, vmem, cid, sid):
    base_a = sid * CPT_A
    base_b = 16 * CPT_A + sid * CPT_B

    @pl.when(cid == 0)
    def _():
        pltpu.sync_copy(hbm2.at[pl.ds(base_a, CPT_A)], vmem.at[pl.ds(0, CPT_A)])

    @pl.when(cid == 1)
    def _():
        pltpu.sync_copy(hbm2.at[pl.ds(base_b, CPT_B)], vmem.at[pl.ds(0, CPT_B)])


def _deg_call(dst2):

    @functools.partial(
        pl.kernel,
        out_type=jax.ShapeDtypeStruct((NW, N_PAD), jnp.float32),
        mesh=_sc_mesh(),
        scratch_types=[
            pltpu.VMEM((CPT_MAX, 128), jnp.int32),
            pltpu.VMEM((N_PAD,), jnp.float32),
        ],
        compiler_params=_SC_PARAMS,
    )
    def deg_kernel(dst_hbm, degp_hbm, dstv, degacc):
        cid = lax.axis_index("c")
        sid = lax.axis_index("s")
        wid = sid * 2 + cid
        ncpt = jnp.where(cid == 0, CPT_A, CPT_B)
        _stage_chunks(dst_hbm, dstv, cid, sid)
        zero16 = jnp.zeros((16,), jnp.float32)

        @pl.loop(0, N_PAD // 16)
        def _zero(i):
            degacc[pl.ds(i * 16, 16)] = zero16

        one16 = jnp.ones((16,), jnp.float32)

        @pl.loop(0, ncpt)
        def _chunk(j):
            for t in range(8):
                idx = dstv[j, pl.ds(t * 16, 16)]
                plsc.addupdate_scatter(degacc, [idx], one16)

        pltpu.sync_copy(degacc, degp_hbm.at[wid])

    return deg_kernel(dst2)


def _agg_call(v, src3, dst3, dis=None):
    with_q = dis is not None
    outs = [jax.ShapeDtypeStruct((2, N_PAD, W_AGG), jnp.float32)]
    scratch = [
        pltpu.VMEM((CPT_MAX, 128), jnp.int32),
        pltpu.VMEM((CPT_MAX, 128), jnp.int32),
        [pltpu.VMEM((128, W_AGG), jnp.float32)] * 2,
        [pltpu.SemaphoreType.DMA] * 2,
        pltpu.VMEM_SHARED((N_PAD, W_AGG), jnp.float32),
    ]
    if with_q:
        outs.append(jax.ShapeDtypeStruct((NW, N_PAD), jnp.float32))
        scratch += [
            pltpu.VMEM((N_PAD,), jnp.float32),
            pltpu.VMEM((N_PAD,), jnp.float32),
        ]

    def body(refs):
        if with_q:
            (v_hbm, src_hbm, dst_hbm, dis_hbm, p_hbm, qp_hbm,
             srcv, dstv, rows, gsems, acc, disv, qacc) = refs
        else:
            (v_hbm, src_hbm, dst_hbm, p_hbm,
             srcv, dstv, rows, gsems, acc) = refs
        cid = lax.axis_index("c")
        sid = lax.axis_index("s")
        wid = sid * 2 + cid
        ncpt = jnp.where(cid == 0, CPT_A, CPT_B)
        _stage_chunks(src_hbm, srcv, cid, sid)
        _stage_chunks(dst_hbm, dstv, cid, sid)
        zero16 = jnp.zeros((16,), jnp.float32)

        @pl.loop(0, 128)
        def _zero_rows(i):
            rows[0][i, pl.ds(0, 16)] = zero16
            rows[0][i, pl.ds(16, 16)] = zero16

        for b in range(RPT // 128):
            pltpu.sync_copy(rows[0], acc.at[pl.ds(sid * RPT + b * 128, 128)])

        if with_q:
            pltpu.sync_copy(dis_hbm, disv)

            @pl.loop(0, N_PAD // 16)
            def _zero_q(i):
                qacc[pl.ds(i * 16, 16)] = zero16

        plsc.subcore_barrier()

        def gather(jj, b):
            pltpu.async_copy(v_hbm.at[srcv.at[jj]], rows[b], gsems[b])

        def gather_wait(jj, b):
            pltpu.make_async_copy(v_hbm.at[srcv.at[jj]], rows[b], gsems[b]).wait()

        gather(0, 0)
        gather(1, 1)

        @pl.loop(0, ncpt, step=2)
        def _chunk(j):
            for b in range(2):
                jj = j + b
                gather_wait(jj, b)
                pltpu.sync_copy(rows[b], acc.at[dstv.at[jj]], add=True)

                @pl.when(jj + 2 < ncpt)
                def _():
                    gather(jj + 2, b)

                if with_q:
                    for t in range(8):
                        si = srcv[jj, pl.ds(t * 16, 16)]
                        di = dstv[jj, pl.ds(t * 16, 16)]
                        dv = plsc.load_gather(disv, [si])
                        plsc.addupdate_scatter(qacc, [di], dv)

        plsc.subcore_barrier()
        pltpu.sync_copy(acc.at[pl.ds(sid * RPT, RPT)],
                        p_hbm.at[cid, pl.ds(sid * RPT, RPT)])
        if with_q:
            pltpu.sync_copy(qacc, qp_hbm.at[wid])

    def wrapped(*refs):
        body(refs)

    fn = functools.partial(
        pl.kernel,
        out_type=tuple(outs) if with_q else outs[0],
        mesh=_sc_mesh(),
        scratch_types=scratch,
        compiler_params=_SC_PARAMS,
    )(wrapped)
    if with_q:
        return fn(v, src3, dst3, dis)
    return fn(v, src3, dst3)



def _tc1(x_pad, W1, W2, degp):
    def body(x_ref, w1_ref, w2_ref, degp_ref, v1_ref, dis_ref):
        deg = jnp.sum(degp_ref[...], axis=0)
        dis = jnp.where(deg > 0, lax.rsqrt(deg), 0.0)
        w12 = jnp.dot(w1_ref[...], w2_ref[...], preferred_element_type=jnp.float32)
        c = jnp.dot(x_ref[...], w12, preferred_element_type=jnp.float32)
        v1_ref[...] = c * dis[:, None]
        dis_ref[...] = dis[None, :]

    return pl.pallas_call(
        body,
        grid=(N_PAD // BLK,),
        in_specs=[
            pl.BlockSpec((BLK, D), lambda i: (i, 0)),
            pl.BlockSpec((D, 64), lambda i: (0, 0)),
            pl.BlockSpec((64, W_AGG), lambda i: (0, 0)),
            pl.BlockSpec((NW, BLK), lambda i: (0, i)),
        ],
        out_specs=[
            pl.BlockSpec((BLK, W_AGG), lambda i: (i, 0)),
            pl.BlockSpec((1, BLK), lambda i: (0, i)),
        ],
        out_shape=[
            jax.ShapeDtypeStruct((N_PAD, W_AGG), jnp.float32),
            jax.ShapeDtypeStruct((1, N_PAD), jnp.float32),
        ],
    )(x_pad, W1, W2, degp)


def _tc2(p, qp, dis):
    def body(p_ref, qp_ref, dis_ref, v2_ref, q_ref):
        a = p_ref[0] + p_ref[1]
        d = dis_ref[0]
        v2_ref[...] = a * (d * d)[:, None]
        q_ref[...] = (d * jnp.sum(qp_ref[...], axis=0))[None, :]

    return pl.pallas_call(
        body,
        grid=(N_PAD // BLK,),
        in_specs=[
            pl.BlockSpec((2, BLK, W_AGG), lambda i: (0, i, 0)),
            pl.BlockSpec((NW, BLK), lambda i: (0, i)),
            pl.BlockSpec((1, BLK), lambda i: (0, i)),
        ],
        out_specs=[
            pl.BlockSpec((BLK, W_AGG), lambda i: (i, 0)),
            pl.BlockSpec((1, BLK), lambda i: (0, i)),
        ],
        out_shape=[
            jax.ShapeDtypeStruct((N_PAD, W_AGG), jnp.float32),
            jax.ShapeDtypeStruct((1, N_PAD), jnp.float32),
        ],
    )(p, qp, dis)


def _tc3(p, dis, q, b1r, W2, b2r):
    def body(p_ref, dis_ref, q_ref, b1_ref, w2_ref, b2_ref, v3_ref):
        d = dis_ref[0][:, None]
        qc = q_ref[0][:, None]
        bw = jnp.dot(b1_ref[...], w2_ref[...], preferred_element_type=jnp.float32)
        h2 = (p_ref[0] + p_ref[1]) * d + qc * bw + b2_ref[...]
        v3_ref[...] = jax.nn.sigmoid(h2) * d

    return pl.pallas_call(
        body,
        grid=(N_PAD // BLK,),
        in_specs=[
            pl.BlockSpec((2, BLK, W_AGG), lambda i: (0, i, 0)),
            pl.BlockSpec((1, BLK), lambda i: (0, i)),
            pl.BlockSpec((1, BLK), lambda i: (0, i)),
            pl.BlockSpec((1, 64), lambda i: (0, 0)),
            pl.BlockSpec((64, W_AGG), lambda i: (0, 0)),
            pl.BlockSpec((1, W_AGG), lambda i: (0, 0)),
        ],
        out_specs=pl.BlockSpec((BLK, W_AGG), lambda i: (i, 0)),
        out_shape=jax.ShapeDtypeStruct((N_PAD, W_AGG), jnp.float32),
    )(p, dis, q, b1r, W2, b2r)


def _tc4(p, dis):
    def body(p_ref, dis_ref, v4_ref):
        d = dis_ref[0]
        v4_ref[...] = (p_ref[0] + p_ref[1]) * (d * d)[:, None]

    return pl.pallas_call(
        body,
        grid=(N_PAD // BLK,),
        in_specs=[
            pl.BlockSpec((2, BLK, W_AGG), lambda i: (0, i, 0)),
            pl.BlockSpec((1, BLK), lambda i: (0, i)),
        ],
        out_specs=pl.BlockSpec((BLK, W_AGG), lambda i: (i, 0)),
        out_shape=jax.ShapeDtypeStruct((N_PAD, W_AGG), jnp.float32),
    )(p, dis)


def _tc5(p, dis, q, W3, W4, b3r, b4r):
    def body(p_ref, dis_ref, q_ref, w3_ref, w4_ref, b3_ref, b4_ref, out_ref):
        d = dis_ref[0][:, None]
        qc = q_ref[0][:, None]
        w34 = jnp.dot(w3_ref[...], w4_ref[...], preferred_element_type=jnp.float32)
        bw = jnp.dot(b3_ref[...], w4_ref[...], preferred_element_type=jnp.float32)
        t = (p_ref[0] + p_ref[1]) * d
        h4 = jnp.dot(t, w34, preferred_element_type=jnp.float32) + qc * bw + b4_ref[...]
        out_ref[...] = jnp.maximum(h4, 0.0)

    return pl.pallas_call(
        body,
        grid=(N_PAD // BLK,),
        in_specs=[
            pl.BlockSpec((2, BLK, W_AGG), lambda i: (0, i, 0)),
            pl.BlockSpec((1, BLK), lambda i: (0, i)),
            pl.BlockSpec((1, BLK), lambda i: (0, i)),
            pl.BlockSpec((W_AGG, 64), lambda i: (0, 0)),
            pl.BlockSpec((64, D), lambda i: (0, 0)),
            pl.BlockSpec((1, 64), lambda i: (0, 0)),
            pl.BlockSpec((1, D), lambda i: (0, 0)),
        ],
        out_specs=pl.BlockSpec((BLK, D), lambda i: (i, 0)),
        out_shape=jax.ShapeDtypeStruct((N_PAD, D), jnp.float32),
    )(p, dis, q, W3, W4, b3r, b4r)



def kernel(x, edge_index, edge_weights, W1, b1, W2, b2, W3, b3, W4, b4):
    del edge_weights
    loop = jnp.arange(N, dtype=jnp.int32)
    pad = jnp.full((E_PAD - E - N,), N, dtype=jnp.int32)
    src3 = jnp.concatenate([edge_index[0], loop, pad]).reshape(NCHUNK, 128)
    dst3 = jnp.concatenate([edge_index[1], loop, pad]).reshape(NCHUNK, 128)
    x_pad = jnp.pad(x, ((0, N_PAD - N), (0, 0)))

    degp = _deg_call(dst3)
    v1, dis = _tc1(x_pad, W1, W2, degp)
    p, qp = _agg_call(v1, src3, dst3, dis=dis.reshape(N_PAD))
    v2, q = _tc2(p, qp, dis)
    p = _agg_call(v2, src3, dst3)
    v3 = _tc3(p, dis, q, b1.reshape(1, 64), W2, b2.reshape(1, W_AGG))
    p = _agg_call(v3, src3, dst3)
    v4 = _tc4(p, dis)
    p = _agg_call(v4, src3, dst3)
    out = _tc5(p, dis, q, W3, W4, b3.reshape(1, 64), b4.reshape(1, D))
    return out[:N]

# --- scband reference (transcript-rebuilt; emitter-appended) ---
"""Pipeline reference for scband-gcn-deep-7919919694204 (READ-ONLY COPY).

The authoritative reference and input builder live on the scoring server;
editing this copy changes nothing except your own understanding.
"""

import jax, jax.numpy as jnp
import numpy as np

N = 10000
E = 320000
D = 128

def _glorot(key, shape):
    fan_in, fan_out = shape
    lim = (6.0 / (fan_in + fan_out)) ** 0.5
    return jax.random.uniform(key, shape, minval=-lim, maxval=lim, dtype=jnp.float32)

def setup_inputs(seed: int = 0):
    key = jax.random.key(seed)
    ks = jax.random.split(key, 8)
    x = jax.random.normal(ks[0], (N, D), dtype=jnp.float32)
    edge_index = jax.random.randint(ks[1], (2, E), 0, N, dtype=jnp.int32)
    edge_weights = jax.random.uniform(ks[2], (E,), dtype=jnp.float32)
    W1 = _glorot(ks[3], (D, D // 2)); b1 = jnp.zeros((D // 2,), jnp.float32)
    W2 = _glorot(ks[4], (D // 2, D // 4)); b2 = jnp.zeros((D // 4,), jnp.float32)
    W3 = _glorot(ks[5], (D // 4, D // 2)); b3 = jnp.zeros((D // 2,), jnp.float32)
    W4 = _glorot(ks[6], (D // 2, D)); b4 = jnp.zeros((D,), jnp.float32)
    return {"x": x, "edge_index": edge_index, "edge_weights": edge_weights,
            "W1": W1, "b1": b1, "W2": W2, "b2": b2,
            "W3": W3, "b3": b3, "W4": W4, "b4": b4}

def _gcn_conv(x, src, dst, W, b, n):
    # PyG GCNConv with add_self_loops=True (self loops already appended to src/dst):
    # out = D^{-1/2} (A + I) D^{-1/2} X W + b
    h = x @ W
    ones = jnp.ones((src.shape[0],), h.dtype)
    deg = jnp.zeros((n,), h.dtype).at[dst].add(ones)
    dis = jnp.where(deg > 0, jax.lax.rsqrt(jnp.maximum(deg, 1e-12)), 0.0)
    norm = dis[src] * dis[dst]
    msg = h[src] * norm[:, None]
    out = jnp.zeros((n, W.shape[1]), h.dtype).at[dst].add(msg)
    return out + b

def reference(x, edge_index, edge_weights, W1, b1, W2, b2, W3, b3, W4, b4):
    # edge_weights is accepted but unused by the original forward (GCNConv called without it)
    n = x.shape[0]
    loop = jnp.arange(n, dtype=edge_index.dtype)
    src = jnp.concatenate([edge_index[0], loop])
    dst = jnp.concatenate([edge_index[1], loop])
    h = _gcn_conv(x, src, dst, W1, b1, n)
    h = _gcn_conv(h, src, dst, W2, b2, n)
    h = jax.nn.sigmoid(h)
    h = _gcn_conv(h, src, dst, W3, b3, n)
    h = _gcn_conv(h, src, dst, W4, b4, n)
    return jax.nn.relu(h)

if __name__ == "__main__":
    import jax
    _d = setup_inputs()
    print(jax.jit(kernel)(*tuple(_d.values())))

</pallas_src>

<mosaic_0001>
#map = affine_map<(d0, d1) -> (0, 0)>
module attributes {stable_mosaic.version = 14 : i64} {
  func.func @deg_kernel(%arg0: i32, %arg1: i32, %arg2: memref<2592x128xi32, #tpu.memory_space<hbm>>, %arg3: memref<32x10240xf32, #tpu.memory_space<hbm>>, %arg4: memref<90x128xi32, #tpu.memory_space<vmem>>, %arg5: memref<10240xf32, #tpu.memory_space<vmem>>) attributes {dimension_semantics = [#tpu.dimension_semantics<core_parallel>, #tpu.dimension_semantics<subcore_parallel>], iteration_bounds = array<i64: 2, 16>, scalar_prefetch = 0 : i64, scratch_operands = 2 : i64, tpu.core_type = #tpu.core_type<sc_vector_subcore>, window_params = [{transform_indices = #map}, {transform_indices = #map}]} {
    %mul3A = arith.constant 2 : i32
    %mul3A_0 = arith.muli %arg1, %mul3A : i32
    %add3A = arith.addi %mul3A_0, %arg0 : i32
    %eq3A = arith.constant 0 : i32
    %eq3A_1 = arith.cmpi eq, %arg0, %eq3A : i32
    %jit3A = arith.constant 90 : i32
    %jit3A_2 = arith.constant 72 : i32
    %select_n3A = arith.select %eq3A_1, %jit3A, %jit3A_2 : i32
    %mul3A_3 = arith.constant 90 : i32
    %mul3A_4 = arith.muli %arg1, %mul3A_3 : i32
    %mul3A_5 = arith.constant 72 : i32
    %mul3A_6 = arith.muli %arg1, %mul3A_5 : i32
    %add3A_7 = arith.constant 1440 : i32
    %add3A_8 = arith.addi %add3A_7, %mul3A_6 : i32
    %eq3A_9 = arith.constant 0 : i32
    %eq3A_10 = arith.cmpi eq, %arg0, %eq3A_9 : i32
    %convert_element_type3A = arith.extui %eq3A_10 : i1 to i32
    %cond3A = arith.constant 0 : i32
    %cond3A_11 = arith.cmpi ne, %convert_element_type3A, %cond3A : i32
    scf.if %cond3A_11 {
      "tpu.region"() ({
        %run_scoped3A = tpu.sem_alloc : memref<!tpu.dma_semaphore, #tpu.memory_space<semaphore_mem>>
        %dma_start3A = arith.constant 0 : i32
        %dma_start3A_40 = arith.constant 0 : i32
        %dma_start3A_41 = tpu.memref_slice %arg4[%dma_start3A, %dma_start3A_40] : memref<90x128xi32, #tpu.memory_space<vmem>> -> memref<90x128xi32, #tpu.memory_space<vmem>>
        %dma_start3A_42 = arith.constant 0 : i32
        %dma_start3A_43 = tpu.memref_slice %arg2[%mul3A_4, %dma_start3A_42] : memref<2592x128xi32, #tpu.memory_space<hbm>> -> memref<90x128xi32, #tpu.memory_space<hbm>>
        %dma_start3A_44 = arith.constant 0 : i32
        %dma_start3A_45 = arith.constant 0 : i32
        %dma_start3A_46 = tpu.memref_slice %arg4[%dma_start3A_44, %dma_start3A_45] : memref<90x128xi32, #tpu.memory_space<vmem>> -> memref<90x128xi32, #tpu.memory_space<vmem>>
        %dma_start3A_47 = arith.constant 0 : i32
        %dma_start3A_48 = tpu.memref_slice %arg2[%mul3A_4, %dma_start3A_47] : memref<2592x128xi32, #tpu.memory_space<hbm>> -> memref<90x128xi32, #tpu.memory_space<hbm>>
        tpu.enqueue_dma source(%dma_start3A_48 : memref<90x128xi32, #tpu.memory_space<hbm>>) target(%dma_start3A_46 : memref<90x128xi32, #tpu.memory_space<vmem>>) target_semaphore(%run_scoped3A : memref<!tpu.dma_semaphore, #tpu.memory_space<semaphore_mem>>)
        %dma_wait3A = arith.constant 0 : i32
        %dma_wait3A_49 = arith.constant 0 : i32
        %dma_wait3A_50 = tpu.memref_slice %arg4[%dma_wait3A, %dma_wait3A_49] : memref<90x128xi32, #tpu.memory_space<vmem>> -> memref<90x128xi32, #tpu.memory_space<vmem>>
        %dma_wait3A_51 = arith.constant 0 : i32
        %dma_wait3A_52 = tpu.memref_slice %arg2[%mul3A_4, %dma_wait3A_51] : memref<2592x128xi32, #tpu.memory_space<hbm>> -> memref<90x128xi32, #tpu.memory_space<hbm>>
        %dma_wait3A_53 = arith.constant 0 : i32
        %dma_wait3A_54 = arith.constant 0 : i32
        %dma_wait3A_55 = tpu.memref_slice %arg4[%dma_wait3A_53, %dma_wait3A_54] : memref<90x128xi32, #tpu.memory_space<vmem>> -> memref<90x128xi32, #tpu.memory_space<vmem>>
        %dma_wait3A_56 = arith.constant 0 : i32
        %dma_wait3A_57 = tpu.memref_slice %arg2[%mul3A_4, %dma_wait3A_56] : memref<2592x128xi32, #tpu.memory_space<hbm>> -> memref<90x128xi32, #tpu.memory_space<hbm>>
        tpu.wait_dma2 semaphore(%run_scoped3A : memref<!tpu.dma_semaphore, #tpu.memory_space<semaphore_mem>>) src(%dma_wait3A_57 : memref<90x128xi32, #tpu.memory_space<hbm>>) dst(%dma_wait3A_55 : memref<90x128xi32, #tpu.memory_space<vmem>>)
        tpu.yield
      }) : () -> ()
    } else {
    }
    %eq3A_12 = arith.constant 1 : i32
    %eq3A_13 = arith.cmpi eq, %arg0, %eq3A_12 : i32
    %convert_element_type3A_14 = arith.extui %eq3A_13 : i1 to i32
    %cond3A_15 = arith.constant 0 : i32
    %cond3A_16 = arith.cmpi ne, %convert_element_type3A_14, %cond3A_15 : i32
    scf.if %cond3A_16 {
      "tpu.region"() ({
        %run_scoped3A = tpu.sem_alloc : memref<!tpu.dma_semaphore, #tpu.memory_space<semaphore_mem>>
        %dma_start3A = arith.constant 0 : i32
        %dma_start3A_40 = arith.constant 0 : i32
        %dma_start3A_41 = tpu.memref_slice %arg4[%dma_start3A, %dma_start3A_40] : memref<90x128xi32, #tpu.memory_space<vmem>> -> memref<72x128xi32, #tpu.memory_space<vmem>>
        %dma_start3A_42 = arith.constant 0 : i32
        %dma_start3A_43 = tpu.memref_slice %arg2[%add3A_8, %dma_start3A_42] : memref<2592x128xi32, #tpu.memory_space<hbm>> -> memref<72x128xi32, #tpu.memory_space<hbm>>
        %dma_start3A_44 = arith.constant 0 : i32
        %dma_start3A_45 = arith.constant 0 : i32
        %dma_start3A_46 = tpu.memref_slice %arg4[%dma_start3A_44, %dma_start3A_45] : memref<90x128xi32, #tpu.memory_space<vmem>> -> memref<72x128xi32, #tpu.memory_space<vmem>>
        %dma_start3A_47 = arith.constant 0 : i32
        %dma_start3A_48 = tpu.memref_slice %arg2[%add3A_8, %dma_start3A_47] : memref<2592x128xi32, #tpu.memory_space<hbm>> -> memref<72x128xi32, #tpu.memory_space<hbm>>
        tpu.enqueue_dma source(%dma_start3A_48 : memref<72x128xi32, #tpu.memory_space<hbm>>) target(%dma_start3A_46 : memref<72x128xi32, #tpu.memory_space<vmem>>) target_semaphore(%run_scoped3A : memref<!tpu.dma_semaphore, #tpu.memory_space<semaphore_mem>>)
        %dma_wait3A = arith.constant 0 : i32
        %dma_wait3A_49 = arith.constant 0 : i32
        %dma_wait3A_50 = tpu.memref_slice %arg4[%dma_wait3A, %dma_wait3A_49] : memref<90x128xi32, #tpu.memory_space<vmem>> -> memref<72x128xi32, #tpu.memory_space<vmem>>
        %dma_wait3A_51 = arith.constant 0 : i32
        %dma_wait3A_52 = tpu.memref_slice %arg2[%add3A_8, %dma_wait3A_51] : memref<2592x128xi32, #tpu.memory_space<hbm>> -> memref<72x128xi32, #tpu.memory_space<hbm>>
        %dma_wait3A_53 = arith.constant 0 : i32
        %dma_wait3A_54 = arith.constant 0 : i32
        %dma_wait3A_55 = tpu.memref_slice %arg4[%dma_wait3A_53, %dma_wait3A_54] : memref<90x128xi32, #tpu.memory_space<vmem>> -> memref<72x128xi32, #tpu.memory_space<vmem>>
        %dma_wait3A_56 = arith.constant 0 : i32
        %dma_wait3A_57 = tpu.memref_slice %arg2[%add3A_8, %dma_wait3A_56] : memref<2592x128xi32, #tpu.memory_space<hbm>> -> memref<72x128xi32, #tpu.memory_space<hbm>>
        tpu.wait_dma2 semaphore(%run_scoped3A : memref<!tpu.dma_semaphore, #tpu.memory_space<semaphore_mem>>) src(%dma_wait3A_57 : memref<72x128xi32, #tpu.memory_space<hbm>>) dst(%dma_wait3A_55 : memref<72x128xi32, #tpu.memory_space<vmem>>)
        tpu.yield
      }) : () -> ()
    } else {
    }
    %broadcast_in_dim3A = arith.constant 0.000000e+00 : f32
    %broadcast_in_dim3A_17 = vector.broadcast %broadcast_in_dim3A : f32 to vector<16xf32>
    %scan3A = arith.constant 0 : i32
    %scan3A_18 = arith.constant 640 : i32
    %scan3A_19 = arith.addi %scan3A, %scan3A_18 : i32
    %scan3A_20 = arith.constant 1 : i32
    scf.for %scan3A_40 = %scan3A to %scan3A_19 step %scan3A_20  : i32 {
      %mul3A_41 = arith.constant 1 : i32
      %mul3A_42 = arith.muli %scan3A_40, %mul3A_41 : i32
      %add3A_43 = arith.constant 0 : i32
      %add3A_44 = arith.addi %add3A_43, %mul3A_42 : i32
      %mul3A_45 = arith.constant 16 : i32
      %mul3A_46 = arith.muli %add3A_44, %mul3A_45 : i32
      %swap3A = arith.index_cast %mul3A_46 : i32 to index
      %swap3A_47 = tpu.vector_load %arg5[%swap3A] {strides = array<i32>} : memref<10240xf32, #tpu.memory_space<vmem>>, vector<16xf32>,
      tpu.vector_store %arg5[%swap3A], %broadcast_in_dim3A_17 {strides = array<i32>} : memref<10240xf32, #tpu.memory_space<vmem>>, vector<16xf32>,
    }
    %scan3A_21 = arith.constant 640 : i32
    %broadcast_in_dim3A_22 = arith.constant 1.000000e+00 : f32
    %broadcast_in_dim3A_23 = vector.broadcast %broadcast_in_dim3A_22 : f32 to vector<16xf32>
    %sub3A = arith.constant 0 : i32
    %sub3A_24 = arith.subi %select_n3A, %sub3A : i32
    %sub3A_25 = arith.constant 1 : i32
    %sub3A_26 = arith.constant 1 : i32
    %sub3A_27 = arith.subi %sub3A_25, %sub3A_26 : i32
    %add3A_28 = arith.addi %sub3A_24, %sub3A_27 : i32
    %div3A = arith.constant 1 : i32
    %div3A_29 = arith.divsi %add3A_28, %div3A : i32
    %while3A = arith.constant 1 : i32
    %while3A_30 = arith.constant 0 : i32
    %while3A_31 = arith.constant 0 : i32
    %while3A_32 = arith.subi %div3A_29, %while3A_31 : i32
    %while3A_33 = arith.addi %while3A_31, %while3A_32 : i32
    %while3A_34 = arith.constant 1 : i32
    %while3A_35 = arith.divsi %while3A_32, %while3A_34 : i32
    %while3A_36 = arith.muli %while3A_35, %while3A_34 : i32
    %while3A_37 = arith.addi %while3A_31, %while3A_36 : i32
    %while3A_38 = arith.constant 1 : i32
    scf.for %while3A_40 = %while3A_31 to %while3A_37 step %while3A_38  : i32 {
      %mul3A_41 = arith.muli %while3A_40, %while3A : i32
      %add3A_42 = arith.addi %while3A_30, %mul3A_41 : i32
      %get3A = arith.index_cast %add3A_42 : i32 to index
      %get3A_43 = arith.constant 0 : index
      %get3A_44 = tpu.vector_load %arg4[%get3A, %get3A_43] {strides = array<i32>} : memref<90x128xi32, #tpu.memory_space<vmem>>, vector<16xi32>,
      tpu.vector_store_idx %arg5[%get3A_44], %broadcast_in_dim3A_23 {add = true} : memref<10240xf32, #tpu.memory_space<vmem>>[vector<16xi32>], vector<16xf32>,
      %get3A_45 = arith.index_cast %add3A_42 : i32 to index
      %get3A_46 = arith.constant 16 : index
      %get3A_47 = tpu.vector_load %arg4[%get3A_45, %get3A_46] {strides = array<i32>} : memref<90x128xi32, #tpu.memory_space<vmem>>, vector<16xi32>,
      tpu.vector_store_idx %arg5[%get3A_47], %broadcast_in_dim3A_23 {add = true} : memref<10240xf32, #tpu.memory_space<vmem>>[vector<16xi32>], vector<16xf32>,
      %get3A_48 = arith.index_cast %add3A_42 : i32 to index
      %get3A_49 = arith.constant 32 : index
      %get3A_50 = tpu.vector_load %arg4[%get3A_48, %get3A_49] {strides = array<i32>} : memref<90x128xi32, #tpu.memory_space<vmem>>, vector<16xi32>,
      tpu.vector_store_idx %arg5[%get3A_50], %broadcast_in_dim3A_23 {add = true} : memref<10240xf32, #tpu.memory_space<vmem>>[vector<16xi32>], vector<16xf32>,
      %get3A_51 = arith.index_cast %add3A_42 : i32 to index
      %get3A_52 = arith.constant 48 : index
      %get3A_53 = tpu.vector_load %arg4[%get3A_51, %get3A_52] {strides = array<i32>} : memref<90x128xi32, #tpu.memory_space<vmem>>, vector<16xi32>,
      tpu.vector_store_idx %arg5[%get3A_53], %broadcast_in_dim3A_23 {add = true} : memref<10240xf32, #tpu.memory_space<vmem>>[vector<16xi32>], vector<16xf32>,
      %get3A_54 = arith.index_cast %add3A_42 : i32 to index
      %get3A_55 = arith.constant 64 : index
      %get3A_56 = tpu.vector_load %arg4[%get3A_54, %get3A_55] {strides = array<i32>} : memref<90x128xi32, #tpu.memory_space<vmem>>, vector<16xi32>,
      tpu.vector_store_idx %arg5[%get3A_56], %broadcast_in_dim3A_23 {add = true} : memref<10240xf32, #tpu.memory_space<vmem>>[vector<16xi32>], vector<16xf32>,
      %get3A_57 = arith.index_cast %add3A_42 : i32 to index
      %get3A_58 = arith.constant 80 : index
      %get3A_59 = tpu.vector_load %arg4[%get3A_57, %get3A_58] {strides = array<i32>} : memref<90x128xi32, #tpu.memory_space<vmem>>, vector<16xi32>,
      tpu.vector_store_idx %arg5[%get3A_59], %broadcast_in_dim3A_23 {add = true} : memref<10240xf32, #tpu.memory_space<vmem>>[vector<16xi32>], vector<16xf32>,
      %get3A_60 = arith.index_cast %add3A_42 : i32 to index
      %get3A_61 = arith.constant 96 : index
      %get3A_62 = tpu.vector_load %arg4[%get3A_60, %get3A_61] {strides = array<i32>} : memref<90x128xi32, #tpu.memory_space<vmem>>, vector<16xi32>,
      tpu.vector_store_idx %arg5[%get3A_62], %broadcast_in_dim3A_23 {add = true} : memref<10240xf32, #tpu.memory_space<vmem>>[vector<16xi32>], vector<16xf32>,
      %get3A_63 = arith.index_cast %add3A_42 : i32 to index
      %get3A_64 = arith.constant 112 : index
      %get3A_65 = tpu.vector_load %arg4[%get3A_63, %get3A_64] {strides = array<i32>} : memref<90x128xi32, #tpu.memory_space<vmem>>, vector<16xi32>,
      tpu.vector_store_idx %arg5[%get3A_65], %broadcast_in_dim3A_23 {add = true} : memref<10240xf32, #tpu.memory_space<vmem>>[vector<16xi32>], vector<16xf32>,
    }
    %while3A_39 = arith.constant 1 : i32
    scf.for %while3A_40 = %while3A_37 to %while3A_33 step %while3A_39  : i32 {
      %mul3A_41 = arith.muli %while3A_40, %while3A : i32
      %add3A_42 = arith.addi %while3A_30, %mul3A_41 : i32
      %get3A = arith.index_cast %add3A_42 : i32 to index
      %get3A_43 = arith.constant 0 : index
      %get3A_44 = tpu.vector_load %arg4[%get3A, %get3A_43] {strides = array<i32>} : memref<90x128xi32, #tpu.memory_space<vmem>>, vector<16xi32>,
      tpu.vector_store_idx %arg5[%get3A_44], %broadcast_in_dim3A_23 {add = true} : memref<10240xf32, #tpu.memory_space<vmem>>[vector<16xi32>], vector<16xf32>,
      %get3A_45 = arith.index_cast %add3A_42 : i32 to index
      %get3A_46 = arith.constant 16 : index
      %get3A_47 = tpu.vector_load %arg4[%get3A_45, %get3A_46] {strides = array<i32>} : memref<90x128xi32, #tpu.memory_space<vmem>>, vector<16xi32>,
      tpu.vector_store_idx %arg5[%get3A_47], %broadcast_in_dim3A_23 {add = true} : memref<10240xf32, #tpu.memory_space<vmem>>[vector<16xi32>], vector<16xf32>,
      %get3A_48 = arith.index_cast %add3A_42 : i32 to index
      %get3A_49 = arith.constant 32 : index
      %get3A_50 = tpu.vector_load %arg4[%get3A_48, %get3A_49] {strides = array<i32>} : memref<90x128xi32, #tpu.memory_space<vmem>>, vector<16xi32>,
      tpu.vector_store_idx %arg5[%get3A_50], %broadcast_in_dim3A_23 {add = true} : memref<10240xf32, #tpu.memory_space<vmem>>[vector<16xi32>], vector<16xf32>,
      %get3A_51 = arith.index_cast %add3A_42 : i32 to index
      %get3A_52 = arith.constant 48 : index
      %get3A_53 = tpu.vector_load %arg4[%get3A_51, %get3A_52] {strides = array<i32>} : memref<90x128xi32, #tpu.memory_space<vmem>>, vector<16xi32>,
      tpu.vector_store_idx %arg5[%get3A_53], %broadcast_in_dim3A_23 {add = true} : memref<10240xf32, #tpu.memory_space<vmem>>[vector<16xi32>], vector<16xf32>,
      %get3A_54 = arith.index_cast %add3A_42 : i32 to index
      %get3A_55 = arith.constant 64 : index
      %get3A_56 = tpu.vector_load %arg4[%get3A_54, %get3A_55] {strides = array<i32>} : memref<90x128xi32, #tpu.memory_space<vmem>>, vector<16xi32>,
      tpu.vector_store_idx %arg5[%get3A_56], %broadcast_in_dim3A_23 {add = true} : memref<10240xf32, #tpu.memory_space<vmem>>[vector<16xi32>], vector<16xf32>,
      %get3A_57 = arith.index_cast %add3A_42 : i32 to index
      %get3A_58 = arith.constant 80 : index
      %get3A_59 = tpu.vector_load %arg4[%get3A_57, %get3A_58] {strides = array<i32>} : memref<90x128xi32, #tpu.memory_space<vmem>>, vector<16xi32>,
      tpu.vector_store_idx %arg5[%get3A_59], %broadcast_in_dim3A_23 {add = true} : memref<10240xf32, #tpu.memory_space<vmem>>[vector<16xi32>], vector<16xf32>,
      %get3A_60 = arith.index_cast %add3A_42 : i32 to index
      %get3A_61 = arith.constant 96 : index
      %get3A_62 = tpu.vector_load %arg4[%get3A_60, %get3A_61] {strides = array<i32>} : memref<90x128xi32, #tpu.memory_space<vmem>>, vector<16xi32>,
      tpu.vector_store_idx %arg5[%get3A_62], %broadcast_in_dim3A_23 {add = true} : memref<10240xf32, #tpu.memory_space<vmem>>[vector<16xi32>], vector<16xf32>,
      %get3A_63 = arith.index_cast %add3A_42 : i32 to index
      %get3A_64 = arith.constant 112 : index
      %get3A_65 = tpu.vector_load %arg4[%get3A_63, %get3A_64] {strides = array<i32>} : memref<90x128xi32, #tpu.memory_space<vmem>>, vector<16xi32>,
      tpu.vector_store_idx %arg5[%get3A_65], %broadcast_in_dim3A_23 {add = true} : memref<10240xf32, #tpu.memory_space<vmem>>[vector<16xi32>], vector<16xf32>,
    }
    "tpu.region"() ({
      %run_scoped3A = tpu.sem_alloc : memref<!tpu.dma_semaphore, #tpu.memory_space<semaphore_mem>>
      %dma_start3A = arith.constant 0 : i32
      %dma_start3A_40 = tpu.memref_slice %arg3[%add3A, %dma_start3A] : memref<32x10240xf32, #tpu.memory_space<hbm>> -> memref<1x10240xf32, #tpu.memory_space<hbm>>
      %dma_start3A_41 = tpu.memref_squeeze %dma_start3A_40 : memref<1x10240xf32, #tpu.memory_space<hbm>> -> memref<10240xf32, #tpu.memory_space<hbm>>
      %dma_start3A_42 = arith.constant 0 : i32
      %dma_start3A_43 = tpu.memref_slice %arg3[%add3A, %dma_start3A_42] : memref<32x10240xf32, #tpu.memory_space<hbm>> -> memref<1x10240xf32, #tpu.memory_space<hbm>>
      %dma_start3A_44 = tpu.memref_squeeze %dma_start3A_43 : memref<1x10240xf32, #tpu.memory_space<hbm>> -> memref<10240xf32, #tpu.memory_space<hbm>>
      tpu.enqueue_dma source(%arg5 : memref<10240xf32, #tpu.memory_space<vmem>>) target(%dma_start3A_44 : memref<10240xf32, #tpu.memory_space<hbm>>) target_semaphore(%run_scoped3A : memref<!tpu.dma_semaphore, #tpu.memory_space<semaphore_mem>>)
      %dma_wait3A = arith.constant 0 : i32
      %dma_wait3A_45 = tpu.memref_slice %arg3[%add3A, %dma_wait3A] : memref<32x10240xf32, #tpu.memory_space<hbm>> -> memref<1x10240xf32, #tpu.memory_space<hbm>>
      %dma_wait3A_46 = tpu.memref_squeeze %dma_wait3A_45 : memref<1x10240xf32, #tpu.memory_space<hbm>> -> memref<10240xf32, #tpu.memory_space<hbm>>
      %dma_wait3A_47 = arith.constant 0 : i32
      %dma_wait3A_48 = tpu.memref_slice %arg3[%add3A, %dma_wait3A_47] : memref<32x10240xf32, #tpu.memory_space<hbm>> -> memref<1x10240xf32, #tpu.memory_space<hbm>>
      %dma_wait3A_49 = tpu.memref_squeeze %dma_wait3A_48 : memref<1x10240xf32, #tpu.memory_space<hbm>> -> memref<10240xf32, #tpu.memory_space<hbm>>
      tpu.wait_dma2 semaphore(%run_scoped3A : memref<!tpu.dma_semaphore, #tpu.memory_space<semaphore_mem>>) src(%arg5 : memref<10240xf32, #tpu.memory_space<vmem>>) dst(%dma_wait3A_49 : memref<10240xf32, #tpu.memory_space<hbm>>)
      tpu.yield
    }) : () -> ()
    return
  }
}

#map = affine_map<(d0, d1) -> (0, 0)>
#map1 = affine_map<(d0, d1) -> (0, 0, 0)>
module attributes {stable_mosaic.version = 14 : i64} {
  func.func @wrapped(%arg0: i32, %arg1: i32, %arg2: memref<10240x32xf32, #tpu.memory_space<hbm>>, %arg3: memref<2592x128xi32, #tpu.memory_space<hbm>>, %arg4: memref<2592x128xi32, #tpu.memory_space<hbm>>, %arg5: memref<2x10240x32xf32, #tpu.memory_space<hbm>>, %arg6: memref<90x128xi32, #tpu.memory_space<vmem>>, %arg7: memref<90x128xi32, #tpu.memory_space<vmem>>, %arg8: memref<128x32xf32, #tpu.memory_space<vmem>>, %arg9: memref<128x32xf32, #tpu.memory_space<vmem>>, %arg10: memref<!tpu.dma_semaphore, #tpu.memory_space<semaphore_mem>>, %arg11: memref<!tpu.dma_semaphore, #tpu.memory_space<semaphore_mem>>, %arg12: memref<10240x32xf32, #tpu.memory_space<vmem_shared>>) attributes {dimension_semantics = [#tpu.dimension_semantics<core_parallel>, #tpu.dimension_semantics<subcore_parallel>], iteration_bounds = array<i64: 2, 16>, scalar_prefetch = 0 : i64, scratch_operands = 7 : i64, tpu.core_type = #tpu.core_type<sc_vector_subcore>, window_params = [{transform_indices = #map}, {transform_indices = #map}, {transform_indices = #map}, {transform_indices = #map1}]} {
    %mul3A = arith.constant 2 : i32
    %mul3A_0 = arith.muli %arg1, %mul3A : i32
    %add3A = arith.addi %mul3A_0, %arg0 : i32
    %eq3A = arith.constant 0 : i32
    %eq3A_1 = arith.cmpi eq, %arg0, %eq3A : i32
    %jit3A = arith.constant 90 : i32
    %jit3A_2 = arith.constant 72 : i32
    %select_n3A = arith.select %eq3A_1, %jit3A, %jit3A_2 : i32
    %mul3A_3 = arith.constant 90 : i32
    %mul3A_4 = arith.muli %arg1, %mul3A_3 : i32
    %mul3A_5 = arith.constant 72 : i32
    %mul3A_6 = arith.muli %arg1, %mul3A_5 : i32
    %add3A_7 = arith.constant 1440 : i32
    %add3A_8 = arith.addi %add3A_7, %mul3A_6 : i32
    %eq3A_9 = arith.constant 0 : i32
    %eq3A_10 = arith.cmpi eq, %arg0, %eq3A_9 : i32
    %convert_element_type3A = arith.extui %eq3A_10 : i1 to i32
    %cond3A = arith.constant 0 : i32
    %cond3A_11 = arith.cmpi ne, %convert_element_type3A, %cond3A : i32
    scf.if %cond3A_11 {
      "tpu.region"() ({
        %run_scoped3A = tpu.sem_alloc : memref<!tpu.dma_semaphore, #tpu.memory_space<semaphore_mem>>
        %dma_start3A_92 = arith.constant 0 : i32
        %dma_start3A_93 = arith.constant 0 : i32
        %dma_start3A_94 = tpu.memref_slice %arg6[%dma_start3A_92, %dma_start3A_93] : memref<90x128xi32, #tpu.memory_space<vmem>> -> memref<90x128xi32, #tpu.memory_space<vmem>>
        %dma_start3A_95 = arith.constant 0 : i32
        %dma_start3A_96 = tpu.memref_slice %arg3[%mul3A_4, %dma_start3A_95] : memref<2592x128xi32, #tpu.memory_space<hbm>> -> memref<90x128xi32, #tpu.memory_space<hbm>>
        %dma_start3A_97 = arith.constant 0 : i32
        %dma_start3A_98 = arith.constant 0 : i32
        %dma_start3A_99 = tpu.memref_slice %arg6[%dma_start3A_97, %dma_start3A_98] : memref<90x128xi32, #tpu.memory_space<vmem>> -> memref<90x128xi32, #tpu.memory_space<vmem>>
        %dma_start3A_100 = arith.constant 0 : i32
        %dma_start3A_101 = tpu.memref_slice %arg3[%mul3A_4, %dma_start3A_100] : memref<2592x128xi32, #tpu.memory_space<hbm>> -> memref<90x128xi32, #tpu.memory_space<hbm>>
        tpu.enqueue_dma source(%dma_start3A_101 : memref<90x128xi32, #tpu.memory_space<hbm>>) target(%dma_start3A_99 : memref<90x128xi32, #tpu.memory_space<vmem>>) target_semaphore(%run_scoped3A : memref<!tpu.dma_semaphore, #tpu.memory_space<semaphore_mem>>)
        %dma_wait3A = arith.constant 0 : i32
        %dma_wait3A_102 = arith.constant 0 : i32
        %dma_wait3A_103 = tpu.memref_slice %arg6[%dma_wait3A, %dma_wait3A_102] : memref<90x128xi32, #tpu.memory_space<vmem>> -> memref<90x128xi32, #tpu.memory_space<vmem>>
        %dma_wait3A_104 = arith.constant 0 : i32
        %dma_wait3A_105 = tpu.memref_slice %arg3[%mul3A_4, %dma_wait3A_104] : memref<2592x128xi32, #tpu.memory_space<hbm>> -> memref<90x128xi32, #tpu.memory_space<hbm>>
        %dma_wait3A_106 = arith.constant 0 : i32
        %dma_wait3A_107 = arith.constant 0 : i32
        %dma_wait3A_108 = tpu.memref_slice %arg6[%dma_wait3A_106, %dma_wait3A_107] : memref<90x128xi32, #tpu.memory_space<vmem>> -> memref<90x128xi32, #tpu.memory_space<vmem>>
        %dma_wait3A_109 = arith.constant 0 : i32
        %dma_wait3A_110 = tpu.memref_slice %arg3[%mul3A_4, %dma_wait3A_109] : memref<2592x128xi32, #tpu.memory_space<hbm>> -> memref<90x128xi32, #tpu.memory_space<hbm>>
        tpu.wait_dma2 semaphore(%run_scoped3A : memref<!tpu.dma_semaphore, #tpu.memory_space<semaphore_mem>>) src(%dma_wait3A_110 : memref<90x128xi32, #tpu.memory_space<hbm>>) dst(%dma_wait3A_108 : memref<90x128xi32, #tpu.memory_space<vmem>>)
        tpu.yield
      }) : () -> ()
    } else {
    }
    %eq3A_12 = arith.constant 1 : i32
    %eq3A_13 = arith.cmpi eq, %arg0, %eq3A_12 : i32
    %convert_element_type3A_14 = arith.extui %eq3A_13 : i1 to i32
    %cond3A_15 = arith.constant 0 : i32
    %cond3A_16 = arith.cmpi ne, %convert_element_type3A_14, %cond3A_15 : i32
    scf.if %cond3A_16 {
      "tpu.region"() ({
        %run_scoped3A = tpu.sem_alloc : memref<!tpu.dma_semaphore, #tpu.memory_space<semaphore_mem>>
        %dma_start3A_92 = arith.constant 0 : i32
        %dma_start3A_93 = arith.constant 0 : i32
        %dma_start3A_94 = tpu.memref_slice %arg6[%dma_start3A_92, %dma_start3A_93] : memref<90x128xi32, #tpu.memory_space<vmem>> -> memref<72x128xi32, #tpu.memory_space<vmem>>
        %dma_start3A_95 = arith.constant 0 : i32
        %dma_start3A_96 = tpu.memref_slice %arg3[%add3A_8, %dma_start3A_95] : memref<2592x128xi32, #tpu.memory_space<hbm>> -> memref<72x128xi32, #tpu.memory_space<hbm>>
        %dma_start3A_97 = arith.constant 0 : i32
        %dma_start3A_98 = arith.constant 0 : i32
        %dma_start3A_99 = tpu.memref_slice %arg6[%dma_start3A_97, %dma_start3A_98] : memref<90x128xi32, #tpu.memory_space<vmem>> -> memref<72x128xi32, #tpu.memory_space<vmem>>
        %dma_start3A_100 = arith.constant 0 : i32
        %dma_start3A_101 = tpu.memref_slice %arg3[%add3A_8, %dma_start3A_100] : memref<2592x128xi32, #tpu.memory_space<hbm>> -> memref<72x128xi32, #tpu.memory_space<hbm>>
        tpu.enqueue_dma source(%dma_start3A_101 : memref<72x128xi32, #tpu.memory_space<hbm>>) target(%dma_start3A_99 : memref<72x128xi32, #tpu.memory_space<vmem>>) target_semaphore(%run_scoped3A : memref<!tpu.dma_semaphore, #tpu.memory_space<semaphore_mem>>)
        %dma_wait3A = arith.constant 0 : i32
        %dma_wait3A_102 = arith.constant 0 : i32
        %dma_wait3A_103 = tpu.memref_slice %arg6[%dma_wait3A, %dma_wait3A_102] : memref<90x128xi32, #tpu.memory_space<vmem>> -> memref<72x128xi32, #tpu.memory_space<vmem>>
        %dma_wait3A_104 = arith.constant 0 : i32
        %dma_wait3A_105 = tpu.memref_slice %arg3[%add3A_8, %dma_wait3A_104] : memref<2592x128xi32, #tpu.memory_space<hbm>> -> memref<72x128xi32, #tpu.memory_space<hbm>>
        %dma_wait3A_106 = arith.constant 0 : i32
        %dma_wait3A_107 = arith.constant 0 : i32
        %dma_wait3A_108 = tpu.memref_slice %arg6[%dma_wait3A_106, %dma_wait3A_107] : memref<90x128xi32, #tpu.memory_space<vmem>> -> memref<72x128xi32, #tpu.memory_space<vmem>>
        %dma_wait3A_109 = arith.constant 0 : i32
        %dma_wait3A_110 = tpu.memref_slice %arg3[%add3A_8, %dma_wait3A_109] : memref<2592x128xi32, #tpu.memory_space<hbm>> -> memref<72x128xi32, #tpu.memory_space<hbm>>
        tpu.wait_dma2 semaphore(%run_scoped3A : memref<!tpu.dma_semaphore, #tpu.memory_space<semaphore_mem>>) src(%dma_wait3A_110 : memref<72x128xi32, #tpu.memory_space<hbm>>) dst(%dma_wait3A_108 : memref<72x128xi32, #tpu.memory_space<vmem>>)
        tpu.yield
      }) : () -> ()
    } else {
    }
    %mul3A_17 = arith.constant 90 : i32
    %mul3A_18 = arith.muli %arg1, %mul3A_17 : i32
    %mul3A_19 = arith.constant 72 : i32
    %mul3A_20 = arith.muli %arg1, %mul3A_19 : i32
    %add3A_21 = arith.constant 1440 : i32
    %add3A_22 = arith.addi %add3A_21, %mul3A_20 : i32
    %eq3A_23 = arith.constant 0 : i32
    %eq3A_24 = arith.cmpi eq, %arg0, %eq3A_23 : i32
    %convert_element_type3A_25 = arith.extui %eq3A_24 : i1 to i32
    %cond3A_26 = arith.constant 0 : i32
    %cond3A_27 = arith.cmpi ne, %convert_element_type3A_25, %cond3A_26 : i32
    scf.if %cond3A_27 {
      "tpu.region"() ({
        %run_scoped3A = tpu.sem_alloc : memref<!tpu.dma_semaphore, #tpu.memory_space<semaphore_mem>>
        %dma_start3A_92 = arith.constant 0 : i32
        %dma_start3A_93 = arith.constant 0 : i32
        %dma_start3A_94 = tpu.memref_slice %arg7[%dma_start3A_92, %dma_start3A_93] : memref<90x128xi32, #tpu.memory_space<vmem>> -> memref<90x128xi32, #tpu.memory_space<vmem>>
        %dma_start3A_95 = arith.constant 0 : i32
        %dma_start3A_96 = tpu.memref_slice %arg4[%mul3A_18, %dma_start3A_95] : memref<2592x128xi32, #tpu.memory_space<hbm>> -> memref<90x128xi32, #tpu.memory_space<hbm>>
        %dma_start3A_97 = arith.constant 0 : i32
        %dma_start3A_98 = arith.constant 0 : i32
        %dma_start3A_99 = tpu.memref_slice %arg7[%dma_start3A_97, %dma_start3A_98] : memref<90x128xi32, #tpu.memory_space<vmem>> -> memref<90x128xi32, #tpu.memory_space<vmem>>
        %dma_start3A_100 = arith.constant 0 : i32
        %dma_start3A_101 = tpu.memref_slice %arg4[%mul3A_18, %dma_start3A_100] : memref<2592x128xi32, #tpu.memory_space<hbm>> -> memref<90x128xi32, #tpu.memory_space<hbm>>
        tpu.enqueue_dma source(%dma_start3A_101 : memref<90x128xi32, #tpu.memory_space<hbm>>) target(%dma_start3A_99 : memref<90x128xi32, #tpu.memory_space<vmem>>) target_semaphore(%run_scoped3A : memref<!tpu.dma_semaphore, #tpu.memory_space<semaphore_mem>>)
        %dma_wait3A = arith.constant 0 : i32
        %dma_wait3A_102 = arith.constant 0 : i32
        %dma_wait3A_103 = tpu.memref_slice %arg7[%dma_wait3A, %dma_wait3A_102] : memref<90x128xi32, #tpu.memory_space<vmem>> -> memref<90x128xi32, #tpu.memory_space<vmem>>
        %dma_wait3A_104 = arith.constant 0 : i32
        %dma_wait3A_105 = tpu.memref_slice %arg4[%mul3A_18, %dma_wait3A_104] : memref<2592x128xi32, #tpu.memory_space<hbm>> -> memref<90x128xi32, #tpu.memory_space<hbm>>
        %dma_wait3A_106 = arith.constant 0 : i32
        %dma_wait3A_107 = arith.constant 0 : i32
        %dma_wait3A_108 = tpu.memref_slice %arg7[%dma_wait3A_106, %dma_wait3A_107] : memref<90x128xi32, #tpu.memory_space<vmem>> -> memref<90x128xi32, #tpu.memory_space<vmem>>
        %dma_wait3A_109 = arith.constant 0 : i32
        %dma_wait3A_110 = tpu.memref_slice %arg4[%mul3A_18, %dma_wait3A_109] : memref<2592x128xi32, #tpu.memory_space<hbm>> -> memref<90x128xi32, #tpu.memory_space<hbm>>
        tpu.wait_dma2 semaphore(%run_scoped3A : memref<!tpu.dma_semaphore, #tpu.memory_space<semaphore_mem>>) src(%dma_wait3A_110 : memref<90x128xi32, #tpu.memory_space<hbm>>) dst(%dma_wait3A_108 : memref<90x128xi32, #tpu.memory_space<vmem>>)
        tpu.yield
      }) : () -> ()
    } else {
    }
    %eq3A_28 = arith.constant 1 : i32
    %eq3A_29 = arith.cmpi eq, %arg0, %eq3A_28 : i32
    %convert_element_type3A_30 = arith.extui %eq3A_29 : i1 to i32
    %cond3A_31 = arith.constant 0 : i32
    %cond3A_32 = arith.cmpi ne, %convert_element_type3A_30, %cond3A_31 : i32
    scf.if %cond3A_32 {
      "tpu.region"() ({
        %run_scoped3A = tpu.sem_alloc : memref<!tpu.dma_semaphore, #tpu.memory_space<semaphore_mem>>
        %dma_start3A_92 = arith.constant 0 : i32
        %dma_start3A_93 = arith.constant 0 : i32
        %dma_start3A_94 = tpu.memref_slice %arg7[%dma_start3A_92, %dma_start3A_93] : memref<90x128xi32, #tpu.memory_space<vmem>> -> memref<72x128xi32, #tpu.memory_space<vmem>>
        %dma_start3A_95 = arith.constant 0 : i32
        %dma_start3A_96 = tpu.memref_slice %arg4[%add3A_22, %dma_start3A_95] : memref<2592x128xi32, #tpu.memory_space<hbm>> -> memref<72x128xi32, #tpu.memory_space<hbm>>
        %dma_start3A_97 = arith.constant 0 : i32
        %dma_start3A_98 = arith.constant 0 : i32
        %dma_start3A_99 = tpu.memref_slice %arg7[%dma_start3A_97, %dma_start3A_98] : memref<90x128xi32, #tpu.memory_space<vmem>> -> memref<72x128xi32, #tpu.memory_space<vmem>>
        %dma_start3A_100 = arith.constant 0 : i32
        %dma_start3A_101 = tpu.memref_slice %arg4[%add3A_22, %dma_start3A_100] : memref<2592x128xi32, #tpu.memory_space<hbm>> -> memref<72x128xi32, #tpu.memory_space<hbm>>
        tpu.enqueue_dma source(%dma_start3A_101 : memref<72x128xi32, #tpu.memory_space<hbm>>) target(%dma_start3A_99 : memref<72x128xi32, #tpu.memory_space<vmem>>) target_semaphore(%run_scoped3A : memref<!tpu.dma_semaphore, #tpu.memory_space<semaphore_mem>>)
        %dma_wait3A = arith.constant 0 : i32
        %dma_wait3A_102 = arith.constant 0 : i32
        %dma_wait3A_103 = tpu.memref_slice %arg7[%dma_wait3A, %dma_wait3A_102] : memref<90x128xi32, #tpu.memory_space<vmem>> -> memref<72x128xi32, #tpu.memory_space<vmem>>
        %dma_wait3A_104 = arith.constant 0 : i32
        %dma_wait3A_105 = tpu.memref_slice %arg4[%add3A_22, %dma_wait3A_104] : memref<2592x128xi32, #tpu.memory_space<hbm>> -> memref<72x128xi32, #tpu.memory_space<hbm>>
        %dma_wait3A_106 = arith.constant 0 : i32
        %dma_wait3A_107 = arith.constant 0 : i32
        %dma_wait3A_108 = tpu.memref_slice %arg7[%dma_wait3A_106, %dma_wait3A_107] : memref<90x128xi32, #tpu.memory_space<vmem>> -> memref<72x128xi32, #tpu.memory_space<vmem>>
        %dma_wait3A_109 = arith.constant 0 : i32
        %dma_wait3A_110 = tpu.memref_slice %arg4[%add3A_22, %dma_wait3A_109] : memref<2592x128xi32, #tpu.memory_space<hbm>> -> memref<72x128xi32, #tpu.memory_space<hbm>>
        tpu.wait_dma2 semaphore(%run_scoped3A : memref<!tpu.dma_semaphore, #tpu.memory_space<semaphore_mem>>) src(%dma_wait3A_110 : memref<72x128xi32, #tpu.memory_space<hbm>>) dst(%dma_wait3A_108 : memref<72x128xi32, #tpu.memory_space<vmem>>)
        tpu.yield
      }) : () -> ()
    } else {
    }
    %broadcast_in_dim3A = arith.constant 0.000000e+00 : f32
    %broadcast_in_dim3A_33 = vector.broadcast %broadcast_in_dim3A : f32 to vector<16xf32>
    %scan3A = arith.constant 0 : i32
    %scan3A_34 = arith.constant 128 : i32
    %scan3A_35 = arith.addi %scan3A, %scan3A_34 : i32
    %scan3A_36 = arith.constant 1 : i32
    scf.for %scan3A_92 = %scan3A to %scan3A_35 step %scan3A_36  : i32 {
      %mul3A_93 = arith.constant 1 : i32
      %mul3A_94 = arith.muli %scan3A_92, %mul3A_93 : i32
      %add3A_95 = arith.constant 0 : i32
      %add3A_96 = arith.addi %add3A_95, %mul3A_94 : i32
      %swap3A = arith.index_cast %add3A_96 : i32 to index
      %swap3A_97 = arith.constant 0 : index
      %swap3A_98 = tpu.vector_load %arg8[%swap3A, %swap3A_97] {strides = array<i32>} : memref<128x32xf32, #tpu.memory_space<vmem>>, vector<16xf32>,
      tpu.vector_store %arg8[%swap3A, %swap3A_97], %broadcast_in_dim3A_33 {strides = array<i32>} : memref<128x32xf32, #tpu.memory_space<vmem>>, vector<16xf32>,
      %swap3A_99 = arith.index_cast %add3A_96 : i32 to index
      %swap3A_100 = arith.constant 16 : index
      %swap3A_101 = tpu.vector_load %arg8[%swap3A_99, %swap3A_100] {strides = array<i32>} : memref<128x32xf32, #tpu.memory_space<vmem>>, vector<16xf32>,
      tpu.vector_store %arg8[%swap3A_99, %swap3A_100], %broadcast_in_dim3A_33 {strides = array<i32>} : memref<128x32xf32, #tpu.memory_space<vmem>>, vector<16xf32>,
    }
    %scan3A_37 = arith.constant 128 : i32
    %mul3A_38 = arith.constant 640 : i32
    %mul3A_39 = arith.muli %arg1, %mul3A_38 : i32
    %add3A_40 = arith.constant 0 : i32
    %add3A_41 = arith.addi %mul3A_39, %add3A_40 : i32
    "tpu.region"() ({
      %run_scoped3A = tpu.sem_alloc : memref<!tpu.dma_semaphore, #tpu.memory_space<semaphore_mem>>
      %dma_start3A_92 = arith.constant 0 : i32
      %dma_start3A_93 = tpu.memref_slice %arg12[%add3A_41, %dma_start3A_92] : memref<10240x32xf32, #tpu.memory_space<vmem_shared>> -> memref<128x32xf32, #tpu.memory_space<vmem_shared>>
      %dma_start3A_94 = arith.constant 0 : i32
      %dma_start3A_95 = tpu.memref_slice %arg12[%add3A_41, %dma_start3A_94] : memref<10240x32xf32, #tpu.memory_space<vmem_shared>> -> memref<128x32xf32, #tpu.memory_space<vmem_shared>>
      tpu.enqueue_dma source(%arg8 : memref<128x32xf32, #tpu.memory_space<vmem>>) target(%dma_start3A_95 : memref<128x32xf32, #tpu.memory_space<vmem_shared>>) target_semaphore(%run_scoped3A : memref<!tpu.dma_semaphore, #tpu.memory_space<semaphore_mem>>)
      %dma_wait3A = arith.constant 0 : i32
      %dma_wait3A_96 = tpu.memref_slice %arg12[%add3A_41, %dma_wait3A] : memref<10240x32xf32, #tpu.memory_space<vmem_shared>> -> memref<128x32xf32, #tpu.memory_space<vmem_shared>>
      %dma_wait3A_97 = arith.constant 0 : i32
      %dma_wait3A_98 = tpu.memref_slice %arg12[%add3A_41, %dma_wait3A_97] : memref<10240x32xf32, #tpu.memory_space<vmem_shared>> -> memref<128x32xf32, #tpu.memory_space<vmem_shared>>
      tpu.wait_dma2 semaphore(%run_scoped3A : memref<!tpu.dma_semaphore, #tpu.memory_space<semaphore_mem>>) src(%arg8 : memref<128x32xf32, #tpu.memory_space<vmem>>) dst(%dma_wait3A_98 : memref<128x32xf32, #tpu.memory_space<vmem_shared>>)
      tpu.yield
    }) : () -> ()
    %mul3A_42 = arith.constant 640 : i32
    %mul3A_43 = arith.muli %arg1, %mul3A_42 : i32
    %add3A_44 = arith.constant 128 : i32
    %add3A_45 = arith.addi %mul3A_43, %add3A_44 : i32
    "tpu.region"() ({
      %run_scoped3A = tpu.sem_alloc : memref<!tpu.dma_semaphore, #tpu.memory_space<semaphore_mem>>
      %dma_start3A_92 = arith.constant 0 : i32
      %dma_start3A_93 = tpu.memref_slice %arg12[%add3A_45, %dma_start3A_92] : memref<10240x32xf32, #tpu.memory_space<vmem_shared>> -> memref<128x32xf32, #tpu.memory_space<vmem_shared>>
      %dma_start3A_94 = arith.constant 0 : i32
      %dma_start3A_95 = tpu.memref_slice %arg12[%add3A_45, %dma_start3A_94] : memref<10240x32xf32, #tpu.memory_space<vmem_shared>> -> memref<128x32xf32, #tpu.memory_space<vmem_shared>>
      tpu.enqueue_dma source(%arg8 : memref<128x32xf32, #tpu.memory_space<vmem>>) target(%dma_start3A_95 : memref<128x32xf32, #tpu.memory_space<vmem_shared>>) target_semaphore(%run_scoped3A : memref<!tpu.dma_semaphore, #tpu.memory_space<semaphore_mem>>)
      %dma_wait3A = arith.constant 0 : i32
      %dma_wait3A_96 = tpu.memref_slice %arg12[%add3A_45, %dma_wait3A] : memref<10240x32xf32, #tpu.memory_space<vmem_shared>> -> memref<128x32xf32, #tpu.memory_space<vmem_shared>>
      %dma_wait3A_97 = arith.constant 0 : i32
      %dma_wait3A_98 = tpu.memref_slice %arg12[%add3A_45, %dma_wait3A_97] : memref<10240x32xf32, #tpu.memory_space<vmem_shared>> -> memref<128x32xf32, #tpu.memory_space<vmem_shared>>
      tpu.wait_dma2 semaphore(%run_scoped3A : memref<!tpu.dma_semaphore, #tpu.memory_space<semaphore_mem>>) src(%arg8 : memref<128x32xf32, #tpu.memory_space<vmem>>) dst(%dma_wait3A_98 : memref<128x32xf32, #tpu.memory_space<vmem_shared>>)
      tpu.yield
    }) : () -> ()
    %mul3A_46 = arith.constant 640 : i32
    %mul3A_47 = arith.muli %arg1, %mul3A_46 : i32
    %add3A_48 = arith.constant 256 : i32
    %add3A_49 = arith.addi %mul3A_47, %add3A_48 : i32
    "tpu.region"() ({
      %run_scoped3A = tpu.sem_alloc : memref<!tpu.dma_semaphore, #tpu.memory_space<semaphore_mem>>
      %dma_start3A_92 = arith.constant 0 : i32
      %dma_start3A_93 = tpu.memref_slice %arg12[%add3A_49, %dma_start3A_92] : memref<10240x32xf32, #tpu.memory_space<vmem_shared>> -> memref<128x32xf32, #tpu.memory_space<vmem_shared>>
      %dma_start3A_94 = arith.constant 0 : i32
      %dma_start3A_95 = tpu.memref_slice %arg12[%add3A_49, %dma_start3A_94] : memref<10240x32xf32, #tpu.memory_space<vmem_shared>> -> memref<128x32xf32, #tpu.memory_space<vmem_shared>>
      tpu.enqueue_dma source(%arg8 : memref<128x32xf32, #tpu.memory_space<vmem>>) target(%dma_start3A_95 : memref<128x32xf32, #tpu.memory_space<vmem_shared>>) target_semaphore(%run_scoped3A : memref<!tpu.dma_semaphore, #tpu.memory_space<semaphore_mem>>)
      %dma_wait3A = arith.constant 0 : i32
      %dma_wait3A_96 = tpu.memref_slice %arg12[%add3A_49, %dma_wait3A] : memref<10240x32xf32, #tpu.memory_space<vmem_shared>> -> memref<128x32xf32, #tpu.memory_space<vmem_shared>>
      %dma_wait3A_97 = arith.constant 0 : i32
      %dma_wait3A_98 = tpu.memref_slice %arg12[%add3A_49, %dma_wait3A_97] : memref<10240x32xf32, #tpu.memory_space<vmem_shared>> -> memref<128x32xf32, #tpu.memory_space<vmem_shared>>
      tpu.wait_dma2 semaphore(%run_scoped3A : memref<!tpu.dma_semaphore, #tpu.memory_space<semaphore_mem>>) src(%arg8 : memref<128x32xf32, #tpu.memory_space<vmem>>) dst(%dma_wait3A_98 : memref<128x32xf32, #tpu.memory_space<vmem_shared>>)
      tpu.yield
    }) : () -> ()
    %mul3A_50 = arith.constant 640 : i32
    %mul3A_51 = arith.muli %arg1, %mul3A_50 : i32
    %add3A_52 = arith.constant 384 : i32
    %add3A_53 = arith.addi %mul3A_51, %add3A_52 : i32
    "tpu.region"() ({
      %run_scoped3A = tpu.sem_alloc : memref<!tpu.dma_semaphore, #tpu.memory_space<semaphore_mem>>
      %dma_start3A_92 = arith.constant 0 : i32
      %dma_start3A_93 = tpu.memref_slice %arg12[%add3A_53, %dma_start3A_92] : memref<10240x32xf32, #tpu.memory_space<vmem_shared>> -> memref<128x32xf32, #tpu.memory_space<vmem_shared>>
      %dma_start3A_94 = arith.constant 0 : i32
      %dma_start3A_95 = tpu.memref_slice %arg12[%add3A_53, %dma_start3A_94] : memref<10240x32xf32, #tpu.memory_space<vmem_shared>> -> memref<128x32xf32, #tpu.memory_space<vmem_shared>>
      tpu.enqueue_dma source(%arg8 : memref<128x32xf32, #tpu.memory_space<vmem>>) target(%dma_start3A_95 : memref<128x32xf32, #tpu.memory_space<vmem_shared>>) target_semaphore(%run_scoped3A : memref<!tpu.dma_semaphore, #tpu.memory_space<semaphore_mem>>)
      %dma_wait3A = arith.constant 0 : i32
      %dma_wait3A_96 = tpu.memref_slice %arg12[%add3A_53, %dma_wait3A] : memref<10240x32xf32, #tpu.memory_space<vmem_shared>> -> memref<128x32xf32, #tpu.memory_space<vmem_shared>>
      %dma_wait3A_97 = arith.constant 0 : i32
      %dma_wait3A_98 = tpu.memref_slice %arg12[%add3A_53, %dma_wait3A_97] : memref<10240x32xf32, #tpu.memory_space<vmem_shared>> -> memref<128x32xf32, #tpu.memory_space<vmem_shared>>
      tpu.wait_dma2 semaphore(%run_scoped3A : memref<!tpu.dma_semaphore, #tpu.memory_space<semaphore_mem>>) src(%arg8 : memref<128x32xf32, #tpu.memory_space<vmem>>) dst(%dma_wait3A_98 : memref<128x32xf32, #tpu.memory_space<vmem_shared>>)
      tpu.yield
    }) : () -> ()
    %mul3A_54 = arith.constant 640 : i32
    %mul3A_55 = arith.muli %arg1, %mul3A_54 : i32
    %add3A_56 = arith.constant 512 : i32
    %add3A_57 = arith.addi %mul3A_55, %add3A_56 : i32
    "tpu.region"() ({
      %run_scoped3A = tpu.sem_alloc : memref<!tpu.dma_semaphore, #tpu.memory_space<semaphore_mem>>
      %dma_start3A_92 = arith.constant 0 : i32
      %dma_start3A_93 = tpu.memref_slice %arg12[%add3A_57, %dma_start3A_92] : memref<10240x32xf32, #tpu.memory_space<vmem_shared>> -> memref<128x32xf32, #tpu.memory_space<vmem_shared>>
      %dma_start3A_94 = arith.constant 0 : i32
      %dma_start3A_95 = tpu.memref_slice %arg12[%add3A_57, %dma_start3A_94] : memref<10240x32xf32, #tpu.memory_space<vmem_shared>> -> memref<128x32xf32, #tpu.memory_space<vmem_shared>>
      tpu.enqueue_dma source(%arg8 : memref<128x32xf32, #tpu.memory_space<vmem>>) target(%dma_start3A_95 : memref<128x32xf32, #tpu.memory_space<vmem_shared>>) target_semaphore(%run_scoped3A : memref<!tpu.dma_semaphore, #tpu.memory_space<semaphore_mem>>)
      %dma_wait3A = arith.constant 0 : i32
      %dma_wait3A_96 = tpu.memref_slice %arg12[%add3A_57, %dma_wait3A] : memref<10240x32xf32, #tpu.memory_space<vmem_shared>> -> memref<128x32xf32, #tpu.memory_space<vmem_shared>>
      %dma_wait3A_97 = arith.constant 0 : i32
      %dma_wait3A_98 = tpu.memref_slice %arg12[%add3A_57, %dma_wait3A_97] : memref<10240x32xf32, #tpu.memory_space<vmem_shared>> -> memref<128x32xf32, #tpu.memory_space<vmem_shared>>
      tpu.wait_dma2 semaphore(%run_scoped3A : memref<!tpu.dma_semaphore, #tpu.memory_space<semaphore_mem>>) src(%arg8 : memref<128x32xf32, #tpu.memory_space<vmem>>) dst(%dma_wait3A_98 : memref<128x32xf32, #tpu.memory_space<vmem_shared>>)
      tpu.yield
    }) : () -> ()
    %barrier3A = arith.constant 0 : index
    tpu.barrier barrier_id(%barrier3A)
    %dma_start3A = arith.constant 0 : i32
    %dma_start3A_58 = arith.constant 0 : i32
    %dma_start3A_59 = tpu.memref_slice %arg6[%dma_start3A, %dma_start3A_58] : memref<90x128xi32, #tpu.memory_space<vmem>> -> memref<1x128xi32, #tpu.memory_space<vmem>>
    %dma_start3A_60 = tpu.memref_squeeze %dma_start3A_59 : memref<1x128xi32, #tpu.memory_space<vmem>> -> memref<128xi32, #tpu.memory_space<vmem>>
    %dma_start3A_61 = arith.constant 0 : i32
    %dma_start3A_62 = arith.constant 0 : i32
    %dma_start3A_63 = tpu.memref_slice %arg2[%dma_start3A_61, %dma_start3A_62] : memref<10240x32xf32, #tpu.memory_space<hbm>> -> memref<10240x32xf32, #tpu.memory_space<hbm>>
    tpu.enqueue_indirect_dma source(%dma_start3A_63 : memref<10240x32xf32, #tpu.memory_space<hbm>>) target(%arg8 : memref<128x32xf32, #tpu.memory_space<vmem>>) offsets(%dma_start3A_60 : memref<128xi32, #tpu.memory_space<vmem>>) semaphore(%arg10 : memref<!tpu.dma_semaphore, #tpu.memory_space<semaphore_mem>>)
    %dma_start3A_64 = arith.constant 1 : i32
    %dma_start3A_65 = arith.constant 0 : i32
    %dma_start3A_66 = tpu.memref_slice %arg6[%dma_start3A_64, %dma_start3A_65] : memref<90x128xi32, #tpu.memory_space<vmem>> -> memref<1x128xi32, #tpu.memory_space<vmem>>
    %dma_start3A_67 = tpu.memref_squeeze %dma_start3A_66 : memref<1x128xi32, #tpu.memory_space<vmem>> -> memref<128xi32, #tpu.memory_space<vmem>>
    %dma_start3A_68 = arith.constant 0 : i32
    %dma_start3A_69 = arith.constant 0 : i32
    %dma_start3A_70 = tpu.memref_slice %arg2[%dma_start3A_68, %dma_start3A_69] : memref<10240x32xf32, #tpu.memory_space<hbm>> -> memref<10240x32xf32, #tpu.memory_space<hbm>>
    tpu.enqueue_indirect_dma source(%dma_start3A_70 : memref<10240x32xf32, #tpu.memory_space<hbm>>) target(%arg9 : memref<128x32xf32, #tpu.memory_space<vmem>>) offsets(%dma_start3A_67 : memref<128xi32, #tpu.memory_space<vmem>>) semaphore(%arg11 : memref<!tpu.dma_semaphore, #tpu.memory_space<semaphore_mem>>)
    %sub3A = arith.constant 0 : i32
    %sub3A_71 = arith.subi %select_n3A, %sub3A : i32
    %sub3A_72 = arith.constant 2 : i32
    %sub3A_73 = arith.constant 1 : i32
    %sub3A_74 = arith.subi %sub3A_72, %sub3A_73 : i32
    %add3A_75 = arith.addi %sub3A_71, %sub3A_74 : i32
    %div3A = arith.constant 2 : i32
    %div3A_76 = arith.divsi %add3A_75, %div3A : i32
    %while3A = arith.constant 2 : i32
    %while3A_77 = arith.constant 0 : i32
    %while3A_78 = arith.constant 0 : i32
    %while3A_79 = arith.subi %div3A_76, %while3A_78 : i32
    %while3A_80 = arith.addi %while3A_78, %while3A_79 : i32
    %while3A_81 = arith.constant 1 : i32
    %while3A_82 = arith.divsi %while3A_79, %while3A_81 : i32
    %while3A_83 = arith.muli %while3A_82, %while3A_81 : i32
    %while3A_84 = arith.addi %while3A_78, %while3A_83 : i32
    %while3A_85 = arith.constant 1 : i32
    scf.for %while3A_92 = %while3A_78 to %while3A_84 step %while3A_85  : i32 {
      %mul3A_93 = arith.muli %while3A_92, %while3A : i32
      %add3A_94 = arith.addi %while3A_77, %mul3A_93 : i32
      %add3A_95 = arith.constant 0 : i32
      %add3A_96 = arith.addi %add3A_94, %add3A_95 : i32
      %dma_wait3A = arith.constant 0 : i32
      %dma_wait3A_97 = tpu.memref_slice %arg6[%add3A_96, %dma_wait3A] : memref<90x128xi32, #tpu.memory_space<vmem>> -> memref<1x128xi32, #tpu.memory_space<vmem>>
      %dma_wait3A_98 = tpu.memref_squeeze %dma_wait3A_97 : memref<1x128xi32, #tpu.memory_space<vmem>> -> memref<128xi32, #tpu.memory_space<vmem>>
      %dma_wait3A_99 = arith.constant 0 : i32
      %dma_wait3A_100 = arith.constant 0 : i32
      %dma_wait3A_101 = tpu.memref_slice %arg2[%dma_wait3A_99, %dma_wait3A_100] : memref<10240x32xf32, #tpu.memory_space<hbm>> -> memref<10240x32xf32, #tpu.memory_space<hbm>>
      tpu.wait_indirect_dma semaphore(%arg10 : memref<!tpu.dma_semaphore, #tpu.memory_space<semaphore_mem>>) src(%dma_wait3A_101 : memref<10240x32xf32, #tpu.memory_space<hbm>>) dst(%arg8 : memref<128x32xf32, #tpu.memory_space<vmem>>)
      "tpu.region"() ({
        %run_scoped3A = tpu.sem_alloc : memref<!tpu.dma_semaphore, #tpu.memory_space<semaphore_mem>>
        %dma_start3A_121 = arith.constant 0 : i32
        %dma_start3A_122 = tpu.memref_slice %arg7[%add3A_96, %dma_start3A_121] : memref<90x128xi32, #tpu.memory_space<vmem>> -> memref<1x128xi32, #tpu.memory_space<vmem>>
        %dma_start3A_123 = tpu.memref_squeeze %dma_start3A_122 : memref<1x128xi32, #tpu.memory_space<vmem>> -> memref<128xi32, #tpu.memory_space<vmem>>
        %dma_start3A_124 = arith.constant 0 : i32
        %dma_start3A_125 = arith.constant 0 : i32
        %dma_start3A_126 = tpu.memref_slice %arg12[%dma_start3A_124, %dma_start3A_125] : memref<10240x32xf32, #tpu.memory_space<vmem_shared>> -> memref<10240x32xf32, #tpu.memory_space<vmem_shared>>
        tpu.enqueue_indirect_dma source(%arg8 : memref<128x32xf32, #tpu.memory_space<vmem>>) target(%dma_start3A_126 : memref<10240x32xf32, #tpu.memory_space<vmem_shared>>) offsets(%dma_start3A_123 : memref<128xi32, #tpu.memory_space<vmem>>) semaphore(%run_scoped3A : memref<!tpu.dma_semaphore, #tpu.memory_space<semaphore_mem>>) {add = true}
        %dma_wait3A_127 = arith.constant 0 : i32
        %dma_wait3A_128 = tpu.memref_slice %arg7[%add3A_96, %dma_wait3A_127] : memref<90x128xi32, #tpu.memory_space<vmem>> -> memref<1x128xi32, #tpu.memory_space<vmem>>
        %dma_wait3A_129 = tpu.memref_squeeze %dma_wait3A_128 : memref<1x128xi32, #tpu.memory_space<vmem>> -> memref<128xi32, #tpu.memory_space<vmem>>
        %dma_wait3A_130 = arith.constant 0 : i32
        %dma_wait3A_131 = arith.constant 0 : i32
        %dma_wait3A_132 = tpu.memref_slice %arg12[%dma_wait3A_130, %dma_wait3A_131] : memref<10240x32xf32, #tpu.memory_space<vmem_shared>> -> memref<10240x32xf32, #tpu.memory_space<vmem_shared>>
        tpu.wait_indirect_dma semaphore(%run_scoped3A : memref<!tpu.dma_semaphore, #tpu.memory_space<semaphore_mem>>) src(%arg8 : memref<128x32xf32, #tpu.memory_space<vmem>>) dst(%dma_wait3A_132 : memref<10240x32xf32, #tpu.memory_space<vmem_shared>>)
        tpu.yield
      }) : () -> ()
      %add3A_102 = arith.constant 2 : i32
      %add3A_103 = arith.addi %add3A_96, %add3A_102 : i32
      %lt3A = arith.cmpi slt, %add3A_103, %select_n3A : i32
      %convert_element_type3A_104 = arith.extui %lt3A : i1 to i32
      %cond3A_105 = arith.constant 0 : i32
      %cond3A_106 = arith.cmpi ne, %convert_element_type3A_104, %cond3A_105 : i32
      scf.if %cond3A_106 {
        %add3A_121 = arith.constant 2 : i32
        %add3A_122 = arith.addi %add3A_96, %add3A_121 : i32
        %dma_start3A_123 = arith.constant 0 : i32
        %dma_start3A_124 = tpu.memref_slice %arg6[%add3A_122, %dma_start3A_123] : memref<90x128xi32, #tpu.memory_space<vmem>> -> memref<1x128xi32, #tpu.memory_space<vmem>>
        %dma_start3A_125 = tpu.memref_squeeze %dma_start3A_124 : memref<1x128xi32, #tpu.memory_space<vmem>> -> memref<128xi32, #tpu.memory_space<vmem>>
        %dma_start3A_126 = arith.constant 0 : i32
        %dma_start3A_127 = arith.constant 0 : i32
        %dma_start3A_128 = tpu.memref_slice %arg2[%dma_start3A_126, %dma_start3A_127] : memref<10240x32xf32, #tpu.memory_space<hbm>> -> memref<10240x32xf32, #tpu.memory_space<hbm>>
        tpu.enqueue_indirect_dma source(%dma_start3A_128 : memref<10240x32xf32, #tpu.memory_space<hbm>>) target(%arg8 : memref<128x32xf32, #tpu.memory_space<vmem>>) offsets(%dma_start3A_125 : memref<128xi32, #tpu.memory_space<vmem>>) semaphore(%arg10 : memref<!tpu.dma_semaphore, #tpu.memory_space<semaphore_mem>>)
      } else {
      }
      %add3A_107 = arith.constant 1 : i32
      %add3A_108 = arith.addi %add3A_94, %add3A_107 : i32
      %dma_wait3A_109 = arith.constant 0 : i32
      %dma_wait3A_110 = tpu.memref_slice %arg6[%add3A_108, %dma_wait3A_109] : memref<90x128xi32, #tpu.memory_space<vmem>> -> memref<1x128xi32, #tpu.memory_space<vmem>>
      %dma_wait3A_111 = tpu.memref_squeeze %dma_wait3A_110 : memref<1x128xi32, #tpu.memory_space<vmem>> -> memref<128xi32, #tpu.memory_space<vmem>>
      %dma_wait3A_112 = arith.constant 0 : i32
      %dma_wait3A_113 = arith.constant 0 : i32
      %dma_wait3A_114 = tpu.memref_slice %arg2[%dma_wait3A_112, %dma_wait3A_113] : memref<10240x32xf32, #tpu.memory_space<hbm>> -> memref<10240x32xf32, #tpu.memory_space<hbm>>
      tpu.wait_indirect_dma semaphore(%arg11 : memref<!tpu.dma_semaphore, #tpu.memory_space<semaphore_mem>>) src(%dma_wait3A_114 : memref<10240x32xf32, #tpu.memory_space<hbm>>) dst(%arg9 : memref<128x32xf32, #tpu.memory_space<vmem>>)
      "tpu.region"() ({
        %run_scoped3A = tpu.sem_alloc : memref<!tpu.dma_semaphore, #tpu.memory_space<semaphore_mem>>
        %dma_start3A_121 = arith.constant 0 : i32
        %dma_start3A_122 = tpu.memref_slice %arg7[%add3A_108, %dma_start3A_121] : memref<90x128xi32, #tpu.memory_space<vmem>> -> memref<1x128xi32, #tpu.memory_space<vmem>>
        %dma_start3A_123 = tpu.memref_squeeze %dma_start3A_122 : memref<1x128xi32, #tpu.memory_space<vmem>> -> memref<128xi32, #tpu.memory_space<vmem>>
        %dma_start3A_124 = arith.constant 0 : i32
        %dma_start3A_125 = arith.constant 0 : i32
        %dma_start3A_126 = tpu.memref_slice %arg12[%dma_start3A_124, %dma_start3A_125] : memref<10240x32xf32, #tpu.memory_space<vmem_shared>> -> memref<10240x32xf32, #tpu.memory_space<vmem_shared>>
        tpu.enqueue_indirect_dma source(%arg9 : memref<128x32xf32, #tpu.memory_space<vmem>>) target(%dma_start3A_126 : memref<10240x32xf32, #tpu.memory_space<vmem_shared>>) offsets(%dma_start3A_123 : memref<128xi32, #tpu.memory_space<vmem>>) semaphore(%run_scoped3A : memref<!tpu.dma_semaphore, #tpu.memory_space<semaphore_mem>>) {add = true}
        %dma_wait3A_127 = arith.constant 0 : i32
        %dma_wait3A_128 = tpu.memref_slice %arg7[%add3A_108, %dma_wait3A_127] : memref<90x128xi32, #tpu.memory_space<vmem>> -> memref<1x128xi32, #tpu.memory_space<vmem>>
        %dma_wait3A_129 = tpu.memref_squeeze %dma_wait3A_128 : memref<1x128xi32, #tpu.memory_space<vmem>> -> memref<128xi32, #tpu.memory_space<vmem>>
        %dma_wait3A_130 = arith.constant 0 : i32
        %dma_wait3A_131 = arith.constant 0 : i32
        %dma_wait3A_132 = tpu.memref_slice %arg12[%dma_wait3A_130, %dma_wait3A_131] : memref<10240x32xf32, #tpu.memory_space<vmem_shared>> -> memref<10240x32xf32, #tpu.memory_space<vmem_shared>>
        tpu.wait_indirect_dma semaphore(%run_scoped3A : memref<!tpu.dma_semaphore, #tpu.memory_space<semaphore_mem>>) src(%arg9 : memref<128x32xf32, #tpu.memory_space<vmem>>) dst(%dma_wait3A_132 : memref<10240x32xf32, #tpu.memory_space<vmem_shared>>)
        tpu.yield
      }) : () -> ()
      %add3A_115 = arith.constant 2 : i32
      %add3A_116 = arith.addi %add3A_108, %add3A_115 : i32
      %lt3A_117 = arith.cmpi slt, %add3A_116, %select_n3A : i32
      %convert_element_type3A_118 = arith.extui %lt3A_117 : i1 to i32
      %cond3A_119 = arith.constant 0 : i32
      %cond3A_120 = arith.cmpi ne, %convert_element_type3A_118, %cond3A_119 : i32
      scf.if %cond3A_120 {
        %add3A_121 = arith.constant 2 : i32
        %add3A_122 = arith.addi %add3A_108, %add3A_121 : i32
        %dma_start3A_123 = arith.constant 0 : i32
        %dma_start3A_124 = tpu.memref_slice %arg6[%add3A_122, %dma_start3A_123] : memref<90x128xi32, #tpu.memory_space<vmem>> -> memref<1x128xi32, #tpu.memory_space<vmem>>
        %dma_start3A_125 = tpu.memref_squeeze %dma_start3A_124 : memref<1x128xi32, #tpu.memory_space<vmem>> -> memref<128xi32, #tpu.memory_space<vmem>>
        %dma_start3A_126 = arith.constant 0 : i32
        %dma_start3A_127 = arith.constant 0 : i32
        %dma_start3A_128 = tpu.memref_slice %arg2[%dma_start3A_126, %dma_start3A_127] : memref<10240x32xf32, #tpu.memory_space<hbm>> -> memref<10240x32xf32, #tpu.memory_space<hbm>>
        tpu.enqueue_indirect_dma source(%dma_start3A_128 : memref<10240x32xf32, #tpu.memory_space<hbm>>) target(%arg9 : memref<128x32xf32, #tpu.memory_space<vmem>>) offsets(%dma_start3A_125 : memref<128xi32, #tpu.memory_space<vmem>>) semaphore(%arg11 : memref<!tpu.dma_semaphore, #tpu.memory_space<semaphore_mem>>)
      } else {
      }
    }
    %while3A_86 = arith.constant 1 : i32
    scf.for %while3A_92 = %while3A_84 to %while3A_80 step %while3A_86  : i32 {
      %mul3A_93 = arith.muli %while3A_92, %while3A : i32
      %add3A_94 = arith.addi %while3A_77, %mul3A_93 : i32
      %add3A_95 = arith.constant 0 : i32
      %add3A_96 = arith.addi %add3A_94, %add3A_95 : i32
      %dma_wait3A = arith.constant 0 : i32
      %dma_wait3A_97 = tpu.memref_slice %arg6[%add3A_96, %dma_wait3A] : memref<90x128xi32, #tpu.memory_space<vmem>> -> memref<1x128xi32, #tpu.memory_space<vmem>>
      %dma_wait3A_98 = tpu.memref_squeeze %dma_wait3A_97 : memref<1x128xi32, #tpu.memory_space<vmem>> -> memref<128xi32, #tpu.memory_space<vmem>>
      %dma_wait3A_99 = arith.constant 0 : i32
      %dma_wait3A_100 = arith.constant 0 : i32
      %dma_wait3A_101 = tpu.memref_slice %arg2[%dma_wait3A_99, %dma_wait3A_100] : memref<10240x32xf32, #tpu.memory_space<hbm>> -> memref<10240x32xf32, #tpu.memory_space<hbm>>
      tpu.wait_indirect_dma semaphore(%arg10 : memref<!tpu.dma_semaphore, #tpu.memory_space<semaphore_mem>>) src(%dma_wait3A_101 : memref<10240x32xf32, #tpu.memory_space<hbm>>) dst(%arg8 : memref<128x32xf32, #tpu.memory_space<vmem>>)
      "tpu.region"() ({
        %run_scoped3A = tpu.sem_alloc : memref<!tpu.dma_semaphore, #tpu.memory_space<semaphore_mem>>
        %dma_start3A_121 = arith.constant 0 : i32
        %dma_start3A_122 = tpu.memref_slice %arg7[%add3A_96, %dma_start3A_121] : memref<90x128xi32, #tpu.memory_space<vmem>> -> memref<1x128xi32, #tpu.memory_space<vmem>>
        %dma_start3A_123 = tpu.memref_squeeze %dma_start3A_122 : memref<1x128xi32, #tpu.memory_space<vmem>> -> memref<128xi32, #tpu.memory_space<vmem>>
        %dma_start3A_124 = arith.constant 0 : i32
        %dma_start3A_125 = arith.constant 0 : i32
        %dma_start3A_126 = tpu.memref_slice %arg12[%dma_start3A_124, %dma_start3A_125] : memref<10240x32xf32, #tpu.memory_space<vmem_shared>> -> memref<10240x32xf32, #tpu.memory_space<vmem_shared>>
        tpu.enqueue_indirect_dma source(%arg8 : memref<128x32xf32, #tpu.memory_space<vmem>>) target(%dma_start3A_126 : memref<10240x32xf32, #tpu.memory_space<vmem_shared>>) offsets(%dma_start3A_123 : memref<128xi32, #tpu.memory_space<vmem>>) semaphore(%run_scoped3A : memref<!tpu.dma_semaphore, #tpu.memory_space<semaphore_mem>>) {add = true}
        %dma_wait3A_127 = arith.constant 0 : i32
        %dma_wait3A_128 = tpu.memref_slice %arg7[%add3A_96, %dma_wait3A_127] : memref<90x128xi32, #tpu.memory_space<vmem>> -> memref<1x128xi32, #tpu.memory_space<vmem>>
        %dma_wait3A_129 = tpu.memref_squeeze %dma_wait3A_128 : memref<1x128xi32, #tpu.memory_space<vmem>> -> memref<128xi32, #tpu.memory_space<vmem>>
        %dma_wait3A_130 = arith.constant 0 : i32
        %dma_wait3A_131 = arith.constant 0 : i32
        %dma_wait3A_132 = tpu.memref_slice %arg12[%dma_wait3A_130, %dma_wait3A_131] : memref<10240x32xf32, #tpu.memory_space<vmem_shared>> -> memref<10240x32xf32, #tpu.memory_space<vmem_shared>>
        tpu.wait_indirect_dma semaphore(%run_scoped3A : memref<!tpu.dma_semaphore, #tpu.memory_space<semaphore_mem>>) src(%arg8 : memref<128x32xf32, #tpu.memory_space<vmem>>) dst(%dma_wait3A_132 : memref<10240x32xf32, #tpu.memory_space<vmem_shared>>)
        tpu.yield
      }) : () -> ()
      %add3A_102 = arith.constant 2 : i32
      %add3A_103 = arith.addi %add3A_96, %add3A_102 : i32
      %lt3A = arith.cmpi slt, %add3A_103, %select_n3A : i32
      %convert_element_type3A_104 = arith.extui %lt3A : i1 to i32
      %cond3A_105 = arith.constant 0 : i32
      %cond3A_106 = arith.cmpi ne, %convert_element_type3A_104, %cond3A_105 : i32
      scf.if %cond3A_106 {
        %add3A_121 = arith.constant 2 : i32
        %add3A_122 = arith.addi %add3A_96, %add3A_121 : i32
        %dma_start3A_123 = arith.constant 0 : i32
        %dma_start3A_124 = tpu.memref_slice %arg6[%add3A_122, %dma_start3A_123] : memref<90x128xi32, #tpu.memory_space<vmem>> -> memref<1x128xi32, #tpu.memory_space<vmem>>
        %dma_start3A_125 = tpu.memref_squeeze %dma_start3A_124 : memref<1x128xi32, #tpu.memory_space<vmem>> -> memref<128xi32, #tpu.memory_space<vmem>>
        %dma_start3A_126 = arith.constant 0 : i32
        %dma_start3A_127 = arith.constant 0 : i32
        %dma_start3A_128 = tpu.memref_slice %arg2[%dma_start3A_126, %dma_start3A_127] : memref<10240x32xf32, #tpu.memory_space<hbm>> -> memref<10240x32xf32, #tpu.memory_space<hbm>>
        tpu.enqueue_indirect_dma source(%dma_start3A_128 : memref<10240x32xf32, #tpu.memory_space<hbm>>) target(%arg8 : memref<128x32xf32, #tpu.memory_space<vmem>>) offsets(%dma_start3A_125 : memref<128xi32, #tpu.memory_space<vmem>>) semaphore(%arg10 : memref<!tpu.dma_semaphore, #tpu.memory_space<semaphore_mem>>)
      } else {
      }
      %add3A_107 = arith.constant 1 : i32
      %add3A_108 = arith.addi %add3A_94, %add3A_107 : i32
      %dma_wait3A_109 = arith.constant 0 : i32
      %dma_wait3A_110 = tpu.memref_slice %arg6[%add3A_108, %dma_wait3A_109] : memref<90x128xi32, #tpu.memory_space<vmem>> -> memref<1x128xi32, #tpu.memory_space<vmem>>
      %dma_wait3A_111 = tpu.memref_squeeze %dma_wait3A_110 : memref<1x128xi32, #tpu.memory_space<vmem>> -> memref<128xi32, #tpu.memory_space<vmem>>
      %dma_wait3A_112 = arith.constant 0 : i32
      %dma_wait3A_113 = arith.constant 0 : i32
      %dma_wait3A_114 = tpu.memref_slice %arg2[%dma_wait3A_112, %dma_wait3A_113] : memref<10240x32xf32, #tpu.memory_space<hbm>> -> memref<10240x32xf32, #tpu.memory_space<hbm>>
      tpu.wait_indirect_dma semaphore(%arg11 : memref<!tpu.dma_semaphore, #tpu.memory_space<semaphore_mem>>) src(%dma_wait3A_114 : memref<10240x32xf32, #tpu.memory_space<hbm>>) dst(%arg9 : memref<128x32xf32, #tpu.memory_space<vmem>>)
      "tpu.region"() ({
        %run_scoped3A = tpu.sem_alloc : memref<!tpu.dma_semaphore, #tpu.memory_space<semaphore_mem>>
        %dma_start3A_121 = arith.constant 0 : i32
        %dma_start3A_122 = tpu.memref_slice %arg7[%add3A_108, %dma_start3A_121] : memref<90x128xi32, #tpu.memory_space<vmem>> -> memref<1x128xi32, #tpu.memory_space<vmem>>
        %dma_start3A_123 = tpu.memref_squeeze %dma_start3A_122 : memref<1x128xi32, #tpu.memory_space<vmem>> -> memref<128xi32, #tpu.memory_space<vmem>>
        %dma_start3A_124 = arith.constant 0 : i32
        %dma_start3A_125 = arith.constant 0 : i32
        %dma_start3A_126 = tpu.memref_slice %arg12[%dma_start3A_124, %dma_start3A_125] : memref<10240x32xf32, #tpu.memory_space<vmem_shared>> -> memref<10240x32xf32, #tpu.memory_space<vmem_shared>>
        tpu.enqueue_indirect_dma source(%arg9 : memref<128x32xf32, #tpu.memory_space<vmem>>) target(%dma_start3A_126 : memref<10240x32xf32, #tpu.memory_space<vmem_shared>>) offsets(%dma_start3A_123 : memref<128xi32, #tpu.memory_space<vmem>>) semaphore(%run_scoped3A : memref<!tpu.dma_semaphore, #tpu.memory_space<semaphore_mem>>) {add = true}
        %dma_wait3A_127 = arith.constant 0 : i32
        %dma_wait3A_128 = tpu.memref_slice %arg7[%add3A_108, %dma_wait3A_127] : memref<90x128xi32, #tpu.memory_space<vmem>> -> memref<1x128xi32, #tpu.memory_space<vmem>>
        %dma_wait3A_129 = tpu.memref_squeeze %dma_wait3A_128 : memref<1x128xi32, #tpu.memory_space<vmem>> -> memref<128xi32, #tpu.memory_space<vmem>>
        %dma_wait3A_130 = arith.constant 0 : i32
        %dma_wait3A_131 = arith.constant 0 : i32
        %dma_wait3A_132 = tpu.memref_slice %arg12[%dma_wait3A_130, %dma_wait3A_131] : memref<10240x32xf32, #tpu.memory_space<vmem_shared>> -> memref<10240x32xf32, #tpu.memory_space<vmem_shared>>
        tpu.wait_indirect_dma semaphore(%run_scoped3A : memref<!tpu.dma_semaphore, #tpu.memory_space<semaphore_mem>>) src(%arg9 : memref<128x32xf32, #tpu.memory_space<vmem>>) dst(%dma_wait3A_132 : memref<10240x32xf32, #tpu.memory_space<vmem_shared>>)
        tpu.yield
      }) : () -> ()
      %add3A_115 = arith.constant 2 : i32
      %add3A_116 = arith.addi %add3A_108, %add3A_115 : i32
      %lt3A_117 = arith.cmpi slt, %add3A_116, %select_n3A : i32
      %convert_element_type3A_118 = arith.extui %lt3A_117 : i1 to i32
      %cond3A_119 = arith.constant 0 : i32
      %cond3A_120 = arith.cmpi ne, %convert_element_type3A_118, %cond3A_119 : i32
      scf.if %cond3A_120 {
        %add3A_121 = arith.constant 2 : i32
        %add3A_122 = arith.addi %add3A_108, %add3A_121 : i32
        %dma_start3A_123 = arith.constant 0 : i32
        %dma_start3A_124 = tpu.memref_slice %arg6[%add3A_122, %dma_start3A_123] : memref<90x128xi32, #tpu.memory_space<vmem>> -> memref<1x128xi32, #tpu.memory_space<vmem>>
        %dma_start3A_125 = tpu.memref_squeeze %dma_start3A_124 : memref<1x128xi32, #tpu.memory_space<vmem>> -> memref<128xi32, #tpu.memory_space<vmem>>
        %dma_start3A_126 = arith.constant 0 : i32
        %dma_start3A_127 = arith.constant 0 : i32
        %dma_start3A_128 = tpu.memref_slice %arg2[%dma_start3A_126, %dma_start3A_127] : memref<10240x32xf32, #tpu.memory_space<hbm>> -> memref<10240x32xf32, #tpu.memory_space<hbm>>
        tpu.enqueue_indirect_dma source(%dma_start3A_128 : memref<10240x32xf32, #tpu.memory_space<hbm>>) target(%arg9 : memref<128x32xf32, #tpu.memory_space<vmem>>) offsets(%dma_start3A_125 : memref<128xi32, #tpu.memory_space<vmem>>) semaphore(%arg11 : memref<!tpu.dma_semaphore, #tpu.memory_space<semaphore_mem>>)
      } else {
      }
    }
    %barrier3A_87 = arith.constant 0 : index
    tpu.barrier barrier_id(%barrier3A_87)
    %mul3A_88 = arith.constant 640 : i32
    %mul3A_89 = arith.muli %arg1, %mul3A_88 : i32
    %mul3A_90 = arith.constant 640 : i32
    %mul3A_91 = arith.muli %arg1, %mul3A_90 : i32
    "tpu.region"() ({
      %run_scoped3A = tpu.sem_alloc : memref<!tpu.dma_semaphore, #tpu.memory_space<semaphore_mem>>
      %dma_start3A_92 = arith.constant 0 : i32
      %dma_start3A_93 = tpu.memref_slice %arg5[%arg0, %mul3A_91, %dma_start3A_92] : memref<2x10240x32xf32, #tpu.memory_space<hbm>> -> memref<1x640x32xf32, #tpu.memory_space<hbm>>
      %dma_start3A_94 = tpu.memref_squeeze %dma_start3A_93 : memref<1x640x32xf32, #tpu.memory_space<hbm>> -> memref<640x32xf32, #tpu.memory_space<hbm>>
      %dma_start3A_95 = arith.constant 0 : i32
      %dma_start3A_96 = tpu.memref_slice %arg12[%mul3A_89, %dma_start3A_95] : memref<10240x32xf32, #tpu.memory_space<vmem_shared>> -> memref<640x32xf32, #tpu.memory_space<vmem_shared>>
      tpu.enqueue_dma source(%dma_start3A_96 : memref<640x32xf32, #tpu.memory_space<vmem_shared>>) target(%dma_start3A_94 : memref<640x32xf32, #tpu.memory_space<hbm>>) target_semaphore(%run_scoped3A : memref<!tpu.dma_semaphore, #tpu.memory_space<semaphore_mem>>)
      %dma_wait3A = arith.constant 0 : i32
      %dma_wait3A_97 = tpu.memref_slice %arg5[%arg0, %mul3A_91, %dma_wait3A] : memref<2x10240x32xf32, #tpu.memory_space<hbm>> -> memref<1x640x32xf32, #tpu.memory_space<hbm>>
      %dma_wait3A_98 = tpu.memref_squeeze %dma_wait3A_97 : memref<1x640x32xf32, #tpu.memory_space<hbm>> -> memref<640x32xf32, #tpu.memory_space<hbm>>
      %dma_wait3A_99 = arith.constant 0 : i32
      %dma_wait3A_100 = tpu.memref_slice %arg12[%mul3A_89, %dma_wait3A_99] : memref<10240x32xf32, #tpu.memory_space<vmem_shared>> -> memref<640x32xf32, #tpu.memory_space<vmem_shared>>
      tpu.wait_dma2 semaphore(%run_scoped3A : memref<!tpu.dma_semaphore, #tpu.memory_space<semaphore_mem>>) src(%dma_wait3A_100 : memref<640x32xf32, #tpu.memory_space<vmem_shared>>) dst(%dma_wait3A_98 : memref<640x32xf32, #tpu.memory_space<hbm>>)
      tpu.yield
    }) : () -> ()
    return
  }
}

#map = affine_map<(d0, d1) -> (0, 0)>
#map1 = affine_map<(d0, d1) -> (0)>
#map2 = affine_map<(d0, d1) -> (0, 0, 0)>
module attributes {stable_mosaic.version = 14 : i64} {
  func.func @wrapped(%arg0: i32, %arg1: i32, %arg2: memref<10240x32xf32, #tpu.memory_space<hbm>>, %arg3: memref<2592x128xi32, #tpu.memory_space<hbm>>, %arg4: memref<2592x128xi32, #tpu.memory_space<hbm>>, %arg5: memref<10240xf32, #tpu.memory_space<hbm>>, %arg6: memref<2x10240x32xf32, #tpu.memory_space<hbm>>, %arg7: memref<32x10240xf32, #tpu.memory_space<hbm>>, %arg8: memref<90x128xi32, #tpu.memory_space<vmem>>, %arg9: memref<90x128xi32, #tpu.memory_space<vmem>>, %arg10: memref<128x32xf32, #tpu.memory_space<vmem>>, %arg11: memref<128x32xf32, #tpu.memory_space<vmem>>, %arg12: memref<!tpu.dma_semaphore, #tpu.memory_space<semaphore_mem>>, %arg13: memref<!tpu.dma_semaphore, #tpu.memory_space<semaphore_mem>>, %arg14: memref<10240x32xf32, #tpu.memory_space<vmem_shared>>, %arg15: memref<10240xf32, #tpu.memory_space<vmem>>, %arg16: memref<10240xf32, #tpu.memory_space<vmem>>) attributes {dimension_semantics = [#tpu.dimension_semantics<core_parallel>, #tpu.dimension_semantics<subcore_parallel>], iteration_bounds = array<i64: 2, 16>, scalar_prefetch = 0 : i64, scratch_operands = 9 : i64, tpu.core_type = #tpu.core_type<sc_vector_subcore>, window_params = [{transform_indices = #map}, {transform_indices = #map}, {transform_indices = #map}, {transform_indices = #map1}, {transform_indices = #map2}, {transform_indices = #map}]} {
    %mul3A = arith.constant 2 : i32
    %mul3A_0 = arith.muli %arg1, %mul3A : i32
    %add3A = arith.addi %mul3A_0, %arg0 : i32
    %eq3A = arith.constant 0 : i32
    %eq3A_1 = arith.cmpi eq, %arg0, %eq3A : i32
    %jit3A = arith.constant 90 : i32
    %jit3A_2 = arith.constant 72 : i32
    %select_n3A = arith.select %eq3A_1, %jit3A, %jit3A_2 : i32
    %mul3A_3 = arith.constant 90 : i32
    %mul3A_4 = arith.muli %arg1, %mul3A_3 : i32
    %mul3A_5 = arith.constant 72 : i32
    %mul3A_6 = arith.muli %arg1, %mul3A_5 : i32
    %add3A_7 = arith.constant 1440 : i32
    %add3A_8 = arith.addi %add3A_7, %mul3A_6 : i32
    %eq3A_9 = arith.constant 0 : i32
    %eq3A_10 = arith.cmpi eq, %arg0, %eq3A_9 : i32
    %convert_element_type3A = arith.extui %eq3A_10 : i1 to i32
    %cond3A = arith.constant 0 : i32
    %cond3A_11 = arith.cmpi ne, %convert_element_type3A, %cond3A : i32
    scf.if %cond3A_11 {
      "tpu.region"() ({
        %run_scoped3A = tpu.sem_alloc : memref<!tpu.dma_semaphore, #tpu.memory_space<semaphore_mem>>
        %dma_start3A_97 = arith.constant 0 : i32
        %dma_start3A_98 = arith.constant 0 : i32
        %dma_start3A_99 = tpu.memref_slice %arg8[%dma_start3A_97, %dma_start3A_98] : memref<90x128xi32, #tpu.memory_space<vmem>> -> memref<90x128xi32, #tpu.memory_space<vmem>>
        %dma_start3A_100 = arith.constant 0 : i32
        %dma_start3A_101 = tpu.memref_slice %arg3[%mul3A_4, %dma_start3A_100] : memref<2592x128xi32, #tpu.memory_space<hbm>> -> memref<90x128xi32, #tpu.memory_space<hbm>>
        %dma_start3A_102 = arith.constant 0 : i32
        %dma_start3A_103 = arith.constant 0 : i32
        %dma_start3A_104 = tpu.memref_slice %arg8[%dma_start3A_102, %dma_start3A_103] : memref<90x128xi32, #tpu.memory_space<vmem>> -> memref<90x128xi32, #tpu.memory_space<vmem>>
        %dma_start3A_105 = arith.constant 0 : i32
        %dma_start3A_106 = tpu.memref_slice %arg3[%mul3A_4, %dma_start3A_105] : memref<2592x128xi32, #tpu.memory_space<hbm>> -> memref<90x128xi32, #tpu.memory_space<hbm>>
        tpu.enqueue_dma source(%dma_start3A_106 : memref<90x128xi32, #tpu.memory_space<hbm>>) target(%dma_start3A_104 : memref<90x128xi32, #tpu.memory_space<vmem>>) target_semaphore(%run_scoped3A : memref<!tpu.dma_semaphore, #tpu.memory_space<semaphore_mem>>)
        %dma_wait3A = arith.constant 0 : i32
        %dma_wait3A_107 = arith.constant 0 : i32
        %dma_wait3A_108 = tpu.memref_slice %arg8[%dma_wait3A, %dma_wait3A_107] : memref<90x128xi32, #tpu.memory_space<vmem>> -> memref<90x128xi32, #tpu.memory_space<vmem>>
        %dma_wait3A_109 = arith.constant 0 : i32
        %dma_wait3A_110 = tpu.memref_slice %arg3[%mul3A_4, %dma_wait3A_109] : memref<2592x128xi32, #tpu.memory_space<hbm>> -> memref<90x128xi32, #tpu.memory_space<hbm>>
        %dma_wait3A_111 = arith.constant 0 : i32
        %dma_wait3A_112 = arith.constant 0 : i32
        %dma_wait3A_113 = tpu.memref_slice %arg8[%dma_wait3A_111, %dma_wait3A_112] : memref<90x128xi32, #tpu.memory_space<vmem>> -> memref<90x128xi32, #tpu.memory_space<vmem>>
        %dma_wait3A_114 = arith.constant 0 : i32
        %dma_wait3A_115 = tpu.memref_slice %arg3[%mul3A_4, %dma_wait3A_114] : memref<2592x128xi32, #tpu.memory_space<hbm>> -> memref<90x128xi32, #tpu.memory_space<hbm>>
        tpu.wait_dma2 semaphore(%run_scoped3A : memref<!tpu.dma_semaphore, #tpu.memory_space<semaphore_mem>>) src(%dma_wait3A_115 : memref<90x128xi32, #tpu.memory_space<hbm>>) dst(%dma_wait3A_113 : memref<90x128xi32, #tpu.memory_space<vmem>>)
        tpu.yield
      }) : () -> ()
    } else {
    }
    %eq3A_12 = arith.constant 1 : i32
    %eq3A_13 = arith.cmpi eq, %arg0, %eq3A_12 : i32
    %convert_element_type3A_14 = arith.extui %eq3A_13 : i1 to i32
    %cond3A_15 = arith.constant 0 : i32
    %cond3A_16 = arith.cmpi ne, %convert_element_type3A_14, %cond3A_15 : i32
    scf.if %cond3A_16 {
      "tpu.region"() ({
        %run_scoped3A = tpu.sem_alloc : memref<!tpu.dma_semaphore, #tpu.memory_space<semaphore_mem>>
        %dma_start3A_97 = arith.constant 0 : i32
        %dma_start3A_98 = arith.constant 0 : i32
        %dma_start3A_99 = tpu.memref_slice %arg8[%dma_start3A_97, %dma_start3A_98] : memref<90x128xi32, #tpu.memory_space<vmem>> -> memref<72x128xi32, #tpu.memory_space<vmem>>
        %dma_start3A_100 = arith.constant 0 : i32
        %dma_start3A_101 = tpu.memref_slice %arg3[%add3A_8, %dma_start3A_100] : memref<2592x128xi32, #tpu.memory_space<hbm>> -> memref<72x128xi32, #tpu.memory_space<hbm>>
        %dma_start3A_102 = arith.constant 0 : i32
        %dma_start3A_103 = arith.constant 0 : i32
        %dma_start3A_104 = tpu.memref_slice %arg8[%dma_start3A_102, %dma_start3A_103] : memref<90x128xi32, #tpu.memory_space<vmem>> -> memref<72x128xi32, #tpu.memory_space<vmem>>
        %dma_start3A_105 = arith.constant 0 : i32
        %dma_start3A_106 = tpu.memref_slice %arg3[%add3A_8, %dma_start3A_105] : memref<2592x128xi32, #tpu.memory_space<hbm>> -> memref<72x128xi32, #tpu.memory_space<hbm>>
        tpu.enqueue_dma source(%dma_start3A_106 : memref<72x128xi32, #tpu.memory_space<hbm>>) target(%dma_start3A_104 : memref<72x128xi32, #tpu.memory_space<vmem>>) target_semaphore(%run_scoped3A : memref<!tpu.dma_semaphore, #tpu.memory_space<semaphore_mem>>)
        %dma_wait3A = arith.constant 0 : i32
        %dma_wait3A_107 = arith.constant 0 : i32
        %dma_wait3A_108 = tpu.memref_slice %arg8[%dma_wait3A, %dma_wait3A_107] : memref<90x128xi32, #tpu.memory_space<vmem>> -> memref<72x128xi32, #tpu.memory_space<vmem>>
        %dma_wait3A_109 = arith.constant 0 : i32
        %dma_wait3A_110 = tpu.memref_slice %arg3[%add3A_8, %dma_wait3A_109] : memref<2592x128xi32, #tpu.memory_space<hbm>> -> memref<72x128xi32, #tpu.memory_space<hbm>>
        %dma_wait3A_111 = arith.constant 0 : i32
        %dma_wait3A_112 = arith.constant 0 : i32
        %dma_wait3A_113 = tpu.memref_slice %arg8[%dma_wait3A_111, %dma_wait3A_112] : memref<90x128xi32, #tpu.memory_space<vmem>> -> memref<72x128xi32, #tpu.memory_space<vmem>>
        %dma_wait3A_114 = arith.constant 0 : i32
        %dma_wait3A_115 = tpu.memref_slice %arg3[%add3A_8, %dma_wait3A_114] : memref<2592x128xi32, #tpu.memory_space<hbm>> -> memref<72x128xi32, #tpu.memory_space<hbm>>
        tpu.wait_dma2 semaphore(%run_scoped3A : memref<!tpu.dma_semaphore, #tpu.memory_space<semaphore_mem>>) src(%dma_wait3A_115 : memref<72x128xi32, #tpu.memory_space<hbm>>) dst(%dma_wait3A_113 : memref<72x128xi32, #tpu.memory_space<vmem>>)
        tpu.yield
      }) : () -> ()
    } else {
    }
    %mul3A_17 = arith.constant 90 : i32
    %mul3A_18 = arith.muli %arg1, %mul3A_17 : i32
    %mul3A_19 = arith.constant 72 : i32
    %mul3A_20 = arith.muli %arg1, %mul3A_19 : i32
    %add3A_21 = arith.constant 1440 : i32
    %add3A_22 = arith.addi %add3A_21, %mul3A_20 : i32
    %eq3A_23 = arith.constant 0 : i32
    %eq3A_24 = arith.cmpi eq, %arg0, %eq3A_23 : i32
    %convert_element_type3A_25 = arith.extui %eq3A_24 : i1 to i32
    %cond3A_26 = arith.constant 0 : i32
    %cond3A_27 = arith.cmpi ne, %convert_element_type3A_25, %cond3A_26 : i32
    scf.if %cond3A_27 {
      "tpu.region"() ({
        %run_scoped3A = tpu.sem_alloc : memref<!tpu.dma_semaphore, #tpu.memory_space<semaphore_mem>>
        %dma_start3A_97 = arith.constant 0 : i32
        %dma_start3A_98 = arith.constant 0 : i32
        %dma_start3A_99 = tpu.memref_slice %arg9[%dma_start3A_97, %dma_start3A_98] : memref<90x128xi32, #tpu.memory_space<vmem>> -> memref<90x128xi32, #tpu.memory_space<vmem>>
        %dma_start3A_100 = arith.constant 0 : i32
        %dma_start3A_101 = tpu.memref_slice %arg4[%mul3A_18, %dma_start3A_100] : memref<2592x128xi32, #tpu.memory_space<hbm>> -> memref<90x128xi32, #tpu.memory_space<hbm>>
        %dma_start3A_102 = arith.constant 0 : i32
        %dma_start3A_103 = arith.constant 0 : i32
        %dma_start3A_104 = tpu.memref_slice %arg9[%dma_start3A_102, %dma_start3A_103] : memref<90x128xi32, #tpu.memory_space<vmem>> -> memref<90x128xi32, #tpu.memory_space<vmem>>
        %dma_start3A_105 = arith.constant 0 : i32
        %dma_start3A_106 = tpu.memref_slice %arg4[%mul3A_18, %dma_start3A_105] : memref<2592x128xi32, #tpu.memory_space<hbm>> -> memref<90x128xi32, #tpu.memory_space<hbm>>
        tpu.enqueue_dma source(%dma_start3A_106 : memref<90x128xi32, #tpu.memory_space<hbm>>) target(%dma_start3A_104 : memref<90x128xi32, #tpu.memory_space<vmem>>) target_semaphore(%run_scoped3A : memref<!tpu.dma_semaphore, #tpu.memory_space<semaphore_mem>>)
        %dma_wait3A = arith.constant 0 : i32
        %dma_wait3A_107 = arith.constant 0 : i32
        %dma_wait3A_108 = tpu.memref_slice %arg9[%dma_wait3A, %dma_wait3A_107] : memref<90x128xi32, #tpu.memory_space<vmem>> -> memref<90x128xi32, #tpu.memory_space<vmem>>
        %dma_wait3A_109 = arith.constant 0 : i32
        %dma_wait3A_110 = tpu.memref_slice %arg4[%mul3A_18, %dma_wait3A_109] : memref<2592x128xi32, #tpu.memory_space<hbm>> -> memref<90x128xi32, #tpu.memory_space<hbm>>
        %dma_wait3A_111 = arith.constant 0 : i32
        %dma_wait3A_112 = arith.constant 0 : i32
        %dma_wait3A_113 = tpu.memref_slice %arg9[%dma_wait3A_111, %dma_wait3A_112] : memref<90x128xi32, #tpu.memory_space<vmem>> -> memref<90x128xi32, #tpu.memory_space<vmem>>
        %dma_wait3A_114 = arith.constant 0 : i32
        %dma_wait3A_115 = tpu.memref_slice %arg4[%mul3A_18, %dma_wait3A_114] : memref<2592x128xi32, #tpu.memory_space<hbm>> -> memref<90x128xi32, #tpu.memory_space<hbm>>
        tpu.wait_dma2 semaphore(%run_scoped3A : memref<!tpu.dma_semaphore, #tpu.memory_space<semaphore_mem>>) src(%dma_wait3A_115 : memref<90x128xi32, #tpu.memory_space<hbm>>) dst(%dma_wait3A_113 : memref<90x128xi32, #tpu.memory_space<vmem>>)
        tpu.yield
      }) : () -> ()
    } else {
    }
    %eq3A_28 = arith.constant 1 : i32
    %eq3A_29 = arith.cmpi eq, %arg0, %eq3A_28 : i32
    %convert_element_type3A_30 = arith.extui %eq3A_29 : i1 to i32
    %cond3A_31 = arith.constant 0 : i32
    %cond3A_32 = arith.cmpi ne, %convert_element_type3A_30, %cond3A_31 : i32
    scf.if %cond3A_32 {
      "tpu.region"() ({
        %run_scoped3A = tpu.sem_alloc : memref<!tpu.dma_semaphore, #tpu.memory_space<semaphore_mem>>
        %dma_start3A_97 = arith.constant 0 : i32
        %dma_start3A_98 = arith.constant 0 : i32
        %dma_start3A_99 = tpu.memref_slice %arg9[%dma_start3A_97, %dma_start3A_98] : memref<90x128xi32, #tpu.memory_space<vmem>> -> memref<72x128xi32, #tpu.memory_space<vmem>>
        %dma_start3A_100 = arith.constant 0 : i32
        %dma_start3A_101 = tpu.memref_slice %arg4[%add3A_22, %dma_start3A_100] : memref<2592x128xi32, #tpu.memory_space<hbm>> -> memref<72x128xi32, #tpu.memory_space<hbm>>
        %dma_start3A_102 = arith.constant 0 : i32
        %dma_start3A_103 = arith.constant 0 : i32
        %dma_start3A_104 = tpu.memref_slice %arg9[%dma_start3A_102, %dma_start3A_103] : memref<90x128xi32, #tpu.memory_space<vmem>> -> memref<72x128xi32, #tpu.memory_space<vmem>>
        %dma_start3A_105 = arith.constant 0 : i32
        %dma_start3A_106 = tpu.memref_slice %arg4[%add3A_22, %dma_start3A_105] : memref<2592x128xi32, #tpu.memory_space<hbm>> -> memref<72x128xi32, #tpu.memory_space<hbm>>
        tpu.enqueue_dma source(%dma_start3A_106 : memref<72x128xi32, #tpu.memory_space<hbm>>) target(%dma_start3A_104 : memref<72x128xi32, #tpu.memory_space<vmem>>) target_semaphore(%run_scoped3A : memref<!tpu.dma_semaphore, #tpu.memory_space<semaphore_mem>>)
        %dma_wait3A = arith.constant 0 : i32
        %dma_wait3A_107 = arith.constant 0 : i32
        %dma_wait3A_108 = tpu.memref_slice %arg9[%dma_wait3A, %dma_wait3A_107] : memref<90x128xi32, #tpu.memory_space<vmem>> -> memref<72x128xi32, #tpu.memory_space<vmem>>
        %dma_wait3A_109 = arith.constant 0 : i32
        %dma_wait3A_110 = tpu.memref_slice %arg4[%add3A_22, %dma_wait3A_109] : memref<2592x128xi32, #tpu.memory_space<hbm>> -> memref<72x128xi32, #tpu.memory_space<hbm>>
        %dma_wait3A_111 = arith.constant 0 : i32
        %dma_wait3A_112 = arith.constant 0 : i32
        %dma_wait3A_113 = tpu.memref_slice %arg9[%dma_wait3A_111, %dma_wait3A_112] : memref<90x128xi32, #tpu.memory_space<vmem>> -> memref<72x128xi32, #tpu.memory_space<vmem>>
        %dma_wait3A_114 = arith.constant 0 : i32
        %dma_wait3A_115 = tpu.memref_slice %arg4[%add3A_22, %dma_wait3A_114] : memref<2592x128xi32, #tpu.memory_space<hbm>> -> memref<72x128xi32, #tpu.memory_space<hbm>>
        tpu.wait_dma2 semaphore(%run_scoped3A : memref<!tpu.dma_semaphore, #tpu.memory_space<semaphore_mem>>) src(%dma_wait3A_115 : memref<72x128xi32, #tpu.memory_space<hbm>>) dst(%dma_wait3A_113 : memref<72x128xi32, #tpu.memory_space<vmem>>)
        tpu.yield
      }) : () -> ()
    } else {
    }
    %broadcast_in_dim3A = arith.constant 0.000000e+00 : f32
    %broadcast_in_dim3A_33 = vector.broadcast %broadcast_in_dim3A : f32 to vector<16xf32>
    %scan3A = arith.constant 0 : i32
    %scan3A_34 = arith.constant 128 : i32
    %scan3A_35 = arith.addi %scan3A, %scan3A_34 : i32
    %scan3A_36 = arith.constant 1 : i32
    scf.for %scan3A_97 = %scan3A to %scan3A_35 step %scan3A_36  : i32 {
      %mul3A_98 = arith.constant 1 : i32
      %mul3A_99 = arith.muli %scan3A_97, %mul3A_98 : i32
      %add3A_100 = arith.constant 0 : i32
      %add3A_101 = arith.addi %add3A_100, %mul3A_99 : i32
      %swap3A = arith.index_cast %add3A_101 : i32 to index
      %swap3A_102 = arith.constant 0 : index
      %swap3A_103 = tpu.vector_load %arg10[%swap3A, %swap3A_102] {strides = array<i32>} : memref<128x32xf32, #tpu.memory_space<vmem>>, vector<16xf32>,
      tpu.vector_store %arg10[%swap3A, %swap3A_102], %broadcast_in_dim3A_33 {strides = array<i32>} : memref<128x32xf32, #tpu.memory_space<vmem>>, vector<16xf32>,
      %swap3A_104 = arith.index_cast %add3A_101 : i32 to index
      %swap3A_105 = arith.constant 16 : index
      %swap3A_106 = tpu.vector_load %arg10[%swap3A_104, %swap3A_105] {strides = array<i32>} : memref<128x32xf32, #tpu.memory_space<vmem>>, vector<16xf32>,
      tpu.vector_store %arg10[%swap3A_104, %swap3A_105], %broadcast_in_dim3A_33 {strides = array<i32>} : memref<128x32xf32, #tpu.memory_space<vmem>>, vector<16xf32>,
    }
    %scan3A_37 = arith.constant 128 : i32
    %mul3A_38 = arith.constant 640 : i32
    %mul3A_39 = arith.muli %arg1, %mul3A_38 : i32
    %add3A_40 = arith.constant 0 : i32
    %add3A_41 = arith.addi %mul3A_39, %add3A_40 : i32
    "tpu.region"() ({
      %run_scoped3A = tpu.sem_alloc : memref<!tpu.dma_semaphore, #tpu.memory_space<semaphore_mem>>
      %dma_start3A_97 = arith.constant 0 : i32
      %dma_start3A_98 = tpu.memref_slice %arg14[%add3A_41, %dma_start3A_97] : memref<10240x32xf32, #tpu.memory_space<vmem_shared>> -> memref<128x32xf32, #tpu.memory_space<vmem_shared>>
      %dma_start3A_99 = arith.constant 0 : i32
      %dma_start3A_100 = tpu.memref_slice %arg14[%add3A_41, %dma_start3A_99] : memref<10240x32xf32, #tpu.memory_space<vmem_shared>> -> memref<128x32xf32, #tpu.memory_space<vmem_shared>>
      tpu.enqueue_dma source(%arg10 : memref<128x32xf32, #tpu.memory_space<vmem>>) target(%dma_start3A_100 : memref<128x32xf32, #tpu.memory_space<vmem_shared>>) target_semaphore(%run_scoped3A : memref<!tpu.dma_semaphore, #tpu.memory_space<semaphore_mem>>)
      %dma_wait3A = arith.constant 0 : i32
      %dma_wait3A_101 = tpu.memref_slice %arg14[%add3A_41, %dma_wait3A] : memref<10240x32xf32, #tpu.memory_space<vmem_shared>> -> memref<128x32xf32, #tpu.memory_space<vmem_shared>>
      %dma_wait3A_102 = arith.constant 0 : i32
      %dma_wait3A_103 = tpu.memref_slice %arg14[%add3A_41, %dma_wait3A_102] : memref<10240x32xf32, #tpu.memory_space<vmem_shared>> -> memref<128x32xf32, #tpu.memory_space<vmem_shared>>
      tpu.wait_dma2 semaphore(%run_scoped3A : memref<!tpu.dma_semaphore, #tpu.memory_space<semaphore_mem>>) src(%arg10 : memref<128x32xf32, #tpu.memory_space<vmem>>) dst(%dma_wait3A_103 : memref<128x32xf32, #tpu.memory_space<vmem_shared>>)
      tpu.yield
    }) : () -> ()
    %mul3A_42 = arith.constant 640 : i32
    %mul3A_43 = arith.muli %arg1, %mul3A_42 : i32
    %add3A_44 = arith.constant 128 : i32
    %add3A_45 = arith.addi %mul3A_43, %add3A_44 : i32
    "tpu.region"() ({
      %run_scoped3A = tpu.sem_alloc : memref<!tpu.dma_semaphore, #tpu.memory_space<semaphore_mem>>
      %dma_start3A_97 = arith.constant 0 : i32
      %dma_start3A_98 = tpu.memref_slice %arg14[%add3A_45, %dma_start3A_97] : memref<10240x32xf32, #tpu.memory_space<vmem_shared>> -> memref<128x32xf32, #tpu.memory_space<vmem_shared>>
      %dma_start3A_99 = arith.constant 0 : i32
      %dma_start3A_100 = tpu.memref_slice %arg14[%add3A_45, %dma_start3A_99] : memref<10240x32xf32, #tpu.memory_space<vmem_shared>> -> memref<128x32xf32, #tpu.memory_space<vmem_shared>>
      tpu.enqueue_dma source(%arg10 : memref<128x32xf32, #tpu.memory_space<vmem>>) target(%dma_start3A_100 : memref<128x32xf32, #tpu.memory_space<vmem_shared>>) target_semaphore(%run_scoped3A : memref<!tpu.dma_semaphore, #tpu.memory_space<semaphore_mem>>)
      %dma_wait3A = arith.constant 0 : i32
      %dma_wait3A_101 = tpu.memref_slice %arg14[%add3A_45, %dma_wait3A] : memref<10240x32xf32, #tpu.memory_space<vmem_shared>> -> memref<128x32xf32, #tpu.memory_space<vmem_shared>>
      %dma_wait3A_102 = arith.constant 0 : i32
      %dma_wait3A_103 = tpu.memref_slice %arg14[%add3A_45, %dma_wait3A_102] : memref<10240x32xf32, #tpu.memory_space<vmem_shared>> -> memref<128x32xf32, #tpu.memory_space<vmem_shared>>
      tpu.wait_dma2 semaphore(%run_scoped3A : memref<!tpu.dma_semaphore, #tpu.memory_space<semaphore_mem>>) src(%arg10 : memref<128x32xf32, #tpu.memory_space<vmem>>) dst(%dma_wait3A_103 : memref<128x32xf32, #tpu.memory_space<vmem_shared>>)
      tpu.yield
    }) : () -> ()
    %mul3A_46 = arith.constant 640 : i32
    %mul3A_47 = arith.muli %arg1, %mul3A_46 : i32
    %add3A_48 = arith.constant 256 : i32
    %add3A_49 = arith.addi %mul3A_47, %add3A_48 : i32
    "tpu.region"() ({
      %run_scoped3A = tpu.sem_alloc : memref<!tpu.dma_semaphore, #tpu.memory_space<semaphore_mem>>
      %dma_start3A_97 = arith.constant 0 : i32
      %dma_start3A_98 = tpu.memref_slice %arg14[%add3A_49, %dma_start3A_97] : memref<10240x32xf32, #tpu.memory_space<vmem_shared>> -> memref<128x32xf32, #tpu.memory_space<vmem_shared>>
      %dma_start3A_99 = arith.constant 0 : i32
      %dma_start3A_100 = tpu.memref_slice %arg14[%add3A_49, %dma_start3A_99] : memref<10240x32xf32, #tpu.memory_space<vmem_shared>> -> memref<128x32xf32, #tpu.memory_space<vmem_shared>>
      tpu.enqueue_dma source(%arg10 : memref<128x32xf32, #tpu.memory_space<vmem>>) target(%dma_start3A_100 : memref<128x32xf32, #tpu.memory_space<vmem_shared>>) target_semaphore(%run_scoped3A : memref<!tpu.dma_semaphore, #tpu.memory_space<semaphore_mem>>)
      %dma_wait3A = arith.constant 0 : i32
      %dma_wait3A_101 = tpu.memref_slice %arg14[%add3A_49, %dma_wait3A] : memref<10240x32xf32, #tpu.memory_space<vmem_shared>> -> memref<128x32xf32, #tpu.memory_space<vmem_shared>>
      %dma_wait3A_102 = arith.constant 0 : i32
      %dma_wait3A_103 = tpu.memref_slice %arg14[%add3A_49, %dma_wait3A_102] : memref<10240x32xf32, #tpu.memory_space<vmem_shared>> -> memref<128x32xf32, #tpu.memory_space<vmem_shared>>
      tpu.wait_dma2 semaphore(%run_scoped3A : memref<!tpu.dma_semaphore, #tpu.memory_space<semaphore_mem>>) src(%arg10 : memref<128x32xf32, #tpu.memory_space<vmem>>) dst(%dma_wait3A_103 : memref<128x32xf32, #tpu.memory_space<vmem_shared>>)
      tpu.yield
    }) : () -> ()
    %mul3A_50 = arith.constant 640 : i32
    %mul3A_51 = arith.muli %arg1, %mul3A_50 : i32
    %add3A_52 = arith.constant 384 : i32
    %add3A_53 = arith.addi %mul3A_51, %add3A_52 : i32
    "tpu.region"() ({
      %run_scoped3A = tpu.sem_alloc : memref<!tpu.dma_semaphore, #tpu.memory_space<semaphore_mem>>
      %dma_start3A_97 = arith.constant 0 : i32
      %dma_start3A_98 = tpu.memref_slice %arg14[%add3A_53, %dma_start3A_97] : memref<10240x32xf32, #tpu.memory_space<vmem_shared>> -> memref<128x32xf32, #tpu.memory_space<vmem_shared>>
      %dma_start3A_99 = arith.constant 0 : i32
      %dma_start3A_100 = tpu.memref_slice %arg14[%add3A_53, %dma_start3A_99] : memref<10240x32xf32, #tpu.memory_space<vmem_shared>> -> memref<128x32xf32, #tpu.memory_space<vmem_shared>>
      tpu.enqueue_dma source(%arg10 : memref<128x32xf32, #tpu.memory_space<vmem>>) target(%dma_start3A_100 : memref<128x32xf32, #tpu.memory_space<vmem_shared>>) target_semaphore(%run_scoped3A : memref<!tpu.dma_semaphore, #tpu.memory_space<semaphore_mem>>)
      %dma_wait3A = arith.constant 0 : i32
      %dma_wait3A_101 = tpu.memref_slice %arg14[%add3A_53, %dma_wait3A] : memref<10240x32xf32, #tpu.memory_space<vmem_shared>> -> memref<128x32xf32, #tpu.memory_space<vmem_shared>>
      %dma_wait3A_102 = arith.constant 0 : i32
      %dma_wait3A_103 = tpu.memref_slice %arg14[%add3A_53, %dma_wait3A_102] : memref<10240x32xf32, #tpu.memory_space<vmem_shared>> -> memref<128x32xf32, #tpu.memory_space<vmem_shared>>
      tpu.wait_dma2 semaphore(%run_scoped3A : memref<!tpu.dma_semaphore, #tpu.memory_space<semaphore_mem>>) src(%arg10 : memref<128x32xf32, #tpu.memory_space<vmem>>) dst(%dma_wait3A_103 : memref<128x32xf32, #tpu.memory_space<vmem_shared>>)
      tpu.yield
    }) : () -> ()
    %mul3A_54 = arith.constant 640 : i32
    %mul3A_55 = arith.muli %arg1, %mul3A_54 : i32
    %add3A_56 = arith.constant 512 : i32
    %add3A_57 = arith.addi %mul3A_55, %add3A_56 : i32
    "tpu.region"() ({
      %run_scoped3A = tpu.sem_alloc : memref<!tpu.dma_semaphore, #tpu.memory_space<semaphore_mem>>
      %dma_start3A_97 = arith.constant 0 : i32
      %dma_start3A_98 = tpu.memref_slice %arg14[%add3A_57, %dma_start3A_97] : memref<10240x32xf32, #tpu.memory_space<vmem_shared>> -> memref<128x32xf32, #tpu.memory_space<vmem_shared>>
      %dma_start3A_99 = arith.constant 0 : i32
      %dma_start3A_100 = tpu.memref_slice %arg14[%add3A_57, %dma_start3A_99] : memref<10240x32xf32, #tpu.memory_space<vmem_shared>> -> memref<128x32xf32, #tpu.memory_space<vmem_shared>>
      tpu.enqueue_dma source(%arg10 : memref<128x32xf32, #tpu.memory_space<vmem>>) target(%dma_start3A_100 : memref<128x32xf32, #tpu.memory_space<vmem_shared>>) target_semaphore(%run_scoped3A : memref<!tpu.dma_semaphore, #tpu.memory_space<semaphore_mem>>)
      %dma_wait3A = arith.constant 0 : i32
      %dma_wait3A_101 = tpu.memref_slice %arg14[%add3A_57, %dma_wait3A] : memref<10240x32xf32, #tpu.memory_space<vmem_shared>> -> memref<128x32xf32, #tpu.memory_space<vmem_shared>>
      %dma_wait3A_102 = arith.constant 0 : i32
      %dma_wait3A_103 = tpu.memref_slice %arg14[%add3A_57, %dma_wait3A_102] : memref<10240x32xf32, #tpu.memory_space<vmem_shared>> -> memref<128x32xf32, #tpu.memory_space<vmem_shared>>
      tpu.wait_dma2 semaphore(%run_scoped3A : memref<!tpu.dma_semaphore, #tpu.memory_space<semaphore_mem>>) src(%arg10 : memref<128x32xf32, #tpu.memory_space<vmem>>) dst(%dma_wait3A_103 : memref<128x32xf32, #tpu.memory_space<vmem_shared>>)
      tpu.yield
    }) : () -> ()
    "tpu.region"() ({
      %run_scoped3A = tpu.sem_alloc : memref<!tpu.dma_semaphore, #tpu.memory_space<semaphore_mem>>
      tpu.enqueue_dma source(%arg5 : memref<10240xf32, #tpu.memory_space<hbm>>) target(%arg15 : memref<10240xf32, #tpu.memory_space<vmem>>) target_semaphore(%run_scoped3A : memref<!tpu.dma_semaphore, #tpu.memory_space<semaphore_mem>>)
      tpu.wait_dma2 semaphore(%run_scoped3A : memref<!tpu.dma_semaphore, #tpu.memory_space<semaphore_mem>>) src(%arg5 : memref<10240xf32, #tpu.memory_space<hbm>>) dst(%arg15 : memref<10240xf32, #tpu.memory_space<vmem>>)
      tpu.yield
    }) : () -> ()
    %scan3A_58 = arith.constant 0 : i32
    %scan3A_59 = arith.constant 640 : i32
    %scan3A_60 = arith.addi %scan3A_58, %scan3A_59 : i32
    %scan3A_61 = arith.constant 1 : i32
    scf.for %scan3A_97 = %scan3A_58 to %scan3A_60 step %scan3A_61  : i32 {
      %mul3A_98 = arith.constant 1 : i32
      %mul3A_99 = arith.muli %scan3A_97, %mul3A_98 : i32
      %add3A_100 = arith.constant 0 : i32
      %add3A_101 = arith.addi %add3A_100, %mul3A_99 : i32
      %mul3A_102 = arith.constant 16 : i32
      %mul3A_103 = arith.muli %add3A_101, %mul3A_102 : i32
      %swap3A = arith.index_cast %mul3A_103 : i32 to index
      %swap3A_104 = tpu.vector_load %arg16[%swap3A] {strides = array<i32>} : memref<10240xf32, #tpu.memory_space<vmem>>, vector<16xf32>,
      tpu.vector_store %arg16[%swap3A], %broadcast_in_dim3A_33 {strides = array<i32>} : memref<10240xf32, #tpu.memory_space<vmem>>, vector<16xf32>,
    }
    %scan3A_62 = arith.constant 640 : i32
    %barrier3A = arith.constant 0 : index
    tpu.barrier barrier_id(%barrier3A)
    %dma_start3A = arith.constant 0 : i32
    %dma_start3A_63 = arith.constant 0 : i32
    %dma_start3A_64 = tpu.memref_slice %arg8[%dma_start3A, %dma_start3A_63] : memref<90x128xi32, #tpu.memory_space<vmem>> -> memref<1x128xi32, #tpu.memory_space<vmem>>
    %dma_start3A_65 = tpu.memref_squeeze %dma_start3A_64 : memref<1x128xi32, #tpu.memory_space<vmem>> -> memref<128xi32, #tpu.memory_space<vmem>>
    %dma_start3A_66 = arith.constant 0 : i32
    %dma_start3A_67 = arith.constant 0 : i32
    %dma_start3A_68 = tpu.memref_slice %arg2[%dma_start3A_66, %dma_start3A_67] : memref<10240x32xf32, #tpu.memory_space<hbm>> -> memref<10240x32xf32, #tpu.memory_space<hbm>>
    tpu.enqueue_indirect_dma source(%dma_start3A_68 : memref<10240x32xf32, #tpu.memory_space<hbm>>) target(%arg10 : memref<128x32xf32, #tpu.memory_space<vmem>>) offsets(%dma_start3A_65 : memref<128xi32, #tpu.memory_space<vmem>>) semaphore(%arg12 : memref<!tpu.dma_semaphore, #tpu.memory_space<semaphore_mem>>)
    %dma_start3A_69 = arith.constant 1 : i32
    %dma_start3A_70 = arith.constant 0 : i32
    %dma_start3A_71 = tpu.memref_slice %arg8[%dma_start3A_69, %dma_start3A_70] : memref<90x128xi32, #tpu.memory_space<vmem>> -> memref<1x128xi32, #tpu.memory_space<vmem>>
    %dma_start3A_72 = tpu.memref_squeeze %dma_start3A_71 : memref<1x128xi32, #tpu.memory_space<vmem>> -> memref<128xi32, #tpu.memory_space<vmem>>
    %dma_start3A_73 = arith.constant 0 : i32
    %dma_start3A_74 = arith.constant 0 : i32
    %dma_start3A_75 = tpu.memref_slice %arg2[%dma_start3A_73, %dma_start3A_74] : memref<10240x32xf32, #tpu.memory_space<hbm>> -> memref<10240x32xf32, #tpu.memory_space<hbm>>
    tpu.enqueue_indirect_dma source(%dma_start3A_75 : memref<10240x32xf32, #tpu.memory_space<hbm>>) target(%arg11 : memref<128x32xf32, #tpu.memory_space<vmem>>) offsets(%dma_start3A_72 : memref<128xi32, #tpu.memory_space<vmem>>) semaphore(%arg13 : memref<!tpu.dma_semaphore, #tpu.memory_space<semaphore_mem>>)
    %sub3A = arith.constant 0 : i32
    %sub3A_76 = arith.subi %select_n3A, %sub3A : i32
    %sub3A_77 = arith.constant 2 : i32
    %sub3A_78 = arith.constant 1 : i32
    %sub3A_79 = arith.subi %sub3A_77, %sub3A_78 : i32
    %add3A_80 = arith.addi %sub3A_76, %sub3A_79 : i32
    %div3A = arith.constant 2 : i32
    %div3A_81 = arith.divsi %add3A_80, %div3A : i32
    %while3A = arith.constant 2 : i32
    %while3A_82 = arith.constant 0 : i32
    %while3A_83 = arith.constant 0 : i32
    %while3A_84 = arith.subi %div3A_81, %while3A_83 : i32
    %while3A_85 = arith.addi %while3A_83, %while3A_84 : i32
    %while3A_86 = arith.constant 1 : i32
    %while3A_87 = arith.divsi %while3A_84, %while3A_86 : i32
    %while3A_88 = arith.muli %while3A_87, %while3A_86 : i32
    %while3A_89 = arith.addi %while3A_83, %while3A_88 : i32
    %while3A_90 = arith.constant 1 : i32
    scf.for %while3A_97 = %while3A_83 to %while3A_89 step %while3A_90  : i32 {
      %mul3A_98 = arith.muli %while3A_97, %while3A : i32
      %add3A_99 = arith.addi %while3A_82, %mul3A_98 : i32
      %add3A_100 = arith.constant 0 : i32
      %add3A_101 = arith.addi %add3A_99, %add3A_100 : i32
      %dma_wait3A = arith.constant 0 : i32
      %dma_wait3A_102 = tpu.memref_slice %arg8[%add3A_101, %dma_wait3A] : memref<90x128xi32, #tpu.memory_space<vmem>> -> memref<1x128xi32, #tpu.memory_space<vmem>>
      %dma_wait3A_103 = tpu.memref_squeeze %dma_wait3A_102 : memref<1x128xi32, #tpu.memory_space<vmem>> -> memref<128xi32, #tpu.memory_space<vmem>>
      %dma_wait3A_104 = arith.constant 0 : i32
      %dma_wait3A_105 = arith.constant 0 : i32
      %dma_wait3A_106 = tpu.memref_slice %arg2[%dma_wait3A_104, %dma_wait3A_105] : memref<10240x32xf32, #tpu.memory_space<hbm>> -> memref<10240x32xf32, #tpu.memory_space<hbm>>
      tpu.wait_indirect_dma semaphore(%arg12 : memref<!tpu.dma_semaphore, #tpu.memory_space<semaphore_mem>>) src(%dma_wait3A_106 : memref<10240x32xf32, #tpu.memory_space<hbm>>) dst(%arg10 : memref<128x32xf32, #tpu.memory_space<vmem>>)
      "tpu.region"() ({
        %run_scoped3A = tpu.sem_alloc : memref<!tpu.dma_semaphore, #tpu.memory_space<semaphore_mem>>
        %dma_start3A_236 = arith.constant 0 : i32
        %dma_start3A_237 = tpu.memref_slice %arg9[%add3A_101, %dma_start3A_236] : memref<90x128xi32, #tpu.memory_space<vmem>> -> memref<1x128xi32, #tpu.memory_space<vmem>>
        %dma_start3A_238 = tpu.memref_squeeze %dma_start3A_237 : memref<1x128xi32, #tpu.memory_space<vmem>> -> memref<128xi32, #tpu.memory_space<vmem>>
        %dma_start3A_239 = arith.constant 0 : i32
        %dma_start3A_240 = arith.constant 0 : i32
        %dma_start3A_241 = tpu.memref_slice %arg14[%dma_start3A_239, %dma_start3A_240] : memref<10240x32xf32, #tpu.memory_space<vmem_shared>> -> memref<10240x32xf32, #tpu.memory_space<vmem_shared>>
        tpu.enqueue_indirect_dma source(%arg10 : memref<128x32xf32, #tpu.memory_space<vmem>>) target(%dma_start3A_241 : memref<10240x32xf32, #tpu.memory_space<vmem_shared>>) offsets(%dma_start3A_238 : memref<128xi32, #tpu.memory_space<vmem>>) semaphore(%run_scoped3A : memref<!tpu.dma_semaphore, #tpu.memory_space<semaphore_mem>>) {add = true}
        %dma_wait3A_242 = arith.constant 0 : i32
        %dma_wait3A_243 = tpu.memref_slice %arg9[%add3A_101, %dma_wait3A_242] : memref<90x128xi32, #tpu.memory_space<vmem>> -> memref<1x128xi32, #tpu.memory_space<vmem>>
        %dma_wait3A_244 = tpu.memref_squeeze %dma_wait3A_243 : memref<1x128xi32, #tpu.memory_space<vmem>> -> memref<128xi32, #tpu.memory_space<vmem>>
        %dma_wait3A_245 = arith.constant 0 : i32
        %dma_wait3A_246 = arith.constant 0 : i32
        %dma_wait3A_247 = tpu.memref_slice %arg14[%dma_wait3A_245, %dma_wait3A_246] : memref<10240x32xf32, #tpu.memory_space<vmem_shared>> -> memref<10240x32xf32, #tpu.memory_space<vmem_shared>>
        tpu.wait_indirect_dma semaphore(%run_scoped3A : memref<!tpu.dma_semaphore, #tpu.memory_space<semaphore_mem>>) src(%arg10 : memref<128x32xf32, #tpu.memory_space<vmem>>) dst(%dma_wait3A_247 : memref<10240x32xf32, #tpu.memory_space<vmem_shared>>)
        tpu.yield
      }) : () -> ()
      %add3A_107 = arith.constant 2 : i32
      %add3A_108 = arith.addi %add3A_101, %add3A_107 : i32
      %lt3A = arith.cmpi slt, %add3A_108, %select_n3A : i32
      %convert_element_type3A_109 = arith.extui %lt3A : i1 to i32
      %cond3A_110 = arith.constant 0 : i32
      %cond3A_111 = arith.cmpi ne, %convert_element_type3A_109, %cond3A_110 : i32
      scf.if %cond3A_111 {
        %add3A_236 = arith.constant 2 : i32
        %add3A_237 = arith.addi %add3A_101, %add3A_236 : i32
        %dma_start3A_238 = arith.constant 0 : i32
        %dma_start3A_239 = tpu.memref_slice %arg8[%add3A_237, %dma_start3A_238] : memref<90x128xi32, #tpu.memory_space<vmem>> -> memref<1x128xi32, #tpu.memory_space<vmem>>
        %dma_start3A_240 = tpu.memref_squeeze %dma_start3A_239 : memref<1x128xi32, #tpu.memory_space<vmem>> -> memref<128xi32, #tpu.memory_space<vmem>>
        %dma_start3A_241 = arith.constant 0 : i32
        %dma_start3A_242 = arith.constant 0 : i32
        %dma_start3A_243 = tpu.memref_slice %arg2[%dma_start3A_241, %dma_start3A_242] : memref<10240x32xf32, #tpu.memory_space<hbm>> -> memref<10240x32xf32, #tpu.memory_space<hbm>>
        tpu.enqueue_indirect_dma source(%dma_start3A_243 : memref<10240x32xf32, #tpu.memory_space<hbm>>) target(%arg10 : memref<128x32xf32, #tpu.memory_space<vmem>>) offsets(%dma_start3A_240 : memref<128xi32, #tpu.memory_space<vmem>>) semaphore(%arg12 : memref<!tpu.dma_semaphore, #tpu.memory_space<semaphore_mem>>)
      } else {
      }
      %get3A = arith.index_cast %add3A_101 : i32 to index
      %get3A_112 = arith.constant 0 : index
      %get3A_113 = tpu.vector_load %arg8[%get3A, %get3A_112] {strides = array<i32>} : memref<90x128xi32, #tpu.memory_space<vmem>>, vector<16xi32>,
      %get3A_114 = arith.index_cast %add3A_101 : i32 to index
      %get3A_115 = arith.constant 0 : index
      %get3A_116 = tpu.vector_load %arg9[%get3A_114, %get3A_115] {strides = array<i32>} : memref<90x128xi32, #tpu.memory_space<vmem>>, vector<16xi32>,
      %gather3A = tpu.vector_load_idx %arg15[%get3A_113] : memref<10240xf32, #tpu.memory_space<vmem>>[vector<16xi32>], vector<16xf32>,
      tpu.vector_store_idx %arg16[%get3A_116], %gather3A {add = true} : memref<10240xf32, #tpu.memory_space<vmem>>[vector<16xi32>], vector<16xf32>,
      %get3A_117 = arith.index_cast %add3A_101 : i32 to index
      %get3A_118 = arith.constant 16 : index
      %get3A_119 = tpu.vector_load %arg8[%get3A_117, %get3A_118] {strides = array<i32>} : memref<90x128xi32, #tpu.memory_space<vmem>>, vector<16xi32>,
      %get3A_120 = arith.index_cast %add3A_101 : i32 to index
      %get3A_121 = arith.constant 16 : index
      %get3A_122 = tpu.vector_load %arg9[%get3A_120, %get3A_121] {strides = array<i32>} : memref<90x128xi32, #tpu.memory_space<vmem>>, vector<16xi32>,
      %gather3A_123 = tpu.vector_load_idx %arg15[%get3A_119] : memref<10240xf32, #tpu.memory_space<vmem>>[vector<16xi32>], vector<16xf32>,
      tpu.vector_store_idx %arg16[%get3A_122], %gather3A_123 {add = true} : memref<10240xf32, #tpu.memory_space<vmem>>[vector<16xi32>], vector<16xf32>,
      %get3A_124 = arith.index_cast %add3A_101 : i32 to index
      %get3A_125 = arith.constant 32 : index
      %get3A_126 = tpu.vector_load %arg8[%get3A_124, %get3A_125] {strides = array<i32>} : memref<90x128xi32, #tpu.memory_space<vmem>>, vector<16xi32>,
      %get3A_127 = arith.index_cast %add3A_101 : i32 to index
      %get3A_128 = arith.constant 32 : index
      %get3A_129 = tpu.vector_load %arg9[%get3A_127, %get3A_128] {strides = array<i32>} : memref<90x128xi32, #tpu.memory_space<vmem>>, vector<16xi32>,
      %gather3A_130 = tpu.vector_load_idx %arg15[%get3A_126] : memref<10240xf32, #tpu.memory_space<vmem>>[vector<16xi32>], vector<16xf32>,
      tpu.vector_store_idx %arg16[%get3A_129], %gather3A_130 {add = true} : memref<10240xf32, #tpu.memory_space<vmem>>[vector<16xi32>], vector<16xf32>,
      %get3A_131 = arith.index_cast %add3A_101 : i32 to index
      %get3A_132 = arith.constant 48 : index
      %get3A_133 = tpu.vector_load %arg8[%get3A_131, %get3A_132] {strides = array<i32>} : memref<90x128xi32, #tpu.memory_space<vmem>>, vector<16xi32>,
      %get3A_134 = arith.index_cast %add3A_101 : i32 to index
      %get3A_135 = arith.constant 48 : index
      %get3A_136 = tpu.vector_load %arg9[%get3A_134, %get3A_135] {strides = array<i32>} : memref<90x128xi32, #tpu.memory_space<vmem>>, vector<16xi32>,
      %gather3A_137 = tpu.vector_load_idx %arg15[%get3A_133] : memref<10240xf32, #tpu.memory_space<vmem>>[vector<16xi32>], vector<16xf32>,
      tpu.vector_store_idx %arg16[%get3A_136], %gather3A_137 {add = true} : memref<10240xf32, #tpu.memory_space<vmem>>[vector<16xi32>], vector<16xf32>,
      %get3A_138 = arith.index_cast %add3A_101 : i32 to index
      %get3A_139 = arith.constant 64 : index
      %get3A_140 = tpu.vector_load %arg8[%get3A_138, %get3A_139] {strides = array<i32>} : memref<90x128xi32, #tpu.memory_space<vmem>>, vector<16xi32>,
      %get3A_141 = arith.index_cast %add3A_101 : i32 to index
      %get3A_142 = arith.constant 64 : index
      %get3A_143 = tpu.vector_load %arg9[%get3A_141, %get3A_142] {strides = array<i32>} : memref<90x128xi32, #tpu.memory_space<vmem>>, vector<16xi32>,
      %gather3A_144 = tpu.vector_load_idx %arg15[%get3A_140] : memref<10240xf32, #tpu.memory_space<vmem>>[vector<16xi32>], vector<16xf32>,
      tpu.vector_store_idx %arg16[%get3A_143], %gather3A_144 {add = true} : memref<10240xf32, #tpu.memory_space<vmem>>[vector<16xi32>], vector<16xf32>,
      %get3A_145 = arith.index_cast %add3A_101 : i32 to index
      %get3A_146 = arith.constant 80 : index
      %get3A_147 = tpu.vector_load %arg8[%get3A_145, %get3A_146] {strides = array<i32>} : memref<90x128xi32, #tpu.memory_space<vmem>>, vector<16xi32>,
      %get3A_148 = arith.index_cast %add3A_101 : i32 to index
      %get3A_149 = arith.constant 80 : index
      %get3A_150 = tpu.vector_load %arg9[%get3A_148, %get3A_149] {strides = array<i32>} : memref<90x128xi32, #tpu.memory_space<vmem>>, vector<16xi32>,
      %gather3A_151 = tpu.vector_load_idx %arg15[%get3A_147] : memref<10240xf32, #tpu.memory_space<vmem>>[vector<16xi32>], vector<16xf32>,
      tpu.vector_store_idx %arg16[%get3A_150], %gather3A_151 {add = true} : memref<10240xf32, #tpu.memory_space<vmem>>[vector<16xi32>], vector<16xf32>,
      %get3A_152 = arith.index_cast %add3A_101 : i32 to index
      %get3A_153 = arith.constant 96 : index
      %get3A_154 = tpu.vector_load %arg8[%get3A_152, %get3A_153] {strides = array<i32>} : memref<90x128xi32, #tpu.memory_space<vmem>>, vector<16xi32>,
      %get3A_155 = arith.index_cast %add3A_101 : i32 to index
      %get3A_156 = arith.constant 96 : index
      %get3A_157 = tpu.vector_load %arg9[%get3A_155, %get3A_156] {strides = array<i32>} : memref<90x128xi32, #tpu.memory_space<vmem>>, vector<16xi32>,
      %gather3A_158 = tpu.vector_load_idx %arg15[%get3A_154] : memref<10240xf32, #tpu.memory_space<vmem>>[vector<16xi32>], vector<16xf32>,
      tpu.vector_store_idx %arg16[%get3A_157], %gather3A_158 {add = true} : memref<10240xf32, #tpu.memory_space<vmem>>[vector<16xi32>], vector<16xf32>,
      %get3A_159 = arith.index_cast %add3A_101 : i32 to index
      %get3A_160 = arith.constant 112 : index
      %get3A_161 = tpu.vector_load %arg8[%get3A_159, %get3A_160] {strides = array<i32>} : memref<90x128xi32, #tpu.memory_space<vmem>>, vector<16xi32>,
      %get3A_162 = arith.index_cast %add3A_101 : i32 to index
      %get3A_163 = arith.constant 112 : index
      %get3A_164 = tpu.vector_load %arg9[%get3A_162, %get3A_163] {strides = array<i32>} : memref<90x128xi32, #tpu.memory_space<vmem>>, vector<16xi32>,
      %gather3A_165 = tpu.vector_load_idx %arg15[%get3A_161] : memref<10240xf32, #tpu.memory_space<vmem>>[vector<16xi32>], vector<16xf32>,
      tpu.vector_store_idx %arg16[%get3A_164], %gather3A_165 {add = true} : memref<10240xf32, #tpu.memory_space<vmem>>[vector<16xi32>], vector<16xf32>,
      %add3A_166 = arith.constant 1 : i32
      %add3A_167 = arith.addi %add3A_99, %add3A_166 : i32
      %dma_wait3A_168 = arith.constant 0 : i32
      %dma_wait3A_169 = tpu.memref_slice %arg8[%add3A_167, %dma_wait3A_168] : memref<90x128xi32, #tpu.memory_space<vmem>> -> memref<1x128xi32, #tpu.memory_space<vmem>>
      %dma_wait3A_170 = tpu.memref_squeeze %dma_wait3A_169 : memref<1x128xi32, #tpu.memory_space<vmem>> -> memref<128xi32, #tpu.memory_space<vmem>>
      %dma_wait3A_171 = arith.constant 0 : i32
      %dma_wait3A_172 = arith.constant 0 : i32
      %dma_wait3A_173 = tpu.memref_slice %arg2[%dma_wait3A_171, %dma_wait3A_172] : memref<10240x32xf32, #tpu.memory_space<hbm>> -> memref<10240x32xf32, #tpu.memory_space<hbm>>
      tpu.wait_indirect_dma semaphore(%arg13 : memref<!tpu.dma_semaphore, #tpu.memory_space<semaphore_mem>>) src(%dma_wait3A_173 : memref<10240x32xf32, #tpu.memory_space<hbm>>) dst(%arg11 : memref<128x32xf32, #tpu.memory_space<vmem>>)
      "tpu.region"() ({
        %run_scoped3A = tpu.sem_alloc : memref<!tpu.dma_semaphore, #tpu.memory_space<semaphore_mem>>
        %dma_start3A_236 = arith.constant 0 : i32
        %dma_start3A_237 = tpu.memref_slice %arg9[%add3A_167, %dma_start3A_236] : memref<90x128xi32, #tpu.memory_space<vmem>> -> memref<1x128xi32, #tpu.memory_space<vmem>>
        %dma_start3A_238 = tpu.memref_squeeze %dma_start3A_237 : memref<1x128xi32, #tpu.memory_space<vmem>> -> memref<128xi32, #tpu.memory_space<vmem>>
        %dma_start3A_239 = arith.constant 0 : i32
        %dma_start3A_240 = arith.constant 0 : i32
        %dma_start3A_241 = tpu.memref_slice %arg14[%dma_start3A_239, %dma_start3A_240] : memref<10240x32xf32, #tpu.memory_space<vmem_shared>> -> memref<10240x32xf32, #tpu.memory_space<vmem_shared>>
        tpu.enqueue_indirect_dma source(%arg11 : memref<128x32xf32, #tpu.memory_space<vmem>>) target(%dma_start3A_241 : memref<10240x32xf32, #tpu.memory_space<vmem_shared>>) offsets(%dma_start3A_238 : memref<128xi32, #tpu.memory_space<vmem>>) semaphore(%run_scoped3A : memref<!tpu.dma_semaphore, #tpu.memory_space<semaphore_mem>>) {add = true}
        %dma_wait3A_242 = arith.constant 0 : i32
        %dma_wait3A_243 = tpu.memref_slice %arg9[%add3A_167, %dma_wait3A_242] : memref<90x128xi32, #tpu.memory_space<vmem>> -> memref<1x128xi32, #tpu.memory_space<vmem>>
        %dma_wait3A_244 = tpu.memref_squeeze %dma_wait3A_243 : memref<1x128xi32, #tpu.memory_space<vmem>> -> memref<128xi32, #tpu.memory_space<vmem>>
        %dma_wait3A_245 = arith.constant 0 : i32
        %dma_wait3A_246 = arith.constant 0 : i32
        %dma_wait3A_247 = tpu.memref_slice %arg14[%dma_wait3A_245, %dma_wait3A_246] : memref<10240x32xf32, #tpu.memory_space<vmem_shared>> -> memref<10240x32xf32, #tpu.memory_space<vmem_shared>>
        tpu.wait_indirect_dma semaphore(%run_scoped3A : memref<!tpu.dma_semaphore, #tpu.memory_space<semaphore_mem>>) src(%arg11 : memref<128x32xf32, #tpu.memory_space<vmem>>) dst(%dma_wait3A_247 : memref<10240x32xf32, #tpu.memory_space<vmem_shared>>)
        tpu.yield
      }) : () -> ()
      %add3A_174 = arith.constant 2 : i32
      %add3A_175 = arith.addi %add3A_167, %add3A_174 : i32
      %lt3A_176 = arith.cmpi slt, %add3A_175, %select_n3A : i32
      %convert_element_type3A_177 = arith.extui %lt3A_176 : i1 to i32
      %cond3A_178 = arith.constant 0 : i32
      %cond3A_179 = arith.cmpi ne, %convert_element_type3A_177, %cond3A_178 : i32
      scf.if %cond3A_179 {
        %add3A_236 = arith.constant 2 : i32
        %add3A_237 = arith.addi %add3A_167, %add3A_236 : i32
        %dma_start3A_238 = arith.constant 0 : i32
        %dma_start3A_239 = tpu.memref_slice %arg8[%add3A_237, %dma_start3A_238] : memref<90x128xi32, #tpu.memory_space<vmem>> -> memref<1x128xi32, #tpu.memory_space<vmem>>
        %dma_start3A_240 = tpu.memref_squeeze %dma_start3A_239 : memref<1x128xi32, #tpu.memory_space<vmem>> -> memref<128xi32, #tpu.memory_space<vmem>>
        %dma_start3A_241 = arith.constant 0 : i32
        %dma_start3A_242 = arith.constant 0 : i32
        %dma_start3A_243 = tpu.memref_slice %arg2[%dma_start3A_241, %dma_start3A_242] : memref<10240x32xf32, #tpu.memory_space<hbm>> -> memref<10240x32xf32, #tpu.memory_space<hbm>>
        tpu.enqueue_indirect_dma source(%dma_start3A_243 : memref<10240x32xf32, #tpu.memory_space<hbm>>) target(%arg11 : memref<128x32xf32, #tpu.memory_space<vmem>>) offsets(%dma_start3A_240 : memref<128xi32, #tpu.memory_space<vmem>>) semaphore(%arg13 : memref<!tpu.dma_semaphore, #tpu.memory_space<semaphore_mem>>)
      } else {
      }
      %get3A_180 = arith.index_cast %add3A_167 : i32 to index
      %get3A_181 = arith.constant 0 : index
      %get3A_182 = tpu.vector_load %arg8[%get3A_180, %get3A_181] {strides = array<i32>} : memref<90x128xi32, #tpu.memory_space<vmem>>, vector<16xi32>,
      %get3A_183 = arith.index_cast %add3A_167 : i32 to index
      %get3A_184 = arith.constant 0 : index
      %get3A_185 = tpu.vector_load %arg9[%get3A_183, %get3A_184] {strides = array<i32>} : memref<90x128xi32, #tpu.memory_space<vmem>>, vector<16xi32>,
      %gather3A_186 = tpu.vector_load_idx %arg15[%get3A_182] : memref<10240xf32, #tpu.memory_space<vmem>>[vector<16xi32>], vector<16xf32>,
      tpu.vector_store_idx %arg16[%get3A_185], %gather3A_186 {add = true} : memref<10240xf32, #tpu.memory_space<vmem>>[vector<16xi32>], vector<16xf32>,
      %get3A_187 = arith.index_cast %add3A_167 : i32 to index
      %get3A_188 = arith.constant 16 : index
      %get3A_189 = tpu.vector_load %arg8[%get3A_187, %get3A_188] {strides = array<i32>} : memref<90x128xi32, #tpu.memory_space<vmem>>, vector<16xi32>,
      %get3A_190 = arith.index_cast %add3A_167 : i32 to index
      %get3A_191 = arith.constant 16 : index
      %get3A_192 = tpu.vector_load %arg9[%get3A_190, %get3A_191] {strides = array<i32>} : memref<90x128xi32, #tpu.memory_space<vmem>>, vector<16xi32>,
      %gather3A_193 = tpu.vector_load_idx %arg15[%get3A_189] : memref<10240xf32, #tpu.memory_space<vmem>>[vector<16xi32>], vector<16xf32>,
      tpu.vector_store_idx %arg16[%get3A_192], %gather3A_193 {add = true} : memref<10240xf32, #tpu.memory_space<vmem>>[vector<16xi32>], vector<16xf32>,
      %get3A_194 = arith.index_cast %add3A_167 : i32 to index
      %get3A_195 = arith.constant 32 : index
      %get3A_196 = tpu.vector_load %arg8[%get3A_194, %get3A_195] {strides = array<i32>} : memref<90x128xi32, #tpu.memory_space<vmem>>, vector<16xi32>,
      %get3A_197 = arith.index_cast %add3A_167 : i32 to index
      %get3A_198 = arith.constant 32 : index
      %get3A_199 = tpu.vector_load %arg9[%get3A_197, %get3A_198] {strides = array<i32>} : memref<90x128xi32, #tpu.memory_space<vmem>>, vector<16xi32>,
      %gather3A_200 = tpu.vector_load_idx %arg15[%get3A_196] : memref<10240xf32, #tpu.memory_space<vmem>>[vector<16xi32>], vector<16xf32>,
      tpu.vector_store_idx %arg16[%get3A_199], %gather3A_200 {add = true} : memref<10240xf32, #tpu.memory_space<vmem>>[vector<16xi32>], vector<16xf32>,
      %get3A_201 = arith.index_cast %add3A_167 : i32 to index
      %get3A_202 = arith.constant 48 : index
      %get3A_203 = tpu.vector_load %arg8[%get3A_201, %get3A_202] {strides = array<i32>} : memref<90x128xi32, #tpu.memory_space<vmem>>, vector<16xi32>,
      %get3A_204 = arith.index_cast %add3A_167 : i32 to index
      %get3A_205 = arith.constant 48 : index
      %get3A_206 = tpu.vector_load %arg9[%get3A_204, %get3A_205] {strides = array<i32>} : memref<90x128xi32, #tpu.memory_space<vmem>>, vector<16xi32>,
      %gather3A_207 = tpu.vector_load_idx %arg15[%get3A_203] : memref<10240xf32, #tpu.memory_space<vmem>>[vector<16xi32>], vector<16xf32>,
      tpu.vector_store_idx %arg16[%get3A_206], %gather3A_207 {add = true} : memref<10240xf32, #tpu.memory_space<vmem>>[vector<16xi32>], vector<16xf32>,
      %get3A_208 = arith.index_cast %add3A_167 : i32 to index
      %get3A_209 = arith.constant 64 : index
      %get3A_210 = tpu.vector_load %arg8[%get3A_208, %get3A_209] {strides = array<i32>} : memref<90x128xi32, #tpu.memory_space<vmem>>, vector<16xi32>,
      %get3A_211 = arith.index_cast %add3A_167 : i32 to index
      %get3A_212 = arith.constant 64 : index
      %get3A_213 = tpu.vector_load %arg9[%get3A_211, %get3A_212] {strides = array<i32>} : memref<90x128xi32, #tpu.memory_space<vmem>>, vector<16xi32>,
      %gather3A_214 = tpu.vector_load_idx %arg15[%get3A_210] : memref<10240xf32, #tpu.memory_space<vmem>>[vector<16xi32>], vector<16xf32>,
      tpu.vector_store_idx %arg16[%get3A_213], %gather3A_214 {add = true} : memref<10240xf32, #tpu.memory_space<vmem>>[vector<16xi32>], vector<16xf32>,
      %get3A_215 = arith.index_cast %add3A_167 : i32 to index
      %get3A_216 = arith.constant 80 : index
      %get3A_217 = tpu.vector_load %arg8[%get3A_215, %get3A_216] {strides = array<i32>} : memref<90x128xi32, #tpu.memory_space<vmem>>, vector<16xi32>,
      %get3A_218 = arith.index_cast %add3A_167 : i32 to index
      %get3A_219 = arith.constant 80 : index
      %get3A_220 = tpu.vector_load %arg9[%get3A_218, %get3A_219] {strides = array<i32>} : memref<90x128xi32, #tpu.memory_space<vmem>>, vector<16xi32>,
      %gather3A_221 = tpu.vector_load_idx %arg15[%get3A_217] : memref<10240xf32, #tpu.memory_space<vmem>>[vector<16xi32>], vector<16xf32>,
      tpu.vector_store_idx %arg16[%get3A_220], %gather3A_221 {add = true} : memref<10240xf32, #tpu.memory_space<vmem>>[vector<16xi32>], vector<16xf32>,
      %get3A_222 = arith.index_cast %add3A_167 : i32 to index
      %get3A_223 = arith.constant 96 : index
      %get3A_224 = tpu.vector_load %arg8[%get3A_222, %get3A_223] {strides = array<i32>} : memref<90x128xi32, #tpu.memory_space<vmem>>, vector<16xi32>,
      %get3A_225 = arith.index_cast %add3A_167 : i32 to index
      %get3A_226 = arith.constant 96 : index
      %get3A_227 = tpu.vector_load %arg9[%get3A_225, %get3A_226] {strides = array<i32>} : memref<90x128xi32, #tpu.memory_space<vmem>>, vector<16xi32>,
      %gather3A_228 = tpu.vector_load_idx %arg15[%get3A_224] : memref<10240xf32, #tpu.memory_space<vmem>>[vector<16xi32>], vector<16xf32>,
      tpu.vector_store_idx %arg16[%get3A_227], %gather3A_228 {add = true} : memref<10240xf32, #tpu.memory_space<vmem>>[vector<16xi32>], vector<16xf32>,
      %get3A_229 = arith.index_cast %add3A_167 : i32 to index
      %get3A_230 = arith.constant 112 : index
      %get3A_231 = tpu.vector_load %arg8[%get3A_229, %get3A_230] {strides = array<i32>} : memref<90x128xi32, #tpu.memory_space<vmem>>, vector<16xi32>,
      %get3A_232 = arith.index_cast %add3A_167 : i32 to index
      %get3A_233 = arith.constant 112 : index
      %get3A_234 = tpu.vector_load %arg9[%get3A_232, %get3A_233] {strides = array<i32>} : memref<90x128xi32, #tpu.memory_space<vmem>>, vector<16xi32>,
      %gather3A_235 = tpu.vector_load_idx %arg15[%get3A_231] : memref<10240xf32, #tpu.memory_space<vmem>>[vector<16xi32>], vector<16xf32>,
      tpu.vector_store_idx %arg16[%get3A_234], %gather3A_235 {add = true} : memref<10240xf32, #tpu.memory_space<vmem>>[vector<16xi32>], vector<16xf32>,
    }
    %while3A_91 = arith.constant 1 : i32
    scf.for %while3A_97 = %while3A_89 to %while3A_85 step %while3A_91  : i32 {
      %mul3A_98 = arith.muli %while3A_97, %while3A : i32
      %add3A_99 = arith.addi %while3A_82, %mul3A_98 : i32
      %add3A_100 = arith.constant 0 : i32
      %add3A_101 = arith.addi %add3A_99, %add3A_100 : i32
      %dma_wait3A = arith.constant 0 : i32
      %dma_wait3A_102 = tpu.memref_slice %arg8[%add3A_101, %dma_wait3A] : memref<90x128xi32, #tpu.memory_space<vmem>> -> memref<1x128xi32, #tpu.memory_space<vmem>>
      %dma_wait3A_103 = tpu.memref_squeeze %dma_wait3A_102 : memref<1x128xi32, #tpu.memory_space<vmem>> -> memref<128xi32, #tpu.memory_space<vmem>>
      %dma_wait3A_104 = arith.constant 0 : i32
      %dma_wait3A_105 = arith.constant 0 : i32
      %dma_wait3A_106 = tpu.memref_slice %arg2[%dma_wait3A_104, %dma_wait3A_105] : memref<10240x32xf32, #tpu.memory_space<hbm>> -> memref<10240x32xf32, #tpu.memory_space<hbm>>
      tpu.wait_indirect_dma semaphore(%arg12 : memref<!tpu.dma_semaphore, #tpu.memory_space<semaphore_mem>>) src(%dma_wait3A_106 : memref<10240x32xf32, #tpu.memory_space<hbm>>) dst(%arg10 : memref<128x32xf32, #tpu.memory_space<vmem>>)
      "tpu.region"() ({
        %run_scoped3A = tpu.sem_alloc : memref<!tpu.dma_semaphore, #tpu.memory_space<semaphore_mem>>
        %dma_start3A_236 = arith.constant 0 : i32
        %dma_start3A_237 = tpu.memref_slice %arg9[%add3A_101, %dma_start3A_236] : memref<90x128xi32, #tpu.memory_space<vmem>> -> memref<1x128xi32, #tpu.memory_space<vmem>>
        %dma_start3A_238 = tpu.memref_squeeze %dma_start3A_237 : memref<1x128xi32, #tpu.memory_space<vmem>> -> memref<128xi32, #tpu.memory_space<vmem>>
        %dma_start3A_239 = arith.constant 0 : i32
        %dma_start3A_240 = arith.constant 0 : i32
        %dma_start3A_241 = tpu.memref_slice %arg14[%dma_start3A_239, %dma_start3A_240] : memref<10240x32xf32, #tpu.memory_space<vmem_shared>> -> memref<10240x32xf32, #tpu.memory_space<vmem_shared>>
        tpu.enqueue_indirect_dma source(%arg10 : memref<128x32xf32, #tpu.memory_space<vmem>>) target(%dma_start3A_241 : memref<10240x32xf32, #tpu.memory_space<vmem_shared>>) offsets(%dma_start3A_238 : memref<128xi32, #tpu.memory_space<vmem>>) semaphore(%run_scoped3A : memref<!tpu.dma_semaphore, #tpu.memory_space<semaphore_mem>>) {add = true}
        %dma_wait3A_242 = arith.constant 0 : i32
        %dma_wait3A_243 = tpu.memref_slice %arg9[%add3A_101, %dma_wait3A_242] : memref<90x128xi32, #tpu.memory_space<vmem>> -> memref<1x128xi32, #tpu.memory_space<vmem>>
        %dma_wait3A_244 = tpu.memref_squeeze %dma_wait3A_243 : memref<1x128xi32, #tpu.memory_space<vmem>> -> memref<128xi32, #tpu.memory_space<vmem>>
        %dma_wait3A_245 = arith.constant 0 : i32
        %dma_wait3A_246 = arith.constant 0 : i32
        %dma_wait3A_247 = tpu.memref_slice %arg14[%dma_wait3A_245, %dma_wait3A_246] : memref<10240x32xf32, #tpu.memory_space<vmem_shared>> -> memref<10240x32xf32, #tpu.memory_space<vmem_shared>>
        tpu.wait_indirect_dma semaphore(%run_scoped3A : memref<!tpu.dma_semaphore, #tpu.memory_space<semaphore_mem>>) src(%arg10 : memref<128x32xf32, #tpu.memory_space<vmem>>) dst(%dma_wait3A_247 : memref<10240x32xf32, #tpu.memory_space<vmem_shared>>)
        tpu.yield
      }) : () -> ()
      %add3A_107 = arith.constant 2 : i32
      %add3A_108 = arith.addi %add3A_101, %add3A_107 : i32
      %lt3A = arith.cmpi slt, %add3A_108, %select_n3A : i32
      %convert_element_type3A_109 = arith.extui %lt3A : i1 to i32
      %cond3A_110 = arith.constant 0 : i32
      %cond3A_111 = arith.cmpi ne, %convert_element_type3A_109, %cond3A_110 : i32
      scf.if %cond3A_111 {
        %add3A_236 = arith.constant 2 : i32
        %add3A_237 = arith.addi %add3A_101, %add3A_236 : i32
        %dma_start3A_238 = arith.constant 0 : i32
        %dma_start3A_239 = tpu.memref_slice %arg8[%add3A_237, %dma_start3A_238] : memref<90x128xi32, #tpu.memory_space<vmem>> -> memref<1x128xi32, #tpu.memory_space<vmem>>
        %dma_start3A_240 = tpu.memref_squeeze %dma_start3A_239 : memref<1x128xi32, #tpu.memory_space<vmem>> -> memref<128xi32, #tpu.memory_space<vmem>>
        %dma_start3A_241 = arith.constant 0 : i32
        %dma_start3A_242 = arith.constant 0 : i32
        %dma_start3A_243 = tpu.memref_slice %arg2[%dma_start3A_241, %dma_start3A_242] : memref<10240x32xf32, #tpu.memory_space<hbm>> -> memref<10240x32xf32, #tpu.memory_space<hbm>>
        tpu.enqueue_indirect_dma source(%dma_start3A_243 : memref<10240x32xf32, #tpu.memory_space<hbm>>) target(%arg10 : memref<128x32xf32, #tpu.memory_space<vmem>>) offsets(%dma_start3A_240 : memref<128xi32, #tpu.memory_space<vmem>>) semaphore(%arg12 : memref<!tpu.dma_semaphore, #tpu.memory_space<semaphore_mem>>)
      } else {
      }
      %get3A = arith.index_cast %add3A_101 : i32 to index
      %get3A_112 = arith.constant 0 : index
      %get3A_113 = tpu.vector_load %arg8[%get3A, %get3A_112] {strides = array<i32>} : memref<90x128xi32, #tpu.memory_space<vmem>>, vector<16xi32>,
      %get3A_114 = arith.index_cast %add3A_101 : i32 to index
      %get3A_115 = arith.constant 0 : index
      %get3A_116 = tpu.vector_load %arg9[%get3A_114, %get3A_115] {strides = array<i32>} : memref<90x128xi32, #tpu.memory_space<vmem>>, vector<16xi32>,
      %gather3A = tpu.vector_load_idx %arg15[%get3A_113] : memref<10240xf32, #tpu.memory_space<vmem>>[vector<16xi32>], vector<16xf32>,
      tpu.vector_store_idx %arg16[%get3A_116], %gather3A {add = true} : memref<10240xf32, #tpu.memory_space<vmem>>[vector<16xi32>], vector<16xf32>,
      %get3A_117 = arith.index_cast %add3A_101 : i32 to index
      %get3A_118 = arith.constant 16 : index
      %get3A_119 = tpu.vector_load %arg8[%get3A_117, %get3A_118] {strides = array<i32>} : memref<90x128xi32, #tpu.memory_space<vmem>>, vector<16xi32>,
      %get3A_120 = arith.index_cast %add3A_101 : i32 to index
      %get3A_121 = arith.constant 16 : index
      %get3A_122 = tpu.vector_load %arg9[%get3A_120, %get3A_121] {strides = array<i32>} : memref<90x128xi32, #tpu.memory_space<vmem>>, vector<16xi32>,
      %gather3A_123 = tpu.vector_load_idx %arg15[%get3A_119] : memref<10240xf32, #tpu.memory_space<vmem>>[vector<16xi32>], vector<16xf32>,
      tpu.vector_store_idx %arg16[%get3A_122], %gather3A_123 {add = true} : memref<10240xf32, #tpu.memory_space<vmem>>[vector<16xi32>], vector<16xf32>,
      %get3A_124 = arith.index_cast %add3A_101 : i32 to index
      %get3A_125 = arith.constant 32 : index
      %get3A_126 = tpu.vector_load %arg8[%get3A_124, %get3A_125] {strides = array<i32>} : memref<90x128xi32, #tpu.memory_space<vmem>>, vector<16xi32>,
      %get3A_127 = arith.index_cast %add3A_101 : i32 to index
      %get3A_128 = arith.constant 32 : index
      %get3A_129 = tpu.vector_load %arg9[%get3A_127, %get3A_128] {strides = array<i32>} : memref<90x128xi32, #tpu.memory_space<vmem>>, vector<16xi32>,
      %gather3A_130 = tpu.vector_load_idx %arg15[%get3A_126] : memref<10240xf32, #tpu.memory_space<vmem>>[vector<16xi32>], vector<16xf32>,
      tpu.vector_store_idx %arg16[%get3A_129], %gather3A_130 {add = true} : memref<10240xf32, #tpu.memory_space<vmem>>[vector<16xi32>], vector<16xf32>,
      %get3A_131 = arith.index_cast %add3A_101 : i32 to index
      %get3A_132 = arith.constant 48 : index
      %get3A_133 = tpu.vector_load %arg8[%get3A_131, %get3A_132] {strides = array<i32>} : memref<90x128xi32, #tpu.memory_space<vmem>>, vector<16xi32>,
      %get3A_134 = arith.index_cast %add3A_101 : i32 to index
      %get3A_135 = arith.constant 48 : index
      %get3A_136 = tpu.vector_load %arg9[%get3A_134, %get3A_135] {strides = array<i32>} : memref<90x128xi32, #tpu.memory_space<vmem>>, vector<16xi32>,
      %gather3A_137 = tpu.vector_load_idx %arg15[%get3A_133] : memref<10240xf32, #tpu.memory_space<vmem>>[vector<16xi32>], vector<16xf32>,
      tpu.vector_store_idx %arg16[%get3A_136], %gather3A_137 {add = true} : memref<10240xf32, #tpu.memory_space<vmem>>[vector<16xi32>], vector<16xf32>,
      %get3A_138 = arith.index_cast %add3A_101 : i32 to index
      %get3A_139 = arith.constant 64 : index
      %get3A_140 = tpu.vector_load %arg8[%get3A_138, %get3A_139] {strides = array<i32>} : memref<90x128xi32, #tpu.memory_space<vmem>>, vector<16xi32>,
      %get3A_141 = arith.index_cast %add3A_101 : i32 to index
      %get3A_142 = arith.constant 64 : index
      %get3A_143 = tpu.vector_load %arg9[%get3A_141, %get3A_142] {strides = array<i32>} : memref<90x128xi32, #tpu.memory_space<vmem>>, vector<16xi32>,
      %gather3A_144 = tpu.vector_load_idx %arg15[%get3A_140] : memref<10240xf32, #tpu.memory_space<vmem>>[vector<16xi32>], vector<16xf32>,
      tpu.vector_store_idx %arg16[%get3A_143], %gather3A_144 {add = true} : memref<10240xf32, #tpu.memory_space<vmem>>[vector<16xi32>], vector<16xf32>,
      %get3A_145 = arith.index_cast %add3A_101 : i32 to index
      %get3A_146 = arith.constant 80 : index
      %get3A_147 = tpu.vector_load %arg8[%get3A_145, %get3A_146] {strides = array<i32>} : memref<90x128xi32, #tpu.memory_space<vmem>>, vector<16xi32>,
      %get3A_148 = arith.index_cast %add3A_101 : i32 to index
      %get3A_149 = arith.constant 80 : index
      %get3A_150 = tpu.vector_load %arg9[%get3A_148, %get3A_149] {strides = array<i32>} : memref<90x128xi32, #tpu.memory_space<vmem>>, vector<16xi32>,
      %gather3A_151 = tpu.vector_load_idx %arg15[%get3A_147] : memref<10240xf32, #tpu.memory_space<vmem>>[vector<16xi32>], vector<16xf32>,
      tpu.vector_store_idx %arg16[%get3A_150], %gather3A_151 {add = true} : memref<10240xf32, #tpu.memory_space<vmem>>[vector<16xi32>], vector<16xf32>,
      %get3A_152 = arith.index_cast %add3A_101 : i32 to index
      %get3A_153 = arith.constant 96 : index
      %get3A_154 = tpu.vector_load %arg8[%get3A_152, %get3A_153] {strides = array<i32>} : memref<90x128xi32, #tpu.memory_space<vmem>>, vector<16xi32>,
      %get3A_155 = arith.index_cast %add3A_101 : i32 to index
      %get3A_156 = arith.constant 96 : index
      %get3A_157 = tpu.vector_load %arg9[%get3A_155, %get3A_156] {strides = array<i32>} : memref<90x128xi32, #tpu.memory_space<vmem>>, vector<16xi32>,
      %gather3A_158 = tpu.vector_load_idx %arg15[%get3A_154] : memref<10240xf32, #tpu.memory_space<vmem>>[vector<16xi32>], vector<16xf32>,
      tpu.vector_store_idx %arg16[%get3A_157], %gather3A_158 {add = true} : memref<10240xf32, #tpu.memory_space<vmem>>[vector<16xi32>], vector<16xf32>,
      %get3A_159 = arith.index_cast %add3A_101 : i32 to index
      %get3A_160 = arith.constant 112 : index
      %get3A_161 = tpu.vector_load %arg8[%get3A_159, %get3A_160] {strides = array<i32>} : memref<90x128xi32, #tpu.memory_space<vmem>>, vector<16xi32>,
      %get3A_162 = arith.index_cast %add3A_101 : i32 to index
      %get3A_163 = arith.constant 112 : index
      %get3A_164 = tpu.vector_load %arg9[%get3A_162, %get3A_163] {strides = array<i32>} : memref<90x128xi32, #tpu.memory_space<vmem>>, vector<16xi32>,
      %gather3A_165 = tpu.vector_load_idx %arg15[%get3A_161] : memref<10240xf32, #tpu.memory_space<vmem>>[vector<16xi32>], vector<16xf32>,
      tpu.vector_store_idx %arg16[%get3A_164], %gather3A_165 {add = true} : memref<10240xf32, #tpu.memory_space<vmem>>[vector<16xi32>], vector<16xf32>,
      %add3A_166 = arith.constant 1 : i32
      %add3A_167 = arith.addi %add3A_99, %add3A_166 : i32
      %dma_wait3A_168 = arith.constant 0 : i32
      %dma_wait3A_169 = tpu.memref_slice %arg8[%add3A_167, %dma_wait3A_168] : memref<90x128xi32, #tpu.memory_space<vmem>> -> memref<1x128xi32, #tpu.memory_space<vmem>>
      %dma_wait3A_170 = tpu.memref_squeeze %dma_wait3A_169 : memref<1x128xi32, #tpu.memory_space<vmem>> -> memref<128xi32, #tpu.memory_space<vmem>>
      %dma_wait3A_171 = arith.constant 0 : i32
      %dma_wait3A_172 = arith.constant 0 : i32
      %dma_wait3A_173 = tpu.memref_slice %arg2[%dma_wait3A_171, %dma_wait3A_172] : memref<10240x32xf32, #tpu.memory_space<hbm>> -> memref<10240x32xf32, #tpu.memory_space<hbm>>
      tpu.wait_indirect_dma semaphore(%arg13 : memref<!tpu.dma_semaphore, #tpu.memory_space<semaphore_mem>>) src(%dma_wait3A_173 : memref<10240x32xf32, #tpu.memory_space<hbm>>) dst(%arg11 : memref<128x32xf32, #tpu.memory_space<vmem>>)
      "tpu.region"() ({
        %run_scoped3A = tpu.sem_alloc : memref<!tpu.dma_semaphore, #tpu.memory_space<semaphore_mem>>
        %dma_start3A_236 = arith.constant 0 : i32
        %dma_start3A_237 = tpu.memref_slice %arg9[%add3A_167, %dma_start3A_236] : memref<90x128xi32, #tpu.memory_space<vmem>> -> memref<1x128xi32, #tpu.memory_space<vmem>>
        %dma_start3A_238 = tpu.memref_squeeze %dma_start3A_237 : memref<1x128xi32, #tpu.memory_space<vmem>> -> memref<128xi32, #tpu.memory_space<vmem>>
        %dma_start3A_239 = arith.constant 0 : i32
        %dma_start3A_240 = arith.constant 0 : i32
        %dma_start3A_241 = tpu.memref_slice %arg14[%dma_start3A_239, %dma_start3A_240] : memref<10240x32xf32, #tpu.memory_space<vmem_shared>> -> memref<10240x32xf32, #tpu.memory_space<vmem_shared>>
        tpu.enqueue_indirect_dma source(%arg11 : memref<128x32xf32, #tpu.memory_space<vmem>>) target(%dma_start3A_241 : memref<10240x32xf32, #tpu.memory_space<vmem_shared>>) offsets(%dma_start3A_238 : memref<128xi32, #tpu.memory_space<vmem>>) semaphore(%run_scoped3A : memref<!tpu.dma_semaphore, #tpu.memory_space<semaphore_mem>>) {add = true}
        %dma_wait3A_242 = arith.constant 0 : i32
        %dma_wait3A_243 = tpu.memref_slice %arg9[%add3A_167, %dma_wait3A_242] : memref<90x128xi32, #tpu.memory_space<vmem>> -> memref<1x128xi32, #tpu.memory_space<vmem>>
        %dma_wait3A_244 = tpu.memref_squeeze %dma_wait3A_243 : memref<1x128xi32, #tpu.memory_space<vmem>> -> memref<128xi32, #tpu.memory_space<vmem>>
        %dma_wait3A_245 = arith.constant 0 : i32
        %dma_wait3A_246 = arith.constant 0 : i32
        %dma_wait3A_247 = tpu.memref_slice %arg14[%dma_wait3A_245, %dma_wait3A_246] : memref<10240x32xf32, #tpu.memory_space<vmem_shared>> -> memref<10240x32xf32, #tpu.memory_space<vmem_shared>>
        tpu.wait_indirect_dma semaphore(%run_scoped3A : memref<!tpu.dma_semaphore, #tpu.memory_space<semaphore_mem>>) src(%arg11 : memref<128x32xf32, #tpu.memory_space<vmem>>) dst(%dma_wait3A_247 : memref<10240x32xf32, #tpu.memory_space<vmem_shared>>)
        tpu.yield
      }) : () -> ()
      %add3A_174 = arith.constant 2 : i32
      %add3A_175 = arith.addi %add3A_167, %add3A_174 : i32
      %lt3A_176 = arith.cmpi slt, %add3A_175, %select_n3A : i32
      %convert_element_type3A_177 = arith.extui %lt3A_176 : i1 to i32
      %cond3A_178 = arith.constant 0 : i32
      %cond3A_179 = arith.cmpi ne, %convert_element_type3A_177, %cond3A_178 : i32
      scf.if %cond3A_179 {
        %add3A_236 = arith.constant 2 : i32
        %add3A_237 = arith.addi %add3A_167, %add3A_236 : i32
        %dma_start3A_238 = arith.constant 0 : i32
        %dma_start3A_239 = tpu.memref_slice %arg8[%add3A_237, %dma_start3A_238] : memref<90x128xi32, #tpu.memory_space<vmem>> -> memref<1x128xi32, #tpu.memory_space<vmem>>
        %dma_start3A_240 = tpu.memref_squeeze %dma_start3A_239 : memref<1x128xi32, #tpu.memory_space<vmem>> -> memref<128xi32, #tpu.memory_space<vmem>>
        %dma_start3A_241 = arith.constant 0 : i32
        %dma_start3A_242 = arith.constant 0 : i32
        %dma_start3A_243 = tpu.memref_slice %arg2[%dma_start3A_241, %dma_start3A_242] : memref<10240x32xf32, #tpu.memory_space<hbm>> -> memref<10240x32xf32, #tpu.memory_space<hbm>>
        tpu.enqueue_indirect_dma source(%dma_start3A_243 : memref<10240x32xf32, #tpu.memory_space<hbm>>) target(%arg11 : memref<128x32xf32, #tpu.memory_space<vmem>>) offsets(%dma_start3A_240 : memref<128xi32, #tpu.memory_space<vmem>>) semaphore(%arg13 : memref<!tpu.dma_semaphore, #tpu.memory_space<semaphore_mem>>)
      } else {
      }
      %get3A_180 = arith.index_cast %add3A_167 : i32 to index
      %get3A_181 = arith.constant 0 : index
      %get3A_182 = tpu.vector_load %arg8[%get3A_180, %get3A_181] {strides = array<i32>} : memref<90x128xi32, #tpu.memory_space<vmem>>, vector<16xi32>,
      %get3A_183 = arith.index_cast %add3A_167 : i32 to index
      %get3A_184 = arith.constant 0 : index
      %get3A_185 = tpu.vector_load %arg9[%get3A_183, %get3A_184] {strides = array<i32>} : memref<90x128xi32, #tpu.memory_space<vmem>>, vector<16xi32>,
      %gather3A_186 = tpu.vector_load_idx %arg15[%get3A_182] : memref<10240xf32, #tpu.memory_space<vmem>>[vector<16xi32>], vector<16xf32>,
      tpu.vector_store_idx %arg16[%get3A_185], %gather3A_186 {add = true} : memref<10240xf32, #tpu.memory_space<vmem>>[vector<16xi32>], vector<16xf32>,
      %get3A_187 = arith.index_cast %add3A_167 : i32 to index
      %get3A_188 = arith.constant 16 : index
      %get3A_189 = tpu.vector_load %arg8[%get3A_187, %get3A_188] {strides = array<i32>} : memref<90x128xi32, #tpu.memory_space<vmem>>, vector<16xi32>,
      %get3A_190 = arith.index_cast %add3A_167 : i32 to index
      %get3A_191 = arith.constant 16 : index
      %get3A_192 = tpu.vector_load %arg9[%get3A_190, %get3A_191] {strides = array<i32>} : memref<90x128xi32, #tpu.memory_space<vmem>>, vector<16xi32>,
      %gather3A_193 = tpu.vector_load_idx %arg15[%get3A_189] : memref<10240xf32, #tpu.memory_space<vmem>>[vector<16xi32>], vector<16xf32>,
      tpu.vector_store_idx %arg16[%get3A_192], %gather3A_193 {add = true} : memref<10240xf32, #tpu.memory_space<vmem>>[vector<16xi32>], vector<16xf32>,
      %get3A_194 = arith.index_cast %add3A_167 : i32 to index
      %get3A_195 = arith.constant 32 : index
      %get3A_196 = tpu.vector_load %arg8[%get3A_194, %get3A_195] {strides = array<i32>} : memref<90x128xi32, #tpu.memory_space<vmem>>, vector<16xi32>,
      %get3A_197 = arith.index_cast %add3A_167 : i32 to index
      %get3A_198 = arith.constant 32 : index
      %get3A_199 = tpu.vector_load %arg9[%get3A_197, %get3A_198] {strides = array<i32>} : memref<90x128xi32, #tpu.memory_space<vmem>>, vector<16xi32>,
      %gather3A_200 = tpu.vector_load_idx %arg15[%get3A_196] : memref<10240xf32, #tpu.memory_space<vmem>>[vector<16xi32>], vector<16xf32>,
      tpu.vector_store_idx %arg16[%get3A_199], %gather3A_200 {add = true} : memref<10240xf32, #tpu.memory_space<vmem>>[vector<16xi32>], vector<16xf32>,
      %get3A_201 = arith.index_cast %add3A_167 : i32 to index
      %get3A_202 = arith.constant 48 : index
      %get3A_203 = tpu.vector_load %arg8[%get3A_201, %get3A_202] {strides = array<i32>} : memref<90x128xi32, #tpu.memory_space<vmem>>, vector<16xi32>,
      %get3A_204 = arith.index_cast %add3A_167 : i32 to index
      %get3A_205 = arith.constant 48 : index
      %get3A_206 = tpu.vector_load %arg9[%get3A_204, %get3A_205] {strides = array<i32>} : memref<90x128xi32, #tpu.memory_space<vmem>>, vector<16xi32>,
      %gather3A_207 = tpu.vector_load_idx %arg15[%get3A_203] : memref<10240xf32, #tpu.memory_space<vmem>>[vector<16xi32>], vector<16xf32>,
      tpu.vector_store_idx %arg16[%get3A_206], %gather3A_207 {add = true} : memref<10240xf32, #tpu.memory_space<vmem>>[vector<16xi32>], vector<16xf32>,
      %get3A_208 = arith.index_cast %add3A_167 : i32 to index
      %get3A_209 = arith.constant 64 : index
      %get3A_210 = tpu.vector_load %arg8[%get3A_208, %get3A_209] {strides = array<i32>} : memref<90x128xi32, #tpu.memory_space<vmem>>, vector<16xi32>,
      %get3A_211 = arith.index_cast %add3A_167 : i32 to index
      %get3A_212 = arith.constant 64 : index
      %get3A_213 = tpu.vector_load %arg9[%get3A_211, %get3A_212] {strides = array<i32>} : memref<90x128xi32, #tpu.memory_space<vmem>>, vector<16xi32>,
      %gather3A_214 = tpu.vector_load_idx %arg15[%get3A_210] : memref<10240xf32, #tpu.memory_space<vmem>>[vector<16xi32>], vector<16xf32>,
      tpu.vector_store_idx %arg16[%get3A_213], %gather3A_214 {add = true} : memref<10240xf32, #tpu.memory_space<vmem>>[vector<16xi32>], vector<16xf32>,
      %get3A_215 = arith.index_cast %add3A_167 : i32 to index
      %get3A_216 = arith.constant 80 : index
      %get3A_217 = tpu.vector_load %arg8[%get3A_215, %get3A_216] {strides = array<i32>} : memref<90x128xi32, #tpu.memory_space<vmem>>, vector<16xi32>,
      %get3A_218 = arith.index_cast %add3A_167 : i32 to index
      %get3A_219 = arith.constant 80 : index
      %get3A_220 = tpu.vector_load %arg9[%get3A_218, %get3A_219] {strides = array<i32>} : memref<90x128xi32, #tpu.memory_space<vmem>>, vector<16xi32>,
      %gather3A_221 = tpu.vector_load_idx %arg15[%get3A_217] : memref<10240xf32, #tpu.memory_space<vmem>>[vector<16xi32>], vector<16xf32>,
      tpu.vector_store_idx %arg16[%get3A_220], %gather3A_221 {add = true} : memref<10240xf32, #tpu.memory_space<vmem>>[vector<16xi32>], vector<16xf32>,
      %get3A_222 = arith.index_cast %add3A_167 : i32 to index
      %get3A_223 = arith.constant 96 : index
      %get3A_224 = tpu.vector_load %arg8[%get3A_222, %get3A_223] {strides = array<i32>} : memref<90x128xi32, #tpu.memory_space<vmem>>, vector<16xi32>,
      %get3A_225 = arith.index_cast %add3A_167 : i32 to index
      %get3A_226 = arith.constant 96 : index
      %get3A_227 = tpu.vector_load %arg9[%get3A_225, %get3A_226] {strides = array<i32>} : memref<90x128xi32, #tpu.memory_space<vmem>>, vector<16xi32>,
      %gather3A_228 = tpu.vector_load_idx %arg15[%get3A_224] : memref<10240xf32, #tpu.memory_space<vmem>>[vector<16xi32>], vector<16xf32>,
      tpu.vector_store_idx %arg16[%get3A_227], %gather3A_228 {add = true} : memref<10240xf32, #tpu.memory_space<vmem>>[vector<16xi32>], vector<16xf32>,
      %get3A_229 = arith.index_cast %add3A_167 : i32 to index
      %get3A_230 = arith.constant 112 : index
      %get3A_231 = tpu.vector_load %arg8[%get3A_229, %get3A_230] {strides = array<i32>} : memref<90x128xi32, #tpu.memory_space<vmem>>, vector<16xi32>,
      %get3A_232 = arith.index_cast %add3A_167 : i32 to index
      %get3A_233 = arith.constant 112 : index
      %get3A_234 = tpu.vector_load %arg9[%get3A_232, %get3A_233] {strides = array<i32>} : memref<90x128xi32, #tpu.memory_space<vmem>>, vector<16xi32>,
      %gather3A_235 = tpu.vector_load_idx %arg15[%get3A_231] : memref<10240xf32, #tpu.memory_space<vmem>>[vector<16xi32>], vector<16xf32>,
      tpu.vector_store_idx %arg16[%get3A_234], %gather3A_235 {add = true} : memref<10240xf32, #tpu.memory_space<vmem>>[vector<16xi32>], vector<16xf32>,
    }
    %barrier3A_92 = arith.constant 0 : index
    tpu.barrier barrier_id(%barrier3A_92)
    %mul3A_93 = arith.constant 640 : i32
    %mul3A_94 = arith.muli %arg1, %mul3A_93 : i32
    %mul3A_95 = arith.constant 640 : i32
    %mul3A_96 = arith.muli %arg1, %mul3A_95 : i32
    "tpu.region"() ({
      %run_scoped3A = tpu.sem_alloc : memref<!tpu.dma_semaphore, #tpu.memory_space<semaphore_mem>>
      %dma_start3A_97 = arith.constant 0 : i32
      %dma_start3A_98 = tpu.memref_slice %arg6[%arg0, %mul3A_96, %dma_start3A_97] : memref<2x10240x32xf32, #tpu.memory_space<hbm>> -> memref<1x640x32xf32, #tpu.memory_space<hbm>>
      %dma_start3A_99 = tpu.memref_squeeze %dma_start3A_98 : memref<1x640x32xf32, #tpu.memory_space<hbm>> -> memref<640x32xf32, #tpu.memory_space<hbm>>
      %dma_start3A_100 = arith.constant 0 : i32
      %dma_start3A_101 = tpu.memref_slice %arg14[%mul3A_94, %dma_start3A_100] : memref<10240x32xf32, #tpu.memory_space<vmem_shared>> -> memref<640x32xf32, #tpu.memory_space<vmem_shared>>
      tpu.enqueue_dma source(%dma_start3A_101 : memref<640x32xf32, #tpu.memory_space<vmem_shared>>) target(%dma_start3A_99 : memref<640x32xf32, #tpu.memory_space<hbm>>) target_semaphore(%run_scoped3A : memref<!tpu.dma_semaphore, #tpu.memory_space<semaphore_mem>>)
      %dma_wait3A = arith.constant 0 : i32
      %dma_wait3A_102 = tpu.memref_slice %arg6[%arg0, %mul3A_96, %dma_wait3A] : memref<2x10240x32xf32, #tpu.memory_space<hbm>> -> memref<1x640x32xf32, #tpu.memory_space<hbm>>
      %dma_wait3A_103 = tpu.memref_squeeze %dma_wait3A_102 : memref<1x640x32xf32, #tpu.memory_space<hbm>> -> memref<640x32xf32, #tpu.memory_space<hbm>>
      %dma_wait3A_104 = arith.constant 0 : i32
      %dma_wait3A_105 = tpu.memref_slice %arg14[%mul3A_94, %dma_wait3A_104] : memref<10240x32xf32, #tpu.memory_space<vmem_shared>> -> memref<640x32xf32, #tpu.memory_space<vmem_shared>>
      tpu.wait_dma2 semaphore(%run_scoped3A : memref<!tpu.dma_semaphore, #tpu.memory_space<semaphore_mem>>) src(%dma_wait3A_105 : memref<640x32xf32, #tpu.memory_space<vmem_shared>>) dst(%dma_wait3A_103 : memref<640x32xf32, #tpu.memory_space<hbm>>)
      tpu.yield
    }) : () -> ()
    "tpu.region"() ({
      %run_scoped3A = tpu.sem_alloc : memref<!tpu.dma_semaphore, #tpu.memory_space<semaphore_mem>>
      %dma_start3A_97 = arith.constant 0 : i32
      %dma_start3A_98 = tpu.memref_slice %arg7[%add3A, %dma_start3A_97] : memref<32x10240xf32, #tpu.memory_space<hbm>> -> memref<1x10240xf32, #tpu.memory_space<hbm>>
      %dma_start3A_99 = tpu.memref_squeeze %dma_start3A_98 : memref<1x10240xf32, #tpu.memory_space<hbm>> -> memref<10240xf32, #tpu.memory_space<hbm>>
      %dma_start3A_100 = arith.constant 0 : i32
      %dma_start3A_101 = tpu.memref_slice %arg7[%add3A, %dma_start3A_100] : memref<32x10240xf32, #tpu.memory_space<hbm>> -> memref<1x10240xf32, #tpu.memory_space<hbm>>
      %dma_start3A_102 = tpu.memref_squeeze %dma_start3A_101 : memref<1x10240xf32, #tpu.memory_space<hbm>> -> memref<10240xf32, #tpu.memory_space<hbm>>
      tpu.enqueue_dma source(%arg16 : memref<10240xf32, #tpu.memory_space<vmem>>) target(%dma_start3A_102 : memref<10240xf32, #tpu.memory_space<hbm>>) target_semaphore(%run_scoped3A : memref<!tpu.dma_semaphore, #tpu.memory_space<semaphore_mem>>)
      %dma_wait3A = arith.constant 0 : i32
      %dma_wait3A_103 = tpu.memref_slice %arg7[%add3A, %dma_wait3A] : memref<32x10240xf32, #tpu.memory_space<hbm>> -> memref<1x10240xf32, #tpu.memory_space<hbm>>
      %dma_wait3A_104 = tpu.memref_squeeze %dma_wait3A_103 : memref<1x10240xf32, #tpu.memory_space<hbm>> -> memref<10240xf32, #tpu.memory_space<hbm>>
      %dma_wait3A_105 = arith.constant 0 : i32
      %dma_wait3A_106 = tpu.memref_slice %arg7[%add3A, %dma_wait3A_105] : memref<32x10240xf32, #tpu.memory_space<hbm>> -> memref<1x10240xf32, #tpu.memory_space<hbm>>
      %dma_wait3A_107 = tpu.memref_squeeze %dma_wait3A_106 : memref<1x10240xf32, #tpu.memory_space<hbm>> -> memref<10240xf32, #tpu.memory_space<hbm>>
      tpu.wait_dma2 semaphore(%run_scoped3A : memref<!tpu.dma_semaphore, #tpu.memory_space<semaphore_mem>>) src(%arg16 : memref<10240xf32, #tpu.memory_space<vmem>>) dst(%dma_wait3A_107 : memref<10240xf32, #tpu.memory_space<hbm>>)
      tpu.yield
    }) : () -> ()
    return
  }
}

#map = affine_map<(d0, d1) -> (0, 0)>
#map1 = affine_map<(d0, d1) -> (0, 0, 0)>
module attributes {stable_mosaic.version = 14 : i64} {
  func.func @wrapped(%arg0: i32, %arg1: i32, %arg2: memref<10240x32xf32, #tpu.memory_space<hbm>>, %arg3: memref<2592x128xi32, #tpu.memory_space<hbm>>, %arg4: memref<2592x128xi32, #tpu.memory_space<hbm>>, %arg5: memref<2x10240x32xf32, #tpu.memory_space<hbm>>, %arg6: memref<90x128xi32, #tpu.memory_space<vmem>>, %arg7: memref<90x128xi32, #tpu.memory_space<vmem>>, %arg8: memref<128x32xf32, #tpu.memory_space<vmem>>, %arg9: memref<128x32xf32, #tpu.memory_space<vmem>>, %arg10: memref<!tpu.dma_semaphore, #tpu.memory_space<semaphore_mem>>, %arg11: memref<!tpu.dma_semaphore, #tpu.memory_space<semaphore_mem>>, %arg12: memref<10240x32xf32, #tpu.memory_space<vmem_shared>>) attributes {dimension_semantics = [#tpu.dimension_semantics<core_parallel>, #tpu.dimension_semantics<subcore_parallel>], iteration_bounds = array<i64: 2, 16>, scalar_prefetch = 0 : i64, scratch_operands = 7 : i64, tpu.core_type = #tpu.core_type<sc_vector_subcore>, window_params = [{transform_indices = #map}, {transform_indices = #map}, {transform_indices = #map}, {transform_indices = #map1}]} {
    %mul3A = arith.constant 2 : i32
    %mul3A_0 = arith.muli %arg1, %mul3A : i32
    %add3A = arith.addi %mul3A_0, %arg0 : i32
    %eq3A = arith.constant 0 : i32
    %eq3A_1 = arith.cmpi eq, %arg0, %eq3A : i32
    %jit3A = arith.constant 90 : i32
    %jit3A_2 = arith.constant 72 : i32
    %select_n3A = arith.select %eq3A_1, %jit3A, %jit3A_2 : i32
    %mul3A_3 = arith.constant 90 : i32
    %mul3A_4 = arith.muli %arg1, %mul3A_3 : i32
    %mul3A_5 = arith.constant 72 : i32
    %mul3A_6 = arith.muli %arg1, %mul3A_5 : i32
    %add3A_7 = arith.constant 1440 : i32
    %add3A_8 = arith.addi %add3A_7, %mul3A_6 : i32
    %eq3A_9 = arith.constant 0 : i32
    %eq3A_10 = arith.cmpi eq, %arg0, %eq3A_9 : i32
    %convert_element_type3A = arith.extui %eq3A_10 : i1 to i32
    %cond3A = arith.constant 0 : i32
    %cond3A_11 = arith.cmpi ne, %convert_element_type3A, %cond3A : i32
    scf.if %cond3A_11 {
      "tpu.region"() ({
        %run_scoped3A = tpu.sem_alloc : memref<!tpu.dma_semaphore, #tpu.memory_space<semaphore_mem>>
        %dma_start3A_92 = arith.constant 0 : i32
        %dma_start3A_93 = arith.constant 0 : i32
        %dma_start3A_94 = tpu.memref_slice %arg6[%dma_start3A_92, %dma_start3A_93] : memref<90x128xi32, #tpu.memory_space<vmem>> -> memref<90x128xi32, #tpu.memory_space<vmem>>
        %dma_start3A_95 = arith.constant 0 : i32
        %dma_start3A_96 = tpu.memref_slice %arg3[%mul3A_4, %dma_start3A_95] : memref<2592x128xi32, #tpu.memory_space<hbm>> -> memref<90x128xi32, #tpu.memory_space<hbm>>
        %dma_start3A_97 = arith.constant 0 : i32
        %dma_start3A_98 = arith.constant 0 : i32
        %dma_start3A_99 = tpu.memref_slice %arg6[%dma_start3A_97, %dma_start3A_98] : memref<90x128xi32, #tpu.memory_space<vmem>> -> memref<90x128xi32, #tpu.memory_space<vmem>>
        %dma_start3A_100 = arith.constant 0 : i32
        %dma_start3A_101 = tpu.memref_slice %arg3[%mul3A_4, %dma_start3A_100] : memref<2592x128xi32, #tpu.memory_space<hbm>> -> memref<90x128xi32, #tpu.memory_space<hbm>>
        tpu.enqueue_dma source(%dma_start3A_101 : memref<90x128xi32, #tpu.memory_space<hbm>>) target(%dma_start3A_99 : memref<90x128xi32, #tpu.memory_space<vmem>>) target_semaphore(%run_scoped3A : memref<!tpu.dma_semaphore, #tpu.memory_space<semaphore_mem>>)
        %dma_wait3A = arith.constant 0 : i32
        %dma_wait3A_102 = arith.constant 0 : i32
        %dma_wait3A_103 = tpu.memref_slice %arg6[%dma_wait3A, %dma_wait3A_102] : memref<90x128xi32, #tpu.memory_space<vmem>> -> memref<90x128xi32, #tpu.memory_space<vmem>>
        %dma_wait3A_104 = arith.constant 0 : i32
        %dma_wait3A_105 = tpu.memref_slice %arg3[%mul3A_4, %dma_wait3A_104] : memref<2592x128xi32, #tpu.memory_space<hbm>> -> memref<90x128xi32, #tpu.memory_space<hbm>>
        %dma_wait3A_106 = arith.constant 0 : i32
        %dma_wait3A_107 = arith.constant 0 : i32
        %dma_wait3A_108 = tpu.memref_slice %arg6[%dma_wait3A_106, %dma_wait3A_107] : memref<90x128xi32, #tpu.memory_space<vmem>> -> memref<90x128xi32, #tpu.memory_space<vmem>>
        %dma_wait3A_109 = arith.constant 0 : i32
        %dma_wait3A_110 = tpu.memref_slice %arg3[%mul3A_4, %dma_wait3A_109] : memref<2592x128xi32, #tpu.memory_space<hbm>> -> memref<90x128xi32, #tpu.memory_space<hbm>>
        tpu.wait_dma2 semaphore(%run_scoped3A : memref<!tpu.dma_semaphore, #tpu.memory_space<semaphore_mem>>) src(%dma_wait3A_110 : memref<90x128xi32, #tpu.memory_space<hbm>>) dst(%dma_wait3A_108 : memref<90x128xi32, #tpu.memory_space<vmem>>)
        tpu.yield
      }) : () -> ()
    } else {
    }
    %eq3A_12 = arith.constant 1 : i32
    %eq3A_13 = arith.cmpi eq, %arg0, %eq3A_12 : i32
    %convert_element_type3A_14 = arith.extui %eq3A_13 : i1 to i32
    %cond3A_15 = arith.constant 0 : i32
    %cond3A_16 = arith.cmpi ne, %convert_element_type3A_14, %cond3A_15 : i32
    scf.if %cond3A_16 {
      "tpu.region"() ({
        %run_scoped3A = tpu.sem_alloc : memref<!tpu.dma_semaphore, #tpu.memory_space<semaphore_mem>>
        %dma_start3A_92 = arith.constant 0 : i32
        %dma_start3A_93 = arith.constant 0 : i32
        %dma_start3A_94 = tpu.memref_slice %arg6[%dma_start3A_92, %dma_start3A_93] : memref<90x128xi32, #tpu.memory_space<vmem>> -> memref<72x128xi32, #tpu.memory_space<vmem>>
        %dma_start3A_95 = arith.constant 0 : i32
        %dma_start3A_96 = tpu.memref_slice %arg3[%add3A_8, %dma_start3A_95] : memref<2592x128xi32, #tpu.memory_space<hbm>> -> memref<72x128xi32, #tpu.memory_space<hbm>>
        %dma_start3A_97 = arith.constant 0 : i32
        %dma_start3A_98 = arith.constant 0 : i32
        %dma_start3A_99 = tpu.memref_slice %arg6[%dma_start3A_97, %dma_start3A_98] : memref<90x128xi32, #tpu.memory_space<vmem>> -> memref<72x128xi32, #tpu.memory_space<vmem>>
        %dma_start3A_100 = arith.constant 0 : i32
        %dma_start3A_101 = tpu.memref_slice %arg3[%add3A_8, %dma_start3A_100] : memref<2592x128xi32, #tpu.memory_space<hbm>> -> memref<72x128xi32, #tpu.memory_space<hbm>>
        tpu.enqueue_dma source(%dma_start3A_101 : memref<72x128xi32, #tpu.memory_space<hbm>>) target(%dma_start3A_99 : memref<72x128xi32, #tpu.memory_space<vmem>>) target_semaphore(%run_scoped3A : memref<!tpu.dma_semaphore, #tpu.memory_space<semaphore_mem>>)
        %dma_wait3A = arith.constant 0 : i32
        %dma_wait3A_102 = arith.constant 0 : i32
        %dma_wait3A_103 = tpu.memref_slice %arg6[%dma_wait3A, %dma_wait3A_102] : memref<90x128xi32, #tpu.memory_space<vmem>> -> memref<72x128xi32, #tpu.memory_space<vmem>>
        %dma_wait3A_104 = arith.constant 0 : i32
        %dma_wait3A_105 = tpu.memref_slice %arg3[%add3A_8, %dma_wait3A_104] : memref<2592x128xi32, #tpu.memory_space<hbm>> -> memref<72x128xi32, #tpu.memory_space<hbm>>
        %dma_wait3A_106 = arith.constant 0 : i32
        %dma_wait3A_107 = arith.constant 0 : i32
        %dma_wait3A_108 = tpu.memref_slice %arg6[%dma_wait3A_106, %dma_wait3A_107] : memref<90x128xi32, #tpu.memory_space<vmem>> -> memref<72x128xi32, #tpu.memory_space<vmem>>
        %dma_wait3A_109 = arith.constant 0 : i32
        %dma_wait3A_110 = tpu.memref_slice %arg3[%add3A_8, %dma_wait3A_109] : memref<2592x128xi32, #tpu.memory_space<hbm>> -> memref<72x128xi32, #tpu.memory_space<hbm>>
        tpu.wait_dma2 semaphore(%run_scoped3A : memref<!tpu.dma_semaphore, #tpu.memory_space<semaphore_mem>>) src(%dma_wait3A_110 : memref<72x128xi32, #tpu.memory_space<hbm>>) dst(%dma_wait3A_108 : memref<72x128xi32, #tpu.memory_space<vmem>>)
        tpu.yield
      }) : () -> ()
    } else {
    }
    %mul3A_17 = arith.constant 90 : i32
    %mul3A_18 = arith.muli %arg1, %mul3A_17 : i32
    %mul3A_19 = arith.constant 72 : i32
    %mul3A_20 = arith.muli %arg1, %mul3A_19 : i32
    %add3A_21 = arith.constant 1440 : i32
    %add3A_22 = arith.addi %add3A_21, %mul3A_20 : i32
    %eq3A_23 = arith.constant 0 : i32
    %eq3A_24 = arith.cmpi eq, %arg0, %eq3A_23 : i32
    %convert_element_type3A_25 = arith.extui %eq3A_24 : i1 to i32
    %cond3A_26 = arith.constant 0 : i32
    %cond3A_27 = arith.cmpi ne, %convert_element_type3A_25, %cond3A_26 : i32
    scf.if %cond3A_27 {
      "tpu.region"() ({
        %run_scoped3A = tpu.sem_alloc : memref<!tpu.dma_semaphore, #tpu.memory_space<semaphore_mem>>
        %dma_start3A_92 = arith.constant 0 : i32
        %dma_start3A_93 = arith.constant 0 : i32
        %dma_start3A_94 = tpu.memref_slice %arg7[%dma_start3A_92, %dma_start3A_93] : memref<90x128xi32, #tpu.memory_space<vmem>> -> memref<90x128xi32, #tpu.memory_space<vmem>>
        %dma_start3A_95 = arith.constant 0 : i32
        %dma_start3A_96 = tpu.memref_slice %arg4[%mul3A_18, %dma_start3A_95] : memref<2592x128xi32, #tpu.memory_space<hbm>> -> memref<90x128xi32, #tpu.memory_space<hbm>>
        %dma_start3A_97 = arith.constant 0 : i32
        %dma_start3A_98 = arith.constant 0 : i32
        %dma_start3A_99 = tpu.memref_slice %arg7[%dma_start3A_97, %dma_start3A_98] : memref<90x128xi32, #tpu.memory_space<vmem>> -> memref<90x128xi32, #tpu.memory_space<vmem>>
        %dma_start3A_100 = arith.constant 0 : i32
        %dma_start3A_101 = tpu.memref_slice %arg4[%mul3A_18, %dma_start3A_100] : memref<2592x128xi32, #tpu.memory_space<hbm>> -> memref<90x128xi32, #tpu.memory_space<hbm>>
        tpu.enqueue_dma source(%dma_start3A_101 : memref<90x128xi32, #tpu.memory_space<hbm>>) target(%dma_start3A_99 : memref<90x128xi32, #tpu.memory_space<vmem>>) target_semaphore(%run_scoped3A : memref<!tpu.dma_semaphore, #tpu.memory_space<semaphore_mem>>)
        %dma_wait3A = arith.constant 0 : i32
        %dma_wait3A_102 = arith.constant 0 : i32
        %dma_wait3A_103 = tpu.memref_slice %arg7[%dma_wait3A, %dma_wait3A_102] : memref<90x128xi32, #tpu.memory_space<vmem>> -> memref<90x128xi32, #tpu.memory_space<vmem>>
        %dma_wait3A_104 = arith.constant 0 : i32
        %dma_wait3A_105 = tpu.memref_slice %arg4[%mul3A_18, %dma_wait3A_104] : memref<2592x128xi32, #tpu.memory_space<hbm>> -> memref<90x128xi32, #tpu.memory_space<hbm>>
        %dma_wait3A_106 = arith.constant 0 : i32
        %dma_wait3A_107 = arith.constant 0 : i32
        %dma_wait3A_108 = tpu.memref_slice %arg7[%dma_wait3A_106, %dma_wait3A_107] : memref<90x128xi32, #tpu.memory_space<vmem>> -> memref<90x128xi32, #tpu.memory_space<vmem>>
        %dma_wait3A_109 = arith.constant 0 : i32
        %dma_wait3A_110 = tpu.memref_slice %arg4[%mul3A_18, %dma_wait3A_109] : memref<2592x128xi32, #tpu.memory_space<hbm>> -> memref<90x128xi32, #tpu.memory_space<hbm>>
        tpu.wait_dma2 semaphore(%run_scoped3A : memref<!tpu.dma_semaphore, #tpu.memory_space<semaphore_mem>>) src(%dma_wait3A_110 : memref<90x128xi32, #tpu.memory_space<hbm>>) dst(%dma_wait3A_108 : memref<90x128xi32, #tpu.memory_space<vmem>>)
        tpu.yield
      }) : () -> ()
    } else {
    }
    %eq3A_28 = arith.constant 1 : i32
    %eq3A_29 = arith.cmpi eq, %arg0, %eq3A_28 : i32
    %convert_element_type3A_30 = arith.extui %eq3A_29 : i1 to i32
    %cond3A_31 = arith.constant 0 : i32
    %cond3A_32 = arith.cmpi ne, %convert_element_type3A_30, %cond3A_31 : i32
    scf.if %cond3A_32 {
      "tpu.region"() ({
        %run_scoped3A = tpu.sem_alloc : memref<!tpu.dma_semaphore, #tpu.memory_space<semaphore_mem>>
        %dma_start3A_92 = arith.constant 0 : i32
        %dma_start3A_93 = arith.constant 0 : i32
        %dma_start3A_94 = tpu.memref_slice %arg7[%dma_start3A_92, %dma_start3A_93] : memref<90x128xi32, #tpu.memory_space<vmem>> -> memref<72x128xi32, #tpu.memory_space<vmem>>
        %dma_start3A_95 = arith.constant 0 : i32
        %dma_start3A_96 = tpu.memref_slice %arg4[%add3A_22, %dma_start3A_95] : memref<2592x128xi32, #tpu.memory_space<hbm>> -> memref<72x128xi32, #tpu.memory_space<hbm>>
        %dma_start3A_97 = arith.constant 0 : i32
        %dma_start3A_98 = arith.constant 0 : i32
        %dma_start3A_99 = tpu.memref_slice %arg7[%dma_start3A_97, %dma_start3A_98] : memref<90x128xi32, #tpu.memory_space<vmem>> -> memref<72x128xi32, #tpu.memory_space<vmem>>
        %dma_start3A_100 = arith.constant 0 : i32
        %dma_start3A_101 = tpu.memref_slice %arg4[%add3A_22, %dma_start3A_100] : memref<2592x128xi32, #tpu.memory_space<hbm>> -> memref<72x128xi32, #tpu.memory_space<hbm>>
        tpu.enqueue_dma source(%dma_start3A_101 : memref<72x128xi32, #tpu.memory_space<hbm>>) target(%dma_start3A_99 : memref<72x128xi32, #tpu.memory_space<vmem>>) target_semaphore(%run_scoped3A : memref<!tpu.dma_semaphore, #tpu.memory_space<semaphore_mem>>)
        %dma_wait3A = arith.constant 0 : i32
        %dma_wait3A_102 = arith.constant 0 : i32
        %dma_wait3A_103 = tpu.memref_slice %arg7[%dma_wait3A, %dma_wait3A_102] : memref<90x128xi32, #tpu.memory_space<vmem>> -> memref<72x128xi32, #tpu.memory_space<vmem>>
        %dma_wait3A_104 = arith.constant 0 : i32
        %dma_wait3A_105 = tpu.memref_slice %arg4[%add3A_22, %dma_wait3A_104] : memref<2592x128xi32, #tpu.memory_space<hbm>> -> memref<72x128xi32, #tpu.memory_space<hbm>>
        %dma_wait3A_106 = arith.constant 0 : i32
        %dma_wait3A_107 = arith.constant 0 : i32
        %dma_wait3A_108 = tpu.memref_slice %arg7[%dma_wait3A_106, %dma_wait3A_107] : memref<90x128xi32, #tpu.memory_space<vmem>> -> memref<72x128xi32, #tpu.memory_space<vmem>>
        %dma_wait3A_109 = arith.constant 0 : i32
        %dma_wait3A_110 = tpu.memref_slice %arg4[%add3A_22, %dma_wait3A_109] : memref<2592x128xi32, #tpu.memory_space<hbm>> -> memref<72x128xi32, #tpu.memory_space<hbm>>
        tpu.wait_dma2 semaphore(%run_scoped3A : memref<!tpu.dma_semaphore, #tpu.memory_space<semaphore_mem>>) src(%dma_wait3A_110 : memref<72x128xi32, #tpu.memory_space<hbm>>) dst(%dma_wait3A_108 : memref<72x128xi32, #tpu.memory_space<vmem>>)
        tpu.yield
      }) : () -> ()
    } else {
    }
    %broadcast_in_dim3A = arith.constant 0.000000e+00 : f32
    %broadcast_in_dim3A_33 = vector.broadcast %broadcast_in_dim3A : f32 to vector<16xf32>
    %scan3A = arith.constant 0 : i32
    %scan3A_34 = arith.constant 128 : i32
    %scan3A_35 = arith.addi %scan3A, %scan3A_34 : i32
    %scan3A_36 = arith.constant 1 : i32
    scf.for %scan3A_92 = %scan3A to %scan3A_35 step %scan3A_36  : i32 {
      %mul3A_93 = arith.constant 1 : i32
      %mul3A_94 = arith.muli %scan3A_92, %mul3A_93 : i32
      %add3A_95 = arith.constant 0 : i32
      %add3A_96 = arith.addi %add3A_95, %mul3A_94 : i32
      %swap3A = arith.index_cast %add3A_96 : i32 to index
      %swap3A_97 = arith.constant 0 : index
      %swap3A_98 = tpu.vector_load %arg8[%swap3A, %swap3A_97] {strides = array<i32>} : memref<128x32xf32, #tpu.memory_space<vmem>>, vector<16xf32>,
      tpu.vector_store %arg8[%swap3A, %swap3A_97], %broadcast_in_dim3A_33 {strides = array<i32>} : memref<128x32xf32, #tpu.memory_space<vmem>>, vector<16xf32>,
      %swap3A_99 = arith.index_cast %add3A_96 : i32 to index
      %swap3A_100 = arith.constant 16 : index
      %swap3A_101 = tpu.vector_load %arg8[%swap3A_99, %swap3A_100] {strides = array<i32>} : memref<128x32xf32, #tpu.memory_space<vmem>>, vector<16xf32>,
      tpu.vector_store %arg8[%swap3A_99, %swap3A_100], %broadcast_in_dim3A_33 {strides = array<i32>} : memref<128x32xf32, #tpu.memory_space<vmem>>, vector<16xf32>,
    }
    %scan3A_37 = arith.constant 128 : i32
    %mul3A_38 = arith.constant 640 : i32
    %mul3A_39 = arith.muli %arg1, %mul3A_38 : i32
    %add3A_40 = arith.constant 0 : i32
    %add3A_41 = arith.addi %mul3A_39, %add3A_40 : i32
    "tpu.region"() ({
      %run_scoped3A = tpu.sem_alloc : memref<!tpu.dma_semaphore, #tpu.memory_space<semaphore_mem>>
      %dma_start3A_92 = arith.constant 0 : i32
      %dma_start3A_93 = tpu.memref_slice %arg12[%add3A_41, %dma_start3A_92] : memref<10240x32xf32, #tpu.memory_space<vmem_shared>> -> memref<128x32xf32, #tpu.memory_space<vmem_shared>>
      %dma_start3A_94 = arith.constant 0 : i32
      %dma_start3A_95 = tpu.memref_slice %arg12[%add3A_41, %dma_start3A_94] : memref<10240x32xf32, #tpu.memory_space<vmem_shared>> -> memref<128x32xf32, #tpu.memory_space<vmem_shared>>
      tpu.enqueue_dma source(%arg8 : memref<128x32xf32, #tpu.memory_space<vmem>>) target(%dma_start3A_95 : memref<128x32xf32, #tpu.memory_space<vmem_shared>>) target_semaphore(%run_scoped3A : memref<!tpu.dma_semaphore, #tpu.memory_space<semaphore_mem>>)
      %dma_wait3A = arith.constant 0 : i32
      %dma_wait3A_96 = tpu.memref_slice %arg12[%add3A_41, %dma_wait3A] : memref<10240x32xf32, #tpu.memory_space<vmem_shared>> -> memref<128x32xf32, #tpu.memory_space<vmem_shared>>
      %dma_wait3A_97 = arith.constant 0 : i32
      %dma_wait3A_98 = tpu.memref_slice %arg12[%add3A_41, %dma_wait3A_97] : memref<10240x32xf32, #tpu.memory_space<vmem_shared>> -> memref<128x32xf32, #tpu.memory_space<vmem_shared>>
      tpu.wait_dma2 semaphore(%run_scoped3A : memref<!tpu.dma_semaphore, #tpu.memory_space<semaphore_mem>>) src(%arg8 : memref<128x32xf32, #tpu.memory_space<vmem>>) dst(%dma_wait3A_98 : memref<128x32xf32, #tpu.memory_space<vmem_shared>>)
      tpu.yield
    }) : () -> ()
    %mul3A_42 = arith.constant 640 : i32
    %mul3A_43 = arith.muli %arg1, %mul3A_42 : i32
    %add3A_44 = arith.constant 128 : i32
    %add3A_45 = arith.addi %mul3A_43, %add3A_44 : i32
    "tpu.region"() ({
      %run_scoped3A = tpu.sem_alloc : memref<!tpu.dma_semaphore, #tpu.memory_space<semaphore_mem>>
      %dma_start3A_92 = arith.constant 0 : i32
      %dma_start3A_93 = tpu.memref_slice %arg12[%add3A_45, %dma_start3A_92] : memref<10240x32xf32, #tpu.memory_space<vmem_shared>> -> memref<128x32xf32, #tpu.memory_space<vmem_shared>>
      %dma_start3A_94 = arith.constant 0 : i32
      %dma_start3A_95 = tpu.memref_slice %arg12[%add3A_45, %dma_start3A_94] : memref<10240x32xf32, #tpu.memory_space<vmem_shared>> -> memref<128x32xf32, #tpu.memory_space<vmem_shared>>
      tpu.enqueue_dma source(%arg8 : memref<128x32xf32, #tpu.memory_space<vmem>>) target(%dma_start3A_95 : memref<128x32xf32, #tpu.memory_space<vmem_shared>>) target_semaphore(%run_scoped3A : memref<!tpu.dma_semaphore, #tpu.memory_space<semaphore_mem>>)
      %dma_wait3A = arith.constant 0 : i32
      %dma_wait3A_96 = tpu.memref_slice %arg12[%add3A_45, %dma_wait3A] : memref<10240x32xf32, #tpu.memory_space<vmem_shared>> -> memref<128x32xf32, #tpu.memory_space<vmem_shared>>
      %dma_wait3A_97 = arith.constant 0 : i32
      %dma_wait3A_98 = tpu.memref_slice %arg12[%add3A_45, %dma_wait3A_97] : memref<10240x32xf32, #tpu.memory_space<vmem_shared>> -> memref<128x32xf32, #tpu.memory_space<vmem_shared>>
      tpu.wait_dma2 semaphore(%run_scoped3A : memref<!tpu.dma_semaphore, #tpu.memory_space<semaphore_mem>>) src(%arg8 : memref<128x32xf32, #tpu.memory_space<vmem>>) dst(%dma_wait3A_98 : memref<128x32xf32, #tpu.memory_space<vmem_shared>>)
      tpu.yield
    }) : () -> ()
    %mul3A_46 = arith.constant 640 : i32
    %mul3A_47 = arith.muli %arg1, %mul3A_46 : i32
    %add3A_48 = arith.constant 256 : i32
    %add3A_49 = arith.addi %mul3A_47, %add3A_48 : i32
    "tpu.region"() ({
      %run_scoped3A = tpu.sem_alloc : memref<!tpu.dma_semaphore, #tpu.memory_space<semaphore_mem>>
      %dma_start3A_92 = arith.constant 0 : i32
      %dma_start3A_93 = tpu.memref_slice %arg12[%add3A_49, %dma_start3A_92] : memref<10240x32xf32, #tpu.memory_space<vmem_shared>> -> memref<128x32xf32, #tpu.memory_space<vmem_shared>>
      %dma_start3A_94 = arith.constant 0 : i32
      %dma_start3A_95 = tpu.memref_slice %arg12[%add3A_49, %dma_start3A_94] : memref<10240x32xf32, #tpu.memory_space<vmem_shared>> -> memref<128x32xf32, #tpu.memory_space<vmem_shared>>
      tpu.enqueue_dma source(%arg8 : memref<128x32xf32, #tpu.memory_space<vmem>>) target(%dma_start3A_95 : memref<128x32xf32, #tpu.memory_space<vmem_shared>>) target_semaphore(%run_scoped3A : memref<!tpu.dma_semaphore, #tpu.memory_space<semaphore_mem>>)
      %dma_wait3A = arith.constant 0 : i32
      %dma_wait3A_96 = tpu.memref_slice %arg12[%add3A_49, %dma_wait3A] : memref<10240x32xf32, #tpu.memory_space<vmem_shared>> -> memref<128x32xf32, #tpu.memory_space<vmem_shared>>
      %dma_wait3A_97 = arith.constant 0 : i32
      %dma_wait3A_98 = tpu.memref_slice %arg12[%add3A_49, %dma_wait3A_97] : memref<10240x32xf32, #tpu.memory_space<vmem_shared>> -> memref<128x32xf32, #tpu.memory_space<vmem_shared>>
      tpu.wait_dma2 semaphore(%run_scoped3A : memref<!tpu.dma_semaphore, #tpu.memory_space<semaphore_mem>>) src(%arg8 : memref<128x32xf32, #tpu.memory_space<vmem>>) dst(%dma_wait3A_98 : memref<128x32xf32, #tpu.memory_space<vmem_shared>>)
      tpu.yield
    }) : () -> ()
    %mul3A_50 = arith.constant 640 : i32
    %mul3A_51 = arith.muli %arg1, %mul3A_50 : i32
    %add3A_52 = arith.constant 384 : i32
    %add3A_53 = arith.addi %mul3A_51, %add3A_52 : i32
    "tpu.region"() ({
      %run_scoped3A = tpu.sem_alloc : memref<!tpu.dma_semaphore, #tpu.memory_space<semaphore_mem>>
      %dma_start3A_92 = arith.constant 0 : i32
      %dma_start3A_93 = tpu.memref_slice %arg12[%add3A_53, %dma_start3A_92] : memref<10240x32xf32, #tpu.memory_space<vmem_shared>> -> memref<128x32xf32, #tpu.memory_space<vmem_shared>>
      %dma_start3A_94 = arith.constant 0 : i32
      %dma_start3A_95 = tpu.memref_slice %arg12[%add3A_53, %dma_start3A_94] : memref<10240x32xf32, #tpu.memory_space<vmem_shared>> -> memref<128x32xf32, #tpu.memory_space<vmem_shared>>
      tpu.enqueue_dma source(%arg8 : memref<128x32xf32, #tpu.memory_space<vmem>>) target(%dma_start3A_95 : memref<128x32xf32, #tpu.memory_space<vmem_shared>>) target_semaphore(%run_scoped3A : memref<!tpu.dma_semaphore, #tpu.memory_space<semaphore_mem>>)
      %dma_wait3A = arith.constant 0 : i32
      %dma_wait3A_96 = tpu.memref_slice %arg12[%add3A_53, %dma_wait3A] : memref<10240x32xf32, #tpu.memory_space<vmem_shared>> -> memref<128x32xf32, #tpu.memory_space<vmem_shared>>
      %dma_wait3A_97 = arith.constant 0 : i32
      %dma_wait3A_98 = tpu.memref_slice %arg12[%add3A_53, %dma_wait3A_97] : memref<10240x32xf32, #tpu.memory_space<vmem_shared>> -> memref<128x32xf32, #tpu.memory_space<vmem_shared>>
      tpu.wait_dma2 semaphore(%run_scoped3A : memref<!tpu.dma_semaphore, #tpu.memory_space<semaphore_mem>>) src(%arg8 : memref<128x32xf32, #tpu.memory_space<vmem>>) dst(%dma_wait3A_98 : memref<128x32xf32, #tpu.memory_space<vmem_shared>>)
      tpu.yield
    }) : () -> ()
    %mul3A_54 = arith.constant 640 : i32
    %mul3A_55 = arith.muli %arg1, %mul3A_54 : i32
    %add3A_56 = arith.constant 512 : i32
    %add3A_57 = arith.addi %mul3A_55, %add3A_56 : i32
    "tpu.region"() ({
      %run_scoped3A = tpu.sem_alloc : memref<!tpu.dma_semaphore, #tpu.memory_space<semaphore_mem>>
      %dma_start3A_92 = arith.constant 0 : i32
      %dma_start3A_93 = tpu.memref_slice %arg12[%add3A_57, %dma_start3A_92] : memref<10240x32xf32, #tpu.memory_space<vmem_shared>> -> memref<128x32xf32, #tpu.memory_space<vmem_shared>>
      %dma_start3A_94 = arith.constant 0 : i32
      %dma_start3A_95 = tpu.memref_slice %arg12[%add3A_57, %dma_start3A_94] : memref<10240x32xf32, #tpu.memory_space<vmem_shared>> -> memref<128x32xf32, #tpu.memory_space<vmem_shared>>
      tpu.enqueue_dma source(%arg8 : memref<128x32xf32, #tpu.memory_space<vmem>>) target(%dma_start3A_95 : memref<128x32xf32, #tpu.memory_space<vmem_shared>>) target_semaphore(%run_scoped3A : memref<!tpu.dma_semaphore, #tpu.memory_space<semaphore_mem>>)
      %dma_wait3A = arith.constant 0 : i32
      %dma_wait3A_96 = tpu.memref_slice %arg12[%add3A_57, %dma_wait3A] : memref<10240x32xf32, #tpu.memory_space<vmem_shared>> -> memref<128x32xf32, #tpu.memory_space<vmem_shared>>
      %dma_wait3A_97 = arith.constant 0 : i32
      %dma_wait3A_98 = tpu.memref_slice %arg12[%add3A_57, %dma_wait3A_97] : memref<10240x32xf32, #tpu.memory_space<vmem_shared>> -> memref<128x32xf32, #tpu.memory_space<vmem_shared>>
      tpu.wait_dma2 semaphore(%run_scoped3A : memref<!tpu.dma_semaphore, #tpu.memory_space<semaphore_mem>>) src(%arg8 : memref<128x32xf32, #tpu.memory_space<vmem>>) dst(%dma_wait3A_98 : memref<128x32xf32, #tpu.memory_space<vmem_shared>>)
      tpu.yield
    }) : () -> ()
    %barrier3A = arith.constant 0 : index
    tpu.barrier barrier_id(%barrier3A)
    %dma_start3A = arith.constant 0 : i32
    %dma_start3A_58 = arith.constant 0 : i32
    %dma_start3A_59 = tpu.memref_slice %arg6[%dma_start3A, %dma_start3A_58] : memref<90x128xi32, #tpu.memory_space<vmem>> -> memref<1x128xi32, #tpu.memory_space<vmem>>
    %dma_start3A_60 = tpu.memref_squeeze %dma_start3A_59 : memref<1x128xi32, #tpu.memory_space<vmem>> -> memref<128xi32, #tpu.memory_space<vmem>>
    %dma_start3A_61 = arith.constant 0 : i32
    %dma_start3A_62 = arith.constant 0 : i32
    %dma_start3A_63 = tpu.memref_slice %arg2[%dma_start3A_61, %dma_start3A_62] : memref<10240x32xf32, #tpu.memory_space<hbm>> -> memref<10240x32xf32, #tpu.memory_space<hbm>>
    tpu.enqueue_indirect_dma source(%dma_start3A_63 : memref<10240x32xf32, #tpu.memory_space<hbm>>) target(%arg8 : memref<128x32xf32, #tpu.memory_space<vmem>>) offsets(%dma_start3A_60 : memref<128xi32, #tpu.memory_space<vmem>>) semaphore(%arg10 : memref<!tpu.dma_semaphore, #tpu.memory_space<semaphore_mem>>)
    %dma_start3A_64 = arith.constant 1 : i32
    %dma_start3A_65 = arith.constant 0 : i32
    %dma_start3A_66 = tpu.memref_slice %arg6[%dma_start3A_64, %dma_start3A_65] : memref<90x128xi32, #tpu.memory_space<vmem>> -> memref<1x128xi32, #tpu.memory_space<vmem>>
    %dma_start3A_67 = tpu.memref_squeeze %dma_start3A_66 : memref<1x128xi32, #tpu.memory_space<vmem>> -> memref<128xi32, #tpu.memory_space<vmem>>
    %dma_start3A_68 = arith.constant 0 : i32
    %dma_start3A_69 = arith.constant 0 : i32
    %dma_start3A_70 = tpu.memref_slice %arg2[%dma_start3A_68, %dma_start3A_69] : memref<10240x32xf32, #tpu.memory_space<hbm>> -> memref<10240x32xf32, #tpu.memory_space<hbm>>
    tpu.enqueue_indirect_dma source(%dma_start3A_70 : memref<10240x32xf32, #tpu.memory_space<hbm>>) target(%arg9 : memref<128x32xf32, #tpu.memory_space<vmem>>) offsets(%dma_start3A_67 : memref<128xi32, #tpu.memory_space<vmem>>) semaphore(%arg11 : memref<!tpu.dma_semaphore, #tpu.memory_space<semaphore_mem>>)
    %sub3A = arith.constant 0 : i32
    %sub3A_71 = arith.subi %select_n3A, %sub3A : i32
    %sub3A_72 = arith.constant 2 : i32
    %sub3A_73 = arith.constant 1 : i32
    %sub3A_74 = arith.subi %sub3A_72, %sub3A_73 : i32
    %add3A_75 = arith.addi %sub3A_71, %sub3A_74 : i32
    %div3A = arith.constant 2 : i32
    %div3A_76 = arith.divsi %add3A_75, %div3A : i32
    %while3A = arith.constant 2 : i32
    %while3A_77 = arith.constant 0 : i32
    %while3A_78 = arith.constant 0 : i32
    %while3A_79 = arith.subi %div3A_76, %while3A_78 : i32
    %while3A_80 = arith.addi %while3A_78, %while3A_79 : i32
    %while3A_81 = arith.constant 1 : i32
    %while3A_82 = arith.divsi %while3A_79, %while3A_81 : i32
    %while3A_83 = arith.muli %while3A_82, %while3A_81 : i32
    %while3A_84 = arith.addi %while3A_78, %while3A_83 : i32
    %while3A_85 = arith.constant 1 : i32
    scf.for %while3A_92 = %while3A_78 to %while3A_84 step %while3A_85  : i32 {
      %mul3A_93 = arith.muli %while3A_92, %while3A : i32
      %add3A_94 = arith.addi %while3A_77, %mul3A_93 : i32
      %add3A_95 = arith.constant 0 : i32
      %add3A_96 = arith.addi %add3A_94, %add3A_95 : i32
      %dma_wait3A = arith.constant 0 : i32
      %dma_wait3A_97 = tpu.memref_slice %arg6[%add3A_96, %dma_wait3A] : memref<90x128xi32, #tpu.memory_space<vmem>> -> memref<1x128xi32, #tpu.memory_space<vmem>>
      %dma_wait3A_98 = tpu.memref_squeeze %dma_wait3A_97 : memref<1x128xi32, #tpu.memory_space<vmem>> -> memref<128xi32, #tpu.memory_space<vmem>>
      %dma_wait3A_99 = arith.constant 0 : i32
      %dma_wait3A_100 = arith.constant 0 : i32
      %dma_wait3A_101 = tpu.memref_slice %arg2[%dma_wait3A_99, %dma_wait3A_100] : memref<10240x32xf32, #tpu.memory_space<hbm>> -> memref<10240x32xf32, #tpu.memory_space<hbm>>
      tpu.wait_indirect_dma semaphore(%arg10 : memref<!tpu.dma_semaphore, #tpu.memory_space<semaphore_mem>>) src(%dma_wait3A_101 : memref<10240x32xf32, #tpu.memory_space<hbm>>) dst(%arg8 : memref<128x32xf32, #tpu.memory_space<vmem>>)
      "tpu.region"() ({
        %run_scoped3A = tpu.sem_alloc : memref<!tpu.dma_semaphore, #tpu.memory_space<semaphore_mem>>
        %dma_start3A_121 = arith.constant 0 : i32
        %dma_start3A_122 = tpu.memref_slice %arg7[%add3A_96, %dma_start3A_121] : memref<90x128xi32, #tpu.memory_space<vmem>> -> memref<1x128xi32, #tpu.memory_space<vmem>>
        %dma_start3A_123 = tpu.memref_squeeze %dma_start3A_122 : memref<1x128xi32, #tpu.memory_space<vmem>> -> memref<128xi32, #tpu.memory_space<vmem>>
        %dma_start3A_124 = arith.constant 0 : i32
        %dma_start3A_125 = arith.constant 0 : i32
        %dma_start3A_126 = tpu.memref_slice %arg12[%dma_start3A_124, %dma_start3A_125] : memref<10240x32xf32, #tpu.memory_space<vmem_shared>> -> memref<10240x32xf32, #tpu.memory_space<vmem_shared>>
        tpu.enqueue_indirect_dma source(%arg8 : memref<128x32xf32, #tpu.memory_space<vmem>>) target(%dma_start3A_126 : memref<10240x32xf32, #tpu.memory_space<vmem_shared>>) offsets(%dma_start3A_123 : memref<128xi32, #tpu.memory_space<vmem>>) semaphore(%run_scoped3A : memref<!tpu.dma_semaphore, #tpu.memory_space<semaphore_mem>>) {add = true}
        %dma_wait3A_127 = arith.constant 0 : i32
        %dma_wait3A_128 = tpu.memref_slice %arg7[%add3A_96, %dma_wait3A_127] : memref<90x128xi32, #tpu.memory_space<vmem>> -> memref<1x128xi32, #tpu.memory_space<vmem>>
        %dma_wait3A_129 = tpu.memref_squeeze %dma_wait3A_128 : memref<1x128xi32, #tpu.memory_space<vmem>> -> memref<128xi32, #tpu.memory_space<vmem>>
        %dma_wait3A_130 = arith.constant 0 : i32
        %dma_wait3A_131 = arith.constant 0 : i32
        %dma_wait3A_132 = tpu.memref_slice %arg12[%dma_wait3A_130, %dma_wait3A_131] : memref<10240x32xf32, #tpu.memory_space<vmem_shared>> -> memref<10240x32xf32, #tpu.memory_space<vmem_shared>>
        tpu.wait_indirect_dma semaphore(%run_scoped3A : memref<!tpu.dma_semaphore, #tpu.memory_space<semaphore_mem>>) src(%arg8 : memref<128x32xf32, #tpu.memory_space<vmem>>) dst(%dma_wait3A_132 : memref<10240x32xf32, #tpu.memory_space<vmem_shared>>)
        tpu.yield
      }) : () -> ()
      %add3A_102 = arith.constant 2 : i32
      %add3A_103 = arith.addi %add3A_96, %add3A_102 : i32
      %lt3A = arith.cmpi slt, %add3A_103, %select_n3A : i32
      %convert_element_type3A_104 = arith.extui %lt3A : i1 to i32
      %cond3A_105 = arith.constant 0 : i32
      %cond3A_106 = arith.cmpi ne, %convert_element_type3A_104, %cond3A_105 : i32
      scf.if %cond3A_106 {
        %add3A_121 = arith.constant 2 : i32
        %add3A_122 = arith.addi %add3A_96, %add3A_121 : i32
        %dma_start3A_123 = arith.constant 0 : i32
        %dma_start3A_124 = tpu.memref_slice %arg6[%add3A_122, %dma_start3A_123] : memref<90x128xi32, #tpu.memory_space<vmem>> -> memref<1x128xi32, #tpu.memory_space<vmem>>
        %dma_start3A_125 = tpu.memref_squeeze %dma_start3A_124 : memref<1x128xi32, #tpu.memory_space<vmem>> -> memref<128xi32, #tpu.memory_space<vmem>>
        %dma_start3A_126 = arith.constant 0 : i32
        %dma_start3A_127 = arith.constant 0 : i32
        %dma_start3A_128 = tpu.memref_slice %arg2[%dma_start3A_126, %dma_start3A_127] : memref<10240x32xf32, #tpu.memory_space<hbm>> -> memref<10240x32xf32, #tpu.memory_space<hbm>>
        tpu.enqueue_indirect_dma source(%dma_start3A_128 : memref<10240x32xf32, #tpu.memory_space<hbm>>) target(%arg8 : memref<128x32xf32, #tpu.memory_space<vmem>>) offsets(%dma_start3A_125 : memref<128xi32, #tpu.memory_space<vmem>>) semaphore(%arg10 : memref<!tpu.dma_semaphore, #tpu.memory_space<semaphore_mem>>)
      } else {
      }
      %add3A_107 = arith.constant 1 : i32
      %add3A_108 = arith.addi %add3A_94, %add3A_107 : i32
      %dma_wait3A_109 = arith.constant 0 : i32
      %dma_wait3A_110 = tpu.memref_slice %arg6[%add3A_108, %dma_wait3A_109] : memref<90x128xi32, #tpu.memory_space<vmem>> -> memref<1x128xi32, #tpu.memory_space<vmem>>
      %dma_wait3A_111 = tpu.memref_squeeze %dma_wait3A_110 : memref<1x128xi32, #tpu.memory_space<vmem>> -> memref<128xi32, #tpu.memory_space<vmem>>
      %dma_wait3A_112 = arith.constant 0 : i32
      %dma_wait3A_113 = arith.constant 0 : i32
      %dma_wait3A_114 = tpu.memref_slice %arg2[%dma_wait3A_112, %dma_wait3A_113] : memref<10240x32xf32, #tpu.memory_space<hbm>> -> memref<10240x32xf32, #tpu.memory_space<hbm>>
      tpu.wait_indirect_dma semaphore(%arg11 : memref<!tpu.dma_semaphore, #tpu.memory_space<semaphore_mem>>) src(%dma_wait3A_114 : memref<10240x32xf32, #tpu.memory_space<hbm>>) dst(%arg9 : memref<128x32xf32, #tpu.memory_space<vmem>>)
      "tpu.region"() ({
        %run_scoped3A = tpu.sem_alloc : memref<!tpu.dma_semaphore, #tpu.memory_space<semaphore_mem>>
        %dma_start3A_121 = arith.constant 0 : i32
        %dma_start3A_122 = tpu.memref_slice %arg7[%add3A_108, %dma_start3A_121] : memref<90x128xi32, #tpu.memory_space<vmem>> -> memref<1x128xi32, #tpu.memory_space<vmem>>
        %dma_start3A_123 = tpu.memref_squeeze %dma_start3A_122 : memref<1x128xi32, #tpu.memory_space<vmem>> -> memref<128xi32, #tpu.memory_space<vmem>>
        %dma_start3A_124 = arith.constant 0 : i32
        %dma_start3A_125 = arith.constant 0 : i32
        %dma_start3A_126 = tpu.memref_slice %arg12[%dma_start3A_124, %dma_start3A_125] : memref<10240x32xf32, #tpu.memory_space<vmem_shared>> -> memref<10240x32xf32, #tpu.memory_space<vmem_shared>>
        tpu.enqueue_indirect_dma source(%arg9 : memref<128x32xf32, #tpu.memory_space<vmem>>) target(%dma_start3A_126 : memref<10240x32xf32, #tpu.memory_space<vmem_shared>>) offsets(%dma_start3A_123 : memref<128xi32, #tpu.memory_space<vmem>>) semaphore(%run_scoped3A : memref<!tpu.dma_semaphore, #tpu.memory_space<semaphore_mem>>) {add = true}
        %dma_wait3A_127 = arith.constant 0 : i32
        %dma_wait3A_128 = tpu.memref_slice %arg7[%add3A_108, %dma_wait3A_127] : memref<90x128xi32, #tpu.memory_space<vmem>> -> memref<1x128xi32, #tpu.memory_space<vmem>>
        %dma_wait3A_129 = tpu.memref_squeeze %dma_wait3A_128 : memref<1x128xi32, #tpu.memory_space<vmem>> -> memref<128xi32, #tpu.memory_space<vmem>>
        %dma_wait3A_130 = arith.constant 0 : i32
        %dma_wait3A_131 = arith.constant 0 : i32
        %dma_wait3A_132 = tpu.memref_slice %arg12[%dma_wait3A_130, %dma_wait3A_131] : memref<10240x32xf32, #tpu.memory_space<vmem_shared>> -> memref<10240x32xf32, #tpu.memory_space<vmem_shared>>
        tpu.wait_indirect_dma semaphore(%run_scoped3A : memref<!tpu.dma_semaphore, #tpu.memory_space<semaphore_mem>>) src(%arg9 : memref<128x32xf32, #tpu.memory_space<vmem>>) dst(%dma_wait3A_132 : memref<10240x32xf32, #tpu.memory_space<vmem_shared>>)
        tpu.yield
      }) : () -> ()
      %add3A_115 = arith.constant 2 : i32
      %add3A_116 = arith.addi %add3A_108, %add3A_115 : i32
      %lt3A_117 = arith.cmpi slt, %add3A_116, %select_n3A : i32
      %convert_element_type3A_118 = arith.extui %lt3A_117 : i1 to i32
      %cond3A_119 = arith.constant 0 : i32
      %cond3A_120 = arith.cmpi ne, %convert_element_type3A_118, %cond3A_119 : i32
      scf.if %cond3A_120 {
        %add3A_121 = arith.constant 2 : i32
        %add3A_122 = arith.addi %add3A_108, %add3A_121 : i32
        %dma_start3A_123 = arith.constant 0 : i32
        %dma_start3A_124 = tpu.memref_slice %arg6[%add3A_122, %dma_start3A_123] : memref<90x128xi32, #tpu.memory_space<vmem>> -> memref<1x128xi32, #tpu.memory_space<vmem>>
        %dma_start3A_125 = tpu.memref_squeeze %dma_start3A_124 : memref<1x128xi32, #tpu.memory_space<vmem>> -> memref<128xi32, #tpu.memory_space<vmem>>
        %dma_start3A_126 = arith.constant 0 : i32
        %dma_start3A_127 = arith.constant 0 : i32
        %dma_start3A_128 = tpu.memref_slice %arg2[%dma_start3A_126, %dma_start3A_127] : memref<10240x32xf32, #tpu.memory_space<hbm>> -> memref<10240x32xf32, #tpu.memory_space<hbm>>
        tpu.enqueue_indirect_dma source(%dma_start3A_128 : memref<10240x32xf32, #tpu.memory_space<hbm>>) target(%arg9 : memref<128x32xf32, #tpu.memory_space<vmem>>) offsets(%dma_start3A_125 : memref<128xi32, #tpu.memory_space<vmem>>) semaphore(%arg11 : memref<!tpu.dma_semaphore, #tpu.memory_space<semaphore_mem>>)
      } else {
      }
    }
    %while3A_86 = arith.constant 1 : i32
    scf.for %while3A_92 = %while3A_84 to %while3A_80 step %while3A_86  : i32 {
      %mul3A_93 = arith.muli %while3A_92, %while3A : i32
      %add3A_94 = arith.addi %while3A_77, %mul3A_93 : i32
      %add3A_95 = arith.constant 0 : i32
      %add3A_96 = arith.addi %add3A_94, %add3A_95 : i32
      %dma_wait3A = arith.constant 0 : i32
      %dma_wait3A_97 = tpu.memref_slice %arg6[%add3A_96, %dma_wait3A] : memref<90x128xi32, #tpu.memory_space<vmem>> -> memref<1x128xi32, #tpu.memory_space<vmem>>
      %dma_wait3A_98 = tpu.memref_squeeze %dma_wait3A_97 : memref<1x128xi32, #tpu.memory_space<vmem>> -> memref<128xi32, #tpu.memory_space<vmem>>
      %dma_wait3A_99 = arith.constant 0 : i32
      %dma_wait3A_100 = arith.constant 0 : i32
      %dma_wait3A_101 = tpu.memref_slice %arg2[%dma_wait3A_99, %dma_wait3A_100] : memref<10240x32xf32, #tpu.memory_space<hbm>> -> memref<10240x32xf32, #tpu.memory_space<hbm>>
      tpu.wait_indirect_dma semaphore(%arg10 : memref<!tpu.dma_semaphore, #tpu.memory_space<semaphore_mem>>) src(%dma_wait3A_101 : memref<10240x32xf32, #tpu.memory_space<hbm>>) dst(%arg8 : memref<128x32xf32, #tpu.memory_space<vmem>>)
      "tpu.region"() ({
        %run_scoped3A = tpu.sem_alloc : memref<!tpu.dma_semaphore, #tpu.memory_space<semaphore_mem>>
        %dma_start3A_121 = arith.constant 0 : i32
        %dma_start3A_122 = tpu.memref_slice %arg7[%add3A_96, %dma_start3A_121] : memref<90x128xi32, #tpu.memory_space<vmem>> -> memref<1x128xi32, #tpu.memory_space<vmem>>
        %dma_start3A_123 = tpu.memref_squeeze %dma_start3A_122 : memref<1x128xi32, #tpu.memory_space<vmem>> -> memref<128xi32, #tpu.memory_space<vmem>>
        %dma_start3A_124 = arith.constant 0 : i32
        %dma_start3A_125 = arith.constant 0 : i32
        %dma_start3A_126 = tpu.memref_slice %arg12[%dma_start3A_124, %dma_start3A_125] : memref<10240x32xf32, #tpu.memory_space<vmem_shared>> -> memref<10240x32xf32, #tpu.memory_space<vmem_shared>>
        tpu.enqueue_indirect_dma source(%arg8 : memref<128x32xf32, #tpu.memory_space<vmem>>) target(%dma_start3A_126 : memref<10240x32xf32, #tpu.memory_space<vmem_shared>>) offsets(%dma_start3A_123 : memref<128xi32, #tpu.memory_space<vmem>>) semaphore(%run_scoped3A : memref<!tpu.dma_semaphore, #tpu.memory_space<semaphore_mem>>) {add = true}
        %dma_wait3A_127 = arith.constant 0 : i32
        %dma_wait3A_128 = tpu.memref_slice %arg7[%add3A_96, %dma_wait3A_127] : memref<90x128xi32, #tpu.memory_space<vmem>> -> memref<1x128xi32, #tpu.memory_space<vmem>>
        %dma_wait3A_129 = tpu.memref_squeeze %dma_wait3A_128 : memref<1x128xi32, #tpu.memory_space<vmem>> -> memref<128xi32, #tpu.memory_space<vmem>>
        %dma_wait3A_130 = arith.constant 0 : i32
        %dma_wait3A_131 = arith.constant 0 : i32
        %dma_wait3A_132 = tpu.memref_slice %arg12[%dma_wait3A_130, %dma_wait3A_131] : memref<10240x32xf32, #tpu.memory_space<vmem_shared>> -> memref<10240x32xf32, #tpu.memory_space<vmem_shared>>
        tpu.wait_indirect_dma semaphore(%run_scoped3A : memref<!tpu.dma_semaphore, #tpu.memory_space<semaphore_mem>>) src(%arg8 : memref<128x32xf32, #tpu.memory_space<vmem>>) dst(%dma_wait3A_132 : memref<10240x32xf32, #tpu.memory_space<vmem_shared>>)
        tpu.yield
      }) : () -> ()
      %add3A_102 = arith.constant 2 : i32
      %add3A_103 = arith.addi %add3A_96, %add3A_102 : i32
      %lt3A = arith.cmpi slt, %add3A_103, %select_n3A : i32
      %convert_element_type3A_104 = arith.extui %lt3A : i1 to i32
      %cond3A_105 = arith.constant 0 : i32
      %cond3A_106 = arith.cmpi ne, %convert_element_type3A_104, %cond3A_105 : i32
      scf.if %cond3A_106 {
        %add3A_121 = arith.constant 2 : i32
        %add3A_122 = arith.addi %add3A_96, %add3A_121 : i32
        %dma_start3A_123 = arith.constant 0 : i32
        %dma_start3A_124 = tpu.memref_slice %arg6[%add3A_122, %dma_start3A_123] : memref<90x128xi32, #tpu.memory_space<vmem>> -> memref<1x128xi32, #tpu.memory_space<vmem>>
        %dma_start3A_125 = tpu.memref_squeeze %dma_start3A_124 : memref<1x128xi32, #tpu.memory_space<vmem>> -> memref<128xi32, #tpu.memory_space<vmem>>
        %dma_start3A_126 = arith.constant 0 : i32
        %dma_start3A_127 = arith.constant 0 : i32
        %dma_start3A_128 = tpu.memref_slice %arg2[%dma_start3A_126, %dma_start3A_127] : memref<10240x32xf32, #tpu.memory_space<hbm>> -> memref<10240x32xf32, #tpu.memory_space<hbm>>
        tpu.enqueue_indirect_dma source(%dma_start3A_128 : memref<10240x32xf32, #tpu.memory_space<hbm>>) target(%arg8 : memref<128x32xf32, #tpu.memory_space<vmem>>) offsets(%dma_start3A_125 : memref<128xi32, #tpu.memory_space<vmem>>) semaphore(%arg10 : memref<!tpu.dma_semaphore, #tpu.memory_space<semaphore_mem>>)
      } else {
      }
      %add3A_107 = arith.constant 1 : i32
      %add3A_108 = arith.addi %add3A_94, %add3A_107 : i32
      %dma_wait3A_109 = arith.constant 0 : i32
      %dma_wait3A_110 = tpu.memref_slice %arg6[%add3A_108, %dma_wait3A_109] : memref<90x128xi32, #tpu.memory_space<vmem>> -> memref<1x128xi32, #tpu.memory_space<vmem>>
      %dma_wait3A_111 = tpu.memref_squeeze %dma_wait3A_110 : memref<1x128xi32, #tpu.memory_space<vmem>> -> memref<128xi32, #tpu.memory_space<vmem>>
      %dma_wait3A_112 = arith.constant 0 : i32
      %dma_wait3A_113 = arith.constant 0 : i32
      %dma_wait3A_114 = tpu.memref_slice %arg2[%dma_wait3A_112, %dma_wait3A_113] : memref<10240x32xf32, #tpu.memory_space<hbm>> -> memref<10240x32xf32, #tpu.memory_space<hbm>>
      tpu.wait_indirect_dma semaphore(%arg11 : memref<!tpu.dma_semaphore, #tpu.memory_space<semaphore_mem>>) src(%dma_wait3A_114 : memref<10240x32xf32, #tpu.memory_space<hbm>>) dst(%arg9 : memref<128x32xf32, #tpu.memory_space<vmem>>)
      "tpu.region"() ({
        %run_scoped3A = tpu.sem_alloc : memref<!tpu.dma_semaphore, #tpu.memory_space<semaphore_mem>>
        %dma_start3A_121 = arith.constant 0 : i32
        %dma_start3A_122 = tpu.memref_slice %arg7[%add3A_108, %dma_start3A_121] : memref<90x128xi32, #tpu.memory_space<vmem>> -> memref<1x128xi32, #tpu.memory_space<vmem>>
        %dma_start3A_123 = tpu.memref_squeeze %dma_start3A_122 : memref<1x128xi32, #tpu.memory_space<vmem>> -> memref<128xi32, #tpu.memory_space<vmem>>
        %dma_start3A_124 = arith.constant 0 : i32
        %dma_start3A_125 = arith.constant 0 : i32
        %dma_start3A_126 = tpu.memref_slice %arg12[%dma_start3A_124, %dma_start3A_125] : memref<10240x32xf32, #tpu.memory_space<vmem_shared>> -> memref<10240x32xf32, #tpu.memory_space<vmem_shared>>
        tpu.enqueue_indirect_dma source(%arg9 : memref<128x32xf32, #tpu.memory_space<vmem>>) target(%dma_start3A_126 : memref<10240x32xf32, #tpu.memory_space<vmem_shared>>) offsets(%dma_start3A_123 : memref<128xi32, #tpu.memory_space<vmem>>) semaphore(%run_scoped3A : memref<!tpu.dma_semaphore, #tpu.memory_space<semaphore_mem>>) {add = true}
        %dma_wait3A_127 = arith.constant 0 : i32
        %dma_wait3A_128 = tpu.memref_slice %arg7[%add3A_108, %dma_wait3A_127] : memref<90x128xi32, #tpu.memory_space<vmem>> -> memref<1x128xi32, #tpu.memory_space<vmem>>
        %dma_wait3A_129 = tpu.memref_squeeze %dma_wait3A_128 : memref<1x128xi32, #tpu.memory_space<vmem>> -> memref<128xi32, #tpu.memory_space<vmem>>
        %dma_wait3A_130 = arith.constant 0 : i32
        %dma_wait3A_131 = arith.constant 0 : i32
        %dma_wait3A_132 = tpu.memref_slice %arg12[%dma_wait3A_130, %dma_wait3A_131] : memref<10240x32xf32, #tpu.memory_space<vmem_shared>> -> memref<10240x32xf32, #tpu.memory_space<vmem_shared>>
        tpu.wait_indirect_dma semaphore(%run_scoped3A : memref<!tpu.dma_semaphore, #tpu.memory_space<semaphore_mem>>) src(%arg9 : memref<128x32xf32, #tpu.memory_space<vmem>>) dst(%dma_wait3A_132 : memref<10240x32xf32, #tpu.memory_space<vmem_shared>>)
        tpu.yield
      }) : () -> ()
      %add3A_115 = arith.constant 2 : i32
      %add3A_116 = arith.addi %add3A_108, %add3A_115 : i32
      %lt3A_117 = arith.cmpi slt, %add3A_116, %select_n3A : i32
      %convert_element_type3A_118 = arith.extui %lt3A_117 : i1 to i32
      %cond3A_119 = arith.constant 0 : i32
      %cond3A_120 = arith.cmpi ne, %convert_element_type3A_118, %cond3A_119 : i32
      scf.if %cond3A_120 {
        %add3A_121 = arith.constant 2 : i32
        %add3A_122 = arith.addi %add3A_108, %add3A_121 : i32
        %dma_start3A_123 = arith.constant 0 : i32
        %dma_start3A_124 = tpu.memref_slice %arg6[%add3A_122, %dma_start3A_123] : memref<90x128xi32, #tpu.memory_space<vmem>> -> memref<1x128xi32, #tpu.memory_space<vmem>>
        %dma_start3A_125 = tpu.memref_squeeze %dma_start3A_124 : memref<1x128xi32, #tpu.memory_space<vmem>> -> memref<128xi32, #tpu.memory_space<vmem>>
        %dma_start3A_126 = arith.constant 0 : i32
        %dma_start3A_127 = arith.constant 0 : i32
        %dma_start3A_128 = tpu.memref_slice %arg2[%dma_start3A_126, %dma_start3A_127] : memref<10240x32xf32, #tpu.memory_space<hbm>> -> memref<10240x32xf32, #tpu.memory_space<hbm>>
        tpu.enqueue_indirect_dma source(%dma_start3A_128 : memref<10240x32xf32, #tpu.memory_space<hbm>>) target(%arg9 : memref<128x32xf32, #tpu.memory_space<vmem>>) offsets(%dma_start3A_125 : memref<128xi32, #tpu.memory_space<vmem>>) semaphore(%arg11 : memref<!tpu.dma_semaphore, #tpu.memory_space<semaphore_mem>>)
      } else {
      }
    }
    %barrier3A_87 = arith.constant 0 : index
    tpu.barrier barrier_id(%barrier3A_87)
    %mul3A_88 = arith.constant 640 : i32
    %mul3A_89 = arith.muli %arg1, %mul3A_88 : i32
    %mul3A_90 = arith.constant 640 : i32
    %mul3A_91 = arith.muli %arg1, %mul3A_90 : i32
    "tpu.region"() ({
      %run_scoped3A = tpu.sem_alloc : memref<!tpu.dma_semaphore, #tpu.memory_space<semaphore_mem>>
      %dma_start3A_92 = arith.constant 0 : i32
      %dma_start3A_93 = tpu.memref_slice %arg5[%arg0, %mul3A_91, %dma_start3A_92] : memref<2x10240x32xf32, #tpu.memory_space<hbm>> -> memref<1x640x32xf32, #tpu.memory_space<hbm>>
      %dma_start3A_94 = tpu.memref_squeeze %dma_start3A_93 : memref<1x640x32xf32, #tpu.memory_space<hbm>> -> memref<640x32xf32, #tpu.memory_space<hbm>>
      %dma_start3A_95 = arith.constant 0 : i32
      %dma_start3A_96 = tpu.memref_slice %arg12[%mul3A_89, %dma_start3A_95] : memref<10240x32xf32, #tpu.memory_space<vmem_shared>> -> memref<640x32xf32, #tpu.memory_space<vmem_shared>>
      tpu.enqueue_dma source(%dma_start3A_96 : memref<640x32xf32, #tpu.memory_space<vmem_shared>>) target(%dma_start3A_94 : memref<640x32xf32, #tpu.memory_space<hbm>>) target_semaphore(%run_scoped3A : memref<!tpu.dma_semaphore, #tpu.memory_space<semaphore_mem>>)
      %dma_wait3A = arith.constant 0 : i32
      %dma_wait3A_97 = tpu.memref_slice %arg5[%arg0, %mul3A_91, %dma_wait3A] : memref<2x10240x32xf32, #tpu.memory_space<hbm>> -> memref<1x640x32xf32, #tpu.memory_space<hbm>>
      %dma_wait3A_98 = tpu.memref_squeeze %dma_wait3A_97 : memref<1x640x32xf32, #tpu.memory_space<hbm>> -> memref<640x32xf32, #tpu.memory_space<hbm>>
      %dma_wait3A_99 = arith.constant 0 : i32
      %dma_wait3A_100 = tpu.memref_slice %arg12[%mul3A_89, %dma_wait3A_99] : memref<10240x32xf32, #tpu.memory_space<vmem_shared>> -> memref<640x32xf32, #tpu.memory_space<vmem_shared>>
      tpu.wait_dma2 semaphore(%run_scoped3A : memref<!tpu.dma_semaphore, #tpu.memory_space<semaphore_mem>>) src(%dma_wait3A_100 : memref<640x32xf32, #tpu.memory_space<vmem_shared>>) dst(%dma_wait3A_98 : memref<640x32xf32, #tpu.memory_space<hbm>>)
      tpu.yield
    }) : () -> ()
    return
  }
}

#map = affine_map<(d0, d1) -> (0, 0)>
#map1 = affine_map<(d0, d1) -> (0, 0, 0)>
module attributes {stable_mosaic.version = 14 : i64} {
  func.func @wrapped(%arg0: i32, %arg1: i32, %arg2: memref<10240x32xf32, #tpu.memory_space<hbm>>, %arg3: memref<2592x128xi32, #tpu.memory_space<hbm>>, %arg4: memref<2592x128xi32, #tpu.memory_space<hbm>>, %arg5: memref<2x10240x32xf32, #tpu.memory_space<hbm>>, %arg6: memref<90x128xi32, #tpu.memory_space<vmem>>, %arg7: memref<90x128xi32, #tpu.memory_space<vmem>>, %arg8: memref<128x32xf32, #tpu.memory_space<vmem>>, %arg9: memref<128x32xf32, #tpu.memory_space<vmem>>, %arg10: memref<!tpu.dma_semaphore, #tpu.memory_space<semaphore_mem>>, %arg11: memref<!tpu.dma_semaphore, #tpu.memory_space<semaphore_mem>>, %arg12: memref<10240x32xf32, #tpu.memory_space<vmem_shared>>) attributes {dimension_semantics = [#tpu.dimension_semantics<core_parallel>, #tpu.dimension_semantics<subcore_parallel>], iteration_bounds = array<i64: 2, 16>, scalar_prefetch = 0 : i64, scratch_operands = 7 : i64, tpu.core_type = #tpu.core_type<sc_vector_subcore>, window_params = [{transform_indices = #map}, {transform_indices = #map}, {transform_indices = #map}, {transform_indices = #map1}]} {
    %mul3A = arith.constant 2 : i32
    %mul3A_0 = arith.muli %arg1, %mul3A : i32
    %add3A = arith.addi %mul3A_0, %arg0 : i32
    %eq3A = arith.constant 0 : i32
    %eq3A_1 = arith.cmpi eq, %arg0, %eq3A : i32
    %jit3A = arith.constant 90 : i32
    %jit3A_2 = arith.constant 72 : i32
    %select_n3A = arith.select %eq3A_1, %jit3A, %jit3A_2 : i32
    %mul3A_3 = arith.constant 90 : i32
    %mul3A_4 = arith.muli %arg1, %mul3A_3 : i32
    %mul3A_5 = arith.constant 72 : i32
    %mul3A_6 = arith.muli %arg1, %mul3A_5 : i32
    %add3A_7 = arith.constant 1440 : i32
    %add3A_8 = arith.addi %add3A_7, %mul3A_6 : i32
    %eq3A_9 = arith.constant 0 : i32
    %eq3A_10 = arith.cmpi eq, %arg0, %eq3A_9 : i32
    %convert_element_type3A = arith.extui %eq3A_10 : i1 to i32
    %cond3A = arith.constant 0 : i32
    %cond3A_11 = arith.cmpi ne, %convert_element_type3A, %cond3A : i32
    scf.if %cond3A_11 {
      "tpu.region"() ({
        %run_scoped3A = tpu.sem_alloc : memref<!tpu.dma_semaphore, #tpu.memory_space<semaphore_mem>>
        %dma_start3A_92 = arith.constant 0 : i32
        %dma_start3A_93 = arith.constant 0 : i32
        %dma_start3A_94 = tpu.memref_slice %arg6[%dma_start3A_92, %dma_start3A_93] : memref<90x128xi32, #tpu.memory_space<vmem>> -> memref<90x128xi32, #tpu.memory_space<vmem>>
        %dma_start3A_95 = arith.constant 0 : i32
        %dma_start3A_96 = tpu.memref_slice %arg3[%mul3A_4, %dma_start3A_95] : memref<2592x128xi32, #tpu.memory_space<hbm>> -> memref<90x128xi32, #tpu.memory_space<hbm>>
        %dma_start3A_97 = arith.constant 0 : i32
        %dma_start3A_98 = arith.constant 0 : i32
        %dma_start3A_99 = tpu.memref_slice %arg6[%dma_start3A_97, %dma_start3A_98] : memref<90x128xi32, #tpu.memory_space<vmem>> -> memref<90x128xi32, #tpu.memory_space<vmem>>
        %dma_start3A_100 = arith.constant 0 : i32
        %dma_start3A_101 = tpu.memref_slice %arg3[%mul3A_4, %dma_start3A_100] : memref<2592x128xi32, #tpu.memory_space<hbm>> -> memref<90x128xi32, #tpu.memory_space<hbm>>
        tpu.enqueue_dma source(%dma_start3A_101 : memref<90x128xi32, #tpu.memory_space<hbm>>) target(%dma_start3A_99 : memref<90x128xi32, #tpu.memory_space<vmem>>) target_semaphore(%run_scoped3A : memref<!tpu.dma_semaphore, #tpu.memory_space<semaphore_mem>>)
        %dma_wait3A = arith.constant 0 : i32
        %dma_wait3A_102 = arith.constant 0 : i32
        %dma_wait3A_103 = tpu.memref_slice %arg6[%dma_wait3A, %dma_wait3A_102] : memref<90x128xi32, #tpu.memory_space<vmem>> -> memref<90x128xi32, #tpu.memory_space<vmem>>
        %dma_wait3A_104 = arith.constant 0 : i32
        %dma_wait3A_105 = tpu.memref_slice %arg3[%mul3A_4, %dma_wait3A_104] : memref<2592x128xi32, #tpu.memory_space<hbm>> -> memref<90x128xi32, #tpu.memory_space<hbm>>
        %dma_wait3A_106 = arith.constant 0 : i32
        %dma_wait3A_107 = arith.constant 0 : i32
        %dma_wait3A_108 = tpu.memref_slice %arg6[%dma_wait3A_106, %dma_wait3A_107] : memref<90x128xi32, #tpu.memory_space<vmem>> -> memref<90x128xi32, #tpu.memory_space<vmem>>
        %dma_wait3A_109 = arith.constant 0 : i32
        %dma_wait3A_110 = tpu.memref_slice %arg3[%mul3A_4, %dma_wait3A_109] : memref<2592x128xi32, #tpu.memory_space<hbm>> -> memref<90x128xi32, #tpu.memory_space<hbm>>
        tpu.wait_dma2 semaphore(%run_scoped3A : memref<!tpu.dma_semaphore, #tpu.memory_space<semaphore_mem>>) src(%dma_wait3A_110 : memref<90x128xi32, #tpu.memory_space<hbm>>) dst(%dma_wait3A_108 : memref<90x128xi32, #tpu.memory_space<vmem>>)
        tpu.yield
      }) : () -> ()
    } else {
    }
    %eq3A_12 = arith.constant 1 : i32
    %eq3A_13 = arith.cmpi eq, %arg0, %eq3A_12 : i32
    %convert_element_type3A_14 = arith.extui %eq3A_13 : i1 to i32
    %cond3A_15 = arith.constant 0 : i32
    %cond3A_16 = arith.cmpi ne, %convert_element_type3A_14, %cond3A_15 : i32
    scf.if %cond3A_16 {
      "tpu.region"() ({
        %run_scoped3A = tpu.sem_alloc : memref<!tpu.dma_semaphore, #tpu.memory_space<semaphore_mem>>
        %dma_start3A_92 = arith.constant 0 : i32
        %dma_start3A_93 = arith.constant 0 : i32
        %dma_start3A_94 = tpu.memref_slice %arg6[%dma_start3A_92, %dma_start3A_93] : memref<90x128xi32, #tpu.memory_space<vmem>> -> memref<72x128xi32, #tpu.memory_space<vmem>>
        %dma_start3A_95 = arith.constant 0 : i32
        %dma_start3A_96 = tpu.memref_slice %arg3[%add3A_8, %dma_start3A_95] : memref<2592x128xi32, #tpu.memory_space<hbm>> -> memref<72x128xi32, #tpu.memory_space<hbm>>
        %dma_start3A_97 = arith.constant 0 : i32
        %dma_start3A_98 = arith.constant 0 : i32
        %dma_start3A_99 = tpu.memref_slice %arg6[%dma_start3A_97, %dma_start3A_98] : memref<90x128xi32, #tpu.memory_space<vmem>> -> memref<72x128xi32, #tpu.memory_space<vmem>>
        %dma_start3A_100 = arith.constant 0 : i32
        %dma_start3A_101 = tpu.memref_slice %arg3[%add3A_8, %dma_start3A_100] : memref<2592x128xi32, #tpu.memory_space<hbm>> -> memref<72x128xi32, #tpu.memory_space<hbm>>
        tpu.enqueue_dma source(%dma_start3A_101 : memref<72x128xi32, #tpu.memory_space<hbm>>) target(%dma_start3A_99 : memref<72x128xi32, #tpu.memory_space<vmem>>) target_semaphore(%run_scoped3A : memref<!tpu.dma_semaphore, #tpu.memory_space<semaphore_mem>>)
        %dma_wait3A = arith.constant 0 : i32
        %dma_wait3A_102 = arith.constant 0 : i32
        %dma_wait3A_103 = tpu.memref_slice %arg6[%dma_wait3A, %dma_wait3A_102] : memref<90x128xi32, #tpu.memory_space<vmem>> -> memref<72x128xi32, #tpu.memory_space<vmem>>
        %dma_wait3A_104 = arith.constant 0 : i32
        %dma_wait3A_105 = tpu.memref_slice %arg3[%add3A_8, %dma_wait3A_104] : memref<2592x128xi32, #tpu.memory_space<hbm>> -> memref<72x128xi32, #tpu.memory_space<hbm>>
        %dma_wait3A_106 = arith.constant 0 : i32
        %dma_wait3A_107 = arith.constant 0 : i32
        %dma_wait3A_108 = tpu.memref_slice %arg6[%dma_wait3A_106, %dma_wait3A_107] : memref<90x128xi32, #tpu.memory_space<vmem>> -> memref<72x128xi32, #tpu.memory_space<vmem>>
        %dma_wait3A_109 = arith.constant 0 : i32
        %dma_wait3A_110 = tpu.memref_slice %arg3[%add3A_8, %dma_wait3A_109] : memref<2592x128xi32, #tpu.memory_space<hbm>> -> memref<72x128xi32, #tpu.memory_space<hbm>>
        tpu.wait_dma2 semaphore(%run_scoped3A : memref<!tpu.dma_semaphore, #tpu.memory_space<semaphore_mem>>) src(%dma_wait3A_110 : memref<72x128xi32, #tpu.memory_space<hbm>>) dst(%dma_wait3A_108 : memref<72x128xi32, #tpu.memory_space<vmem>>)
        tpu.yield
      }) : () -> ()
    } else {
    }
    %mul3A_17 = arith.constant 90 : i32
    %mul3A_18 = arith.muli %arg1, %mul3A_17 : i32
    %mul3A_19 = arith.constant 72 : i32
    %mul3A_20 = arith.muli %arg1, %mul3A_19 : i32
    %add3A_21 = arith.constant 1440 : i32
    %add3A_22 = arith.addi %add3A_21, %mul3A_20 : i32
    %eq3A_23 = arith.constant 0 : i32
    %eq3A_24 = arith.cmpi eq, %arg0, %eq3A_23 : i32
    %convert_element_type3A_25 = arith.extui %eq3A_24 : i1 to i32
    %cond3A_26 = arith.constant 0 : i32
    %cond3A_27 = arith.cmpi ne, %convert_element_type3A_25, %cond3A_26 : i32
    scf.if %cond3A_27 {
      "tpu.region"() ({
        %run_scoped3A = tpu.sem_alloc : memref<!tpu.dma_semaphore, #tpu.memory_space<semaphore_mem>>
        %dma_start3A_92 = arith.constant 0 : i32
        %dma_start3A_93 = arith.constant 0 : i32
        %dma_start3A_94 = tpu.memref_slice %arg7[%dma_start3A_92, %dma_start3A_93] : memref<90x128xi32, #tpu.memory_space<vmem>> -> memref<90x128xi32, #tpu.memory_space<vmem>>
        %dma_start3A_95 = arith.constant 0 : i32
        %dma_start3A_96 = tpu.memref_slice %arg4[%mul3A_18, %dma_start3A_95] : memref<2592x128xi32, #tpu.memory_space<hbm>> -> memref<90x128xi32, #tpu.memory_space<hbm>>
        %dma_start3A_97 = arith.constant 0 : i32
        %dma_start3A_98 = arith.constant 0 : i32
        %dma_start3A_99 = tpu.memref_slice %arg7[%dma_start3A_97, %dma_start3A_98] : memref<90x128xi32, #tpu.memory_space<vmem>> -> memref<90x128xi32, #tpu.memory_space<vmem>>
        %dma_start3A_100 = arith.constant 0 : i32
        %dma_start3A_101 = tpu.memref_slice %arg4[%mul3A_18, %dma_start3A_100] : memref<2592x128xi32, #tpu.memory_space<hbm>> -> memref<90x128xi32, #tpu.memory_space<hbm>>
        tpu.enqueue_dma source(%dma_start3A_101 : memref<90x128xi32, #tpu.memory_space<hbm>>) target(%dma_start3A_99 : memref<90x128xi32, #tpu.memory_space<vmem>>) target_semaphore(%run_scoped3A : memref<!tpu.dma_semaphore, #tpu.memory_space<semaphore_mem>>)
        %dma_wait3A = arith.constant 0 : i32
        %dma_wait3A_102 = arith.constant 0 : i32
        %dma_wait3A_103 = tpu.memref_slice %arg7[%dma_wait3A, %dma_wait3A_102] : memref<90x128xi32, #tpu.memory_space<vmem>> -> memref<90x128xi32, #tpu.memory_space<vmem>>
        %dma_wait3A_104 = arith.constant 0 : i32
        %dma_wait3A_105 = tpu.memref_slice %arg4[%mul3A_18, %dma_wait3A_104] : memref<2592x128xi32, #tpu.memory_space<hbm>> -> memref<90x128xi32, #tpu.memory_space<hbm>>
        %dma_wait3A_106 = arith.constant 0 : i32
        %dma_wait3A_107 = arith.constant 0 : i32
        %dma_wait3A_108 = tpu.memref_slice %arg7[%dma_wait3A_106, %dma_wait3A_107] : memref<90x128xi32, #tpu.memory_space<vmem>> -> memref<90x128xi32, #tpu.memory_space<vmem>>
        %dma_wait3A_109 = arith.constant 0 : i32
        %dma_wait3A_110 = tpu.memref_slice %arg4[%mul3A_18, %dma_wait3A_109] : memref<2592x128xi32, #tpu.memory_space<hbm>> -> memref<90x128xi32, #tpu.memory_space<hbm>>
        tpu.wait_dma2 semaphore(%run_scoped3A : memref<!tpu.dma_semaphore, #tpu.memory_space<semaphore_mem>>) src(%dma_wait3A_110 : memref<90x128xi32, #tpu.memory_space<hbm>>) dst(%dma_wait3A_108 : memref<90x128xi32, #tpu.memory_space<vmem>>)
        tpu.yield
      }) : () -> ()
    } else {
    }
    %eq3A_28 = arith.constant 1 : i32
    %eq3A_29 = arith.cmpi eq, %arg0, %eq3A_28 : i32
    %convert_element_type3A_30 = arith.extui %eq3A_29 : i1 to i32
    %cond3A_31 = arith.constant 0 : i32
    %cond3A_32 = arith.cmpi ne, %convert_element_type3A_30, %cond3A_31 : i32
    scf.if %cond3A_32 {
      "tpu.region"() ({
        %run_scoped3A = tpu.sem_alloc : memref<!tpu.dma_semaphore, #tpu.memory_space<semaphore_mem>>
        %dma_start3A_92 = arith.constant 0 : i32
        %dma_start3A_93 = arith.constant 0 : i32
        %dma_start3A_94 = tpu.memref_slice %arg7[%dma_start3A_92, %dma_start3A_93] : memref<90x128xi32, #tpu.memory_space<vmem>> -> memref<72x128xi32, #tpu.memory_space<vmem>>
        %dma_start3A_95 = arith.constant 0 : i32
        %dma_start3A_96 = tpu.memref_slice %arg4[%add3A_22, %dma_start3A_95] : memref<2592x128xi32, #tpu.memory_space<hbm>> -> memref<72x128xi32, #tpu.memory_space<hbm>>
        %dma_start3A_97 = arith.constant 0 : i32
        %dma_start3A_98 = arith.constant 0 : i32
        %dma_start3A_99 = tpu.memref_slice %arg7[%dma_start3A_97, %dma_start3A_98] : memref<90x128xi32, #tpu.memory_space<vmem>> -> memref<72x128xi32, #tpu.memory_space<vmem>>
        %dma_start3A_100 = arith.constant 0 : i32
        %dma_start3A_101 = tpu.memref_slice %arg4[%add3A_22, %dma_start3A_100] : memref<2592x128xi32, #tpu.memory_space<hbm>> -> memref<72x128xi32, #tpu.memory_space<hbm>>
        tpu.enqueue_dma source(%dma_start3A_101 : memref<72x128xi32, #tpu.memory_space<hbm>>) target(%dma_start3A_99 : memref<72x128xi32, #tpu.memory_space<vmem>>) target_semaphore(%run_scoped3A : memref<!tpu.dma_semaphore, #tpu.memory_space<semaphore_mem>>)
        %dma_wait3A = arith.constant 0 : i32
        %dma_wait3A_102 = arith.constant 0 : i32
        %dma_wait3A_103 = tpu.memref_slice %arg7[%dma_wait3A, %dma_wait3A_102] : memref<90x128xi32, #tpu.memory_space<vmem>> -> memref<72x128xi32, #tpu.memory_space<vmem>>
        %dma_wait3A_104 = arith.constant 0 : i32
        %dma_wait3A_105 = tpu.memref_slice %arg4[%add3A_22, %dma_wait3A_104] : memref<2592x128xi32, #tpu.memory_space<hbm>> -> memref<72x128xi32, #tpu.memory_space<hbm>>
        %dma_wait3A_106 = arith.constant 0 : i32
        %dma_wait3A_107 = arith.constant 0 : i32
        %dma_wait3A_108 = tpu.memref_slice %arg7[%dma_wait3A_106, %dma_wait3A_107] : memref<90x128xi32, #tpu.memory_space<vmem>> -> memref<72x128xi32, #tpu.memory_space<vmem>>
        %dma_wait3A_109 = arith.constant 0 : i32
        %dma_wait3A_110 = tpu.memref_slice %arg4[%add3A_22, %dma_wait3A_109] : memref<2592x128xi32, #tpu.memory_space<hbm>> -> memref<72x128xi32, #tpu.memory_space<hbm>>
        tpu.wait_dma2 semaphore(%run_scoped3A : memref<!tpu.dma_semaphore, #tpu.memory_space<semaphore_mem>>) src(%dma_wait3A_110 : memref<72x128xi32, #tpu.memory_space<hbm>>) dst(%dma_wait3A_108 : memref<72x128xi32, #tpu.memory_space<vmem>>)
        tpu.yield
      }) : () -> ()
    } else {
    }
    %broadcast_in_dim3A = arith.constant 0.000000e+00 : f32
    %broadcast_in_dim3A_33 = vector.broadcast %broadcast_in_dim3A : f32 to vector<16xf32>
    %scan3A = arith.constant 0 : i32
    %scan3A_34 = arith.constant 128 : i32
    %scan3A_35 = arith.addi %scan3A, %scan3A_34 : i32
    %scan3A_36 = arith.constant 1 : i32
    scf.for %scan3A_92 = %scan3A to %scan3A_35 step %scan3A_36  : i32 {
      %mul3A_93 = arith.constant 1 : i32
      %mul3A_94 = arith.muli %scan3A_92, %mul3A_93 : i32
      %add3A_95 = arith.constant 0 : i32
      %add3A_96 = arith.addi %add3A_95, %mul3A_94 : i32
      %swap3A = arith.index_cast %add3A_96 : i32 to index
      %swap3A_97 = arith.constant 0 : index
      %swap3A_98 = tpu.vector_load %arg8[%swap3A, %swap3A_97] {strides = array<i32>} : memref<128x32xf32, #tpu.memory_space<vmem>>, vector<16xf32>,
      tpu.vector_store %arg8[%swap3A, %swap3A_97], %broadcast_in_dim3A_33 {strides = array<i32>} : memref<128x32xf32, #tpu.memory_space<vmem>>, vector<16xf32>,
      %swap3A_99 = arith.index_cast %add3A_96 : i32 to index
      %swap3A_100 = arith.constant 16 : index
      %swap3A_101 = tpu.vector_load %arg8[%swap3A_99, %swap3A_100] {strides = array<i32>} : memref<128x32xf32, #tpu.memory_space<vmem>>, vector<16xf32>,
      tpu.vector_store %arg8[%swap3A_99, %swap3A_100], %broadcast_in_dim3A_33 {strides = array<i32>} : memref<128x32xf32, #tpu.memory_space<vmem>>, vector<16xf32>,
    }
    %scan3A_37 = arith.constant 128 : i32
    %mul3A_38 = arith.constant 640 : i32
    %mul3A_39 = arith.muli %arg1, %mul3A_38 : i32
    %add3A_40 = arith.constant 0 : i32
    %add3A_41 = arith.addi %mul3A_39, %add3A_40 : i32
    "tpu.region"() ({
      %run_scoped3A = tpu.sem_alloc : memref<!tpu.dma_semaphore, #tpu.memory_space<semaphore_mem>>
      %dma_start3A_92 = arith.constant 0 : i32
      %dma_start3A_93 = tpu.memref_slice %arg12[%add3A_41, %dma_start3A_92] : memref<10240x32xf32, #tpu.memory_space<vmem_shared>> -> memref<128x32xf32, #tpu.memory_space<vmem_shared>>
      %dma_start3A_94 = arith.constant 0 : i32
      %dma_start3A_95 = tpu.memref_slice %arg12[%add3A_41, %dma_start3A_94] : memref<10240x32xf32, #tpu.memory_space<vmem_shared>> -> memref<128x32xf32, #tpu.memory_space<vmem_shared>>
      tpu.enqueue_dma source(%arg8 : memref<128x32xf32, #tpu.memory_space<vmem>>) target(%dma_start3A_95 : memref<128x32xf32, #tpu.memory_space<vmem_shared>>) target_semaphore(%run_scoped3A : memref<!tpu.dma_semaphore, #tpu.memory_space<semaphore_mem>>)
      %dma_wait3A = arith.constant 0 : i32
      %dma_wait3A_96 = tpu.memref_slice %arg12[%add3A_41, %dma_wait3A] : memref<10240x32xf32, #tpu.memory_space<vmem_shared>> -> memref<128x32xf32, #tpu.memory_space<vmem_shared>>
      %dma_wait3A_97 = arith.constant 0 : i32
      %dma_wait3A_98 = tpu.memref_slice %arg12[%add3A_41, %dma_wait3A_97] : memref<10240x32xf32, #tpu.memory_space<vmem_shared>> -> memref<128x32xf32, #tpu.memory_space<vmem_shared>>
      tpu.wait_dma2 semaphore(%run_scoped3A : memref<!tpu.dma_semaphore, #tpu.memory_space<semaphore_mem>>) src(%arg8 : memref<128x32xf32, #tpu.memory_space<vmem>>) dst(%dma_wait3A_98 : memref<128x32xf32, #tpu.memory_space<vmem_shared>>)
      tpu.yield
    }) : () -> ()
    %mul3A_42 = arith.constant 640 : i32
    %mul3A_43 = arith.muli %arg1, %mul3A_42 : i32
    %add3A_44 = arith.constant 128 : i32
    %add3A_45 = arith.addi %mul3A_43, %add3A_44 : i32
    "tpu.region"() ({
      %run_scoped3A = tpu.sem_alloc : memref<!tpu.dma_semaphore, #tpu.memory_space<semaphore_mem>>
      %dma_start3A_92 = arith.constant 0 : i32
      %dma_start3A_93 = tpu.memref_slice %arg12[%add3A_45, %dma_start3A_92] : memref<10240x32xf32, #tpu.memory_space<vmem_shared>> -> memref<128x32xf32, #tpu.memory_space<vmem_shared>>
      %dma_start3A_94 = arith.constant 0 : i32
      %dma_start3A_95 = tpu.memref_slice %arg12[%add3A_45, %dma_start3A_94] : memref<10240x32xf32, #tpu.memory_space<vmem_shared>> -> memref<128x32xf32, #tpu.memory_space<vmem_shared>>
      tpu.enqueue_dma source(%arg8 : memref<128x32xf32, #tpu.memory_space<vmem>>) target(%dma_start3A_95 : memref<128x32xf32, #tpu.memory_space<vmem_shared>>) target_semaphore(%run_scoped3A : memref<!tpu.dma_semaphore, #tpu.memory_space<semaphore_mem>>)
      %dma_wait3A = arith.constant 0 : i32
      %dma_wait3A_96 = tpu.memref_slice %arg12[%add3A_45, %dma_wait3A] : memref<10240x32xf32, #tpu.memory_space<vmem_shared>> -> memref<128x32xf32, #tpu.memory_space<vmem_shared>>
      %dma_wait3A_97 = arith.constant 0 : i32
      %dma_wait3A_98 = tpu.memref_slice %arg12[%add3A_45, %dma_wait3A_97] : memref<10240x32xf32, #tpu.memory_space<vmem_shared>> -> memref<128x32xf32, #tpu.memory_space<vmem_shared>>
      tpu.wait_dma2 semaphore(%run_scoped3A : memref<!tpu.dma_semaphore, #tpu.memory_space<semaphore_mem>>) src(%arg8 : memref<128x32xf32, #tpu.memory_space<vmem>>) dst(%dma_wait3A_98 : memref<128x32xf32, #tpu.memory_space<vmem_shared>>)
      tpu.yield
    }) : () -> ()
    %mul3A_46 = arith.constant 640 : i32
    %mul3A_47 = arith.muli %arg1, %mul3A_46 : i32
    %add3A_48 = arith.constant 256 : i32
    %add3A_49 = arith.addi %mul3A_47, %add3A_48 : i32
    "tpu.region"() ({
      %run_scoped3A = tpu.sem_alloc : memref<!tpu.dma_semaphore, #tpu.memory_space<semaphore_mem>>
      %dma_start3A_92 = arith.constant 0 : i32
      %dma_start3A_93 = tpu.memref_slice %arg12[%add3A_49, %dma_start3A_92] : memref<10240x32xf32, #tpu.memory_space<vmem_shared>> -> memref<128x32xf32, #tpu.memory_space<vmem_shared>>
      %dma_start3A_94 = arith.constant 0 : i32
      %dma_start3A_95 = tpu.memref_slice %arg12[%add3A_49, %dma_start3A_94] : memref<10240x32xf32, #tpu.memory_space<vmem_shared>> -> memref<128x32xf32, #tpu.memory_space<vmem_shared>>
      tpu.enqueue_dma source(%arg8 : memref<128x32xf32, #tpu.memory_space<vmem>>) target(%dma_start3A_95 : memref<128x32xf32, #tpu.memory_space<vmem_shared>>) target_semaphore(%run_scoped3A : memref<!tpu.dma_semaphore, #tpu.memory_space<semaphore_mem>>)
      %dma_wait3A = arith.constant 0 : i32
      %dma_wait3A_96 = tpu.memref_slice %arg12[%add3A_49, %dma_wait3A] : memref<10240x32xf32, #tpu.memory_space<vmem_shared>> -> memref<128x32xf32, #tpu.memory_space<vmem_shared>>
      %dma_wait3A_97 = arith.constant 0 : i32
      %dma_wait3A_98 = tpu.memref_slice %arg12[%add3A_49, %dma_wait3A_97] : memref<10240x32xf32, #tpu.memory_space<vmem_shared>> -> memref<128x32xf32, #tpu.memory_space<vmem_shared>>
      tpu.wait_dma2 semaphore(%run_scoped3A : memref<!tpu.dma_semaphore, #tpu.memory_space<semaphore_mem>>) src(%arg8 : memref<128x32xf32, #tpu.memory_space<vmem>>) dst(%dma_wait3A_98 : memref<128x32xf32, #tpu.memory_space<vmem_shared>>)
      tpu.yield
    }) : () -> ()
    %mul3A_50 = arith.constant 640 : i32
    %mul3A_51 = arith.muli %arg1, %mul3A_50 : i32
    %add3A_52 = arith.constant 384 : i32
    %add3A_53 = arith.addi %mul3A_51, %add3A_52 : i32
    "tpu.region"() ({
      %run_scoped3A = tpu.sem_alloc : memref<!tpu.dma_semaphore, #tpu.memory_space<semaphore_mem>>
      %dma_start3A_92 = arith.constant 0 : i32
      %dma_start3A_93 = tpu.memref_slice %arg12[%add3A_53, %dma_start3A_92] : memref<10240x32xf32, #tpu.memory_space<vmem_shared>> -> memref<128x32xf32, #tpu.memory_space<vmem_shared>>
      %dma_start3A_94 = arith.constant 0 : i32
      %dma_start3A_95 = tpu.memref_slice %arg12[%add3A_53, %dma_start3A_94] : memref<10240x32xf32, #tpu.memory_space<vmem_shared>> -> memref<128x32xf32, #tpu.memory_space<vmem_shared>>
      tpu.enqueue_dma source(%arg8 : memref<128x32xf32, #tpu.memory_space<vmem>>) target(%dma_start3A_95 : memref<128x32xf32, #tpu.memory_space<vmem_shared>>) target_semaphore(%run_scoped3A : memref<!tpu.dma_semaphore, #tpu.memory_space<semaphore_mem>>)
      %dma_wait3A = arith.constant 0 : i32
      %dma_wait3A_96 = tpu.memref_slice %arg12[%add3A_53, %dma_wait3A] : memref<10240x32xf32, #tpu.memory_space<vmem_shared>> -> memref<128x32xf32, #tpu.memory_space<vmem_shared>>
      %dma_wait3A_97 = arith.constant 0 : i32
      %dma_wait3A_98 = tpu.memref_slice %arg12[%add3A_53, %dma_wait3A_97] : memref<10240x32xf32, #tpu.memory_space<vmem_shared>> -> memref<128x32xf32, #tpu.memory_space<vmem_shared>>
      tpu.wait_dma2 semaphore(%run_scoped3A : memref<!tpu.dma_semaphore, #tpu.memory_space<semaphore_mem>>) src(%arg8 : memref<128x32xf32, #tpu.memory_space<vmem>>) dst(%dma_wait3A_98 : memref<128x32xf32, #tpu.memory_space<vmem_shared>>)
      tpu.yield
    }) : () -> ()
    %mul3A_54 = arith.constant 640 : i32
    %mul3A_55 = arith.muli %arg1, %mul3A_54 : i32
    %add3A_56 = arith.constant 512 : i32
    %add3A_57 = arith.addi %mul3A_55, %add3A_56 : i32
    "tpu.region"() ({
      %run_scoped3A = tpu.sem_alloc : memref<!tpu.dma_semaphore, #tpu.memory_space<semaphore_mem>>
      %dma_start3A_92 = arith.constant 0 : i32
      %dma_start3A_93 = tpu.memref_slice %arg12[%add3A_57, %dma_start3A_92] : memref<10240x32xf32, #tpu.memory_space<vmem_shared>> -> memref<128x32xf32, #tpu.memory_space<vmem_shared>>
      %dma_start3A_94 = arith.constant 0 : i32
      %dma_start3A_95 = tpu.memref_slice %arg12[%add3A_57, %dma_start3A_94] : memref<10240x32xf32, #tpu.memory_space<vmem_shared>> -> memref<128x32xf32, #tpu.memory_space<vmem_shared>>
      tpu.enqueue_dma source(%arg8 : memref<128x32xf32, #tpu.memory_space<vmem>>) target(%dma_start3A_95 : memref<128x32xf32, #tpu.memory_space<vmem_shared>>) target_semaphore(%run_scoped3A : memref<!tpu.dma_semaphore, #tpu.memory_space<semaphore_mem>>)
      %dma_wait3A = arith.constant 0 : i32
      %dma_wait3A_96 = tpu.memref_slice %arg12[%add3A_57, %dma_wait3A] : memref<10240x32xf32, #tpu.memory_space<vmem_shared>> -> memref<128x32xf32, #tpu.memory_space<vmem_shared>>
      %dma_wait3A_97 = arith.constant 0 : i32
      %dma_wait3A_98 = tpu.memref_slice %arg12[%add3A_57, %dma_wait3A_97] : memref<10240x32xf32, #tpu.memory_space<vmem_shared>> -> memref<128x32xf32, #tpu.memory_space<vmem_shared>>
      tpu.wait_dma2 semaphore(%run_scoped3A : memref<!tpu.dma_semaphore, #tpu.memory_space<semaphore_mem>>) src(%arg8 : memref<128x32xf32, #tpu.memory_space<vmem>>) dst(%dma_wait3A_98 : memref<128x32xf32, #tpu.memory_space<vmem_shared>>)
      tpu.yield
    }) : () -> ()
    %barrier3A = arith.constant 0 : index
    tpu.barrier barrier_id(%barrier3A)
    %dma_start3A = arith.constant 0 : i32
    %dma_start3A_58 = arith.constant 0 : i32
    %dma_start3A_59 = tpu.memref_slice %arg6[%dma_start3A, %dma_start3A_58] : memref<90x128xi32, #tpu.memory_space<vmem>> -> memref<1x128xi32, #tpu.memory_space<vmem>>
    %dma_start3A_60 = tpu.memref_squeeze %dma_start3A_59 : memref<1x128xi32, #tpu.memory_space<vmem>> -> memref<128xi32, #tpu.memory_space<vmem>>
    %dma_start3A_61 = arith.constant 0 : i32
    %dma_start3A_62 = arith.constant 0 : i32
    %dma_start3A_63 = tpu.memref_slice %arg2[%dma_start3A_61, %dma_start3A_62] : memref<10240x32xf32, #tpu.memory_space<hbm>> -> memref<10240x32xf32, #tpu.memory_space<hbm>>
    tpu.enqueue_indirect_dma source(%dma_start3A_63 : memref<10240x32xf32, #tpu.memory_space<hbm>>) target(%arg8 : memref<128x32xf32, #tpu.memory_space<vmem>>) offsets(%dma_start3A_60 : memref<128xi32, #tpu.memory_space<vmem>>) semaphore(%arg10 : memref<!tpu.dma_semaphore, #tpu.memory_space<semaphore_mem>>)
    %dma_start3A_64 = arith.constant 1 : i32
    %dma_start3A_65 = arith.constant 0 : i32
    %dma_start3A_66 = tpu.memref_slice %arg6[%dma_start3A_64, %dma_start3A_65] : memref<90x128xi32, #tpu.memory_space<vmem>> -> memref<1x128xi32, #tpu.memory_space<vmem>>
    %dma_start3A_67 = tpu.memref_squeeze %dma_start3A_66 : memref<1x128xi32, #tpu.memory_space<vmem>> -> memref<128xi32, #tpu.memory_space<vmem>>
    %dma_start3A_68 = arith.constant 0 : i32
    %dma_start3A_69 = arith.constant 0 : i32
    %dma_start3A_70 = tpu.memref_slice %arg2[%dma_start3A_68, %dma_start3A_69] : memref<10240x32xf32, #tpu.memory_space<hbm>> -> memref<10240x32xf32, #tpu.memory_space<hbm>>
    tpu.enqueue_indirect_dma source(%dma_start3A_70 : memref<10240x32xf32, #tpu.memory_space<hbm>>) target(%arg9 : memref<128x32xf32, #tpu.memory_space<vmem>>) offsets(%dma_start3A_67 : memref<128xi32, #tpu.memory_space<vmem>>) semaphore(%arg11 : memref<!tpu.dma_semaphore, #tpu.memory_space<semaphore_mem>>)
    %sub3A = arith.constant 0 : i32
    %sub3A_71 = arith.subi %select_n3A, %sub3A : i32
    %sub3A_72 = arith.constant 2 : i32
    %sub3A_73 = arith.constant 1 : i32
    %sub3A_74 = arith.subi %sub3A_72, %sub3A_73 : i32
    %add3A_75 = arith.addi %sub3A_71, %sub3A_74 : i32
    %div3A = arith.constant 2 : i32
    %div3A_76 = arith.divsi %add3A_75, %div3A : i32
    %while3A = arith.constant 2 : i32
    %while3A_77 = arith.constant 0 : i32
    %while3A_78 = arith.constant 0 : i32
    %while3A_79 = arith.subi %div3A_76, %while3A_78 : i32
    %while3A_80 = arith.addi %while3A_78, %while3A_79 : i32
    %while3A_81 = arith.constant 1 : i32
    %while3A_82 = arith.divsi %while3A_79, %while3A_81 : i32
    %while3A_83 = arith.muli %while3A_82, %while3A_81 : i32
    %while3A_84 = arith.addi %while3A_78, %while3A_83 : i32
    %while3A_85 = arith.constant 1 : i32
    scf.for %while3A_92 = %while3A_78 to %while3A_84 step %while3A_85  : i32 {
      %mul3A_93 = arith.muli %while3A_92, %while3A : i32
      %add3A_94 = arith.addi %while3A_77, %mul3A_93 : i32
      %add3A_95 = arith.constant 0 : i32
      %add3A_96 = arith.addi %add3A_94, %add3A_95 : i32
      %dma_wait3A = arith.constant 0 : i32
      %dma_wait3A_97 = tpu.memref_slice %arg6[%add3A_96, %dma_wait3A] : memref<90x128xi32, #tpu.memory_space<vmem>> -> memref<1x128xi32, #tpu.memory_space<vmem>>
      %dma_wait3A_98 = tpu.memref_squeeze %dma_wait3A_97 : memref<1x128xi32, #tpu.memory_space<vmem>> -> memref<128xi32, #tpu.memory_space<vmem>>
      %dma_wait3A_99 = arith.constant 0 : i32
      %dma_wait3A_100 = arith.constant 0 : i32
      %dma_wait3A_101 = tpu.memref_slice %arg2[%dma_wait3A_99, %dma_wait3A_100] : memref<10240x32xf32, #tpu.memory_space<hbm>> -> memref<10240x32xf32, #tpu.memory_space<hbm>>
      tpu.wait_indirect_dma semaphore(%arg10 : memref<!tpu.dma_semaphore, #tpu.memory_space<semaphore_mem>>) src(%dma_wait3A_101 : memref<10240x32xf32, #tpu.memory_space<hbm>>) dst(%arg8 : memref<128x32xf32, #tpu.memory_space<vmem>>)
      "tpu.region"() ({
        %run_scoped3A = tpu.sem_alloc : memref<!tpu.dma_semaphore, #tpu.memory_space<semaphore_mem>>
        %dma_start3A_121 = arith.constant 0 : i32
        %dma_start3A_122 = tpu.memref_slice %arg7[%add3A_96, %dma_start3A_121] : memref<90x128xi32, #tpu.memory_space<vmem>> -> memref<1x128xi32, #tpu.memory_space<vmem>>
        %dma_start3A_123 = tpu.memref_squeeze %dma_start3A_122 : memref<1x128xi32, #tpu.memory_space<vmem>> -> memref<128xi32, #tpu.memory_space<vmem>>
        %dma_start3A_124 = arith.constant 0 : i32
        %dma_start3A_125 = arith.constant 0 : i32
        %dma_start3A_126 = tpu.memref_slice %arg12[%dma_start3A_124, %dma_start3A_125] : memref<10240x32xf32, #tpu.memory_space<vmem_shared>> -> memref<10240x32xf32, #tpu.memory_space<vmem_shared>>
        tpu.enqueue_indirect_dma source(%arg8 : memref<128x32xf32, #tpu.memory_space<vmem>>) target(%dma_start3A_126 : memref<10240x32xf32, #tpu.memory_space<vmem_shared>>) offsets(%dma_start3A_123 : memref<128xi32, #tpu.memory_space<vmem>>) semaphore(%run_scoped3A : memref<!tpu.dma_semaphore, #tpu.memory_space<semaphore_mem>>) {add = true}
        %dma_wait3A_127 = arith.constant 0 : i32
        %dma_wait3A_128 = tpu.memref_slice %arg7[%add3A_96, %dma_wait3A_127] : memref<90x128xi32, #tpu.memory_space<vmem>> -> memref<1x128xi32, #tpu.memory_space<vmem>>
        %dma_wait3A_129 = tpu.memref_squeeze %dma_wait3A_128 : memref<1x128xi32, #tpu.memory_space<vmem>> -> memref<128xi32, #tpu.memory_space<vmem>>
        %dma_wait3A_130 = arith.constant 0 : i32
        %dma_wait3A_131 = arith.constant 0 : i32
        %dma_wait3A_132 = tpu.memref_slice %arg12[%dma_wait3A_130, %dma_wait3A_131] : memref<10240x32xf32, #tpu.memory_space<vmem_shared>> -> memref<10240x32xf32, #tpu.memory_space<vmem_shared>>
        tpu.wait_indirect_dma semaphore(%run_scoped3A : memref<!tpu.dma_semaphore, #tpu.memory_space<semaphore_mem>>) src(%arg8 : memref<128x32xf32, #tpu.memory_space<vmem>>) dst(%dma_wait3A_132 : memref<10240x32xf32, #tpu.memory_space<vmem_shared>>)
        tpu.yield
      }) : () -> ()
      %add3A_102 = arith.constant 2 : i32
      %add3A_103 = arith.addi %add3A_96, %add3A_102 : i32
      %lt3A = arith.cmpi slt, %add3A_103, %select_n3A : i32
      %convert_element_type3A_104 = arith.extui %lt3A : i1 to i32
      %cond3A_105 = arith.constant 0 : i32
      %cond3A_106 = arith.cmpi ne, %convert_element_type3A_104, %cond3A_105 : i32
      scf.if %cond3A_106 {
        %add3A_121 = arith.constant 2 : i32
        %add3A_122 = arith.addi %add3A_96, %add3A_121 : i32
        %dma_start3A_123 = arith.constant 0 : i32
        %dma_start3A_124 = tpu.memref_slice %arg6[%add3A_122, %dma_start3A_123] : memref<90x128xi32, #tpu.memory_space<vmem>> -> memref<1x128xi32, #tpu.memory_space<vmem>>
        %dma_start3A_125 = tpu.memref_squeeze %dma_start3A_124 : memref<1x128xi32, #tpu.memory_space<vmem>> -> memref<128xi32, #tpu.memory_space<vmem>>
        %dma_start3A_126 = arith.constant 0 : i32
        %dma_start3A_127 = arith.constant 0 : i32
        %dma_start3A_128 = tpu.memref_slice %arg2[%dma_start3A_126, %dma_start3A_127] : memref<10240x32xf32, #tpu.memory_space<hbm>> -> memref<10240x32xf32, #tpu.memory_space<hbm>>
        tpu.enqueue_indirect_dma source(%dma_start3A_128 : memref<10240x32xf32, #tpu.memory_space<hbm>>) target(%arg8 : memref<128x32xf32, #tpu.memory_space<vmem>>) offsets(%dma_start3A_125 : memref<128xi32, #tpu.memory_space<vmem>>) semaphore(%arg10 : memref<!tpu.dma_semaphore, #tpu.memory_space<semaphore_mem>>)
      } else {
      }
      %add3A_107 = arith.constant 1 : i32
      %add3A_108 = arith.addi %add3A_94, %add3A_107 : i32
      %dma_wait3A_109 = arith.constant 0 : i32
      %dma_wait3A_110 = tpu.memref_slice %arg6[%add3A_108, %dma_wait3A_109] : memref<90x128xi32, #tpu.memory_space<vmem>> -> memref<1x128xi32, #tpu.memory_space<vmem>>
      %dma_wait3A_111 = tpu.memref_squeeze %dma_wait3A_110 : memref<1x128xi32, #tpu.memory_space<vmem>> -> memref<128xi32, #tpu.memory_space<vmem>>
      %dma_wait3A_112 = arith.constant 0 : i32
      %dma_wait3A_113 = arith.constant 0 : i32
      %dma_wait3A_114 = tpu.memref_slice %arg2[%dma_wait3A_112, %dma_wait3A_113] : memref<10240x32xf32, #tpu.memory_space<hbm>> -> memref<10240x32xf32, #tpu.memory_space<hbm>>
      tpu.wait_indirect_dma semaphore(%arg11 : memref<!tpu.dma_semaphore, #tpu.memory_space<semaphore_mem>>) src(%dma_wait3A_114 : memref<10240x32xf32, #tpu.memory_space<hbm>>) dst(%arg9 : memref<128x32xf32, #tpu.memory_space<vmem>>)
      "tpu.region"() ({
        %run_scoped3A = tpu.sem_alloc : memref<!tpu.dma_semaphore, #tpu.memory_space<semaphore_mem>>
        %dma_start3A_121 = arith.constant 0 : i32
        %dma_start3A_122 = tpu.memref_slice %arg7[%add3A_108, %dma_start3A_121] : memref<90x128xi32, #tpu.memory_space<vmem>> -> memref<1x128xi32, #tpu.memory_space<vmem>>
        %dma_start3A_123 = tpu.memref_squeeze %dma_start3A_122 : memref<1x128xi32, #tpu.memory_space<vmem>> -> memref<128xi32, #tpu.memory_space<vmem>>
        %dma_start3A_124 = arith.constant 0 : i32
        %dma_start3A_125 = arith.constant 0 : i32
        %dma_start3A_126 = tpu.memref_slice %arg12[%dma_start3A_124, %dma_start3A_125] : memref<10240x32xf32, #tpu.memory_space<vmem_shared>> -> memref<10240x32xf32, #tpu.memory_space<vmem_shared>>
        tpu.enqueue_indirect_dma source(%arg9 : memref<128x32xf32, #tpu.memory_space<vmem>>) target(%dma_start3A_126 : memref<10240x32xf32, #tpu.memory_space<vmem_shared>>) offsets(%dma_start3A_123 : memref<128xi32, #tpu.memory_space<vmem>>) semaphore(%run_scoped3A : memref<!tpu.dma_semaphore, #tpu.memory_space<semaphore_mem>>) {add = true}
        %dma_wait3A_127 = arith.constant 0 : i32
        %dma_wait3A_128 = tpu.memref_slice %arg7[%add3A_108, %dma_wait3A_127] : memref<90x128xi32, #tpu.memory_space<vmem>> -> memref<1x128xi32, #tpu.memory_space<vmem>>
        %dma_wait3A_129 = tpu.memref_squeeze %dma_wait3A_128 : memref<1x128xi32, #tpu.memory_space<vmem>> -> memref<128xi32, #tpu.memory_space<vmem>>
        %dma_wait3A_130 = arith.constant 0 : i32
        %dma_wait3A_131 = arith.constant 0 : i32
        %dma_wait3A_132 = tpu.memref_slice %arg12[%dma_wait3A_130, %dma_wait3A_131] : memref<10240x32xf32, #tpu.memory_space<vmem_shared>> -> memref<10240x32xf32, #tpu.memory_space<vmem_shared>>
        tpu.wait_indirect_dma semaphore(%run_scoped3A : memref<!tpu.dma_semaphore, #tpu.memory_space<semaphore_mem>>) src(%arg9 : memref<128x32xf32, #tpu.memory_space<vmem>>) dst(%dma_wait3A_132 : memref<10240x32xf32, #tpu.memory_space<vmem_shared>>)
        tpu.yield
      }) : () -> ()
      %add3A_115 = arith.constant 2 : i32
      %add3A_116 = arith.addi %add3A_108, %add3A_115 : i32
      %lt3A_117 = arith.cmpi slt, %add3A_116, %select_n3A : i32
      %convert_element_type3A_118 = arith.extui %lt3A_117 : i1 to i32
      %cond3A_119 = arith.constant 0 : i32
      %cond3A_120 = arith.cmpi ne, %convert_element_type3A_118, %cond3A_119 : i32
      scf.if %cond3A_120 {
        %add3A_121 = arith.constant 2 : i32
        %add3A_122 = arith.addi %add3A_108, %add3A_121 : i32
        %dma_start3A_123 = arith.constant 0 : i32
        %dma_start3A_124 = tpu.memref_slice %arg6[%add3A_122, %dma_start3A_123] : memref<90x128xi32, #tpu.memory_space<vmem>> -> memref<1x128xi32, #tpu.memory_space<vmem>>
        %dma_start3A_125 = tpu.memref_squeeze %dma_start3A_124 : memref<1x128xi32, #tpu.memory_space<vmem>> -> memref<128xi32, #tpu.memory_space<vmem>>
        %dma_start3A_126 = arith.constant 0 : i32
        %dma_start3A_127 = arith.constant 0 : i32
        %dma_start3A_128 = tpu.memref_slice %arg2[%dma_start3A_126, %dma_start3A_127] : memref<10240x32xf32, #tpu.memory_space<hbm>> -> memref<10240x32xf32, #tpu.memory_space<hbm>>
        tpu.enqueue_indirect_dma source(%dma_start3A_128 : memref<10240x32xf32, #tpu.memory_space<hbm>>) target(%arg9 : memref<128x32xf32, #tpu.memory_space<vmem>>) offsets(%dma_start3A_125 : memref<128xi32, #tpu.memory_space<vmem>>) semaphore(%arg11 : memref<!tpu.dma_semaphore, #tpu.memory_space<semaphore_mem>>)
      } else {
      }
    }
    %while3A_86 = arith.constant 1 : i32
    scf.for %while3A_92 = %while3A_84 to %while3A_80 step %while3A_86  : i32 {
      %mul3A_93 = arith.muli %while3A_92, %while3A : i32
      %add3A_94 = arith.addi %while3A_77, %mul3A_93 : i32
      %add3A_95 = arith.constant 0 : i32
      %add3A_96 = arith.addi %add3A_94, %add3A_95 : i32
      %dma_wait3A = arith.constant 0 : i32
      %dma_wait3A_97 = tpu.memref_slice %arg6[%add3A_96, %dma_wait3A] : memref<90x128xi32, #tpu.memory_space<vmem>> -> memref<1x128xi32, #tpu.memory_space<vmem>>
      %dma_wait3A_98 = tpu.memref_squeeze %dma_wait3A_97 : memref<1x128xi32, #tpu.memory_space<vmem>> -> memref<128xi32, #tpu.memory_space<vmem>>
      %dma_wait3A_99 = arith.constant 0 : i32
      %dma_wait3A_100 = arith.constant 0 : i32
      %dma_wait3A_101 = tpu.memref_slice %arg2[%dma_wait3A_99, %dma_wait3A_100] : memref<10240x32xf32, #tpu.memory_space<hbm>> -> memref<10240x32xf32, #tpu.memory_space<hbm>>
      tpu.wait_indirect_dma semaphore(%arg10 : memref<!tpu.dma_semaphore, #tpu.memory_space<semaphore_mem>>) src(%dma_wait3A_101 : memref<10240x32xf32, #tpu.memory_space<hbm>>) dst(%arg8 : memref<128x32xf32, #tpu.memory_space<vmem>>)
      "tpu.region"() ({
        %run_scoped3A = tpu.sem_alloc : memref<!tpu.dma_semaphore, #tpu.memory_space<semaphore_mem>>
        %dma_start3A_121 = arith.constant 0 : i32
        %dma_start3A_122 = tpu.memref_slice %arg7[%add3A_96, %dma_start3A_121] : memref<90x128xi32, #tpu.memory_space<vmem>> -> memref<1x128xi32, #tpu.memory_space<vmem>>
        %dma_start3A_123 = tpu.memref_squeeze %dma_start3A_122 : memref<1x128xi32, #tpu.memory_space<vmem>> -> memref<128xi32, #tpu.memory_space<vmem>>
        %dma_start3A_124 = arith.constant 0 : i32
        %dma_start3A_125 = arith.constant 0 : i32
        %dma_start3A_126 = tpu.memref_slice %arg12[%dma_start3A_124, %dma_start3A_125] : memref<10240x32xf32, #tpu.memory_space<vmem_shared>> -> memref<10240x32xf32, #tpu.memory_space<vmem_shared>>
        tpu.enqueue_indirect_dma source(%arg8 : memref<128x32xf32, #tpu.memory_space<vmem>>) target(%dma_start3A_126 : memref<10240x32xf32, #tpu.memory_space<vmem_shared>>) offsets(%dma_start3A_123 : memref<128xi32, #tpu.memory_space<vmem>>) semaphore(%run_scoped3A : memref<!tpu.dma_semaphore, #tpu.memory_space<semaphore_mem>>) {add = true}
        %dma_wait3A_127 = arith.constant 0 : i32
        %dma_wait3A_128 = tpu.memref_slice %arg7[%add3A_96, %dma_wait3A_127] : memref<90x128xi32, #tpu.memory_space<vmem>> -> memref<1x128xi32, #tpu.memory_space<vmem>>
        %dma_wait3A_129 = tpu.memref_squeeze %dma_wait3A_128 : memref<1x128xi32, #tpu.memory_space<vmem>> -> memref<128xi32, #tpu.memory_space<vmem>>
        %dma_wait3A_130 = arith.constant 0 : i32
        %dma_wait3A_131 = arith.constant 0 : i32
        %dma_wait3A_132 = tpu.memref_slice %arg12[%dma_wait3A_130, %dma_wait3A_131] : memref<10240x32xf32, #tpu.memory_space<vmem_shared>> -> memref<10240x32xf32, #tpu.memory_space<vmem_shared>>
        tpu.wait_indirect_dma semaphore(%run_scoped3A : memref<!tpu.dma_semaphore, #tpu.memory_space<semaphore_mem>>) src(%arg8 : memref<128x32xf32, #tpu.memory_space<vmem>>) dst(%dma_wait3A_132 : memref<10240x32xf32, #tpu.memory_space<vmem_shared>>)
        tpu.yield
      }) : () -> ()
      %add3A_102 = arith.constant 2 : i32
      %add3A_103 = arith.addi %add3A_96, %add3A_102 : i32
      %lt3A = arith.cmpi slt, %add3A_103, %select_n3A : i32
      %convert_element_type3A_104 = arith.extui %lt3A : i1 to i32
      %cond3A_105 = arith.constant 0 : i32
      %cond3A_106 = arith.cmpi ne, %convert_element_type3A_104, %cond3A_105 : i32
      scf.if %cond3A_106 {
        %add3A_121 = arith.constant 2 : i32
        %add3A_122 = arith.addi %add3A_96, %add3A_121 : i32
        %dma_start3A_123 = arith.constant 0 : i32
        %dma_start3A_124 = tpu.memref_slice %arg6[%add3A_122, %dma_start3A_123] : memref<90x128xi32, #tpu.memory_space<vmem>> -> memref<1x128xi32, #tpu.memory_space<vmem>>
        %dma_start3A_125 = tpu.memref_squeeze %dma_start3A_124 : memref<1x128xi32, #tpu.memory_space<vmem>> -> memref<128xi32, #tpu.memory_space<vmem>>
        %dma_start3A_126 = arith.constant 0 : i32
        %dma_start3A_127 = arith.constant 0 : i32
        %dma_start3A_128 = tpu.memref_slice %arg2[%dma_start3A_126, %dma_start3A_127] : memref<10240x32xf32, #tpu.memory_space<hbm>> -> memref<10240x32xf32, #tpu.memory_space<hbm>>
        tpu.enqueue_indirect_dma source(%dma_start3A_128 : memref<10240x32xf32, #tpu.memory_space<hbm>>) target(%arg8 : memref<128x32xf32, #tpu.memory_space<vmem>>) offsets(%dma_start3A_125 : memref<128xi32, #tpu.memory_space<vmem>>) semaphore(%arg10 : memref<!tpu.dma_semaphore, #tpu.memory_space<semaphore_mem>>)
      } else {
      }
      %add3A_107 = arith.constant 1 : i32
      %add3A_108 = arith.addi %add3A_94, %add3A_107 : i32
      %dma_wait3A_109 = arith.constant 0 : i32
      %dma_wait3A_110 = tpu.memref_slice %arg6[%add3A_108, %dma_wait3A_109] : memref<90x128xi32, #tpu.memory_space<vmem>> -> memref<1x128xi32, #tpu.memory_space<vmem>>
      %dma_wait3A_111 = tpu.memref_squeeze %dma_wait3A_110 : memref<1x128xi32, #tpu.memory_space<vmem>> -> memref<128xi32, #tpu.memory_space<vmem>>
      %dma_wait3A_112 = arith.constant 0 : i32
      %dma_wait3A_113 = arith.constant 0 : i32
      %dma_wait3A_114 = tpu.memref_slice %arg2[%dma_wait3A_112, %dma_wait3A_113] : memref<10240x32xf32, #tpu.memory_space<hbm>> -> memref<10240x32xf32, #tpu.memory_space<hbm>>
      tpu.wait_indirect_dma semaphore(%arg11 : memref<!tpu.dma_semaphore, #tpu.memory_space<semaphore_mem>>) src(%dma_wait3A_114 : memref<10240x32xf32, #tpu.memory_space<hbm>>) dst(%arg9 : memref<128x32xf32, #tpu.memory_space<vmem>>)
      "tpu.region"() ({
        %run_scoped3A = tpu.sem_alloc : memref<!tpu.dma_semaphore, #tpu.memory_space<semaphore_mem>>
        %dma_start3A_121 = arith.constant 0 : i32
        %dma_start3A_122 = tpu.memref_slice %arg7[%add3A_108, %dma_start3A_121] : memref<90x128xi32, #tpu.memory_space<vmem>> -> memref<1x128xi32, #tpu.memory_space<vmem>>
        %dma_start3A_123 = tpu.memref_squeeze %dma_start3A_122 : memref<1x128xi32, #tpu.memory_space<vmem>> -> memref<128xi32, #tpu.memory_space<vmem>>
        %dma_start3A_124 = arith.constant 0 : i32
        %dma_start3A_125 = arith.constant 0 : i32
        %dma_start3A_126 = tpu.memref_slice %arg12[%dma_start3A_124, %dma_start3A_125] : memref<10240x32xf32, #tpu.memory_space<vmem_shared>> -> memref<10240x32xf32, #tpu.memory_space<vmem_shared>>
        tpu.enqueue_indirect_dma source(%arg9 : memref<128x32xf32, #tpu.memory_space<vmem>>) target(%dma_start3A_126 : memref<10240x32xf32, #tpu.memory_space<vmem_shared>>) offsets(%dma_start3A_123 : memref<128xi32, #tpu.memory_space<vmem>>) semaphore(%run_scoped3A : memref<!tpu.dma_semaphore, #tpu.memory_space<semaphore_mem>>) {add = true}
        %dma_wait3A_127 = arith.constant 0 : i32
        %dma_wait3A_128 = tpu.memref_slice %arg7[%add3A_108, %dma_wait3A_127] : memref<90x128xi32, #tpu.memory_space<vmem>> -> memref<1x128xi32, #tpu.memory_space<vmem>>
        %dma_wait3A_129 = tpu.memref_squeeze %dma_wait3A_128 : memref<1x128xi32, #tpu.memory_space<vmem>> -> memref<128xi32, #tpu.memory_space<vmem>>
        %dma_wait3A_130 = arith.constant 0 : i32
        %dma_wait3A_131 = arith.constant 0 : i32
        %dma_wait3A_132 = tpu.memref_slice %arg12[%dma_wait3A_130, %dma_wait3A_131] : memref<10240x32xf32, #tpu.memory_space<vmem_shared>> -> memref<10240x32xf32, #tpu.memory_space<vmem_shared>>
        tpu.wait_indirect_dma semaphore(%run_scoped3A : memref<!tpu.dma_semaphore, #tpu.memory_space<semaphore_mem>>) src(%arg9 : memref<128x32xf32, #tpu.memory_space<vmem>>) dst(%dma_wait3A_132 : memref<10240x32xf32, #tpu.memory_space<vmem_shared>>)
        tpu.yield
      }) : () -> ()
      %add3A_115 = arith.constant 2 : i32
      %add3A_116 = arith.addi %add3A_108, %add3A_115 : i32
      %lt3A_117 = arith.cmpi slt, %add3A_116, %select_n3A : i32
      %convert_element_type3A_118 = arith.extui %lt3A_117 : i1 to i32
      %cond3A_119 = arith.constant 0 : i32
      %cond3A_120 = arith.cmpi ne, %convert_element_type3A_118, %cond3A_119 : i32
      scf.if %cond3A_120 {
        %add3A_121 = arith.constant 2 : i32
        %add3A_122 = arith.addi %add3A_108, %add3A_121 : i32
        %dma_start3A_123 = arith.constant 0 : i32
        %dma_start3A_124 = tpu.memref_slice %arg6[%add3A_122, %dma_start3A_123] : memref<90x128xi32, #tpu.memory_space<vmem>> -> memref<1x128xi32, #tpu.memory_space<vmem>>
        %dma_start3A_125 = tpu.memref_squeeze %dma_start3A_124 : memref<1x128xi32, #tpu.memory_space<vmem>> -> memref<128xi32, #tpu.memory_space<vmem>>
        %dma_start3A_126 = arith.constant 0 : i32
        %dma_start3A_127 = arith.constant 0 : i32
        %dma_start3A_128 = tpu.memref_slice %arg2[%dma_start3A_126, %dma_start3A_127] : memref<10240x32xf32, #tpu.memory_space<hbm>> -> memref<10240x32xf32, #tpu.memory_space<hbm>>
        tpu.enqueue_indirect_dma source(%dma_start3A_128 : memref<10240x32xf32, #tpu.memory_space<hbm>>) target(%arg9 : memref<128x32xf32, #tpu.memory_space<vmem>>) offsets(%dma_start3A_125 : memref<128xi32, #tpu.memory_space<vmem>>) semaphore(%arg11 : memref<!tpu.dma_semaphore, #tpu.memory_space<semaphore_mem>>)
      } else {
      }
    }
    %barrier3A_87 = arith.constant 0 : index
    tpu.barrier barrier_id(%barrier3A_87)
    %mul3A_88 = arith.constant 640 : i32
    %mul3A_89 = arith.muli %arg1, %mul3A_88 : i32
    %mul3A_90 = arith.constant 640 : i32
    %mul3A_91 = arith.muli %arg1, %mul3A_90 : i32
    "tpu.region"() ({
      %run_scoped3A = tpu.sem_alloc : memref<!tpu.dma_semaphore, #tpu.memory_space<semaphore_mem>>
      %dma_start3A_92 = arith.constant 0 : i32
      %dma_start3A_93 = tpu.memref_slice %arg5[%arg0, %mul3A_91, %dma_start3A_92] : memref<2x10240x32xf32, #tpu.memory_space<hbm>> -> memref<1x640x32xf32, #tpu.memory_space<hbm>>
      %dma_start3A_94 = tpu.memref_squeeze %dma_start3A_93 : memref<1x640x32xf32, #tpu.memory_space<hbm>> -> memref<640x32xf32, #tpu.memory_space<hbm>>
      %dma_start3A_95 = arith.constant 0 : i32
      %dma_start3A_96 = tpu.memref_slice %arg12[%mul3A_89, %dma_start3A_95] : memref<10240x32xf32, #tpu.memory_space<vmem_shared>> -> memref<640x32xf32, #tpu.memory_space<vmem_shared>>
      tpu.enqueue_dma source(%dma_start3A_96 : memref<640x32xf32, #tpu.memory_space<vmem_shared>>) target(%dma_start3A_94 : memref<640x32xf32, #tpu.memory_space<hbm>>) target_semaphore(%run_scoped3A : memref<!tpu.dma_semaphore, #tpu.memory_space<semaphore_mem>>)
      %dma_wait3A = arith.constant 0 : i32
      %dma_wait3A_97 = tpu.memref_slice %arg5[%arg0, %mul3A_91, %dma_wait3A] : memref<2x10240x32xf32, #tpu.memory_space<hbm>> -> memref<1x640x32xf32, #tpu.memory_space<hbm>>
      %dma_wait3A_98 = tpu.memref_squeeze %dma_wait3A_97 : memref<1x640x32xf32, #tpu.memory_space<hbm>> -> memref<640x32xf32, #tpu.memory_space<hbm>>
      %dma_wait3A_99 = arith.constant 0 : i32
      %dma_wait3A_100 = tpu.memref_slice %arg12[%mul3A_89, %dma_wait3A_99] : memref<10240x32xf32, #tpu.memory_space<vmem_shared>> -> memref<640x32xf32, #tpu.memory_space<vmem_shared>>
      tpu.wait_dma2 semaphore(%run_scoped3A : memref<!tpu.dma_semaphore, #tpu.memory_space<semaphore_mem>>) src(%dma_wait3A_100 : memref<640x32xf32, #tpu.memory_space<vmem_shared>>) dst(%dma_wait3A_98 : memref<640x32xf32, #tpu.memory_space<hbm>>)
      tpu.yield
    }) : () -> ()
    return
  }
}

module attributes {stable_mosaic.version = 14 : i64} {
  func.func @body(%arg0: i32, %arg1: memref<1024x128xf32, #tpu.memory_space<vmem>>, %arg2: memref<128x64xf32, #tpu.memory_space<vmem>>, %arg3: memref<64x32xf32, #tpu.memory_space<vmem>>, %arg4: memref<32x1024xf32, #tpu.memory_space<vmem>>, %arg5: memref<1024x32xf32, #tpu.memory_space<vmem>>, %arg6: memref<1x1024xf32, #tpu.memory_space<vmem>>) attributes {dimension_semantics = [#tpu.dimension_semantics<arbitrary>], iteration_bounds = array<i64: 10>, scalar_prefetch = 0 : i64, scratch_operands = 0 : i64, tpu.core_type = #tpu.core_type<tc>, window_params = [{transform_indices = @transform_0, window_bounds = array<i64: 1024, 128>}, {pipeline_mode = #tpu.pipeline_mode<synchronous>, transform_indices = @transform_1, window_bounds = array<i64: 128, 64>}, {pipeline_mode = #tpu.pipeline_mode<synchronous>, transform_indices = @transform_2, window_bounds = array<i64: 64, 32>}, {transform_indices = @transform_3, window_bounds = array<i64: 32, 1024>}, {transform_indices = @transform_4, window_bounds = array<i64: 1024, 32>}, {transform_indices = @transform_5, window_bounds = array<i64: 1, 1024>}]} {
    %get3A = arith.constant 0 : index
    %get3A_0 = arith.constant 0 : index
    %get3A_1 = vector.load %arg4[%get3A, %get3A_0] : memref<32x1024xf32, #tpu.memory_space<vmem>>, vector<32x1024xf32>
    %reduce_sum3A = arith.constant dense<0.000000e+00> : vector<1024xf32>
    %reduce_sum3A_2 = vector.multi_reduction <add>, %get3A_1, %reduce_sum3A [0] : vector<32x1024xf32> to vector<1024xf32>
    %gt3A = arith.constant 0.000000e+00 : f32
    %gt3A_3 = vector.broadcast %gt3A : f32 to vector<1024xf32>
    %gt3A_4 = arith.cmpf ogt, %reduce_sum3A_2, %gt3A_3 : vector<1024xf32>
    %rsqrt3A = math.rsqrt %reduce_sum3A_2 : vector<1024xf32>
    %jit3A = arith.constant 0.000000e+00 : f32
    %broadcast_in_dim3A = vector.broadcast %jit3A : f32 to vector<1024xf32>
    %select_n3A = arith.select %gt3A_4, %rsqrt3A, %broadcast_in_dim3A : vector<1024xi1>, vector<1024xf32>
    %get3A_5 = arith.constant 0 : index
    %get3A_6 = arith.constant 0 : index
    %get3A_7 = vector.load %arg2[%get3A_5, %get3A_6] : memref<128x64xf32, #tpu.memory_space<vmem>>, vector<128x64xf32>
    %get3A_8 = arith.constant 0 : index
    %get3A_9 = arith.constant 0 : index
    %get3A_10 = vector.load %arg3[%get3A_8, %get3A_9] : memref<64x32xf32, #tpu.memory_space<vmem>>, vector<64x32xf32>
    %dot_general3A = arith.constant dense<0.000000e+00> : vector<128x32xf32>
    %dot_general3A_11 = tpu.matmul %get3A_7, %get3A_10, %dot_general3A {dimension_numbers = #tpu.dot_dimension_numbers<[1], [0], [0], [1], [0, 0, 1, 1], [], []>, transpose_lhs_hint = false} : vector<128x64xf32>, vector<64x32xf32>, vector<128x32xf32> -> vector<128x32xf32>
    %get3A_12 = arith.constant 0 : index
    %get3A_13 = arith.constant 0 : index
    %get3A_14 = vector.load %arg1[%get3A_12, %get3A_13] : memref<1024x128xf32, #tpu.memory_space<vmem>>, vector<1024x128xf32>
    %dot_general3A_15 = arith.constant dense<0.000000e+00> : vector<1024x32xf32>
    %dot_general3A_16 = tpu.matmul %get3A_14, %dot_general3A_11, %dot_general3A_15 {dimension_numbers = #tpu.dot_dimension_numbers<[1], [0], [0], [1], [0, 0, 1, 1], [], []>, transpose_lhs_hint = false} : vector<1024x128xf32>, vector<128x32xf32>, vector<1024x32xf32> -> vector<1024x32xf32>
    %broadcast_in_dim3A_17 = vector.shape_cast %select_n3A : vector<1024xf32> to vector<1024x1xf32>
    %mul3A = vector.broadcast %broadcast_in_dim3A_17 : vector<1024x1xf32> to vector<1024x32xf32>
    %mul3A_18 = arith.mulf %dot_general3A_16, %mul3A : vector<1024x32xf32>
    %swap3A = arith.constant 0 : index
    %swap3A_19 = arith.constant 0 : index
    %swap3A_20 = vector.load %arg5[%swap3A, %swap3A_19] : memref<1024x32xf32, #tpu.memory_space<vmem>>, vector<1024x32xf32>
    tpu.vector_store %arg5[%swap3A, %swap3A_19], %mul3A_18 {strides = array<i32>} : memref<1024x32xf32, #tpu.memory_space<vmem>>, vector<1024x32xf32>,
    %broadcast_in_dim3A_21 = vector.shape_cast %select_n3A : vector<1024xf32> to vector<1x1024xf32>
    %swap3A_22 = arith.constant 0 : index
    %swap3A_23 = arith.constant 0 : index
    %swap3A_24 = vector.load %arg6[%swap3A_22, %swap3A_23] : memref<1x1024xf32, #tpu.memory_space<vmem>>, vector<1x1024xf32>
    tpu.vector_store %arg6[%swap3A_22, %swap3A_23], %broadcast_in_dim3A_21 {strides = array<i32>} : memref<1x1024xf32, #tpu.memory_space<vmem>>, vector<1x1024xf32>,
    return
  }
  func.func @transform_0(%arg0: i32) -> (i32, i32) {
    %c0_i32 = arith.constant 0 : i32
    %c0_i32_0 = arith.constant 0 : i32
    return %arg0, %c0_i32 : i32, i32
  }
  func.func @transform_1(%arg0: i32) -> (i32, i32) {
    %c0_i32 = arith.constant 0 : i32
    %c0_i32_0 = arith.constant 0 : i32
    %c0_i32_1 = arith.constant 0 : i32
    return %c0_i32, %c0_i32_0 : i32, i32
  }
  func.func @transform_2(%arg0: i32) -> (i32, i32) {
    %c0_i32 = arith.constant 0 : i32
    %c0_i32_0 = arith.constant 0 : i32
    %c0_i32_1 = arith.constant 0 : i32
    return %c0_i32, %c0_i32_0 : i32, i32
  }
  func.func @transform_3(%arg0: i32) -> (i32, i32) {
    %c0_i32 = arith.constant 0 : i32
    %c0_i32_0 = arith.constant 0 : i32
    return %c0_i32, %arg0 : i32, i32
  }
  func.func @transform_4(%arg0: i32) -> (i32, i32) {
    %c0_i32 = arith.constant 0 : i32
    %c0_i32_0 = arith.constant 0 : i32
    return %arg0, %c0_i32 : i32, i32
  }
  func.func @transform_5(%arg0: i32) -> (i32, i32) {
    %c0_i32 = arith.constant 0 : i32
    %c0_i32_0 = arith.constant 0 : i32
    return %c0_i32, %arg0 : i32, i32
  }
}

module attributes {stable_mosaic.version = 14 : i64} {
  func.func @body(%arg0: i32, %arg1: memref<2x1024x32xf32, #tpu.memory_space<vmem>>, %arg2: memref<32x1024xf32, #tpu.memory_space<vmem>>, %arg3: memref<1x1024xf32, #tpu.memory_space<vmem>>, %arg4: memref<1024x32xf32, #tpu.memory_space<vmem>>, %arg5: memref<1x1024xf32, #tpu.memory_space<vmem>>) attributes {dimension_semantics = [#tpu.dimension_semantics<arbitrary>], iteration_bounds = array<i64: 10>, scalar_prefetch = 0 : i64, scratch_operands = 0 : i64, tpu.core_type = #tpu.core_type<tc>, window_params = [{transform_indices = @transform_0, window_bounds = array<i64: 2, 1024, 32>}, {transform_indices = @transform_1, window_bounds = array<i64: 32, 1024>}, {transform_indices = @transform_2, window_bounds = array<i64: 1, 1024>}, {transform_indices = @transform_3, window_bounds = array<i64: 1024, 32>}, {transform_indices = @transform_4, window_bounds = array<i64: 1, 1024>}]} {
    %get3A = arith.constant 0 : index
    %get3A_0 = arith.constant 0 : index
    %get3A_1 = arith.constant 0 : index
    %get3A_2 = vector.load %arg1[%get3A, %get3A_0, %get3A_1] : memref<2x1024x32xf32, #tpu.memory_space<vmem>>, vector<1x1024x32xf32>
    %get3A_3 = vector.shape_cast %get3A_2 : vector<1x1024x32xf32> to vector<1024x32xf32>
    %get3A_4 = arith.constant 1 : index
    %get3A_5 = arith.constant 0 : index
    %get3A_6 = arith.constant 0 : index
    %get3A_7 = vector.load %arg1[%get3A_4, %get3A_5, %get3A_6] : memref<2x1024x32xf32, #tpu.memory_space<vmem>>, vector<1x1024x32xf32>
    %get3A_8 = vector.shape_cast %get3A_7 : vector<1x1024x32xf32> to vector<1024x32xf32>
    %add3A = arith.addf %get3A_3, %get3A_8 : vector<1024x32xf32>
    %get3A_9 = arith.constant 0 : index
    %get3A_10 = arith.constant 0 : index
    %get3A_11 = vector.load %arg3[%get3A_9, %get3A_10] : memref<1x1024xf32, #tpu.memory_space<vmem>>, vector<1x1024xf32>
    %get3A_12 = vector.shape_cast %get3A_11 : vector<1x1024xf32> to vector<1024xf32>
    %mul3A = arith.mulf %get3A_12, %get3A_12 : vector<1024xf32>
    %broadcast_in_dim3A = vector.shape_cast %mul3A : vector<1024xf32> to vector<1024x1xf32>
    %mul3A_13 = vector.broadcast %broadcast_in_dim3A : vector<1024x1xf32> to vector<1024x32xf32>
    %mul3A_14 = arith.mulf %add3A, %mul3A_13 : vector<1024x32xf32>
    %swap3A = arith.constant 0 : index
    %swap3A_15 = arith.constant 0 : index
    %swap3A_16 = vector.load %arg4[%swap3A, %swap3A_15] : memref<1024x32xf32, #tpu.memory_space<vmem>>, vector<1024x32xf32>
    tpu.vector_store %arg4[%swap3A, %swap3A_15], %mul3A_14 {strides = array<i32>} : memref<1024x32xf32, #tpu.memory_space<vmem>>, vector<1024x32xf32>,
    %get3A_17 = arith.constant 0 : index
    %get3A_18 = arith.constant 0 : index
    %get3A_19 = vector.load %arg2[%get3A_17, %get3A_18] : memref<32x1024xf32, #tpu.memory_space<vmem>>, vector<32x1024xf32>
    %reduce_sum3A = arith.constant dense<0.000000e+00> : vector<1024xf32>
    %reduce_sum3A_20 = vector.multi_reduction <add>, %get3A_19, %reduce_sum3A [0] : vector<32x1024xf32> to vector<1024xf32>
    %mul3A_21 = arith.mulf %get3A_12, %reduce_sum3A_20 : vector<1024xf32>
    %broadcast_in_dim3A_22 = vector.shape_cast %mul3A_21 : vector<1024xf32> to vector<1x1024xf32>
    %swap3A_23 = arith.constant 0 : index
    %swap3A_24 = arith.constant 0 : index
    %swap3A_25 = vector.load %arg5[%swap3A_23, %swap3A_24] : memref<1x1024xf32, #tpu.memory_space<vmem>>, vector<1x1024xf32>
    tpu.vector_store %arg5[%swap3A_23, %swap3A_24], %broadcast_in_dim3A_22 {strides = array<i32>} : memref<1x1024xf32, #tpu.memory_space<vmem>>, vector<1x1024xf32>,
    return
  }
  func.func @transform_0(%arg0: i32) -> (i32, i32, i32) {
    %c0_i32 = arith.constant 0 : i32
    %c0_i32_0 = arith.constant 0 : i32
    %c0_i32_1 = arith.constant 0 : i32
    return %c0_i32, %arg0, %c0_i32_0 : i32, i32, i32
  }
  func.func @transform_1(%arg0: i32) -> (i32, i32) {
    %c0_i32 = arith.constant 0 : i32
    %c0_i32_0 = arith.constant 0 : i32
    return %c0_i32, %arg0 : i32, i32
  }
  func.func @transform_2(%arg0: i32) -> (i32, i32) {
    %c0_i32 = arith.constant 0 : i32
    %c0_i32_0 = arith.constant 0 : i32
    return %c0_i32, %arg0 : i32, i32
  }
  func.func @transform_3(%arg0: i32) -> (i32, i32) {
    %c0_i32 = arith.constant 0 : i32
    %c0_i32_0 = arith.constant 0 : i32
    return %arg0, %c0_i32 : i32, i32
  }
  func.func @transform_4(%arg0: i32) -> (i32, i32) {
    %c0_i32 = arith.constant 0 : i32
    %c0_i32_0 = arith.constant 0 : i32
    return %c0_i32, %arg0 : i32, i32
  }
}

module attributes {stable_mosaic.version = 14 : i64} {
  func.func @body(%arg0: i32, %arg1: memref<2x1024x32xf32, #tpu.memory_space<vmem>>, %arg2: memref<1x1024xf32, #tpu.memory_space<vmem>>, %arg3: memref<1x1024xf32, #tpu.memory_space<vmem>>, %arg4: memref<1x64xf32, #tpu.memory_space<vmem>>, %arg5: memref<64x32xf32, #tpu.memory_space<vmem>>, %arg6: memref<1x32xf32, #tpu.memory_space<vmem>>, %arg7: memref<1024x32xf32, #tpu.memory_space<vmem>>) attributes {dimension_semantics = [#tpu.dimension_semantics<arbitrary>], iteration_bounds = array<i64: 10>, scalar_prefetch = 0 : i64, scratch_operands = 0 : i64, tpu.core_type = #tpu.core_type<tc>, window_params = [{transform_indices = @transform_0, window_bounds = array<i64: 2, 1024, 32>}, {transform_indices = @transform_1, window_bounds = array<i64: 1, 1024>}, {transform_indices = @transform_2, window_bounds = array<i64: 1, 1024>}, {pipeline_mode = #tpu.pipeline_mode<synchronous>, transform_indices = @transform_3, window_bounds = array<i64: 1, 64>}, {pipeline_mode = #tpu.pipeline_mode<synchronous>, transform_indices = @transform_4, window_bounds = array<i64: 64, 32>}, {pipeline_mode = #tpu.pipeline_mode<synchronous>, transform_indices = @transform_5, window_bounds = array<i64: 1, 32>}, {transform_indices = @transform_6, window_bounds = array<i64: 1024, 32>}]} {
    %get3A = arith.constant 0 : index
    %get3A_0 = arith.constant 0 : index
    %get3A_1 = vector.load %arg2[%get3A, %get3A_0] : memref<1x1024xf32, #tpu.memory_space<vmem>>, vector<1x1024xf32>
    %get3A_2 = vector.shape_cast %get3A_1 : vector<1x1024xf32> to vector<1024xf32>
    %broadcast_in_dim3A = vector.shape_cast %get3A_2 : vector<1024xf32> to vector<1024x1xf32>
    %get3A_3 = arith.constant 0 : index
    %get3A_4 = arith.constant 0 : index
    %get3A_5 = vector.load %arg3[%get3A_3, %get3A_4] : memref<1x1024xf32, #tpu.memory_space<vmem>>, vector<1x1024xf32>
    %get3A_6 = vector.shape_cast %get3A_5 : vector<1x1024xf32> to vector<1024xf32>
    %broadcast_in_dim3A_7 = vector.shape_cast %get3A_6 : vector<1024xf32> to vector<1024x1xf32>
    %get3A_8 = arith.constant 0 : index
    %get3A_9 = arith.constant 0 : index
    %get3A_10 = vector.load %arg4[%get3A_8, %get3A_9] : memref<1x64xf32, #tpu.memory_space<vmem>>, vector<1x64xf32>
    %get3A_11 = arith.constant 0 : index
    %get3A_12 = arith.constant 0 : index
    %get3A_13 = vector.load %arg5[%get3A_11, %get3A_12] : memref<64x32xf32, #tpu.memory_space<vmem>>, vector<64x32xf32>
    %dot_general3A = arith.constant dense<0.000000e+00> : vector<1x32xf32>
    %dot_general3A_14 = tpu.matmul %get3A_10, %get3A_13, %dot_general3A {dimension_numbers = #tpu.dot_dimension_numbers<[1], [0], [0], [1], [0, 0, 1, 1], [], []>, transpose_lhs_hint = false} : vector<1x64xf32>, vector<64x32xf32>, vector<1x32xf32> -> vector<1x32xf32>
    %get3A_15 = arith.constant 0 : index
    %get3A_16 = arith.constant 0 : index
    %get3A_17 = arith.constant 0 : index
    %get3A_18 = vector.load %arg1[%get3A_15, %get3A_16, %get3A_17] : memref<2x1024x32xf32, #tpu.memory_space<vmem>>, vector<1x1024x32xf32>
    %get3A_19 = vector.shape_cast %get3A_18 : vector<1x1024x32xf32> to vector<1024x32xf32>
    %get3A_20 = arith.constant 1 : index
    %get3A_21 = arith.constant 0 : index
    %get3A_22 = arith.constant 0 : index
    %get3A_23 = vector.load %arg1[%get3A_20, %get3A_21, %get3A_22] : memref<2x1024x32xf32, #tpu.memory_space<vmem>>, vector<1x1024x32xf32>
    %get3A_24 = vector.shape_cast %get3A_23 : vector<1x1024x32xf32> to vector<1024x32xf32>
    %add3A = arith.addf %get3A_19, %get3A_24 : vector<1024x32xf32>
    %mul3A = vector.broadcast %broadcast_in_dim3A : vector<1024x1xf32> to vector<1024x32xf32>
    %mul3A_25 = arith.mulf %add3A, %mul3A : vector<1024x32xf32>
    %mul3A_26 = vector.broadcast %broadcast_in_dim3A_7 : vector<1024x1xf32> to vector<1024x32xf32>
    %mul3A_27 = vector.broadcast %dot_general3A_14 : vector<1x32xf32> to vector<1024x32xf32>
    %mul3A_28 = arith.mulf %mul3A_26, %mul3A_27 : vector<1024x32xf32>
    %add3A_29 = arith.addf %mul3A_25, %mul3A_28 : vector<1024x32xf32>
    %get3A_30 = arith.constant 0 : index
    %get3A_31 = arith.constant 0 : index
    %get3A_32 = vector.load %arg6[%get3A_30, %get3A_31] : memref<1x32xf32, #tpu.memory_space<vmem>>, vector<1x32xf32>
    %add3A_33 = vector.broadcast %get3A_32 : vector<1x32xf32> to vector<1024x32xf32>
    %add3A_34 = arith.addf %add3A_29, %add3A_33 : vector<1024x32xf32>
    %logistic3A = arith.negf %add3A_34 : vector<1024x32xf32>
    %logistic3A_35 = math.exp %logistic3A : vector<1024x32xf32>
    %logistic3A_36 = arith.constant 1.000000e+00 : f32
    %logistic3A_37 = vector.broadcast %logistic3A_36 : f32 to vector<1024x32xf32>
    %logistic3A_38 = arith.addf %logistic3A_37, %logistic3A_35 : vector<1024x32xf32>
    %logistic3A_39 = arith.divf %logistic3A_37, %logistic3A_38 : vector<1024x32xf32>
    %mul3A_40 = vector.broadcast %broadcast_in_dim3A : vector<1024x1xf32> to vector<1024x32xf32>
    %mul3A_41 = arith.mulf %logistic3A_39, %mul3A_40 : vector<1024x32xf32>
    %swap3A = arith.constant 0 : index
    %swap3A_42 = arith.constant 0 : index
    %swap3A_43 = vector.load %arg7[%swap3A, %swap3A_42] : memref<1024x32xf32, #tpu.memory_space<vmem>>, vector<1024x32xf32>
    tpu.vector_store %arg7[%swap3A, %swap3A_42], %mul3A_41 {strides = array<i32>} : memref<1024x32xf32, #tpu.memory_space<vmem>>, vector<1024x32xf32>,
    return
  }
  func.func @transform_0(%arg0: i32) -> (i32, i32, i32) {
    %c0_i32 = arith.constant 0 : i32
    %c0_i32_0 = arith.constant 0 : i32
    %c0_i32_1 = arith.constant 0 : i32
    return %c0_i32, %arg0, %c0_i32_0 : i32, i32, i32
  }
  func.func @transform_1(%arg0: i32) -> (i32, i32) {
    %c0_i32 = arith.constant 0 : i32
    %c0_i32_0 = arith.constant 0 : i32
    return %c0_i32, %arg0 : i32, i32
  }
  func.func @transform_2(%arg0: i32) -> (i32, i32) {
    %c0_i32 = arith.constant 0 : i32
    %c0_i32_0 = arith.constant 0 : i32
    return %c0_i32, %arg0 : i32, i32
  }
  func.func @transform_3(%arg0: i32) -> (i32, i32) {
    %c0_i32 = arith.constant 0 : i32
    %c0_i32_0 = arith.constant 0 : i32
    %c0_i32_1 = arith.constant 0 : i32
    return %c0_i32, %c0_i32_0 : i32, i32
  }
  func.func @transform_4(%arg0: i32) -> (i32, i32) {
    %c0_i32 = arith.constant 0 : i32
    %c0_i32_0 = arith.constant 0 : i32
    %c0_i32_1 = arith.constant 0 : i32
    return %c0_i32, %c0_i32_0 : i32, i32
  }
  func.func @transform_5(%arg0: i32) -> (i32, i32) {
    %c0_i32 = arith.constant 0 : i32
    %c0_i32_0 = arith.constant 0 : i32
    %c0_i32_1 = arith.constant 0 : i32
    return %c0_i32, %c0_i32_0 : i32, i32
  }
  func.func @transform_6(%arg0: i32) -> (i32, i32) {
    %c0_i32 = arith.constant 0 : i32
    %c0_i32_0 = arith.constant 0 : i32
    return %arg0, %c0_i32 : i32, i32
  }
}

module attributes {stable_mosaic.version = 14 : i64} {
  func.func @body(%arg0: i32, %arg1: memref<2x1024x32xf32, #tpu.memory_space<vmem>>, %arg2: memref<1x1024xf32, #tpu.memory_space<vmem>>, %arg3: memref<1024x32xf32, #tpu.memory_space<vmem>>) attributes {dimension_semantics = [#tpu.dimension_semantics<arbitrary>], iteration_bounds = array<i64: 10>, scalar_prefetch = 0 : i64, scratch_operands = 0 : i64, tpu.core_type = #tpu.core_type<tc>, window_params = [{transform_indices = @transform_0, window_bounds = array<i64: 2, 1024, 32>}, {transform_indices = @transform_1, window_bounds = array<i64: 1, 1024>}, {transform_indices = @transform_2, window_bounds = array<i64: 1024, 32>}]} {
    %get3A = arith.constant 0 : index
    %get3A_0 = arith.constant 0 : index
    %get3A_1 = vector.load %arg2[%get3A, %get3A_0] : memref<1x1024xf32, #tpu.memory_space<vmem>>, vector<1x1024xf32>
    %get3A_2 = vector.shape_cast %get3A_1 : vector<1x1024xf32> to vector<1024xf32>
    %get3A_3 = arith.constant 0 : index
    %get3A_4 = arith.constant 0 : index
    %get3A_5 = arith.constant 0 : index
    %get3A_6 = vector.load %arg1[%get3A_3, %get3A_4, %get3A_5] : memref<2x1024x32xf32, #tpu.memory_space<vmem>>, vector<1x1024x32xf32>
    %get3A_7 = vector.shape_cast %get3A_6 : vector<1x1024x32xf32> to vector<1024x32xf32>
    %get3A_8 = arith.constant 1 : index
    %get3A_9 = arith.constant 0 : index
    %get3A_10 = arith.constant 0 : index
    %get3A_11 = vector.load %arg1[%get3A_8, %get3A_9, %get3A_10] : memref<2x1024x32xf32, #tpu.memory_space<vmem>>, vector<1x1024x32xf32>
    %get3A_12 = vector.shape_cast %get3A_11 : vector<1x1024x32xf32> to vector<1024x32xf32>
    %add3A = arith.addf %get3A_7, %get3A_12 : vector<1024x32xf32>
    %mul3A = arith.mulf %get3A_2, %get3A_2 : vector<1024xf32>
    %broadcast_in_dim3A = vector.shape_cast %mul3A : vector<1024xf32> to vector<1024x1xf32>
    %mul3A_13 = vector.broadcast %broadcast_in_dim3A : vector<1024x1xf32> to vector<1024x32xf32>
    %mul3A_14 = arith.mulf %add3A, %mul3A_13 : vector<1024x32xf32>
    %swap3A = arith.constant 0 : index
    %swap3A_15 = arith.constant 0 : index
    %swap3A_16 = vector.load %arg3[%swap3A, %swap3A_15] : memref<1024x32xf32, #tpu.memory_space<vmem>>, vector<1024x32xf32>
    tpu.vector_store %arg3[%swap3A, %swap3A_15], %mul3A_14 {strides = array<i32>} : memref<1024x32xf32, #tpu.memory_space<vmem>>, vector<1024x32xf32>,
    return
  }
  func.func @transform_0(%arg0: i32) -> (i32, i32, i32) {
    %c0_i32 = arith.constant 0 : i32
    %c0_i32_0 = arith.constant 0 : i32
    %c0_i32_1 = arith.constant 0 : i32
    return %c0_i32, %arg0, %c0_i32_0 : i32, i32, i32
  }
  func.func @transform_1(%arg0: i32) -> (i32, i32) {
    %c0_i32 = arith.constant 0 : i32
    %c0_i32_0 = arith.constant 0 : i32
    return %c0_i32, %arg0 : i32, i32
  }
  func.func @transform_2(%arg0: i32) -> (i32, i32) {
    %c0_i32 = arith.constant 0 : i32
    %c0_i32_0 = arith.constant 0 : i32
    return %arg0, %c0_i32 : i32, i32
  }
}

module attributes {stable_mosaic.version = 14 : i64} {
  func.func @body(%arg0: i32, %arg1: memref<2x1024x32xf32, #tpu.memory_space<vmem>>, %arg2: memref<1x1024xf32, #tpu.memory_space<vmem>>, %arg3: memref<1x1024xf32, #tpu.memory_space<vmem>>, %arg4: memref<32x64xf32, #tpu.memory_space<vmem>>, %arg5: memref<64x128xf32, #tpu.memory_space<vmem>>, %arg6: memref<1x64xf32, #tpu.memory_space<vmem>>, %arg7: memref<1x128xf32, #tpu.memory_space<vmem>>, %arg8: memref<1024x128xf32, #tpu.memory_space<vmem>>) attributes {dimension_semantics = [#tpu.dimension_semantics<arbitrary>], iteration_bounds = array<i64: 10>, scalar_prefetch = 0 : i64, scratch_operands = 0 : i64, tpu.core_type = #tpu.core_type<tc>, window_params = [{transform_indices = @transform_0, window_bounds = array<i64: 2, 1024, 32>}, {transform_indices = @transform_1, window_bounds = array<i64: 1, 1024>}, {transform_indices = @transform_2, window_bounds = array<i64: 1, 1024>}, {pipeline_mode = #tpu.pipeline_mode<synchronous>, transform_indices = @transform_3, window_bounds = array<i64: 32, 64>}, {pipeline_mode = #tpu.pipeline_mode<synchronous>, transform_indices = @transform_4, window_bounds = array<i64: 64, 128>}, {pipeline_mode = #tpu.pipeline_mode<synchronous>, transform_indices = @transform_5, window_bounds = array<i64: 1, 64>}, {pipeline_mode = #tpu.pipeline_mode<synchronous>, transform_indices = @transform_6, window_bounds = array<i64: 1, 128>}, {transform_indices = @transform_7, window_bounds = array<i64: 1024, 128>}]} {
    %get3A = arith.constant 0 : index
    %get3A_0 = arith.constant 0 : index
    %get3A_1 = vector.load %arg2[%get3A, %get3A_0] : memref<1x1024xf32, #tpu.memory_space<vmem>>, vector<1x1024xf32>
    %get3A_2 = vector.shape_cast %get3A_1 : vector<1x1024xf32> to vector<1024xf32>
    %broadcast_in_dim3A = vector.shape_cast %get3A_2 : vector<1024xf32> to vector<1024x1xf32>
    %get3A_3 = arith.constant 0 : index
    %get3A_4 = arith.constant 0 : index
    %get3A_5 = vector.load %arg3[%get3A_3, %get3A_4] : memref<1x1024xf32, #tpu.memory_space<vmem>>, vector<1x1024xf32>
    %get3A_6 = vector.shape_cast %get3A_5 : vector<1x1024xf32> to vector<1024xf32>
    %broadcast_in_dim3A_7 = vector.shape_cast %get3A_6 : vector<1024xf32> to vector<1024x1xf32>
    %get3A_8 = arith.constant 0 : index
    %get3A_9 = arith.constant 0 : index
    %get3A_10 = vector.load %arg4[%get3A_8, %get3A_9] : memref<32x64xf32, #tpu.memory_space<vmem>>, vector<32x64xf32>
    %get3A_11 = arith.constant 0 : index
    %get3A_12 = arith.constant 0 : index
    %get3A_13 = vector.load %arg5[%get3A_11, %get3A_12] : memref<64x128xf32, #tpu.memory_space<vmem>>, vector<64x128xf32>
    %dot_general3A = arith.constant dense<0.000000e+00> : vector<32x128xf32>
    %dot_general3A_14 = tpu.matmul %get3A_10, %get3A_13, %dot_general3A {dimension_numbers = #tpu.dot_dimension_numbers<[1], [0], [0], [1], [0, 0, 1, 1], [], []>, transpose_lhs_hint = false} : vector<32x64xf32>, vector<64x128xf32>, vector<32x128xf32> -> vector<32x128xf32>
    %get3A_15 = arith.constant 0 : index
    %get3A_16 = arith.constant 0 : index
    %get3A_17 = vector.load %arg6[%get3A_15, %get3A_16] : memref<1x64xf32, #tpu.memory_space<vmem>>, vector<1x64xf32>
    %get3A_18 = arith.constant 0 : index
    %get3A_19 = arith.constant 0 : index
    %get3A_20 = vector.load %arg5[%get3A_18, %get3A_19] : memref<64x128xf32, #tpu.memory_space<vmem>>, vector<64x128xf32>
    %dot_general3A_21 = arith.constant dense<0.000000e+00> : vector<1x128xf32>
    %dot_general3A_22 = tpu.matmul %get3A_17, %get3A_20, %dot_general3A_21 {dimension_numbers = #tpu.dot_dimension_numbers<[1], [0], [0], [1], [0, 0, 1, 1], [], []>, transpose_lhs_hint = false} : vector<1x64xf32>, vector<64x128xf32>, vector<1x128xf32> -> vector<1x128xf32>
    %get3A_23 = arith.constant 0 : index
    %get3A_24 = arith.constant 0 : index
    %get3A_25 = arith.constant 0 : index
    %get3A_26 = vector.load %arg1[%get3A_23, %get3A_24, %get3A_25] : memref<2x1024x32xf32, #tpu.memory_space<vmem>>, vector<1x1024x32xf32>
    %get3A_27 = vector.shape_cast %get3A_26 : vector<1x1024x32xf32> to vector<1024x32xf32>
    %get3A_28 = arith.constant 1 : index
    %get3A_29 = arith.constant 0 : index
    %get3A_30 = arith.constant 0 : index
    %get3A_31 = vector.load %arg1[%get3A_28, %get3A_29, %get3A_30] : memref<2x1024x32xf32, #tpu.memory_space<vmem>>, vector<1x1024x32xf32>
    %get3A_32 = vector.shape_cast %get3A_31 : vector<1x1024x32xf32> to vector<1024x32xf32>
    %add3A = arith.addf %get3A_27, %get3A_32 : vector<1024x32xf32>
    %mul3A = vector.broadcast %broadcast_in_dim3A : vector<1024x1xf32> to vector<1024x32xf32>
    %mul3A_33 = arith.mulf %add3A, %mul3A : vector<1024x32xf32>
    %dot_general3A_34 = arith.constant dense<0.000000e+00> : vector<1024x128xf32>
    %dot_general3A_35 = tpu.matmul %mul3A_33, %dot_general3A_14, %dot_general3A_34 {dimension_numbers = #tpu.dot_dimension_numbers<[1], [0], [0], [1], [0, 0, 1, 1], [], []>, transpose_lhs_hint = false} : vector<1024x32xf32>, vector<32x128xf32>, vector<1024x128xf32> -> vector<1024x128xf32>
    %mul3A_36 = vector.broadcast %broadcast_in_dim3A_7 : vector<1024x1xf32> to vector<1024x128xf32>
    %mul3A_37 = vector.broadcast %dot_general3A_22 : vector<1x128xf32> to vector<1024x128xf32>
    %mul3A_38 = arith.mulf %mul3A_36, %mul3A_37 : vector<1024x128xf32>
    %add3A_39 = arith.addf %dot_general3A_35, %mul3A_38 : vector<1024x128xf32>
    %get3A_40 = arith.constant 0 : index
    %get3A_41 = arith.constant 0 : index
    %get3A_42 = vector.load %arg7[%get3A_40, %get3A_41] : memref<1x128xf32, #tpu.memory_space<vmem>>, vector<1x128xf32>
    %add3A_43 = vector.broadcast %get3A_42 : vector<1x128xf32> to vector<1024x128xf32>
    %add3A_44 = arith.addf %add3A_39, %add3A_43 : vector<1024x128xf32>
    %max3A = arith.constant 0.000000e+00 : f32
    %max3A_45 = vector.broadcast %max3A : f32 to vector<1024x128xf32>
    %max3A_46 = arith.maximumf %add3A_44, %max3A_45 : vector<1024x128xf32>
    %swap3A = arith.constant 0 : index
    %swap3A_47 = arith.constant 0 : index
    %swap3A_48 = vector.load %arg8[%swap3A, %swap3A_47] : memref<1024x128xf32, #tpu.memory_space<vmem>>, vector<1024x128xf32>
    tpu.vector_store %arg8[%swap3A, %swap3A_47], %max3A_46 {strides = array<i32>} : memref<1024x128xf32, #tpu.memory_space<vmem>>, vector<1024x128xf32>,
    return
  }
  func.func @transform_0(%arg0: i32) -> (i32, i32, i32) {
    %c0_i32 = arith.constant 0 : i32
    %c0_i32_0 = arith.constant 0 : i32
    %c0_i32_1 = arith.constant 0 : i32
    return %c0_i32, %arg0, %c0_i32_0 : i32, i32, i32
  }
  func.func @transform_1(%arg0: i32) -> (i32, i32) {
    %c0_i32 = arith.constant 0 : i32
    %c0_i32_0 = arith.constant 0 : i32
    return %c0_i32, %arg0 : i32, i32
  }
  func.func @transform_2(%arg0: i32) -> (i32, i32) {
    %c0_i32 = arith.constant 0 : i32
    %c0_i32_0 = arith.constant 0 : i32
    return %c0_i32, %arg0 : i32, i32
  }
  func.func @transform_3(%arg0: i32) -> (i32, i32) {
    %c0_i32 = arith.constant 0 : i32
    %c0_i32_0 = arith.constant 0 : i32
    %c0_i32_1 = arith.constant 0 : i32
    return %c0_i32, %c0_i32_0 : i32, i32
  }
  func.func @transform_4(%arg0: i32) -> (i32, i32) {
    %c0_i32 = arith.constant 0 : i32
    %c0_i32_0 = arith.constant 0 : i32
    %c0_i32_1 = arith.constant 0 : i32
    return %c0_i32, %c0_i32_0 : i32, i32
  }
  func.func @transform_5(%arg0: i32) -> (i32, i32) {
    %c0_i32 = arith.constant 0 : i32
    %c0_i32_0 = arith.constant 0 : i32
    %c0_i32_1 = arith.constant 0 : i32
    return %c0_i32, %c0_i32_0 : i32, i32
  }
  func.func @transform_6(%arg0: i32) -> (i32, i32) {
    %c0_i32 = arith.constant 0 : i32
    %c0_i32_0 = arith.constant 0 : i32
    %c0_i32_1 = arith.constant 0 : i32
    return %c0_i32, %c0_i32_0 : i32, i32
  }
  func.func @transform_7(%arg0: i32) -> (i32, i32) {
    %c0_i32 = arith.constant 0 : i32
    %c0_i32_0 = arith.constant 0 : i32
    return %arg0, %c0_i32 : i32, i32
  }
}

</mosaic_0001>

<sc_bundles>
// kernel: kernel.12.cloned.1.call-start
scs
__scs_entry_jumppad:
0x0: {  	(pc) =	sbr.rel $0x88, $3  }
0x1: {  	(tag) =	ssettag $0x0;
	lr =	simm.s32 $0x1  }
0x2: {  	[smem:$0x3F97] =	sst lr;
	_ =	strace $0xD0000000  }
0x3: {  	_ = 	snop  }
0x4: {  	_ = 	snop  }
0x5: {  	_ = 	snop  }
0x6: {  	_ = 	snop  }
0x7: {  	_ = 	snop  }
__scs_overlays_trampoline_lowered:
0x8: {  	[smem:$0x3FA6] =	sst s0  }
0x9: {  	[smem:$0x3FA7] =	sst s1  }
0xa: {  	[smem:$0x3FA8] =	sst s2  }
0xb: {  	[smem:$0x3FA9] =	sst s3  }
0xc: {  	[smem:$0x3FAA] =	sst s4  }
0xd: {  	[smem:$0x3FAB] =	sst s5  }
0xe: {  	[smem:$0x3FAC] =	sst s6  }
0xf: {  	[smem:$0x3FAD] =	sst s7  }
0x10: {  	[smem:$0x3FAE] =	sst s8  }
0x11: {  	[smem:$0x3FAF] =	sst s9;
	s0 =	simm.s32 @!p0 $0x0  }
0x12: {  	s1 =	sld [smem:$0x3F95];
	s0 =	simm.s32 @p0 $0x1  }
0x13: {  	[smem:$0x3FB0] =	sst s0;
	s0 =	simm.s32 @!p1 $0x0  }
0x14: {  	s2 =	sld [smem:$0x3F94];
	s0 =	simm.s32 @p1 $0x1  }
0x15: {  	[smem:$0x3FB1] =	sst s0;
	s0 =	simm.s32 @!p2 $0x0  }
0x16: {  	s3 =	sld [smem:$0x3FDB];
	s0 =	simm.s32 @p2 $0x1  }
0x17: {  	s4 =	simm.s32 $0x1BF5;
	[smem:$0x3FB3] =	sst s0  }
0x18: {  	s0 =	sld [smem:$0x3F96];
	_ =	swait.ge [sflag:s4], $0x0  }
0x19: {  	s7 =	sld [smem:$0x3F97]  }
0x1a: {  	s8 =	sadd.s32 $0xFFFFE003, lr  }
0x1b: {  	s9 =	sadd.s32 $0xFFFFFEF7, lr;
	s5 =	simm.s32 $0xFFFFFFFF;
	p2 =	slt.u32 s8, $0xFFFFF086  }
0x1c: {  	p1 =	slt.u32 s9, $0xF7A;
	s5 =	simm.s32 @!p2 $0x0  }
0x1d: {  	s5 =	simm.s32 @p1 $0x1;
	p0 =	seq.s32 s7, s2  }
0x1e: {  	s7 =	smul.u32 @!p0 $0xF7A, s2;
	p2 =	seq.s32 @!p0 s5, $0x0  }
0x1f: {  	s9 =	smul.u32 $0xF7A, s1;
	s8 =	simm.s32 @!p0 $0x1BF5;
	p2 =	por !p2, p0  }
0x20: {  	[sflag:s8] =	ssyncset.s32 @!p0 $0xFFFFF086;
	s6 =	sadd.s32 @!p0 s3, s7;
	s7 =	simm.s32 @!p0 $0x108  }
0x21: {  	s3 =	sadd.s32 s3, s9;
	s6 =	sadd.s32 @!p0 $0x88, s6;
	s7 =	simm.s32 @p2 $0x1082  }
0x22: {  	[simem:s7], [sflag:s8] =	dma.local @!p0 [hbm:s6], $0xF7A  }
0x23: {  	s9 =	sor.u32 $0xD0000000, s2;
	s6 =	simm.s32 $0x108;
	_ =	swait.ge @!p0 [sflag:s8], $0x0  }
0x24: {  	s3 =	sadd.s32 $0x88, s3;
	s6 =	simm.s32 @!p1 $0x1082;
	[sflag:s4] =	ssyncset.s32 $0xFFFFF086  }
0x25: {  	[simem:s6], [sflag:s4] =	dma.local [hbm:s3], $0xF7A  }
0x26: {  	[smem:$0x3F97] =	sst s1;
	(tag) =	ssettag s2;
	_ =	strace s9  }
0x27: {  	s1 =	sld [smem:$0x3FA7]  }
0x28: {  	s2 =	sld [smem:$0x3FA8]  }
0x29: {  	s4 =	sld [smem:$0x3FAA]  }
0x2a: {  	p0 =	seq.s32 s5, $0x0;
	s5 =	sld [smem:$0x3FAB]  }
0x2b: {  	s6 =	sld [smem:$0x3FAC]  }
0x2c: {  	s7 =	sld [smem:$0x3FAD]  }
0x2d: {  	s3 =	simm.s32 $0x108;
	s8 =	sld [smem:$0x3FAE]  }
0x2e: {  	s3 =	simm.s32 @!p0 $0x1082;
	s9 =	sld [smem:$0x3FAF]  }
0x2f: {  	lr =	sadd.s32 s0, s3;
	s0 =	sld [smem:$0x3FA6]  }
0x30: {  	s3 =	sld [smem:$0x3FA9]  }
0x31: {  	[smem:$0x3FB2] =	sst s10  }
0x32: {  	s10 =	sld [smem:$0x3FB0];
	_ =	sdelay $0x3  }
0x33: {  	p0 =	seq.s32 s10, $0x1;
	s10 =	sld [smem:$0x3FB2];
	_ =	sdelay $0x3  }
0x34: {  	[smem:$0x3FB2] =	sst s10  }
0x35: {  	s10 =	sld [smem:$0x3FB1];
	_ =	sdelay $0x3  }
0x36: {  	p1 =	seq.s32 s10, $0x1;
	s10 =	sld [smem:$0x3FB2];
	_ =	sdelay $0x3  }
0x37: {  	[smem:$0x3FB2] =	sst s10  }
0x38: {  	s10 =	sld [smem:$0x3FB3]  }
0x39: {  	_ = 	snop;
	(pc) =	sbr.ind lr, $3  }
0x3a: {  	_ = 	snop  }
0x3b: {  	_ = 	snop  }
0x3c: {  	p2 =	seq.s32 s10, $0x1;
	s10 =	sld [smem:$0x3FB2]  }
0x3d: {  	_ =	shalt  }
0x3e: {  	_ =	shalt  }
0x3f: {  	_ =	shalt  }
0x40: {  	_ =	shalt  }
0x41: {  	_ =	shalt  }
0x42: {  	_ =	shalt  }
0x43: {  	_ =	shalt  }
0x44: {  	_ =	shalt  }
0x45: {  	_ =	shalt  }
0x46: {  	_ =	shalt  }
0x47: {  	_ =	shalt  }
0x48: {  	_ =	shalt  }
0x49: {  	_ =	shalt  }
0x4a: {  	_ =	shalt  }
0x4b: {  	_ =	shalt  }
0x4c: {  	_ =	shalt  }
0x4d: {  	_ =	shalt  }
0x4e: {  	_ =	shalt  }
0x4f: {  	_ =	shalt  }
0x50: {  	_ =	shalt  }
0x51: {  	_ =	shalt  }
0x52: {  	_ =	shalt  }
0x53: {  	_ =	shalt  }
0x54: {  	_ =	shalt  }
0x55: {  	_ =	shalt  }
0x56: {  	_ =	shalt  }
0x57: {  	_ =	shalt  }
0x58: {  	_ =	shalt  }
0x59: {  	_ =	shalt  }
0x5a: {  	_ =	shalt  }
0x5b: {  	_ =	shalt  }
0x5c: {  	_ =	shalt  }
0x5d: {  	_ =	shalt  }
0x5e: {  	_ =	shalt  }
0x5f: {  	_ =	shalt  }
0x60: {  	_ =	shalt  }
0x61: {  	_ =	shalt  }
0x62: {  	_ =	shalt  }
0x63: {  	_ =	shalt  }
0x64: {  	_ =	shalt  }
0x65: {  	_ =	shalt  }
0x66: {  	_ =	shalt  }
0x67: {  	_ =	shalt  }
0x68: {  	_ =	shalt  }
0x69: {  	_ =	shalt  }
0x6a: {  	_ =	shalt  }
0x6b: {  	_ =	shalt  }
0x6c: {  	_ =	shalt  }
0x6d: {  	_ =	shalt  }
0x6e: {  	_ =	shalt  }
0x6f: {  	_ =	shalt  }
0x70: {  	_ =	shalt  }
0x71: {  	_ =	shalt  }
0x72: {  	_ =	shalt  }
0x73: {  	_ =	shalt  }
0x74: {  	_ =	shalt  }
0x75: {  	_ =	shalt  }
0x76: {  	_ =	shalt  }
0x77: {  	_ =	shalt  }
0x78: {  	_ =	shalt  }
0x79: {  	_ =	shalt  }
0x7a: {  	_ =	shalt  }
0x7b: {  	_ =	shalt  }
0x7c: {  	_ =	shalt  }
0x7d: {  	_ =	shalt  }
0x7e: {  	_ =	shalt  }
0x7f: {  	_ =	shalt  }
0x80: {  	_ =	shalt  }
0x81: {  	_ =	shalt  }
0x82: {  	_ =	shalt  }
0x83: {  	_ =	shalt  }
0x84: {  	_ =	shalt  }
0x85: {  	_ =	shalt  }
0x86: {  	_ =	shalt  }
0x87: {  	_ =	shalt  }
.Lfunc_end0:
.L_simem_size_0:
called_computation_lowered:
.L_overlay_start_0:
0x88: {  	s2 =	sld [smem:$0x3FD9]  }
0x89: {  	s3 =	sld [smem:$0x3FFE];
	_ =	sdelay $0x1  }
0x8a: {  	s1 =	srdreg.scid  }
0x8b: {  	s0 =	sand.u32 $0x1, s1  }
0x8c: {  	s17 =	sshll.u32 s0, $0xA;
	s2 =	sadd.s32 s3, s2  }
0x8d: {  	s2 =	sadd.s32 s2, s17  }
0x8e: {  	[smem:$0x3FBE] =	sst s2  }
0x8f: {  	_ = 	snop  }
0x90: {  	s2 =	sld [smem:$0x3FD0];
	(tm) =	ssettm $0x1  }
0x91: {  	s18 =	sld [smem:$0x3FFB];
	_ =	sdelay $0x3  }
0x92: {  	_ =	strace s18  }
0x93: {  	s3 =	sld [smem:$0x3FFC];
	_ =	sdelay $0x3  }
0x94: {  	_ =	strace s3  }
0x95: {  	s3 =	sld [smem:$0x3FFD];
	_ =	sdelay $0x3  }
0x96: {  	_ =	strace s3  }
0x97: {  	_ =	strace $0x8FFFFFFF  }
0x98: {  	s19 =	sld [smem:$0x3FDB];
	_ =	sdelay $0x1  }
0x99: {  	s4 =	simm.s32 $_scs_section_size  }
0x9a: {  	s5 =	simm.s32 $_size__tile_overlayer_lowered;
	s6 =	simm.s32 $_tile_overlayer_lowered  }
0x9b: {  	s22 =	simm.s32 $0x1BFF;
	s21 =	sshll.u32 s6, $0x1;
	s3 =	sadd.s32 s4, s19  }
0x9c: {  	s7 =	simm.s32 $0x0;
	s20 =	sshll.u32 s5, $0x1;
	s5 =	sadd.s32 s21, s3  }
0x9d: {  	[timem:s7], [sflag:s22] =	dma.local [hbm:s5], s20  }
0x9e: {  	_ =	swait.ge [sflag:s22], s20  }
0x9f: {  	s4 =	ssub.s32 $0x0, s20;
	[sflag:s22] =	ssyncset.done $0x0  }
0xa0: {  	[sflag:s22] =	ssyncadd.s32 s4;
	_ =	sdelay $0x1  }
0xa1: {  	s23 =	simm.s32 $0x1B8B  }
0xa2: {  	_ =	swait.ge [sflag:s23], $0x1  }
0xa3: {  	[sflag:s23] =	ssyncset.done $0x0  }
0xa4: {  	s25 =	simm.s32 $0x1B8E;
	s24 =	sld [smem:$0x3FFE];
	[sflag:s23] =	ssyncadd.s32 $0xFFFFFFFF  }
0xa5: {  	s26 =	simm.s32 $execute0_lowered;
	[smem:$0x3FD2] =	sst s25  }
0xa6: {  	s5 =	sshll.u32 s26, $0x1;
	_ =	strace $0x80000046;
	[dreg:$0x1] =	wrdreg $0xFFFFFFFF  }
0xa7: {  	s28 =	simm.s32 $_size_execute0_lowered;
	s3 =	sadd.s32 s3, s5;
	[dreg:$0x0] =	wrdreg $0x0  }
0xa8: {  	s5 =	sshll.u32 s28, $0x1;
	[dreg:$0x2] =	wrdreg s3  }
0xa9: {  	[dreg:$0x3] =	wrdreg s5  }
0xaa: {  	[dreg:$0x4] =	wrdreg $0xC0  }
0xab: {  	_ =	task [dreg:s7], $0x5FFFF  }
0xac: {  	[dreg:$0x1] =	wrdreg $0xFFFFFFFF  }
0xad: {  	[dreg:$0x0] =	wrdreg $0x60  }
0xae: {  	[dreg:$0x2] =	wrdreg s24  }
0xaf: {  	[dreg:$0x3] =	wrdreg s2  }
0xb0: {  	[dreg:$0x4] =	wrdreg $0x9  }
0xb1: {  	_ =	task.clear_ibuf [dreg:s7], $0x5FFFF;
	_ =	strace $0x90000046  }
0xb2: {  	s29 =	simm.s32 $0x9;
	_ =	strace $0x80000048  }
0xb3: {  	_ =	swait.ge [sflag:s29], $0x1  }
0xb4: {  	[sflag:s29] =	ssyncadd.s32 $0xFFFFFFFF  }
0xb5: {  	_ =	strace $0x90000048  }
0xb6: {  	_ =	sfence  }
0xb7: {  	s30 =	sld [smem:$0x0];
	_ =	sdelay $0x2  }
0xb8: {  	s31 =	sshll.u32 s1, $0xD;
	s1 =	sshrl.u32 s1, $0x2  }
0xb9: {  	s3 =	sand.u32 $0x4000, s31;
	s1 =	sadd.s32 s1, s30  }
0xba: {  	s0 =	sor.u32 s3, s0;
	s1 =	sshll.u32 s1, $0x11  }
0xbb: {  	s0 =	sor.u32 s1, s0  }
0xbc: {  	s0 =	sadd.s32 $0x8F2B, s0  }
0xbd: {  	[sflag:s0] =	ssyncadd.remote.s32 $0x1  }
0xbe: {  	_ =	sfence.sel $0xFFFF  }
0xbf: {  	[dreg:$0x0] =	wrdreg $0xFFFFFFFF;
	(pc) =	sbr.abs _section_cstart, $3  }
0xc0: {  	[dreg:$0x1] =	wrdreg $0xFFFFFFFF  }
0xc1: {  	_ =	task.clear_ibuf [dreg:s7], $0x2FFFF;
	_ =	strace $0x9FFFFFFF  }
0xc2: {  	(tm) =	ssettm $0x7FFFFFFF  }
0xc3: {  	_ =	shalt  }
tec
execute0_lowered:
.L_overlay_start_1:
0x0: {  	(tag) =	ssettag $0x1  }
0x1: {  	s3 =	rddreg [dreg:$0x0]  }
0x2: {  	s6 =	rddreg [dreg:$0x1]  }
0x3: {  	s0 =	rddreg [dreg:$0x2];
	s1 =	simm.s32 $0x0;
	s2 =	srdreg.scid  }
0x4: {  	[smem:$0x7FF] =	sst s1;
	s8 =	sand.u32 $0x1, s2  }
0x5: {  	s2 =	stileid.u32;
	s10 =	sadd.s32 $0x3200, s3;
	s3 =	simm.s32 $0x5A  }
0x6: {  	_ =	strace $0x80000047;
	s4 =	ssub.s32 $0x2, s8;
	s9 =	smul.u32 $0x2400, s2  }
0x7: {  	s7 =	sshll.u32 s2, $0x1;
	p0 =	seq.s32 s8, $0x0;
	s30 =	smul.u32 $0x5A0, s2  }
0x8: {  	s5 =	sshrl.u32 s4, $0x1;
	s28 =	sor.u32 s8, s7;
	s3 =	simm.s32 @!p0 $0x48  }
0x9: {  	p0 =	sne.s32 s8, $0x0;
	s8 =	simm.s32 $0x2D00;
	s29 =	sshrl.u32 s9, $0x3  }
0xa: {  	s11 =	ssub.s32 s4, s5;
	s31 =	smul.u32 $0x500, s28;
	s5 =	sadd.s32 s10, s29  }
0xb: {  	s9 =	simm.s32 $0x1;
	s7 =	smax.u32 s11, $0x1;
	s4 =	sadd.s32 $0x5A00, s5  }
0xc: {  	v0 =	vimm.f32 $0.0e+00;
	v1 =	vimm.f32 $1.000000000e+00;
	s5 =	sadd.s32 s10, s30;
	s6 =	sadd.s32 s6, s31;
	s10 =	simm.s32 $0x0  }
.LBB2_1:
0xd: {  	s11 =	simm.s32 @p0 $0x0  }
0xe: {  	[tilespmem:s11], [sflag:$0x1] =	stream.linear.gather @p0 [hbm4b:s4+s11], $0x2400, $0x38;
	[tilespmem:$0x5500] =	vst v63  }
0xf: {  	s11 =	simm.s32 @p0 $0x1  }
0x10: {  	_ =	swait.ge @p0 [sflag:s11], $0x2400  }
0x11: {  	[sflag:s11] =	ssyncset.done @p0 $0x0  }
0x12: {  	[sflag:s11] =	ssyncadd.s32 @p0 $0xFFFFDC00;
	s11 =	simm.s32 @!p0 $0x0  }
0x13: {  	[tilespmem:s11], [sflag:$0x1] =	stream.linear.gather @!p0 [hbm4b:s5+s11], $0x2D00, $0x38;
	[tilespmem:$0x5500] =	vst v63  }
0x14: {  	s11 =	simm.s32 @!p0 $0x1  }
0x15: {  	_ =	swait.ge @!p0 [sflag:s11], $0x2D00  }
0x16: {  	[sflag:s11] =	ssyncset.done @!p0 $0x0  }
0x17: {  	[sflag:s11] =	ssyncadd.s32 @!p0 $0xFFFFD300;
	s11 =	simm.s32 $0x0  }
.LBB2_2:
0x18: {  	p1 =	sne.s32 s11, $0x9FC0  }
.Ltmp0:
0x19: {  	_ = 	snop;
	(pc) =	sbr.rel @p1 .LBB2_2-.Ltmp0, $3  }
0x1a: {  	_ =	sdelay $0x1  }
0x1b: {  	s12 =	sshra.s32 s11, $0x2  }
0x1c: {  	s11 =	sadd.s32 $0x40, s11;
	[tilespmem:s12+$0x2D00] =	vst v0  }
0x1d: {  	s11 =	simm.s32 $0x40;
	s12 =	smov.u32 s3  }
.LBB2_4:
0x1e: {  	v2 =	vld [tilespmem:s11+$0xFFFFFFC0];
	_ =	sdelay $0x7  }
0x1f: {  	[tilespmem:v2+s8+$0x0] =	vst.idx.add.f32.msk $0xffff, v1  }
0x20: {  	v2 =	vld [tilespmem:s11+$0xFFFFFFD0];
	_ =	sdelay $0x7  }
0x21: {  	[tilespmem:v2+s8+$0x0] =	vst.idx.add.f32.msk $0xffff, v1  }
0x22: {  	v2 =	vld [tilespmem:s11+$0xFFFFFFE0];
	_ =	sdelay $0x7  }
0x23: {  	[tilespmem:v2+s8+$0x0] =	vst.idx.add.f32.msk $0xffff, v1  }
0x24: {  	v2 =	vld [tilespmem:s11+$0xFFFFFFF0];
	_ =	sdelay $0x7  }
0x25: {  	[tilespmem:v2+s8+$0x0] =	vst.idx.add.f32.msk $0xffff, v1  }
0x26: {  	v2 =	vld [tilespmem:s11+$0x0];
	_ =	sdelay $0x7  }
0x27: {  	[tilespmem:v2+s8+$0x0] =	vst.idx.add.f32.msk $0xffff, v1  }
0x28: {  	v2 =	vld [tilespmem:s11+$0x10];
	_ =	sdelay $0x7  }
0x29: {  	[tilespmem:v2+s8+$0x0] =	vst.idx.add.f32.msk $0xffff, v1  }
0x2a: {  	v2 =	vld [tilespmem:s11+$0x20];
	_ =	sdelay $0x7  }
0x2b: {  	[tilespmem:v2+s8+$0x0] =	vst.idx.add.f32.msk $0xffff, v1  }
0x2c: {  	v2 =	vld [tilespmem:s11+$0x30];
	_ =	sdelay $0x2  }
0x2d: {  	p1 =	sne.s32 s12, $0x1  }
.Ltmp1:
0x2e: {  	_ = 	snop;
	(pc) =	sbr.rel @p1 .LBB2_4-.Ltmp1, $2  }
0x2f: {  	_ =	sdelay $0x2  }
0x30: {  	s12 =	sadd.s32 $0xFFFFFFFF, s12;
	s11 =	sadd.s32 $0x80, s11;
	[tilespmem:v2+s8+$0x0] =	vst.idx.add.f32.msk $0xffff, v1  }
0x31: {  	s10 =	sadd.s32 $0x1, s10  }
0x32: {  	p1 =	sne.s32 s10, s7  }
.Ltmp2:
0x33: {  	_ = 	snop;
	(pc) =	sbr.rel @p1 .LBB2_1-.Ltmp2, $4  }
0x34: {  	[hbm4b:s6+s1] =	stream.linear.scatter [tilespmem:s8], [sflag:$0x1], $0x2800, $0x38;
	[tilespmem:$0x5500] =	vst v63  }
0x35: {  	_ =	swait.ge [sflag:s9], $0x2800  }
0x36: {  	[sflag:s9] =	ssyncset.done $0x0  }
0x37: {  	[sflag:s9] =	ssyncadd.s32 $0xFFFFD800  }
0x38: {  	_ =	sfence.sel $0x180000  }
0x39: {  	[bflag:$0x0] =	sbarrier.arrive $0xFFFF  }
0x3a: {  	p0 =	sne.s32 s2, $0x0;
	_ =	strace $0x90000047  }
0x3b: {  	s0 =	sadd.s32 @!p0 $0x100000, s0;
	[bflag:$0x2] =	sbarrier.arrive $0xFFFF  }
0x3c: {  	[sflag:s0] =	ssyncadd.tile.s32 @!p0 $0x1;
	_ =	shalt  }
.Lfunc_end2:
_tile_overlayer_lowered:
.L_overlay_start_2:
0x3d: {  	(tag) =	ssettag $0x2  }
0x3e: {  	s0 =	rddreg [dreg:$0x0];
	s2 =	stileid.u32  }
0x3f: {  	s1 =	rddreg [dreg:$0x1];
	p0 =	sne.s32 s2, $0x0  }
0x40: {  	s3 =	rddreg [dreg:$0x2];
	[bflag:$0x3] =	sbarrier.arrive $0xFFFF;
	s2 =	simm.s32 @!p0 $0x1C01  }
0x41: {  	[timem:s3], [sflag:s2] =	dma.local @!p0 [hbm:s0], s1  }
0x42: {  	s0 =	simm.s32 @!p0 $0x1  }
0x43: {  	_ =	swait.ge @!p0 [sflag:s0], s1  }
0x44: {  	s1 =	ssub.s32 @!p0 $0x0, s1;
	[sflag:s0] =	ssyncset.done @!p0 $0x0  }
0x45: {  	[sflag:s0] =	ssyncadd.s32 @!p0 s1  }
0x46: {  	[bflag:$0x3] =	sbarrier.arrive $0xFFFF  }
0x47: {  	_ =	shalt  }

// kernel: kernel.15.cloned.1.call-start
scs
__scs_entry_jumppad:
0x0: {  	(pc) =	sbr.rel $0x88, $3  }
0x1: {  	(tag) =	ssettag $0x0;
	lr =	simm.s32 $0x1  }
0x2: {  	[smem:$0x3F97] =	sst lr;
	_ =	strace $0xD0000000  }
0x3: {  	_ = 	snop  }
0x4: {  	_ = 	snop  }
0x5: {  	_ = 	snop  }
0x6: {  	_ = 	snop  }
0x7: {  	_ = 	snop  }
__scs_overlays_trampoline_lowered:
0x8: {  	[smem:$0x3FA6] =	sst s0  }
0x9: {  	[smem:$0x3FA7] =	sst s1  }
0xa: {  	[smem:$0x3FA8] =	sst s2  }
0xb: {  	[smem:$0x3FA9] =	sst s3  }
0xc: {  	[smem:$0x3FAA] =	sst s4  }
0xd: {  	[smem:$0x3FAB] =	sst s5  }
0xe: {  	[smem:$0x3FAC] =	sst s6  }
0xf: {  	[smem:$0x3FAD] =	sst s7  }
0x10: {  	[smem:$0x3FAE] =	sst s8  }
0x11: {  	[smem:$0x3FAF] =	sst s9;
	s0 =	simm.s32 @!p0 $0x0  }
0x12: {  	s1 =	sld [smem:$0x3F95];
	s0 =	simm.s32 @p0 $0x1  }
0x13: {  	[smem:$0x3FB0] =	sst s0;
	s0 =	simm.s32 @!p1 $0x0  }
0x14: {  	s2 =	sld [smem:$0x3F94];
	s0 =	simm.s32 @p1 $0x1  }
0x15: {  	[smem:$0x3FB1] =	sst s0;
	s0 =	simm.s32 @!p2 $0x0  }
0x16: {  	s3 =	sld [smem:$0x3FDB];
	s0 =	simm.s32 @p2 $0x1  }
0x17: {  	s4 =	simm.s32 $0x1BF5;
	[smem:$0x3FB3] =	sst s0  }
0x18: {  	s0 =	sld [smem:$0x3F96];
	_ =	swait.ge [sflag:s4], $0x0  }
0x19: {  	s7 =	sld [smem:$0x3F97]  }
0x1a: {  	s8 =	sadd.s32 $0xFFFFE003, lr  }
0x1b: {  	s9 =	sadd.s32 $0xFFFFFEF7, lr;
	s5 =	simm.s32 $0xFFFFFFFF;
	p2 =	slt.u32 s8, $0xFFFFF086  }
0x1c: {  	p1 =	slt.u32 s9, $0xF7A;
	s5 =	simm.s32 @!p2 $0x0  }
0x1d: {  	s5 =	simm.s32 @p1 $0x1;
	p0 =	seq.s32 s7, s2  }
0x1e: {  	s7 =	smul.u32 @!p0 $0xF7A, s2;
	p2 =	seq.s32 @!p0 s5, $0x0  }
0x1f: {  	s9 =	smul.u32 $0xF7A, s1;
	s8 =	simm.s32 @!p0 $0x1BF5;
	p2 =	por !p2, p0  }
0x20: {  	[sflag:s8] =	ssyncset.s32 @!p0 $0xFFFFF086;
	s6 =	sadd.s32 @!p0 s3, s7;
	s7 =	simm.s32 @!p0 $0x108  }
0x21: {  	s3 =	sadd.s32 s3, s9;
	s6 =	sadd.s32 @!p0 $0x88, s6;
	s7 =	simm.s32 @p2 $0x1082  }
0x22: {  	[simem:s7], [sflag:s8] =	dma.local @!p0 [hbm:s6], $0xF7A  }
0x23: {  	s9 =	sor.u32 $0xD0000000, s2;
	s6 =	simm.s32 $0x108;
	_ =	swait.ge @!p0 [sflag:s8], $0x0  }
0x24: {  	s3 =	sadd.s32 $0x88, s3;
	s6 =	simm.s32 @!p1 $0x1082;
	[sflag:s4] =	ssyncset.s32 $0xFFFFF086  }
0x25: {  	[simem:s6], [sflag:s4] =	dma.local [hbm:s3], $0xF7A  }
0x26: {  	[smem:$0x3F97] =	sst s1;
	(tag) =	ssettag s2;
	_ =	strace s9  }
0x27: {  	s1 =	sld [smem:$0x3FA7]  }
0x28: {  	s2 =	sld [smem:$0x3FA8]  }
0x29: {  	s4 =	sld [smem:$0x3FAA]  }
0x2a: {  	p0 =	seq.s32 s5, $0x0;
	s5 =	sld [smem:$0x3FAB]  }
0x2b: {  	s6 =	sld [smem:$0x3FAC]  }
0x2c: {  	s7 =	sld [smem:$0x3FAD]  }
0x2d: {  	s3 =	simm.s32 $0x108;
	s8 =	sld [smem:$0x3FAE]  }
0x2e: {  	s3 =	simm.s32 @!p0 $0x1082;
	s9 =	sld [smem:$0x3FAF]  }
0x2f: {  	lr =	sadd.s32 s0, s3;
	s0 =	sld [smem:$0x3FA6]  }
0x30: {  	s3 =	sld [smem:$0x3FA9]  }
0x31: {  	[smem:$0x3FB2] =	sst s10  }
0x32: {  	s10 =	sld [smem:$0x3FB0];
	_ =	sdelay $0x3  }
0x33: {  	p0 =	seq.s32 s10, $0x1;
	s10 =	sld [smem:$0x3FB2];
	_ =	sdelay $0x3  }
0x34: {  	[smem:$0x3FB2] =	sst s10  }
0x35: {  	s10 =	sld [smem:$0x3FB1];
	_ =	sdelay $0x3  }
0x36: {  	p1 =	seq.s32 s10, $0x1;
	s10 =	sld [smem:$0x3FB2];
	_ =	sdelay $0x3  }
0x37: {  	[smem:$0x3FB2] =	sst s10  }
0x38: {  	s10 =	sld [smem:$0x3FB3]  }
0x39: {  	_ = 	snop;
	(pc) =	sbr.ind lr, $3  }
0x3a: {  	_ = 	snop  }
0x3b: {  	_ = 	snop  }
0x3c: {  	p2 =	seq.s32 s10, $0x1;
	s10 =	sld [smem:$0x3FB2]  }
0x3d: {  	_ =	shalt  }
0x3e: {  	_ =	shalt  }
0x3f: {  	_ =	shalt  }
0x40: {  	_ =	shalt  }
0x41: {  	_ =	shalt  }
0x42: {  	_ =	shalt  }
0x43: {  	_ =	shalt  }
0x44: {  	_ =	shalt  }
0x45: {  	_ =	shalt  }
0x46: {  	_ =	shalt  }
0x47: {  	_ =	shalt  }
0x48: {  	_ =	shalt  }
0x49: {  	_ =	shalt  }
0x4a: {  	_ =	shalt  }
0x4b: {  	_ =	shalt  }
0x4c: {  	_ =	shalt  }
0x4d: {  	_ =	shalt  }
0x4e: {  	_ =	shalt  }
0x4f: {  	_ =	shalt  }
0x50: {  	_ =	shalt  }
0x51: {  	_ =	shalt  }
0x52: {  	_ =	shalt  }
0x53: {  	_ =	shalt  }
0x54: {  	_ =	shalt  }
0x55: {  	_ =	shalt  }
0x56: {  	_ =	shalt  }
0x57: {  	_ =	shalt  }
0x58: {  	_ =	shalt  }
0x59: {  	_ =	shalt  }
0x5a: {  	_ =	shalt  }
0x5b: {  	_ =	shalt  }
0x5c: {  	_ =	shalt  }
0x5d: {  	_ =	shalt  }
0x5e: {  	_ =	shalt  }
0x5f: {  	_ =	shalt  }
0x60: {  	_ =	shalt  }
0x61: {  	_ =	shalt  }
0x62: {  	_ =	shalt  }
0x63: {  	_ =	shalt  }
0x64: {  	_ =	shalt  }
0x65: {  	_ =	shalt  }
0x66: {  	_ =	shalt  }
0x67: {  	_ =	shalt  }
0x68: {  	_ =	shalt  }
0x69: {  	_ =	shalt  }
0x6a: {  	_ =	shalt  }
0x6b: {  	_ =	shalt  }
0x6c: {  	_ =	shalt  }
0x6d: {  	_ =	shalt  }
0x6e: {  	_ =	shalt  }
0x6f: {  	_ =	shalt  }
0x70: {  	_ =	shalt  }
0x71: {  	_ =	shalt  }
0x72: {  	_ =	shalt  }
0x73: {  	_ =	shalt  }
0x74: {  	_ =	shalt  }
0x75: {  	_ =	shalt  }
0x76: {  	_ =	shalt  }
0x77: {  	_ =	shalt  }
0x78: {  	_ =	shalt  }
0x79: {  	_ =	shalt  }
0x7a: {  	_ =	shalt  }
0x7b: {  	_ =	shalt  }
0x7c: {  	_ =	shalt  }
0x7d: {  	_ =	shalt  }
0x7e: {  	_ =	shalt  }
0x7f: {  	_ =	shalt  }
0x80: {  	_ =	shalt  }
0x81: {  	_ =	shalt  }
0x82: {  	_ =	shalt  }
0x83: {  	_ =	shalt  }
0x84: {  	_ =	shalt  }
0x85: {  	_ =	shalt  }
0x86: {  	_ =	shalt  }
0x87: {  	_ =	shalt  }
.Lfunc_end0:
.L_simem_size_0:
called_computation.1_lowered:
.L_overlay_start_0:
0x88: {  	s2 =	sld [smem:$0x3FD9]  }
0x89: {  	s3 =	sld [smem:$0x3FFE];
	_ =	sdelay $0x1  }
0x8a: {  	s1 =	srdreg.scid  }
0x8b: {  	s0 =	sand.u32 $0x1, s1  }
0x8c: {  	s17 =	sshll.u32 s0, $0xA;
	s2 =	sadd.s32 s3, s2  }
0x8d: {  	s2 =	sadd.s32 s2, s17  }
0x8e: {  	[smem:$0x3FBE] =	sst s2  }
0x8f: {  	_ = 	snop  }
0x90: {  	s2 =	sld [smem:$0x3FD0];
	(tm) =	ssettm $0x1  }
0x91: {  	s18 =	sld [smem:$0x3FFB];
	_ =	sdelay $0x3  }
0x92: {  	_ =	strace s18  }
0x93: {  	s3 =	sld [smem:$0x3FFC];
	_ =	sdelay $0x3  }
0x94: {  	_ =	strace s3  }
0x95: {  	s3 =	sld [smem:$0x3FFD];
	_ =	sdelay $0x3  }
0x96: {  	_ =	strace s3  }
0x97: {  	_ =	strace $0x8FFFFFFF  }
0x98: {  	s19 =	sld [smem:$0x3FDB];
	_ =	sdelay $0x1  }
0x99: {  	s4 =	simm.s32 $_scs_section_size  }
0x9a: {  	s5 =	simm.s32 $_size__tile_overlayer_lowered;
	s6 =	simm.s32 $_tile_overlayer_lowered  }
0x9b: {  	s22 =	simm.s32 $0x1BFF;
	s21 =	sshll.u32 s6, $0x1;
	s3 =	sadd.s32 s4, s19  }
0x9c: {  	s7 =	simm.s32 $0x0;
	s20 =	sshll.u32 s5, $0x1;
	s5 =	sadd.s32 s21, s3  }
0x9d: {  	[timem:s7], [sflag:s22] =	dma.local [hbm:s5], s20  }
0x9e: {  	_ =	swait.ge [sflag:s22], s20  }
0x9f: {  	s4 =	ssub.s32 $0x0, s20;
	[sflag:s22] =	ssyncset.done $0x0  }
0xa0: {  	[sflag:s22] =	ssyncadd.s32 s4;
	_ =	sdelay $0x1  }
0xa1: {  	s23 =	simm.s32 $0x1B8B  }
0xa2: {  	_ =	swait.ge [sflag:s23], $0x1  }
0xa3: {  	[sflag:s23] =	ssyncset.done $0x0  }
0xa4: {  	s25 =	simm.s32 $0x1B8E;
	s24 =	sld [smem:$0x3FFE];
	[sflag:s23] =	ssyncadd.s32 $0xFFFFFFFF  }
0xa5: {  	s26 =	simm.s32 $execute0_lowered;
	[smem:$0x3FD2] =	sst s25  }
0xa6: {  	s5 =	sshll.u32 s26, $0x1;
	_ =	strace $0x80000049;
	[dreg:$0x1] =	wrdreg $0xFFFFFFFF  }
0xa7: {  	s28 =	simm.s32 $_size_execute0_lowered;
	s3 =	sadd.s32 s3, s5;
	[dreg:$0x0] =	wrdreg $0x0  }
0xa8: {  	s5 =	sshll.u32 s28, $0x1;
	[dreg:$0x2] =	wrdreg s3  }
0xa9: {  	[dreg:$0x3] =	wrdreg s5  }
0xaa: {  	[dreg:$0x4] =	wrdreg $0xC0  }
0xab: {  	_ =	task [dreg:s7], $0x5FFFF  }
0xac: {  	[dreg:$0x1] =	wrdreg $0xFFFFFFFF  }
0xad: {  	[dreg:$0x0] =	wrdreg $0x60  }
0xae: {  	[dreg:$0x2] =	wrdreg s24  }
0xaf: {  	[dreg:$0x3] =	wrdreg s2  }
0xb0: {  	[dreg:$0x4] =	wrdreg $0x7A000  }
0xb1: {  	[dreg:$0x5] =	wrdreg $0x9  }
0xb2: {  	_ =	task.clear_ibuf [dreg:s7], $0x6FFFF;
	_ =	strace $0x90000049  }
0xb3: {  	s29 =	simm.s32 $0x9;
	_ =	strace $0x8000004B  }
0xb4: {  	_ =	swait.ge [sflag:s29], $0x1  }
0xb5: {  	[sflag:s29] =	ssyncadd.s32 $0xFFFFFFFF  }
0xb6: {  	_ =	strace $0x9000004B  }
0xb7: {  	_ =	sfence  }
0xb8: {  	s30 =	sld [smem:$0x0];
	_ =	sdelay $0x2  }
0xb9: {  	s31 =	sshll.u32 s1, $0xD;
	s1 =	sshrl.u32 s1, $0x2  }
0xba: {  	s3 =	sand.u32 $0x4000, s31;
	s1 =	sadd.s32 s1, s30  }
0xbb: {  	s0 =	sor.u32 s3, s0;
	s1 =	sshll.u32 s1, $0x11  }
0xbc: {  	s0 =	sor.u32 s1, s0  }
0xbd: {  	s0 =	sadd.s32 $0x8F2B, s0  }
0xbe: {  	[sflag:s0] =	ssyncadd.remote.s32 $0x1  }
0xbf: {  	_ =	sfence.sel $0xFFFF  }
0xc0: {  	[dreg:$0x0] =	wrdreg $0xFFFFFFFF;
	(pc) =	sbr.abs _section_cstart, $3  }
0xc1: {  	[dreg:$0x1] =	wrdreg $0xFFFFFFFF  }
0xc2: {  	_ =	task.clear_ibuf [dreg:s7], $0x2FFFF;
	_ =	strace $0x9FFFFFFF  }
0xc3: {  	(tm) =	ssettm $0x7FFFFFFF  }
tec
execute0_lowered:
.L_overlay_start_1:
0x0: {  	(tag) =	ssettag $0x1  }
0x1: {  	s0 =	rddreg [dreg:$0x0]  }
0x2: {  	s16 =	rddreg [dreg:$0x1]  }
0x3: {  	s2 =	rddreg [dreg:$0x2]  }
0x4: {  	s3 =	simm.s32 $0x0;
	s4 =	srdreg.scid;
	s1 =	stileid.u32  }
0x5: {  	s21 =	simm.s32 $0x3;
	s22 =	simm.s32 $0xCA00;
	s23 =	simm.s32 $0x80  }
0x6: {  	s24 =	simm.s32 $0x6A00;
	s25 =	simm.s32 $0x1;
	s28 =	simm.s32 $0x2  }
0x7: {  	s29 =	simm.s32 $0x0;
	[smem:$0x7FF] =	sst s3;
	s8 =	smul.u32 $0x480, s1  }
0x8: {  	s20 =	sand.u32 $0x1, s4;
	s26 =	sshll.u32 s1, $0x1;
	s11 =	smul.u32 $0x5A0, s1  }
0x9: {  	s4 =	sadd.s32 $0x17C00, s0;
	s9 =	sadd.s32 $0xD400, s0;
	s12 =	smul.u32 $0x14000, s1  }
0xa: {  	s10 =	sadd.s32 $0x3200, s0;
	s30 =	sadd.s32 $0x17600, s0;
	s13 =	smul.u32 $0x5000, s1  }
0xb: {  	_ =	strace $0x8000004A;
	s5 =	sor.u32 s20, s26;
	[dreg:$0x4] =	wrdreg s30  }
0xc: {  	s7 =	ssub.s32 $0x2, s20;
	p0 =	seq.s32 s20, $0x0;
	s14 =	smul.u32 $0x50000, s20  }
0xd: {  	s26 =	simm.s32 $0xF200;
	s6 =	smul.u32 $0x500, s5;
	s31 =	sshrl.u32 s7, $0x1  }
0xe: {  	s8 =	sadd.s32 $0x5A00, s8;
	s12 =	sshrl.u32 s12, $0x2;
	s18 =	ssub.s32 s7, s31  }
0xf: {  	s7 =	sadd.s32 s9, s8;
	s8 =	sadd.s32 s10, s8;
	s9 =	sadd.s32 s9, s11  }
0x10: {  	s10 =	sadd.s32 s10, s11;
	s15 =	sadd.s32 s12, s2;
	s11 =	sadd.s32 s13, s2  }
0x11: {  	s17 =	sadd.s32 s13, s14;
	s0 =	sadd.s32 s6, s0;
	s6 =	simm.s32 $0x5A  }
0x12: {  	s12 =	sadd.s32 $0x1000, s15;
	s13 =	sadd.s32 $0x2000, s15;
	s14 =	sadd.s32 $0x3000, s15  }
0x13: {  	s17 =	sshrl.u32 s17, $0x3;
	s15 =	sadd.s32 $0x4000, s15;
	s18 =	smax.u32 s18, $0x1  }
0x14: {  	s6 =	simm.s32 @!p0 $0x48;
	s16 =	sadd.s32 s16, s17;
	s17 =	sadd.s32 $0x21C00, s0  }
0x15: {  	v0 =	vimm.f32 $0.0e+00;
	p0 =	sne.s32 s20, $0x0;
	s20 =	simm.s32 $0x5A00;
	s19 =	sshll.u32 s6, $0x9  }
.LBB2_1:
0x16: {  	s0 =	simm.s32 @p0 $0x0;
	s30 =	simm.s32 @p0 $0x3  }
0x17: {  	[tilespmem:s0], [sflag:$0x3] =	stream.linear.gather @p0 [hbm4b:s7+s0], $0x2400, $0x38;
	[tilespmem:$0x11A00] =	vst v63  }
0x18: {  	_ =	swait.ge @p0 [sflag:s30], $0x2400  }
0x19: {  	[sflag:s30] =	ssyncset.done @p0 $0x0  }
0x1a: {  	s31 =	simm.s32 @p0 $0x2D00;
	[sflag:s30] =	ssyncadd.s32 @p0 $0xFFFFDC00  }
0x1b: {  	[tilespmem:s31], [sflag:$0x3] =	stream.linear.gather @p0 [hbm4b:s8+s0], $0x2400, $0x38;
	[tilespmem:$0x11A00] =	vst v63  }
0x1c: {  	_ =	swait.ge @p0 [sflag:s30], $0x2400  }
0x1d: {  	[sflag:s30] =	ssyncset.done @p0 $0x0  }
0x1e: {  	s0 =	simm.s32 @!p0 $0x0;
	[sflag:s30] =	ssyncadd.s32 @p0 $0xFFFFDC00;
	s30 =	simm.s32 @!p0 $0x3  }
0x1f: {  	[tilespmem:s0], [sflag:$0x3] =	stream.linear.gather @!p0 [hbm4b:s9+s0], $0x2D00, $0x38;
	[tilespmem:$0x11A00] =	vst v63  }
0x20: {  	_ =	swait.ge @!p0 [sflag:s30], $0x2D00  }
0x21: {  	[sflag:s30] =	ssyncset.done @!p0 $0x0  }
0x22: {  	s31 =	simm.s32 @!p0 $0x2D00;
	[sflag:s30] =	ssyncadd.s32 @!p0 $0xFFFFD300  }
0x23: {  	[tilespmem:s31], [sflag:$0x3] =	stream.linear.gather @!p0 [hbm4b:s10+s0], $0x2D00, $0x38;
	[tilespmem:$0x11A00] =	vst v63  }
0x24: {  	_ =	swait.ge @!p0 [sflag:s30], $0x2D00  }
0x25: {  	[sflag:s30] =	ssyncset.done @!p0 $0x0  }
0x26: {  	s0 =	simm.s32 $0x80;
	[sflag:s30] =	ssyncadd.s32 @!p0 $0xFFFFD300;
	s30 =	simm.s32 $0x0  }
.LBB2_2:
0x27: {  	p1 =	sne.s32 s0, $0x3F80;
	[tilespmem:s30+$0x5A00] =	vst v0;
	s31 =	smov.u32 s0;
	s0 =	sadd.s32 $0x80, s0  }
.Ltmp0:
0x28: {  	[tilespmem:s30+$0x5A10] =	vst v0;
	(pc) =	sbr.rel @p1 .LBB2_2-.Ltmp0, $2  }
0x29: {  	_ =	sdelay $0x2  }
0x2a: {  	s30 =	sshra.s32 s31, $0x2  }
0x2b: {  	[tilespmem:s30+$0x5A00] =	vst v0  }
0x2c: {  	[tilespmem:s30+$0x5A10] =	vst v0  }
0x2d: {  	[spmem:s11] =	stream.linear.scatter [tilespmem:s20], [sflag:$0x3], $0x1000, $0x38;
	[tilespmem:$0x11A00] =	vst v63  }
0x2e: {  	_ =	swait.ge [sflag:s21], $0x1000  }
0x2f: {  	[sflag:s21] =	ssyncset.done $0x0  }
0x30: {  	[sflag:s21] =	ssyncadd.s32 $0xFFFFF000  }
0x31: {  	[spmem:s12] =	stream.linear.scatter [tilespmem:s20], [sflag:$0x3], $0x1000, $0x38;
	[tilespmem:$0x11A00] =	vst v63  }
0x32: {  	_ =	swait.ge [sflag:s21], $0x1000  }
0x33: {  	[sflag:s21] =	ssyncset.done $0x0  }
0x34: {  	[sflag:s21] =	ssyncadd.s32 $0xFFFFF000  }
0x35: {  	[spmem:s13] =	stream.linear.scatter [tilespmem:s20], [sflag:$0x3], $0x1000, $0x38;
	[tilespmem:$0x11A00] =	vst v63  }
0x36: {  	_ =	swait.ge [sflag:s21], $0x1000  }
0x37: {  	[sflag:s21] =	ssyncset.done $0x0  }
0x38: {  	[sflag:s21] =	ssyncadd.s32 $0xFFFFF000  }
0x39: {  	[spmem:s14] =	stream.linear.scatter [tilespmem:s20], [sflag:$0x3], $0x1000, $0x38;
	[tilespmem:$0x11A00] =	vst v63  }
0x3a: {  	_ =	swait.ge [sflag:s21], $0x1000  }
0x3b: {  	[sflag:s21] =	ssyncset.done $0x0  }
0x3c: {  	[sflag:s21] =	ssyncadd.s32 $0xFFFFF000  }
0x3d: {  	[spmem:s15] =	stream.linear.scatter [tilespmem:s20], [sflag:$0x3], $0x1000, $0x38;
	[tilespmem:$0x11A00] =	vst v63  }
0x3e: {  	_ =	swait.ge [sflag:s21], $0x1000  }
0x3f: {  	[sflag:s21] =	ssyncset.done $0x0  }
0x40: {  	s0 =	simm.s32 $0x0;
	s1 =	rddreg [dreg:$0x4];
	[sflag:s21] =	ssyncadd.s32 $0xFFFFF000  }
0x41: {  	[tilespmem:s22], [sflag:$0x3] =	stream.linear.gather [hbm4b:s1+s0], $0x2800, $0x38;
	[tilespmem:$0x11A00] =	vst v63  }
0x42: {  	_ =	swait.ge [sflag:s21], $0x2800  }
0x43: {  	[sflag:s21] =	ssyncset.done $0x0  }
0x44: {  	s30 =	simm.s32 $0x0;
	s0 =	simm.s32 $0x40;
	[sflag:s21] =	ssyncadd.s32 $0xFFFFD800  }
.LBB2_4:
0x45: {  	p1 =	sne.s32 s0, $0x9FC0;
	[tilespmem:s30+$0xF200] =	vst v0;
	s30 =	smov.u32 s0;
	s0 =	sadd.s32 $0x40, s0  }
.Ltmp1:
0x46: {  	(pc) =	sbr.rel @p1 .LBB2_4-.Ltmp1, $2  }
0x47: {  	_ =	sdelay $0x2  }
0x48: {  	s30 =	sshra.s32 s30, $0x2  }
0x49: {  	[tilespmem:s30+$0xF200] =	vst v0  }
0x4a: {  	s30 =	simm.s32 $0x0;
	[bflag:$0x0] =	sbarrier.arrive $0xFFFF  }
0x4b: {  	[tilespmem:s20], [sflag:$0x1] =	stream.indirect.gather [hbm4b:s4+s23], $0x20, s30, s23, $0xb8;
	[tilespmem:$0x11A00] =	vst v63  }
0x4c: {  	s31 =	simm.s32 $0x3  }
0x4d: {  	[tilespmem:s24], [sflag:$0x2] =	stream.indirect.gather [hbm4b:s4+s23], $0x20, s23, s23, $0xb8;
	[tilespmem:$0x11A00] =	vst v63  }
.LBB2_6:
0x4e: {  	_ =	swait.ge [sflag:s25], $0x1000  }
0x4f: {  	s0 =	sshra.s32 s30, $0x2;
	[sflag:s25] =	ssyncset.done $0x0  }
0x50: {  	s1 =	sadd.s32 $0xFFFFFFFF, s31;
	s3 =	sadd.s32 $0x2D00, s0;
	[sflag:s25] =	ssyncadd.s32 $0xFFFFF000  }
0x51: {  	[spmem:s2] =	stream.indirect.scatter.add.f32 [tilespmem:s20], [sflag:$0x3], $0x20, s3, s23, $0xb8;
	[tilespmem:$0x11A00] =	vst v63  }
0x52: {  	p1 =	sge.u32 s1, s6;
	_ =	swait.ge [sflag:s21], $0x1000  }
0x53: {  	s1 =	simm.s32 @!p1 $0x80;
	s3 =	sshra.s32 @!p1 s30, $0x2;
	[sflag:s21] =	ssyncset.done $0x0  }
0x54: {  	s5 =	simm.s32 @!p1 $0x5A00;
	s3 =	sadd.s32 @!p1 $0x100, s3;
	[sflag:s21] =	ssyncadd.s32 $0xFFFFF000  }
0x55: {  	[tilespmem:s5], [sflag:$0x1] =	stream.indirect.gather @!p1 [hbm4b:s4+s1], $0x20, s3, s1, $0xb8;
	[tilespmem:$0x11A00] =	vst v63  }
0x56: {  	v1 =	vld [tilespmem:s0+$0x0];
	_ =	sdelay $0x4  }
0x57: {  	v2 =	vld [tilespmem:s0+$0x2D00];
	_ =	sdelay $0x2  }
0x58: {  	v1 =	vld.idx.msk [tilespmem:v1+s22+$0x0], $0xffff;
	_ =	sdelay $0x4  }
0x59: {  	[tilespmem:v2+s26+$0x0] =	vst.idx.add.f32.msk $0xffff, v1  }
0x5a: {  	v1 =	vld [tilespmem:s0+$0x10];
	_ =	sdelay $0x4  }
0x5b: {  	v2 =	vld [tilespmem:s0+$0x2D10];
	_ =	sdelay $0x2  }
0x5c: {  	v1 =	vld.idx.msk [tilespmem:v1+s22+$0x0], $0xffff;
	_ =	sdelay $0x4  }
0x5d: {  	[tilespmem:v2+s26+$0x0] =	vst.idx.add.f32.msk $0xffff, v1  }
0x5e: {  	v1 =	vld [tilespmem:s0+$0x20];
	_ =	sdelay $0x4  }
0x5f: {  	v2 =	vld [tilespmem:s0+$0x2D20];
	_ =	sdelay $0x2  }
0x60: {  	v1 =	vld.idx.msk [tilespmem:v1+s22+$0x0], $0xffff;
	_ =	sdelay $0x4  }
0x61: {  	[tilespmem:v2+s26+$0x0] =	vst.idx.add.f32.msk $0xffff, v1  }
0x62: {  	v1 =	vld [tilespmem:s0+$0x30];
	_ =	sdelay $0x4  }
0x63: {  	v2 =	vld [tilespmem:s0+$0x2D30];
	_ =	sdelay $0x2  }
0x64: {  	v1 =	vld.idx.msk [tilespmem:v1+s22+$0x0], $0xffff;
	_ =	sdelay $0x4  }
0x65: {  	[tilespmem:v2+s26+$0x0] =	vst.idx.add.f32.msk $0xffff, v1  }
0x66: {  	v1 =	vld [tilespmem:s0+$0x40];
	_ =	sdelay $0x4  }
0x67: {  	v2 =	vld [tilespmem:s0+$0x2D40];
	_ =	sdelay $0x2  }
0x68: {  	v1 =	vld.idx.msk [tilespmem:v1+s22+$0x0], $0xffff;
	_ =	sdelay $0x4  }
0x69: {  	[tilespmem:v2+s26+$0x0] =	vst.idx.add.f32.msk $0xffff, v1  }
0x6a: {  	v1 =	vld [tilespmem:s0+$0x50];
	_ =	sdelay $0x4  }
0x6b: {  	v2 =	vld [tilespmem:s0+$0x2D50];
	_ =	sdelay $0x2  }
0x6c: {  	v1 =	vld.idx.msk [tilespmem:v1+s22+$0x0], $0xffff;
	_ =	sdelay $0x4  }
0x6d: {  	[tilespmem:v2+s26+$0x0] =	vst.idx.add.f32.msk $0xffff, v1  }
0x6e: {  	v1 =	vld [tilespmem:s0+$0x60];
	_ =	sdelay $0x4  }
0x6f: {  	v2 =	vld [tilespmem:s0+$0x2D60];
	_ =	sdelay $0x2  }
0x70: {  	v1 =	vld.idx.msk [tilespmem:v1+s22+$0x0], $0xffff;
	_ =	sdelay $0x4  }
0x71: {  	[tilespmem:v2+s26+$0x0] =	vst.idx.add.f32.msk $0xffff, v1  }
0x72: {  	v1 =	vld [tilespmem:s0+$0x70];
	_ =	sdelay $0x4  }
0x73: {  	v2 =	vld [tilespmem:s0+$0x2D70];
	_ =	sdelay $0x2  }
0x74: {  	v1 =	vld.idx.msk [tilespmem:v1+s22+$0x0], $0xffff;
	_ =	sdelay $0x4  }
0x75: {  	[tilespmem:v2+s26+$0x0] =	vst.idx.add.f32.msk $0xffff, v1  }
0x76: {  	_ =	swait.ge [sflag:s28], $0x1000  }
0x77: {  	[sflag:s28] =	ssyncset.done $0x0  }
0x78: {  	s5 =	sadd.s32 $0x2D80, s0;
	[sflag:s28] =	ssyncadd.s32 $0xFFFFF000  }
0x79: {  	[spmem:s2] =	stream.indirect.scatter.add.f32 [tilespmem:s24], [sflag:$0x3], $0x20, s5, s23, $0xb8;
	[tilespmem:$0x11A00] =	vst v63  }
0x7a: {  	p1 =	sge.u32 s31, s6;
	_ =	swait.ge [sflag:s21], $0x1000  }
0x7b: {  	s1 =	sshra.s32 @!p1 s30, $0x2;
	s3 =	simm.s32 @!p1 $0x80;
	[sflag:s21] =	ssyncset.done $0x0  }
0x7c: {  	s1 =	sadd.s32 @!p1 $0x180, s1;
	s5 =	simm.s32 @!p1 $0x6A00;
	[sflag:s21] =	ssyncadd.s32 $0xFFFFF000  }
0x7d: {  	[tilespmem:s5], [sflag:$0x2] =	stream.indirect.gather @!p1 [hbm4b:s4+s3], $0x20, s1, s3, $0xb8;
	[tilespmem:$0x11A00] =	vst v63  }
0x7e: {  	v1 =	vld [tilespmem:s0+$0x80];
	_ =	sdelay $0x4  }
0x7f: {  	v2 =	vld [tilespmem:s0+$0x2D80];
	_ =	sdelay $0x2  }
0x80: {  	v1 =	vld.idx.msk [tilespmem:v1+s22+$0x0], $0xffff;
	_ =	sdelay $0x4  }
0x81: {  	[tilespmem:v2+s26+$0x0] =	vst.idx.add.f32.msk $0xffff, v1  }
0x82: {  	v1 =	vld [tilespmem:s0+$0x90];
	_ =	sdelay $0x4  }
0x83: {  	v2 =	vld [tilespmem:s0+$0x2D90];
	_ =	sdelay $0x2  }
0x84: {  	v1 =	vld.idx.msk [tilespmem:v1+s22+$0x0], $0xffff;
	_ =	sdelay $0x4  }
0x85: {  	[tilespmem:v2+s26+$0x0] =	vst.idx.add.f32.msk $0xffff, v1  }
0x86: {  	v1 =	vld [tilespmem:s0+$0xA0];
	_ =	sdelay $0x4  }
0x87: {  	v2 =	vld [tilespmem:s0+$0x2DA0];
	_ =	sdelay $0x2  }
0x88: {  	v1 =	vld.idx.msk [tilespmem:v1+s22+$0x0], $0xffff;
	_ =	sdelay $0x4  }
0x89: {  	[tilespmem:v2+s26+$0x0] =	vst.idx.add.f32.msk $0xffff, v1  }
0x8a: {  	v1 =	vld [tilespmem:s0+$0xB0];
	_ =	sdelay $0x4  }
0x8b: {  	v2 =	vld [tilespmem:s0+$0x2DB0];
	_ =	sdelay $0x2  }
0x8c: {  	v1 =	vld.idx.msk [tilespmem:v1+s22+$0x0], $0xffff;
	_ =	sdelay $0x4  }
0x8d: {  	[tilespmem:v2+s26+$0x0] =	vst.idx.add.f32.msk $0xffff, v1  }
0x8e: {  	v1 =	vld [tilespmem:s0+$0xC0];
	_ =	sdelay $0x4  }
0x8f: {  	v2 =	vld [tilespmem:s0+$0x2DC0];
	_ =	sdelay $0x2  }
0x90: {  	v1 =	vld.idx.msk [tilespmem:v1+s22+$0x0], $0xffff;
	_ =	sdelay $0x4  }
0x91: {  	[tilespmem:v2+s26+$0x0] =	vst.idx.add.f32.msk $0xffff, v1  }
0x92: {  	v1 =	vld [tilespmem:s0+$0xD0];
	_ =	sdelay $0x4  }
0x93: {  	v2 =	vld [tilespmem:s0+$0x2DD0];
	_ =	sdelay $0x2  }
0x94: {  	v1 =	vld.idx.msk [tilespmem:v1+s22+$0x0], $0xffff;
	_ =	sdelay $0x4  }
0x95: {  	[tilespmem:v2+s26+$0x0] =	vst.idx.add.f32.msk $0xffff, v1  }
0x96: {  	v1 =	vld [tilespmem:s0+$0xE0];
	_ =	sdelay $0x4  }
0x97: {  	v2 =	vld [tilespmem:s0+$0x2DE0];
	_ =	sdelay $0x2  }
0x98: {  	v1 =	vld.idx.msk [tilespmem:v1+s22+$0x0], $0xffff;
	_ =	sdelay $0x4  }
0x99: {  	[tilespmem:v2+s26+$0x0] =	vst.idx.add.f32.msk $0xffff, v1  }
0x9a: {  	v1 =	vld [tilespmem:s0+$0xF0];
	_ =	sdelay $0x4  }
0x9b: {  	v2 =	vld [tilespmem:s0+$0x2DF0];
	_ =	sdelay $0x1  }
0x9c: {  	s30 =	sadd.s32 $0x400, s30  }
0x9d: {  	p1 =	sne.s32 s19, s30;
	v1 =	vld.idx.msk [tilespmem:v1+s22+$0x0], $0xffff  }
.Ltmp2:
0x9e: {  	_ = 	snop;
	(pc) =	sbr.rel @p1 .LBB2_6-.Ltmp2, $2  }
0x9f: {  	_ =	sdelay $0x2  }
0xa0: {  	s31 =	sadd.s32 $0x2, s31;
	[tilespmem:v2+s26+$0x0] =	vst.idx.add.f32.msk $0xffff, v1  }
0xa1: {  	s0 =	stileid.u32  }
0xa2: {  	s0 =	sshll.u32 s0, $0x6  }
0xa3: {  	[bflag:$0x0] =	sbarrier.arrive $0xFFFF;
	s1 =	sshrl.u32 s11, $0x3;
	s0 =	sor.u32 $0x1C03, s0  }
0xa4: {  	[hbm:s16], [sflag:s0] =	dma.local [spmem:s1], $0xA00  }
0xa5: {  	s29 =	sadd.s32 $0x1, s29;
	_ =	swait.ge [sflag:s21], $0xA00  }
0xa6: {  	p1 =	sne.s32 s29, s18;
	[sflag:s21] =	ssyncset.done $0x0  }
.Ltmp3:
0xa7: {  	s31 =	simm.s32 $0x0;
	[sflag:s21] =	ssyncadd.s32 $0xFFFFF600;
	(pc) =	sbr.rel @p1 .LBB2_1-.Ltmp3, $4  }
0xa8: {  	[hbm4b:s17+s31] =	stream.linear.scatter [tilespmem:s26], [sflag:$0x3], $0x2800, $0x38;
	[tilespmem:$0x11A00] =	vst v63  }
0xa9: {  	_ =	swait.ge [sflag:s21], $0x2800  }
0xaa: {  	[sflag:s21] =	ssyncset.done $0x0  }
0xab: {  	[sflag:s21] =	ssyncadd.s32 $0xFFFFD800  }
0xac: {  	_ =	sfence.sel $0x180000  }
0xad: {  	[bflag:$0x0] =	sbarrier.arrive $0xFFFF  }
0xae: {  	_ =	strace $0x9000004A  }
0xaf: {  	s0 =	stileid.u32;
	[bflag:$0x2] =	sbarrier.arrive $0xFFFF  }
0xb0: {  	p0 =	sne.s32 s0, $0x0;
	s0 =	rddreg [dreg:$0x3]  }
0xb1: {  	s0 =	sadd.s32 @!p0 $0x100000, s0  }
0xb2: {  	[sflag:s0] =	ssyncadd.tile.s32 @!p0 $0x1;
	_ =	shalt  }
.Lfunc_end2:
_tile_overlayer_lowered:
.L_overlay_start_2:
0xb3: {  	(tag) =	ssettag $0x2  }
0xb4: {  	s0 =	rddreg [dreg:$0x0];
	s2 =	stileid.u32  }
0xb5: {  	s1 =	rddreg [dreg:$0x1];
	p0 =	sne.s32 s2, $0x0  }
0xb6: {  	s3 =	rddreg [dreg:$0x2];
	[bflag:$0x3] =	sbarrier.arrive $0xFFFF;
	s2 =	simm.s32 @!p0 $0x1C03  }
0xb7: {  	[timem:s3], [sflag:s2] =	dma.local @!p0 [hbm:s0], s1  }
0xb8: {  	s0 =	simm.s32 @!p0 $0x3  }
0xb9: {  	_ =	swait.ge @!p0 [sflag:s0], s1  }
0xba: {  	s1 =	ssub.s32 @!p0 $0x0, s1;
	[sflag:s0] =	ssyncset.done @!p0 $0x0  }
0xbb: {  	[sflag:s0] =	ssyncadd.s32 @!p0 s1  }
0xbc: {  	[bflag:$0x3] =	sbarrier.arrive $0xFFFF  }
0xbd: {  	_ =	shalt  }

// kernel: kernel.18.cloned.1.call-start
scs
__scs_entry_jumppad:
0x0: {  	(pc) =	sbr.rel $0x88, $3  }
0x1: {  	(tag) =	ssettag $0x0;
	lr =	simm.s32 $0x1  }
0x2: {  	[smem:$0x3F97] =	sst lr;
	_ =	strace $0xD0000000  }
0x3: {  	_ = 	snop  }
0x4: {  	_ = 	snop  }
0x5: {  	_ = 	snop  }
0x6: {  	_ = 	snop  }
0x7: {  	_ = 	snop  }
__scs_overlays_trampoline_lowered:
0x8: {  	[smem:$0x3FA6] =	sst s0  }
0x9: {  	[smem:$0x3FA7] =	sst s1  }
0xa: {  	[smem:$0x3FA8] =	sst s2  }
0xb: {  	[smem:$0x3FA9] =	sst s3  }
0xc: {  	[smem:$0x3FAA] =	sst s4  }
0xd: {  	[smem:$0x3FAB] =	sst s5  }
0xe: {  	[smem:$0x3FAC] =	sst s6  }
0xf: {  	[smem:$0x3FAD] =	sst s7  }
0x10: {  	[smem:$0x3FAE] =	sst s8  }
0x11: {  	[smem:$0x3FAF] =	sst s9;
	s0 =	simm.s32 @!p0 $0x0  }
0x12: {  	s1 =	sld [smem:$0x3F95];
	s0 =	simm.s32 @p0 $0x1  }
0x13: {  	[smem:$0x3FB0] =	sst s0;
	s0 =	simm.s32 @!p1 $0x0  }
0x14: {  	s2 =	sld [smem:$0x3F94];
	s0 =	simm.s32 @p1 $0x1  }
0x15: {  	[smem:$0x3FB1] =	sst s0;
	s0 =	simm.s32 @!p2 $0x0  }
0x16: {  	s3 =	sld [smem:$0x3FDB];
	s0 =	simm.s32 @p2 $0x1  }
0x17: {  	s4 =	simm.s32 $0x1BF5;
	[smem:$0x3FB3] =	sst s0  }
0x18: {  	s0 =	sld [smem:$0x3F96];
	_ =	swait.ge [sflag:s4], $0x0  }
0x19: {  	s7 =	sld [smem:$0x3F97]  }
0x1a: {  	s8 =	sadd.s32 $0xFFFFE003, lr  }
0x1b: {  	s9 =	sadd.s32 $0xFFFFFEF7, lr;
	s5 =	simm.s32 $0xFFFFFFFF;
	p2 =	slt.u32 s8, $0xFFFFF086  }
0x1c: {  	p1 =	slt.u32 s9, $0xF7A;
	s5 =	simm.s32 @!p2 $0x0  }
0x1d: {  	s5 =	simm.s32 @p1 $0x1;
	p0 =	seq.s32 s7, s2  }
0x1e: {  	s7 =	smul.u32 @!p0 $0xF7A, s2;
	p2 =	seq.s32 @!p0 s5, $0x0  }
0x1f: {  	s9 =	smul.u32 $0xF7A, s1;
	s8 =	simm.s32 @!p0 $0x1BF5;
	p2 =	por !p2, p0  }
0x20: {  	[sflag:s8] =	ssyncset.s32 @!p0 $0xFFFFF086;
	s6 =	sadd.s32 @!p0 s3, s7;
	s7 =	simm.s32 @!p0 $0x108  }
0x21: {  	s3 =	sadd.s32 s3, s9;
	s6 =	sadd.s32 @!p0 $0x88, s6;
	s7 =	simm.s32 @p2 $0x1082  }
0x22: {  	[simem:s7], [sflag:s8] =	dma.local @!p0 [hbm:s6], $0xF7A  }
0x23: {  	s9 =	sor.u32 $0xD0000000, s2;
	s6 =	simm.s32 $0x108;
	_ =	swait.ge @!p0 [sflag:s8], $0x0  }
0x24: {  	s3 =	sadd.s32 $0x88, s3;
	s6 =	simm.s32 @!p1 $0x1082;
	[sflag:s4] =	ssyncset.s32 $0xFFFFF086  }
0x25: {  	[simem:s6], [sflag:s4] =	dma.local [hbm:s3], $0xF7A  }
0x26: {  	[smem:$0x3F97] =	sst s1;
	(tag) =	ssettag s2;
	_ =	strace s9  }
0x27: {  	s1 =	sld [smem:$0x3FA7]  }
0x28: {  	s2 =	sld [smem:$0x3FA8]  }
0x29: {  	s4 =	sld [smem:$0x3FAA]  }
0x2a: {  	p0 =	seq.s32 s5, $0x0;
	s5 =	sld [smem:$0x3FAB]  }
0x2b: {  	s6 =	sld [smem:$0x3FAC]  }
0x2c: {  	s7 =	sld [smem:$0x3FAD]  }
0x2d: {  	s3 =	simm.s32 $0x108;
	s8 =	sld [smem:$0x3FAE]  }
0x2e: {  	s3 =	simm.s32 @!p0 $0x1082;
	s9 =	sld [smem:$0x3FAF]  }
0x2f: {  	lr =	sadd.s32 s0, s3;
	s0 =	sld [smem:$0x3FA6]  }
0x30: {  	s3 =	sld [smem:$0x3FA9]  }
0x31: {  	[smem:$0x3FB2] =	sst s10  }
0x32: {  	s10 =	sld [smem:$0x3FB0];
	_ =	sdelay $0x3  }
0x33: {  	p0 =	seq.s32 s10, $0x1;
	s10 =	sld [smem:$0x3FB2];
	_ =	sdelay $0x3  }
0x34: {  	[smem:$0x3FB2] =	sst s10  }
0x35: {  	s10 =	sld [smem:$0x3FB1];
	_ =	sdelay $0x3  }
0x36: {  	p1 =	seq.s32 s10, $0x1;
	s10 =	sld [smem:$0x3FB2];
	_ =	sdelay $0x3  }
0x37: {  	[smem:$0x3FB2] =	sst s10  }
0x38: {  	s10 =	sld [smem:$0x3FB3]  }
0x39: {  	_ = 	snop;
	(pc) =	sbr.ind lr, $3  }
0x3a: {  	_ = 	snop  }
0x3b: {  	_ = 	snop  }
0x3c: {  	p2 =	seq.s32 s10, $0x1;
	s10 =	sld [smem:$0x3FB2]  }
0x3d: {  	_ =	shalt  }
0x3e: {  	_ =	shalt  }
0x3f: {  	_ =	shalt  }
0x40: {  	_ =	shalt  }
0x41: {  	_ =	shalt  }
0x42: {  	_ =	shalt  }
0x43: {  	_ =	shalt  }
0x44: {  	_ =	shalt  }
0x45: {  	_ =	shalt  }
0x46: {  	_ =	shalt  }
0x47: {  	_ =	shalt  }
0x48: {  	_ =	shalt  }
0x49: {  	_ =	shalt  }
0x4a: {  	_ =	shalt  }
0x4b: {  	_ =	shalt  }
0x4c: {  	_ =	shalt  }
0x4d: {  	_ =	shalt  }
0x4e: {  	_ =	shalt  }
0x4f: {  	_ =	shalt  }
0x50: {  	_ =	shalt  }
0x51: {  	_ =	shalt  }
0x52: {  	_ =	shalt  }
0x53: {  	_ =	shalt  }
0x54: {  	_ =	shalt  }
0x55: {  	_ =	shalt  }
0x56: {  	_ =	shalt  }
0x57: {  	_ =	shalt  }
0x58: {  	_ =	shalt  }
0x59: {  	_ =	shalt  }
0x5a: {  	_ =	shalt  }
0x5b: {  	_ =	shalt  }
0x5c: {  	_ =	shalt  }
0x5d: {  	_ =	shalt  }
0x5e: {  	_ =	shalt  }
0x5f: {  	_ =	shalt  }
0x60: {  	_ =	shalt  }
0x61: {  	_ =	shalt  }
0x62: {  	_ =	shalt  }
0x63: {  	_ =	shalt  }
0x64: {  	_ =	shalt  }
0x65: {  	_ =	shalt  }
0x66: {  	_ =	shalt  }
0x67: {  	_ =	shalt  }
0x68: {  	_ =	shalt  }
0x69: {  	_ =	shalt  }
0x6a: {  	_ =	shalt  }
0x6b: {  	_ =	shalt  }
0x6c: {  	_ =	shalt  }
0x6d: {  	_ =	shalt  }
0x6e: {  	_ =	shalt  }
0x6f: {  	_ =	shalt  }
0x70: {  	_ =	shalt  }
0x71: {  	_ =	shalt  }
0x72: {  	_ =	shalt  }
0x73: {  	_ =	shalt  }
0x74: {  	_ =	shalt  }
0x75: {  	_ =	shalt  }
0x76: {  	_ =	shalt  }
0x77: {  	_ =	shalt  }
0x78: {  	_ =	shalt  }
0x79: {  	_ =	shalt  }
0x7a: {  	_ =	shalt  }
0x7b: {  	_ =	shalt  }
0x7c: {  	_ =	shalt  }
0x7d: {  	_ =	shalt  }
0x7e: {  	_ =	shalt  }
0x7f: {  	_ =	shalt  }
0x80: {  	_ =	shalt  }
0x81: {  	_ =	shalt  }
0x82: {  	_ =	shalt  }
0x83: {  	_ =	shalt  }
0x84: {  	_ =	shalt  }
0x85: {  	_ =	shalt  }
0x86: {  	_ =	shalt  }
0x87: {  	_ =	shalt  }
.Lfunc_end0:
.L_simem_size_0:
called_computation.2_lowered:
.L_overlay_start_0:
0x88: {  	s2 =	sld [smem:$0x3FD9]  }
0x89: {  	s3 =	sld [smem:$0x3FFE];
	_ =	sdelay $0x1  }
0x8a: {  	s1 =	srdreg.scid  }
0x8b: {  	s0 =	sand.u32 $0x1, s1  }
0x8c: {  	s17 =	sshll.u32 s0, $0xA;
	s2 =	sadd.s32 s3, s2  }
0x8d: {  	s2 =	sadd.s32 s2, s17  }
0x8e: {  	[smem:$0x3FBE] =	sst s2  }
0x8f: {  	_ = 	snop  }
0x90: {  	s2 =	sld [smem:$0x3FD0];
	(tm) =	ssettm $0x1  }
0x91: {  	s18 =	sld [smem:$0x3FFB];
	_ =	sdelay $0x3  }
0x92: {  	_ =	strace s18  }
0x93: {  	s3 =	sld [smem:$0x3FFC];
	_ =	sdelay $0x3  }
0x94: {  	_ =	strace s3  }
0x95: {  	s3 =	sld [smem:$0x3FFD];
	_ =	sdelay $0x3  }
0x96: {  	_ =	strace s3  }
0x97: {  	_ =	strace $0x8FFFFFFF  }
0x98: {  	s19 =	sld [smem:$0x3FDB];
	_ =	sdelay $0x1  }
0x99: {  	s4 =	simm.s32 $_scs_section_size  }
0x9a: {  	s5 =	simm.s32 $_size__tile_overlayer_lowered;
	s6 =	simm.s32 $_tile_overlayer_lowered  }
0x9b: {  	s22 =	simm.s32 $0x1BFF;
	s21 =	sshll.u32 s6, $0x1;
	s3 =	sadd.s32 s4, s19  }
0x9c: {  	s7 =	simm.s32 $0x0;
	s20 =	sshll.u32 s5, $0x1;
	s5 =	sadd.s32 s21, s3  }
0x9d: {  	[timem:s7], [sflag:s22] =	dma.local [hbm:s5], s20  }
0x9e: {  	_ =	swait.ge [sflag:s22], s20  }
0x9f: {  	s4 =	ssub.s32 $0x0, s20;
	[sflag:s22] =	ssyncset.done $0x0  }
0xa0: {  	[sflag:s22] =	ssyncadd.s32 s4;
	_ =	sdelay $0x1  }
0xa1: {  	s23 =	simm.s32 $0x1B8B  }
0xa2: {  	_ =	swait.ge [sflag:s23], $0x1  }
0xa3: {  	[sflag:s23] =	ssyncset.done $0x0  }
0xa4: {  	s25 =	simm.s32 $0x1B8E;
	s24 =	sld [smem:$0x3FFE];
	[sflag:s23] =	ssyncadd.s32 $0xFFFFFFFF  }
0xa5: {  	s26 =	simm.s32 $execute0_lowered;
	[smem:$0x3FD2] =	sst s25  }
0xa6: {  	s5 =	sshll.u32 s26, $0x1;
	_ =	strace $0x8000004C;
	[dreg:$0x1] =	wrdreg $0xFFFFFFFF  }
0xa7: {  	s28 =	simm.s32 $_size_execute0_lowered;
	s3 =	sadd.s32 s3, s5;
	[dreg:$0x0] =	wrdreg $0x0  }
0xa8: {  	s5 =	sshll.u32 s28, $0x1;
	[dreg:$0x2] =	wrdreg s3  }
0xa9: {  	[dreg:$0x3] =	wrdreg s5  }
0xaa: {  	[dreg:$0x4] =	wrdreg $0xC0  }
0xab: {  	_ =	task [dreg:s7], $0x5FFFF  }
0xac: {  	[dreg:$0x1] =	wrdreg $0xFFFFFFFF  }
0xad: {  	[dreg:$0x0] =	wrdreg $0x60  }
0xae: {  	[dreg:$0x2] =	wrdreg s24  }
0xaf: {  	[dreg:$0x3] =	wrdreg s2  }
0xb0: {  	[dreg:$0x4] =	wrdreg $0x7A000  }
0xb1: {  	[dreg:$0x5] =	wrdreg $0x9  }
0xb2: {  	_ =	task.clear_ibuf [dreg:s7], $0x6FFFF;
	_ =	strace $0x9000004C  }
0xb3: {  	s29 =	simm.s32 $0x9;
	_ =	strace $0x8000004E  }
0xb4: {  	_ =	swait.ge [sflag:s29], $0x1  }
0xb5: {  	[sflag:s29] =	ssyncadd.s32 $0xFFFFFFFF  }
0xb6: {  	_ =	strace $0x9000004E  }
0xb7: {  	_ =	sfence  }
0xb8: {  	s30 =	sld [smem:$0x0];
	_ =	sdelay $0x2  }
0xb9: {  	s31 =	sshll.u32 s1, $0xD;
	s1 =	sshrl.u32 s1, $0x2  }
0xba: {  	s3 =	sand.u32 $0x4000, s31;
	s1 =	sadd.s32 s1, s30  }
0xbb: {  	s0 =	sor.u32 s3, s0;
	s1 =	sshll.u32 s1, $0x11  }
0xbc: {  	s0 =	sor.u32 s1, s0  }
0xbd: {  	s0 =	sadd.s32 $0x8F2B, s0  }
0xbe: {  	[sflag:s0] =	ssyncadd.remote.s32 $0x1  }
0xbf: {  	_ =	sfence.sel $0xFFFF  }
0xc0: {  	[dreg:$0x0] =	wrdreg $0xFFFFFFFF;
	(pc) =	sbr.abs _section_cstart, $3  }
0xc1: {  	[dreg:$0x1] =	wrdreg $0xFFFFFFFF  }
0xc2: {  	_ =	task.clear_ibuf [dreg:s7], $0x2FFFF;
	_ =	strace $0x9FFFFFFF  }
0xc3: {  	(tm) =	ssettm $0x7FFFFFFF  }
tec
execute0_lowered:
.L_overlay_start_1:
0x0: {  	(tag) =	ssettag $0x1  }
0x1: {  	s0 =	rddreg [dreg:$0x0]  }
0x2: {  	s2 =	rddreg [dreg:$0x1]  }
0x3: {  	s1 =	rddreg [dreg:$0x2]  }
0x4: {  	s4 =	simm.s32 $0x0;
	s3 =	srdreg.scid;
	s11 =	stileid.u32  }
0x5: {  	s18 =	simm.s32 $0x5A00;
	s19 =	simm.s32 $0x80;
	s20 =	simm.s32 $0x6A00  }
0x6: {  	s21 =	simm.s32 $0x1;
	s22 =	simm.s32 $0x3;
	s23 =	simm.s32 $0x2  }
0x7: {  	s24 =	simm.s32 $0x0;
	[smem:$0x7FF] =	sst s4;
	s26 =	smul.u32 $0x480, s11  }
0x8: {  	s3 =	sand.u32 $0x1, s3;
	s4 =	sadd.s32 $0x17600, s0;
	s9 =	smul.u32 $0x5A0, s11  }
0x9: {  	s8 =	sadd.s32 $0xD400, s0;
	s0 =	sadd.s32 $0x3200, s0;
	s10 =	smul.u32 $0x14000, s11  }
0xa: {  	s13 =	smul.u32 $0x5000, s11;
	_ =	strace $0x8000004D;
	s5 =	ssub.s32 $0x2, s3  }
0xb: {  	p0 =	seq.s32 s3, $0x0;
	s14 =	smul.u32 $0x50000, s3;
	s6 =	sshrl.u32 s5, $0x1  }
0xc: {  	s7 =	sadd.s32 $0x5A00, s26;
	s29 =	sshrl.u32 s10, $0x2;
	s10 =	sadd.s32 s13, s1  }
0xd: {  	s16 =	ssub.s32 s5, s6;
	s5 =	simm.s32 $0x5A;
	s6 =	sadd.s32 s8, s7  }
0xe: {  	s28 =	sadd.s32 s0, s7;
	s8 =	sadd.s32 s8, s9;
	s9 =	sadd.s32 s0, s9  }
0xf: {  	s30 =	sadd.s32 s29, s1;
	s15 =	sadd.s32 s13, s14;
	[dreg:$0x4] =	wrdreg s6  }
0x10: {  	s5 =	simm.s32 @!p0 $0x48;
	[dreg:$0x5] =	wrdreg s28;
	s11 =	sadd.s32 $0x1000, s30  }
0x11: {  	s12 =	sadd.s32 $0x2000, s30;
	s13 =	sadd.s32 $0x3000, s30;
	s14 =	sadd.s32 $0x4000, s30  }
0x12: {  	s31 =	sshrl.u32 s15, $0x3;
	s16 =	smax.u32 s16, $0x1;
	s17 =	sshrl.u32 s5, $0x1  }
0x13: {  	v0 =	vimm.f32 $0.0e+00;
	p0 =	sne.s32 s3, $0x0;
	s15 =	sadd.s32 s2, s31;
	s17 =	sadd.s32 $0xFFFFFFFF, s17  }
.LBB2_1:
0x14: {  	s0 =	simm.s32 @p0 $0x0;
	s2 =	rddreg [dreg:$0x4]  }
0x15: {  	[tilespmem:s0], [sflag:$0x3] =	stream.linear.gather @p0 [hbm4b:s2+s0], $0x2400, $0x38;
	[tilespmem:$0xCA00] =	vst v63  }
0x16: {  	s2 =	simm.s32 @p0 $0x3  }
0x17: {  	_ =	swait.ge @p0 [sflag:s2], $0x2400  }
0x18: {  	[sflag:s2] =	ssyncset.done @p0 $0x0  }
0x19: {  	s3 =	simm.s32 @p0 $0x2D00;
	s6 =	rddreg [dreg:$0x5];
	[sflag:s2] =	ssyncadd.s32 @p0 $0xFFFFDC00  }
0x1a: {  	[tilespmem:s3], [sflag:$0x3] =	stream.linear.gather @p0 [hbm4b:s6+s0], $0x2400, $0x38;
	[tilespmem:$0xCA00] =	vst v63  }
0x1b: {  	_ =	swait.ge @p0 [sflag:s2], $0x2400  }
0x1c: {  	[sflag:s2] =	ssyncset.done @p0 $0x0  }
0x1d: {  	s0 =	simm.s32 @!p0 $0x0;
	[sflag:s2] =	ssyncadd.s32 @p0 $0xFFFFDC00;
	s2 =	simm.s32 @!p0 $0x3  }
0x1e: {  	[tilespmem:s0], [sflag:$0x3] =	stream.linear.gather @!p0 [hbm4b:s8+s0], $0x2D00, $0x38;
	[tilespmem:$0xCA00] =	vst v63  }
0x1f: {  	_ =	swait.ge @!p0 [sflag:s2], $0x2D00  }
0x20: {  	[sflag:s2] =	ssyncset.done @!p0 $0x0  }
0x21: {  	s3 =	simm.s32 @!p0 $0x2D00;
	[sflag:s2] =	ssyncadd.s32 @!p0 $0xFFFFD300  }
0x22: {  	[tilespmem:s3], [sflag:$0x3] =	stream.linear.gather @!p0 [hbm4b:s9+s0], $0x2D00, $0x38;
	[tilespmem:$0xCA00] =	vst v63  }
0x23: {  	_ =	swait.ge @!p0 [sflag:s2], $0x2D00  }
0x24: {  	[sflag:s2] =	ssyncset.done @!p0 $0x0  }
0x25: {  	s0 =	simm.s32 $0x80;
	[sflag:s2] =	ssyncadd.s32 @!p0 $0xFFFFD300;
	s2 =	simm.s32 $0x0  }
.LBB2_2:
0x26: {  	p1 =	sne.s32 s0, $0x3F80;
	[tilespmem:s2+$0x5A00] =	vst v0;
	s3 =	smov.u32 s0;
	s0 =	sadd.s32 $0x80, s0  }
.Ltmp0:
0x27: {  	[tilespmem:s2+$0x5A10] =	vst v0;
	(pc) =	sbr.rel @p1 .LBB2_2-.Ltmp0, $2  }
0x28: {  	_ =	sdelay $0x2  }
0x29: {  	s2 =	sshra.s32 s3, $0x2  }
0x2a: {  	[tilespmem:s2+$0x5A00] =	vst v0  }
0x2b: {  	[tilespmem:s2+$0x5A10] =	vst v0;
	s0 =	simm.s32 $0x3  }
0x2c: {  	[spmem:s10] =	stream.linear.scatter [tilespmem:s18], [sflag:$0x3], $0x1000, $0x38;
	[tilespmem:$0xCA00] =	vst v63  }
0x2d: {  	_ =	swait.ge [sflag:s0], $0x1000  }
0x2e: {  	[sflag:s0] =	ssyncset.done $0x0  }
0x2f: {  	[sflag:s0] =	ssyncadd.s32 $0xFFFFF000  }
0x30: {  	[spmem:s11] =	stream.linear.scatter [tilespmem:s18], [sflag:$0x3], $0x1000, $0x38;
	[tilespmem:$0xCA00] =	vst v63  }
0x31: {  	_ =	swait.ge [sflag:s0], $0x1000  }
0x32: {  	[sflag:s0] =	ssyncset.done $0x0  }
0x33: {  	[sflag:s0] =	ssyncadd.s32 $0xFFFFF000  }
0x34: {  	[spmem:s12] =	stream.linear.scatter [tilespmem:s18], [sflag:$0x3], $0x1000, $0x38;
	[tilespmem:$0xCA00] =	vst v63  }
0x35: {  	_ =	swait.ge [sflag:s0], $0x1000  }
0x36: {  	[sflag:s0] =	ssyncset.done $0x0  }
0x37: {  	[sflag:s0] =	ssyncadd.s32 $0xFFFFF000  }
0x38: {  	[spmem:s13] =	stream.linear.scatter [tilespmem:s18], [sflag:$0x3], $0x1000, $0x38;
	[tilespmem:$0xCA00] =	vst v63  }
0x39: {  	_ =	swait.ge [sflag:s0], $0x1000  }
0x3a: {  	[sflag:s0] =	ssyncset.done $0x0  }
0x3b: {  	[sflag:s0] =	ssyncadd.s32 $0xFFFFF000  }
0x3c: {  	[spmem:s14] =	stream.linear.scatter [tilespmem:s18], [sflag:$0x3], $0x1000, $0x38;
	[tilespmem:$0xCA00] =	vst v63  }
0x3d: {  	_ =	swait.ge [sflag:s0], $0x1000  }
0x3e: {  	[sflag:s0] =	ssyncset.done $0x0  }
0x3f: {  	[sflag:s0] =	ssyncadd.s32 $0xFFFFF000  }
0x40: {  	s25 =	simm.s32 $0x0;
	[bflag:$0x0] =	sbarrier.arrive $0xFFFF  }
0x41: {  	[tilespmem:s18], [sflag:$0x1] =	stream.indirect.gather [hbm4b:s4+s19], $0x20, s25, s19, $0xb8;
	[tilespmem:$0xCA00] =	vst v63  }
0x42: {  	_ = 	snop  }
0x43: {  	[tilespmem:s20], [sflag:$0x2] =	stream.indirect.gather [hbm4b:s4+s19], $0x20, s19, s19, $0xb8;
	[tilespmem:$0xCA00] =	vst v63  }
0x44: {  	_ =	swait.ge [sflag:s21], $0x1000  }
0x45: {  	[sflag:s21] =	ssyncset.done $0x0  }
0x46: {  	s26 =	simm.s32 $0x2D00;
	[sflag:s21] =	ssyncadd.s32 $0xFFFFF000  }
0x47: {  	[spmem:s1] =	stream.indirect.scatter.add.f32 [tilespmem:s18], [sflag:$0x3], $0x20, s26, s19, $0xb8;
	[tilespmem:$0xCA00] =	vst v63  }
0x48: {  	p1 =	sle.u32 s5, $0x2;
	s30 =	sadd.s32 $0xFFFFFFFF, s17;
	_ =	swait.ge [sflag:s22], $0x1000  }
0x49: {  	s29 =	simm.s32 $0x2D80;
	s2 =	simm.s32 @!p1 $0x80;
	[sflag:s22] =	ssyncset.done $0x0  }
0x4a: {  	s3 =	simm.s32 @!p1 $0x5A00;
	s0 =	simm.s32 @!p1 $0x100;
	[sflag:s22] =	ssyncadd.s32 $0xFFFFF000  }
0x4b: {  	[tilespmem:s3], [sflag:$0x1] =	stream.indirect.gather @!p1 [hbm4b:s4+s2], $0x20, s0, s2, $0xb8;
	[tilespmem:$0xCA00] =	vst v63  }
0x4c: {  	s28 =	simm.s32 $0x2E80;
	p1 =	sne.s32 s30, $0x0;
	_ =	swait.ge [sflag:s23], $0x1000  }
.Ltmp1:
0x4d: {  	p2 =	sle.u32 s5, $0x3;
	[sflag:s23] =	ssyncset.done $0x0;
	(pc) =	sbr.rel @!p1 .LBB2_5-.Ltmp1, $4  }
0x4e: {  	s31 =	simm.s32 $0x180;
	s25 =	simm.s32 $0x180;
	[sflag:s23] =	ssyncadd.s32 $0xFFFFF000  }
0x4f: {  	[spmem:s1] =	stream.indirect.scatter.add.f32 [tilespmem:s20], [sflag:$0x3], $0x20, s29, s19, $0xb8;
	[tilespmem:$0xCA00] =	vst v63  }
0x50: {  	s26 =	simm.s32 $0x5;
	s2 =	simm.s32 @!p2 $0x80;
	_ =	swait.ge [sflag:s22], $0x1000  }
0x51: {  	s3 =	simm.s32 @!p2 $0x6A00;
	s0 =	simm.s32 $0x180;
	[sflag:s22] =	ssyncset.done $0x0  }
.LBB2_4:
0x52: {  	s31 =	smov.u32 s25;
	s29 =	smov.u32 s28  }
0x53: {  	s30 =	sadd.s32 $0xFFFFFFFF, s30;
	s25 =	sadd.s32 $0x100, s25;
	[sflag:s22] =	ssyncadd.s32 $0xFFFFF000  }
0x54: {  	[tilespmem:s3], [sflag:$0x2] =	stream.indirect.gather @!p2 [hbm4b:s4+s2], $0x20, s0, s2, $0xb8;
	[tilespmem:$0xCA00] =	vst v63  }
0x55: {  	p1 =	sne.s32 s30, $0x0;
	s0 =	smov.u32 s25;
	_ =	swait.ge [sflag:s21], $0x1000  }
0x56: {  	s2 =	sadd.s32 $0xFFFFFF80, s28;
	s3 =	smov.u32 s28;
	[sflag:s21] =	ssyncset.done $0x0  }
0x57: {  	s6 =	sadd.s32 $0xFFFFFFFF, s26;
	[sflag:s21] =	ssyncadd.s32 $0xFFFFF000  }
0x58: {  	[spmem:s1] =	stream.indirect.scatter.add.f32 [tilespmem:s18], [sflag:$0x3], $0x20, s2, s19, $0xb8;
	[tilespmem:$0xCA00] =	vst v63  }
0x59: {  	p2 =	sge.u32 s6, s5;
	_ =	swait.ge [sflag:s22], $0x1000  }
0x5a: {  	s6 =	simm.s32 @!p2 $0x80;
	s2 =	sadd.s32 @!p2 $0xFFFFFF80, s25;
	[sflag:s22] =	ssyncset.done $0x0  }
0x5b: {  	s7 =	simm.s32 @!p2 $0x5A00;
	[sflag:s22] =	ssyncadd.s32 $0xFFFFF000  }
0x5c: {  	[tilespmem:s7], [sflag:$0x1] =	stream.indirect.gather @!p2 [hbm4b:s4+s6], $0x20, s2, s6, $0xb8;
	[tilespmem:$0xCA00] =	vst v63  }
0x5d: {  	_ =	swait.ge [sflag:s23], $0x1000  }
.Ltmp2:
0x5e: {  	[sflag:s23] =	ssyncset.done $0x0;
	(pc) =	sbr.rel @p1 .LBB2_4-.Ltmp2, $4  }
0x5f: {  	s28 =	sadd.s32 $0x100, s28;
	[sflag:s23] =	ssyncadd.s32 $0xFFFFF000  }
0x60: {  	[spmem:s1] =	stream.indirect.scatter.add.f32 [tilespmem:s20], [sflag:$0x3], $0x20, s3, s19, $0xb8;
	[tilespmem:$0xCA00] =	vst v63  }
0x61: {  	p2 =	sge.u32 s26, s5;
	s26 =	sadd.s32 $0x2, s26;
	_ =	swait.ge [sflag:s22], $0x1000  }
0x62: {  	s2 =	simm.s32 @!p2 $0x80;
	s3 =	simm.s32 @!p2 $0x6A00;
	[sflag:s22] =	ssyncset.done $0x0  }
.LBB2_5:
0x63: {  	[sflag:s22] =	ssyncadd.s32 $0xFFFFF000  }
0x64: {  	[tilespmem:s3], [sflag:$0x2] =	stream.indirect.gather @!p2 [hbm4b:s4+s2], $0x20, s0, s2, $0xb8;
	[tilespmem:$0xCA00] =	vst v63  }
0x65: {  	_ =	swait.ge [sflag:s21], $0x1000  }
0x66: {  	[sflag:s21] =	ssyncset.done $0x0  }
0x67: {  	s7 =	sadd.s32 $0x80, s29;
	s29 =	sadd.s32 $0xFFFFFFFF, s26;
	[sflag:s21] =	ssyncadd.s32 $0xFFFFF000  }
0x68: {  	[spmem:s1] =	stream.indirect.scatter.add.f32 [tilespmem:s18], [sflag:$0x3], $0x20, s7, s19, $0xb8;
	[tilespmem:$0xCA00] =	vst v63  }
0x69: {  	p1 =	sge.u32 s29, s5;
	_ =	swait.ge [sflag:s22], $0x1000  }
0x6a: {  	s0 =	sadd.s32 @!p1 $0x80, s31;
	[sflag:s22] =	ssyncset.done $0x0  }
0x6b: {  	s2 =	simm.s32 @!p1 $0x80;
	s3 =	simm.s32 @!p1 $0x5A00;
	[sflag:s22] =	ssyncadd.s32 $0xFFFFF000  }
0x6c: {  	[tilespmem:s3], [sflag:$0x1] =	stream.indirect.gather @!p1 [hbm4b:s4+s2], $0x20, s0, s2, $0xb8;
	[tilespmem:$0xCA00] =	vst v63  }
0x6d: {  	_ =	swait.ge [sflag:s23], $0x1000  }
0x6e: {  	[sflag:s23] =	ssyncset.done $0x0  }
0x6f: {  	[sflag:s23] =	ssyncadd.s32 $0xFFFFF000  }
0x70: {  	[spmem:s1] =	stream.indirect.scatter.add.f32 [tilespmem:s20], [sflag:$0x3], $0x20, s28, s19, $0xb8;
	[tilespmem:$0xCA00] =	vst v63  }
0x71: {  	s30 =	stileid.u32;
	s24 =	sadd.s32 $0x1, s24;
	_ =	swait.ge [sflag:s22], $0x1000  }
0x72: {  	s0 =	sadd.s32 $0x100, s25;
	p1 =	sge.u32 s26, s5;
	[sflag:s22] =	ssyncset.done $0x0  }
0x73: {  	s2 =	simm.s32 @!p1 $0x80;
	s3 =	simm.s32 @!p1 $0x6A00;
	[sflag:s22] =	ssyncadd.s32 $0xFFFFF000  }
0x74: {  	[tilespmem:s3], [sflag:$0x2] =	stream.indirect.gather @!p1 [hbm4b:s4+s2], $0x20, s0, s2, $0xb8;
	[tilespmem:$0xCA00] =	vst v63  }
0x75: {  	s31 =	sshrl.u32 s10, $0x3;
	s0 =	sshll.u32 s30, $0x6;
	p1 =	sne.s32 s24, s16  }
.Ltmp3:
0x76: {  	[bflag:$0x0] =	sbarrier.arrive $0xFFFF;
	s0 =	sor.u32 $0x1C03, s0;
	(pc) =	sbr.rel @p1 .LBB2_1-.Ltmp3, $4  }
0x77: {  	[hbm:s15], [sflag:s0] =	dma.local [spmem:s31], $0xA00  }
0x78: {  	_ =	swait.ge [sflag:s22], $0xA00  }
0x79: {  	[sflag:s22] =	ssyncset.done $0x0  }
0x7a: {  	[sflag:s22] =	ssyncadd.s32 $0xFFFFF600  }
0x7b: {  	_ =	sfence.sel $0x180000  }
0x7c: {  	[bflag:$0x0] =	sbarrier.arrive $0xFFFF  }
0x7d: {  	_ =	strace $0x9000004D  }
0x7e: {  	s0 =	stileid.u32;
	[bflag:$0x2] =	sbarrier.arrive $0xFFFF  }
0x7f: {  	p0 =	sne.s32 s0, $0x0;
	s0 =	rddreg [dreg:$0x3]  }
0x80: {  	s0 =	sadd.s32 @!p0 $0x100000, s0  }
0x81: {  	[sflag:s0] =	ssyncadd.tile.s32 @!p0 $0x1;
	_ =	shalt  }
.Lfunc_end2:
_tile_overlayer_lowered:
.L_overlay_start_2:
0x82: {  	(tag) =	ssettag $0x2  }
0x83: {  	s0 =	rddreg [dreg:$0x0];
	s2 =	stileid.u32  }
0x84: {  	s1 =	rddreg [dreg:$0x1];
	p0 =	sne.s32 s2, $0x0  }
0x85: {  	s3 =	rddreg [dreg:$0x2];
	[bflag:$0x3] =	sbarrier.arrive $0xFFFF;
	s2 =	simm.s32 @!p0 $0x1C03  }
0x86: {  	[timem:s3], [sflag:s2] =	dma.local @!p0 [hbm:s0], s1  }
0x87: {  	s0 =	simm.s32 @!p0 $0x3  }
0x88: {  	_ =	swait.ge @!p0 [sflag:s0], s1  }
0x89: {  	s1 =	ssub.s32 @!p0 $0x0, s1;
	[sflag:s0] =	ssyncset.done @!p0 $0x0  }
0x8a: {  	[sflag:s0] =	ssyncadd.s32 @!p0 s1  }
0x8b: {  	[bflag:$0x3] =	sbarrier.arrive $0xFFFF  }
0x8c: {  	_ =	shalt  }

// kernel: kernel.21.cloned.1.call-start
scs
__scs_entry_jumppad:
0x0: {  	(pc) =	sbr.rel $0x88, $3  }
0x1: {  	(tag) =	ssettag $0x0;
	lr =	simm.s32 $0x1  }
0x2: {  	[smem:$0x3F97] =	sst lr;
	_ =	strace $0xD0000000  }
0x3: {  	_ = 	snop  }
0x4: {  	_ = 	snop  }
0x5: {  	_ = 	snop  }
0x6: {  	_ = 	snop  }
0x7: {  	_ = 	snop  }
__scs_overlays_trampoline_lowered:
0x8: {  	[smem:$0x3FA6] =	sst s0  }
0x9: {  	[smem:$0x3FA7] =	sst s1  }
0xa: {  	[smem:$0x3FA8] =	sst s2  }
0xb: {  	[smem:$0x3FA9] =	sst s3  }
0xc: {  	[smem:$0x3FAA] =	sst s4  }
0xd: {  	[smem:$0x3FAB] =	sst s5  }
0xe: {  	[smem:$0x3FAC] =	sst s6  }
0xf: {  	[smem:$0x3FAD] =	sst s7  }
0x10: {  	[smem:$0x3FAE] =	sst s8  }
0x11: {  	[smem:$0x3FAF] =	sst s9;
	s0 =	simm.s32 @!p0 $0x0  }
0x12: {  	s1 =	sld [smem:$0x3F95];
	s0 =	simm.s32 @p0 $0x1  }
0x13: {  	[smem:$0x3FB0] =	sst s0;
	s0 =	simm.s32 @!p1 $0x0  }
0x14: {  	s2 =	sld [smem:$0x3F94];
	s0 =	simm.s32 @p1 $0x1  }
0x15: {  	[smem:$0x3FB1] =	sst s0;
	s0 =	simm.s32 @!p2 $0x0  }
0x16: {  	s3 =	sld [smem:$0x3FDB];
	s0 =	simm.s32 @p2 $0x1  }
0x17: {  	s4 =	simm.s32 $0x1BF5;
	[smem:$0x3FB3] =	sst s0  }
0x18: {  	s0 =	sld [smem:$0x3F96];
	_ =	swait.ge [sflag:s4], $0x0  }
0x19: {  	s7 =	sld [smem:$0x3F97]  }
0x1a: {  	s8 =	sadd.s32 $0xFFFFE003, lr  }
0x1b: {  	s9 =	sadd.s32 $0xFFFFFEF7, lr;
	s5 =	simm.s32 $0xFFFFFFFF;
	p2 =	slt.u32 s8, $0xFFFFF086  }
0x1c: {  	p1 =	slt.u32 s9, $0xF7A;
	s5 =	simm.s32 @!p2 $0x0  }
0x1d: {  	s5 =	simm.s32 @p1 $0x1;
	p0 =	seq.s32 s7, s2  }
0x1e: {  	s7 =	smul.u32 @!p0 $0xF7A, s2;
	p2 =	seq.s32 @!p0 s5, $0x0  }
0x1f: {  	s9 =	smul.u32 $0xF7A, s1;
	s8 =	simm.s32 @!p0 $0x1BF5;
	p2 =	por !p2, p0  }
0x20: {  	[sflag:s8] =	ssyncset.s32 @!p0 $0xFFFFF086;
	s6 =	sadd.s32 @!p0 s3, s7;
	s7 =	simm.s32 @!p0 $0x108  }
0x21: {  	s3 =	sadd.s32 s3, s9;
	s6 =	sadd.s32 @!p0 $0x88, s6;
	s7 =	simm.s32 @p2 $0x1082  }
0x22: {  	[simem:s7], [sflag:s8] =	dma.local @!p0 [hbm:s6], $0xF7A  }
0x23: {  	s9 =	sor.u32 $0xD0000000, s2;
	s6 =	simm.s32 $0x108;
	_ =	swait.ge @!p0 [sflag:s8], $0x0  }
0x24: {  	s3 =	sadd.s32 $0x88, s3;
	s6 =	simm.s32 @!p1 $0x1082;
	[sflag:s4] =	ssyncset.s32 $0xFFFFF086  }
0x25: {  	[simem:s6], [sflag:s4] =	dma.local [hbm:s3], $0xF7A  }
0x26: {  	[smem:$0x3F97] =	sst s1;
	(tag) =	ssettag s2;
	_ =	strace s9  }
0x27: {  	s1 =	sld [smem:$0x3FA7]  }
0x28: {  	s2 =	sld [smem:$0x3FA8]  }
0x29: {  	s4 =	sld [smem:$0x3FAA]  }
0x2a: {  	p0 =	seq.s32 s5, $0x0;
	s5 =	sld [smem:$0x3FAB]  }
0x2b: {  	s6 =	sld [smem:$0x3FAC]  }
0x2c: {  	s7 =	sld [smem:$0x3FAD]  }
0x2d: {  	s3 =	simm.s32 $0x108;
	s8 =	sld [smem:$0x3FAE]  }
0x2e: {  	s3 =	simm.s32 @!p0 $0x1082;
	s9 =	sld [smem:$0x3FAF]  }
0x2f: {  	lr =	sadd.s32 s0, s3;
	s0 =	sld [smem:$0x3FA6]  }
0x30: {  	s3 =	sld [smem:$0x3FA9]  }
0x31: {  	[smem:$0x3FB2] =	sst s10  }
0x32: {  	s10 =	sld [smem:$0x3FB0];
	_ =	sdelay $0x3  }
0x33: {  	p0 =	seq.s32 s10, $0x1;
	s10 =	sld [smem:$0x3FB2];
	_ =	sdelay $0x3  }
0x34: {  	[smem:$0x3FB2] =	sst s10  }
0x35: {  	s10 =	sld [smem:$0x3FB1];
	_ =	sdelay $0x3  }
0x36: {  	p1 =	seq.s32 s10, $0x1;
	s10 =	sld [smem:$0x3FB2];
	_ =	sdelay $0x3  }
0x37: {  	[smem:$0x3FB2] =	sst s10  }
0x38: {  	s10 =	sld [smem:$0x3FB3]  }
0x39: {  	_ = 	snop;
	(pc) =	sbr.ind lr, $3  }
0x3a: {  	_ = 	snop  }
0x3b: {  	_ = 	snop  }
0x3c: {  	p2 =	seq.s32 s10, $0x1;
	s10 =	sld [smem:$0x3FB2]  }
0x3d: {  	_ =	shalt  }
0x3e: {  	_ =	shalt  }
0x3f: {  	_ =	shalt  }
0x40: {  	_ =	shalt  }
0x41: {  	_ =	shalt  }
0x42: {  	_ =	shalt  }
0x43: {  	_ =	shalt  }
0x44: {  	_ =	shalt  }
0x45: {  	_ =	shalt  }
0x46: {  	_ =	shalt  }
0x47: {  	_ =	shalt  }
0x48: {  	_ =	shalt  }
0x49: {  	_ =	shalt  }
0x4a: {  	_ =	shalt  }
0x4b: {  	_ =	shalt  }
0x4c: {  	_ =	shalt  }
0x4d: {  	_ =	shalt  }
0x4e: {  	_ =	shalt  }
0x4f: {  	_ =	shalt  }
0x50: {  	_ =	shalt  }
0x51: {  	_ =	shalt  }
0x52: {  	_ =	shalt  }
0x53: {  	_ =	shalt  }
0x54: {  	_ =	shalt  }
0x55: {  	_ =	shalt  }
0x56: {  	_ =	shalt  }
0x57: {  	_ =	shalt  }
0x58: {  	_ =	shalt  }
0x59: {  	_ =	shalt  }
0x5a: {  	_ =	shalt  }
0x5b: {  	_ =	shalt  }
0x5c: {  	_ =	shalt  }
0x5d: {  	_ =	shalt  }
0x5e: {  	_ =	shalt  }
0x5f: {  	_ =	shalt  }
0x60: {  	_ =	shalt  }
0x61: {  	_ =	shalt  }
0x62: {  	_ =	shalt  }
0x63: {  	_ =	shalt  }
0x64: {  	_ =	shalt  }
0x65: {  	_ =	shalt  }
0x66: {  	_ =	shalt  }
0x67: {  	_ =	shalt  }
0x68: {  	_ =	shalt  }
0x69: {  	_ =	shalt  }
0x6a: {  	_ =	shalt  }
0x6b: {  	_ =	shalt  }
0x6c: {  	_ =	shalt  }
0x6d: {  	_ =	shalt  }
0x6e: {  	_ =	shalt  }
0x6f: {  	_ =	shalt  }
0x70: {  	_ =	shalt  }
0x71: {  	_ =	shalt  }
0x72: {  	_ =	shalt  }
0x73: {  	_ =	shalt  }
0x74: {  	_ =	shalt  }
0x75: {  	_ =	shalt  }
0x76: {  	_ =	shalt  }
0x77: {  	_ =	shalt  }
0x78: {  	_ =	shalt  }
0x79: {  	_ =	shalt  }
0x7a: {  	_ =	shalt  }
0x7b: {  	_ =	shalt  }
0x7c: {  	_ =	shalt  }
0x7d: {  	_ =	shalt  }
0x7e: {  	_ =	shalt  }
0x7f: {  	_ =	shalt  }
0x80: {  	_ =	shalt  }
0x81: {  	_ =	shalt  }
0x82: {  	_ =	shalt  }
0x83: {  	_ =	shalt  }
0x84: {  	_ =	shalt  }
0x85: {  	_ =	shalt  }
0x86: {  	_ =	shalt  }
0x87: {  	_ =	shalt  }
.Lfunc_end0:
.L_simem_size_0:
called_computation.3_lowered:
.L_overlay_start_0:
0x88: {  	s2 =	sld [smem:$0x3FD9]  }
0x89: {  	s3 =	sld [smem:$0x3FFE];
	_ =	sdelay $0x1  }
0x8a: {  	s1 =	srdreg.scid  }
0x8b: {  	s0 =	sand.u32 $0x1, s1  }
0x8c: {  	s17 =	sshll.u32 s0, $0xA;
	s2 =	sadd.s32 s3, s2  }
0x8d: {  	s2 =	sadd.s32 s2, s17  }
0x8e: {  	[smem:$0x3FBE] =	sst s2  }
0x8f: {  	_ = 	snop  }
0x90: {  	s2 =	sld [smem:$0x3FD0];
	(tm) =	ssettm $0x1  }
0x91: {  	s18 =	sld [smem:$0x3FFB];
	_ =	sdelay $0x3  }
0x92: {  	_ =	strace s18  }
0x93: {  	s3 =	sld [smem:$0x3FFC];
	_ =	sdelay $0x3  }
0x94: {  	_ =	strace s3  }
0x95: {  	s3 =	sld [smem:$0x3FFD];
	_ =	sdelay $0x3  }
0x96: {  	_ =	strace s3  }
0x97: {  	_ =	strace $0x8FFFFFFF  }
0x98: {  	s19 =	sld [smem:$0x3FDB];
	_ =	sdelay $0x1  }
0x99: {  	s4 =	simm.s32 $_scs_section_size  }
0x9a: {  	s5 =	simm.s32 $_size__tile_overlayer_lowered;
	s6 =	simm.s32 $_tile_overlayer_lowered  }
0x9b: {  	s22 =	simm.s32 $0x1BFF;
	s21 =	sshll.u32 s6, $0x1;
	s3 =	sadd.s32 s4, s19  }
0x9c: {  	s7 =	simm.s32 $0x0;
	s20 =	sshll.u32 s5, $0x1;
	s5 =	sadd.s32 s21, s3  }
0x9d: {  	[timem:s7], [sflag:s22] =	dma.local [hbm:s5], s20  }
0x9e: {  	_ =	swait.ge [sflag:s22], s20  }
0x9f: {  	s4 =	ssub.s32 $0x0, s20;
	[sflag:s22] =	ssyncset.done $0x0  }
0xa0: {  	[sflag:s22] =	ssyncadd.s32 s4;
	_ =	sdelay $0x1  }
0xa1: {  	s23 =	simm.s32 $0x1B8B  }
0xa2: {  	_ =	swait.ge [sflag:s23], $0x1  }
0xa3: {  	[sflag:s23] =	ssyncset.done $0x0  }
0xa4: {  	s25 =	simm.s32 $0x1B8E;
	s24 =	sld [smem:$0x3FFE];
	[sflag:s23] =	ssyncadd.s32 $0xFFFFFFFF  }
0xa5: {  	s26 =	simm.s32 $execute0_lowered;
	[smem:$0x3FD2] =	sst s25  }
0xa6: {  	s5 =	sshll.u32 s26, $0x1;
	_ =	strace $0x8000004F;
	[dreg:$0x1] =	wrdreg $0xFFFFFFFF  }
0xa7: {  	s28 =	simm.s32 $_size_execute0_lowered;
	s3 =	sadd.s32 s3, s5;
	[dreg:$0x0] =	wrdreg $0x0  }
0xa8: {  	s5 =	sshll.u32 s28, $0x1;
	[dreg:$0x2] =	wrdreg s3  }
0xa9: {  	[dreg:$0x3] =	wrdreg s5  }
0xaa: {  	[dreg:$0x4] =	wrdreg $0xC0  }
0xab: {  	_ =	task [dreg:s7], $0x5FFFF  }
0xac: {  	[dreg:$0x1] =	wrdreg $0xFFFFFFFF  }
0xad: {  	[dreg:$0x0] =	wrdreg $0x60  }
0xae: {  	[dreg:$0x2] =	wrdreg s24  }
0xaf: {  	[dreg:$0x3] =	wrdreg s2  }
0xb0: {  	[dreg:$0x4] =	wrdreg $0x7A000  }
0xb1: {  	[dreg:$0x5] =	wrdreg $0x9  }
0xb2: {  	_ =	task.clear_ibuf [dreg:s7], $0x6FFFF;
	_ =	strace $0x9000004F  }
0xb3: {  	s29 =	simm.s32 $0x9;
	_ =	strace $0x80000051  }
0xb4: {  	_ =	swait.ge [sflag:s29], $0x1  }
0xb5: {  	[sflag:s29] =	ssyncadd.s32 $0xFFFFFFFF  }
0xb6: {  	_ =	strace $0x90000051  }
0xb7: {  	_ =	sfence  }
0xb8: {  	s30 =	sld [smem:$0x0];
	_ =	sdelay $0x2  }
0xb9: {  	s31 =	sshll.u32 s1, $0xD;
	s1 =	sshrl.u32 s1, $0x2  }
0xba: {  	s3 =	sand.u32 $0x4000, s31;
	s1 =	sadd.s32 s1, s30  }
0xbb: {  	s0 =	sor.u32 s3, s0;
	s1 =	sshll.u32 s1, $0x11  }
0xbc: {  	s0 =	sor.u32 s1, s0  }
0xbd: {  	s0 =	sadd.s32 $0x8F2B, s0  }
0xbe: {  	[sflag:s0] =	ssyncadd.remote.s32 $0x1  }
0xbf: {  	_ =	sfence.sel $0xFFFF  }
0xc0: {  	[dreg:$0x0] =	wrdreg $0xFFFFFFFF;
	(pc) =	sbr.abs _section_cstart, $3  }
0xc1: {  	[dreg:$0x1] =	wrdreg $0xFFFFFFFF  }
0xc2: {  	_ =	task.clear_ibuf [dreg:s7], $0x2FFFF;
	_ =	strace $0x9FFFFFFF  }
0xc3: {  	(tm) =	ssettm $0x7FFFFFFF  }
tec
execute0_lowered:
.L_overlay_start_1:
0x0: {  	(tag) =	ssettag $0x1  }
0x1: {  	s0 =	rddreg [dreg:$0x0]  }
0x2: {  	s2 =	rddreg [dreg:$0x1]  }
0x3: {  	s1 =	rddreg [dreg:$0x2]  }
0x4: {  	s4 =	simm.s32 $0x0;
	s3 =	srdreg.scid;
	s11 =	stileid.u32  }
0x5: {  	s18 =	simm.s32 $0x5A00;
	s19 =	simm.s32 $0x80;
	s20 =	simm.s32 $0x6A00  }
0x6: {  	s21 =	simm.s32 $0x1;
	s22 =	simm.s32 $0x3;
	s23 =	simm.s32 $0x2  }
0x7: {  	s24 =	simm.s32 $0x0;
	[smem:$0x7FF] =	sst s4;
	s26 =	smul.u32 $0x480, s11  }
0x8: {  	s3 =	sand.u32 $0x1, s3;
	s4 =	sadd.s32 $0x17600, s0;
	s9 =	smul.u32 $0x5A0, s11  }
0x9: {  	s8 =	sadd.s32 $0xD400, s0;
	s0 =	sadd.s32 $0x3200, s0;
	s10 =	smul.u32 $0x14000, s11  }
0xa: {  	s13 =	smul.u32 $0x5000, s11;
	_ =	strace $0x80000050;
	s5 =	ssub.s32 $0x2, s3  }
0xb: {  	p0 =	seq.s32 s3, $0x0;
	s14 =	smul.u32 $0x50000, s3;
	s6 =	sshrl.u32 s5, $0x1  }
0xc: {  	s7 =	sadd.s32 $0x5A00, s26;
	s29 =	sshrl.u32 s10, $0x2;
	s10 =	sadd.s32 s13, s1  }
0xd: {  	s16 =	ssub.s32 s5, s6;
	s5 =	simm.s32 $0x5A;
	s6 =	sadd.s32 s8, s7  }
0xe: {  	s28 =	sadd.s32 s0, s7;
	s8 =	sadd.s32 s8, s9;
	s9 =	sadd.s32 s0, s9  }
0xf: {  	s30 =	sadd.s32 s29, s1;
	s15 =	sadd.s32 s13, s14;
	[dreg:$0x4] =	wrdreg s6  }
0x10: {  	s5 =	simm.s32 @!p0 $0x48;
	[dreg:$0x5] =	wrdreg s28;
	s11 =	sadd.s32 $0x1000, s30  }
0x11: {  	s12 =	sadd.s32 $0x2000, s30;
	s13 =	sadd.s32 $0x3000, s30;
	s14 =	sadd.s32 $0x4000, s30  }
0x12: {  	s31 =	sshrl.u32 s15, $0x3;
	s16 =	smax.u32 s16, $0x1;
	s17 =	sshrl.u32 s5, $0x1  }
0x13: {  	v0 =	vimm.f32 $0.0e+00;
	p0 =	sne.s32 s3, $0x0;
	s15 =	sadd.s32 s2, s31;
	s17 =	sadd.s32 $0xFFFFFFFF, s17  }
.LBB2_1:
0x14: {  	s0 =	simm.s32 @p0 $0x0;
	s2 =	rddreg [dreg:$0x4]  }
0x15: {  	[tilespmem:s0], [sflag:$0x3] =	stream.linear.gather @p0 [hbm4b:s2+s0], $0x2400, $0x38;
	[tilespmem:$0xCA00] =	vst v63  }
0x16: {  	s2 =	simm.s32 @p0 $0x3  }
0x17: {  	_ =	swait.ge @p0 [sflag:s2], $0x2400  }
0x18: {  	[sflag:s2] =	ssyncset.done @p0 $0x0  }
0x19: {  	s3 =	simm.s32 @p0 $0x2D00;
	s6 =	rddreg [dreg:$0x5];
	[sflag:s2] =	ssyncadd.s32 @p0 $0xFFFFDC00  }
0x1a: {  	[tilespmem:s3], [sflag:$0x3] =	stream.linear.gather @p0 [hbm4b:s6+s0], $0x2400, $0x38;
	[tilespmem:$0xCA00] =	vst v63  }
0x1b: {  	_ =	swait.ge @p0 [sflag:s2], $0x2400  }
0x1c: {  	[sflag:s2] =	ssyncset.done @p0 $0x0  }
0x1d: {  	s0 =	simm.s32 @!p0 $0x0;
	[sflag:s2] =	ssyncadd.s32 @p0 $0xFFFFDC00;
	s2 =	simm.s32 @!p0 $0x3  }
0x1e: {  	[tilespmem:s0], [sflag:$0x3] =	stream.linear.gather @!p0 [hbm4b:s8+s0], $0x2D00, $0x38;
	[tilespmem:$0xCA00] =	vst v63  }
0x1f: {  	_ =	swait.ge @!p0 [sflag:s2], $0x2D00  }
0x20: {  	[sflag:s2] =	ssyncset.done @!p0 $0x0  }
0x21: {  	s3 =	simm.s32 @!p0 $0x2D00;
	[sflag:s2] =	ssyncadd.s32 @!p0 $0xFFFFD300  }
0x22: {  	[tilespmem:s3], [sflag:$0x3] =	stream.linear.gather @!p0 [hbm4b:s9+s0], $0x2D00, $0x38;
	[tilespmem:$0xCA00] =	vst v63  }
0x23: {  	_ =	swait.ge @!p0 [sflag:s2], $0x2D00  }
0x24: {  	[sflag:s2] =	ssyncset.done @!p0 $0x0  }
0x25: {  	s0 =	simm.s32 $0x80;
	[sflag:s2] =	ssyncadd.s32 @!p0 $0xFFFFD300;
	s2 =	simm.s32 $0x0  }
.LBB2_2:
0x26: {  	p1 =	sne.s32 s0, $0x3F80;
	[tilespmem:s2+$0x5A00] =	vst v0;
	s3 =	smov.u32 s0;
	s0 =	sadd.s32 $0x80, s0  }
.Ltmp0:
0x27: {  	[tilespmem:s2+$0x5A10] =	vst v0;
	(pc) =	sbr.rel @p1 .LBB2_2-.Ltmp0, $2  }
0x28: {  	_ =	sdelay $0x2  }
0x29: {  	s2 =	sshra.s32 s3, $0x2  }
0x2a: {  	[tilespmem:s2+$0x5A00] =	vst v0  }
0x2b: {  	[tilespmem:s2+$0x5A10] =	vst v0;
	s0 =	simm.s32 $0x3  }
0x2c: {  	[spmem:s10] =	stream.linear.scatter [tilespmem:s18], [sflag:$0x3], $0x1000, $0x38;
	[tilespmem:$0xCA00] =	vst v63  }
0x2d: {  	_ =	swait.ge [sflag:s0], $0x1000  }
0x2e: {  	[sflag:s0] =	ssyncset.done $0x0  }
0x2f: {  	[sflag:s0] =	ssyncadd.s32 $0xFFFFF000  }
0x30: {  	[spmem:s11] =	stream.linear.scatter [tilespmem:s18], [sflag:$0x3], $0x1000, $0x38;
	[tilespmem:$0xCA00] =	vst v63  }
0x31: {  	_ =	swait.ge [sflag:s0], $0x1000  }
0x32: {  	[sflag:s0] =	ssyncset.done $0x0  }
0x33: {  	[sflag:s0] =	ssyncadd.s32 $0xFFFFF000  }
0x34: {  	[spmem:s12] =	stream.linear.scatter [tilespmem:s18], [sflag:$0x3], $0x1000, $0x38;
	[tilespmem:$0xCA00] =	vst v63  }
0x35: {  	_ =	swait.ge [sflag:s0], $0x1000  }
0x36: {  	[sflag:s0] =	ssyncset.done $0x0  }
0x37: {  	[sflag:s0] =	ssyncadd.s32 $0xFFFFF000  }
0x38: {  	[spmem:s13] =	stream.linear.scatter [tilespmem:s18], [sflag:$0x3], $0x1000, $0x38;
	[tilespmem:$0xCA00] =	vst v63  }
0x39: {  	_ =	swait.ge [sflag:s0], $0x1000  }
0x3a: {  	[sflag:s0] =	ssyncset.done $0x0  }
0x3b: {  	[sflag:s0] =	ssyncadd.s32 $0xFFFFF000  }
0x3c: {  	[spmem:s14] =	stream.linear.scatter [tilespmem:s18], [sflag:$0x3], $0x1000, $0x38;
	[tilespmem:$0xCA00] =	vst v63  }
0x3d: {  	_ =	swait.ge [sflag:s0], $0x1000  }
0x3e: {  	[sflag:s0] =	ssyncset.done $0x0  }
0x3f: {  	[sflag:s0] =	ssyncadd.s32 $0xFFFFF000  }
0x40: {  	s25 =	simm.s32 $0x0;
	[bflag:$0x0] =	sbarrier.arrive $0xFFFF  }
0x41: {  	[tilespmem:s18], [sflag:$0x1] =	stream.indirect.gather [hbm4b:s4+s19], $0x20, s25, s19, $0xb8;
	[tilespmem:$0xCA00] =	vst v63  }
0x42: {  	_ = 	snop  }
0x43: {  	[tilespmem:s20], [sflag:$0x2] =	stream.indirect.gather [hbm4b:s4+s19], $0x20, s19, s19, $0xb8;
	[tilespmem:$0xCA00] =	vst v63  }
0x44: {  	_ =	swait.ge [sflag:s21], $0x1000  }
0x45: {  	[sflag:s21] =	ssyncset.done $0x0  }
0x46: {  	s26 =	simm.s32 $0x2D00;
	[sflag:s21] =	ssyncadd.s32 $0xFFFFF000  }
0x47: {  	[spmem:s1] =	stream.indirect.scatter.add.f32 [tilespmem:s18], [sflag:$0x3], $0x20, s26, s19, $0xb8;
	[tilespmem:$0xCA00] =	vst v63  }
0x48: {  	p1 =	sle.u32 s5, $0x2;
	s30 =	sadd.s32 $0xFFFFFFFF, s17;
	_ =	swait.ge [sflag:s22], $0x1000  }
0x49: {  	s29 =	simm.s32 $0x2D80;
	s2 =	simm.s32 @!p1 $0x80;
	[sflag:s22] =	ssyncset.done $0x0  }
0x4a: {  	s3 =	simm.s32 @!p1 $0x5A00;
	s0 =	simm.s32 @!p1 $0x100;
	[sflag:s22] =	ssyncadd.s32 $0xFFFFF000  }
0x4b: {  	[tilespmem:s3], [sflag:$0x1] =	stream.indirect.gather @!p1 [hbm4b:s4+s2], $0x20, s0, s2, $0xb8;
	[tilespmem:$0xCA00] =	vst v63  }
0x4c: {  	s28 =	simm.s32 $0x2E80;
	p1 =	sne.s32 s30, $0x0;
	_ =	swait.ge [sflag:s23], $0x1000  }
.Ltmp1:
0x4d: {  	p2 =	sle.u32 s5, $0x3;
	[sflag:s23] =	ssyncset.done $0x0;
	(pc) =	sbr.rel @!p1 .LBB2_5-.Ltmp1, $4  }
0x4e: {  	s31 =	simm.s32 $0x180;
	s25 =	simm.s32 $0x180;
	[sflag:s23] =	ssyncadd.s32 $0xFFFFF000  }
0x4f: {  	[spmem:s1] =	stream.indirect.scatter.add.f32 [tilespmem:s20], [sflag:$0x3], $0x20, s29, s19, $0xb8;
	[tilespmem:$0xCA00] =	vst v63  }
0x50: {  	s26 =	simm.s32 $0x5;
	s2 =	simm.s32 @!p2 $0x80;
	_ =	swait.ge [sflag:s22], $0x1000  }
0x51: {  	s3 =	simm.s32 @!p2 $0x6A00;
	s0 =	simm.s32 $0x180;
	[sflag:s22] =	ssyncset.done $0x0  }
.LBB2_4:
0x52: {  	s31 =	smov.u32 s25;
	s29 =	smov.u32 s28  }
0x53: {  	s30 =	sadd.s32 $0xFFFFFFFF, s30;
	s25 =	sadd.s32 $0x100, s25;
	[sflag:s22] =	ssyncadd.s32 $0xFFFFF000  }
0x54: {  	[tilespmem:s3], [sflag:$0x2] =	stream.indirect.gather @!p2 [hbm4b:s4+s2], $0x20, s0, s2, $0xb8;
	[tilespmem:$0xCA00] =	vst v63  }
0x55: {  	p1 =	sne.s32 s30, $0x0;
	s0 =	smov.u32 s25;
	_ =	swait.ge [sflag:s21], $0x1000  }
0x56: {  	s2 =	sadd.s32 $0xFFFFFF80, s28;
	s3 =	smov.u32 s28;
	[sflag:s21] =	ssyncset.done $0x0  }
0x57: {  	s6 =	sadd.s32 $0xFFFFFFFF, s26;
	[sflag:s21] =	ssyncadd.s32 $0xFFFFF000  }
0x58: {  	[spmem:s1] =	stream.indirect.scatter.add.f32 [tilespmem:s18], [sflag:$0x3], $0x20, s2, s19, $0xb8;
	[tilespmem:$0xCA00] =	vst v63  }
0x59: {  	p2 =	sge.u32 s6, s5;
	_ =	swait.ge [sflag:s22], $0x1000  }
0x5a: {  	s6 =	simm.s32 @!p2 $0x80;
	s2 =	sadd.s32 @!p2 $0xFFFFFF80, s25;
	[sflag:s22] =	ssyncset.done $0x0  }
0x5b: {  	s7 =	simm.s32 @!p2 $0x5A00;
	[sflag:s22] =	ssyncadd.s32 $0xFFFFF000  }
0x5c: {  	[tilespmem:s7], [sflag:$0x1] =	stream.indirect.gather @!p2 [hbm4b:s4+s6], $0x20, s2, s6, $0xb8;
	[tilespmem:$0xCA00] =	vst v63  }
0x5d: {  	_ =	swait.ge [sflag:s23], $0x1000  }
.Ltmp2:
0x5e: {  	[sflag:s23] =	ssyncset.done $0x0;
	(pc) =	sbr.rel @p1 .LBB2_4-.Ltmp2, $4  }
0x5f: {  	s28 =	sadd.s32 $0x100, s28;
	[sflag:s23] =	ssyncadd.s32 $0xFFFFF000  }
0x60: {  	[spmem:s1] =	stream.indirect.scatter.add.f32 [tilespmem:s20], [sflag:$0x3], $0x20, s3, s19, $0xb8;
	[tilespmem:$0xCA00] =	vst v63  }
0x61: {  	p2 =	sge.u32 s26, s5;
	s26 =	sadd.s32 $0x2, s26;
	_ =	swait.ge [sflag:s22], $0x1000  }
0x62: {  	s2 =	simm.s32 @!p2 $0x80;
	s3 =	simm.s32 @!p2 $0x6A00;
	[sflag:s22] =	ssyncset.done $0x0  }
.LBB2_5:
0x63: {  	[sflag:s22] =	ssyncadd.s32 $0xFFFFF000  }
0x64: {  	[tilespmem:s3], [sflag:$0x2] =	stream.indirect.gather @!p2 [hbm4b:s4+s2], $0x20, s0, s2, $0xb8;
	[tilespmem:$0xCA00] =	vst v63  }
0x65: {  	_ =	swait.ge [sflag:s21], $0x1000  }
0x66: {  	[sflag:s21] =	ssyncset.done $0x0  }
0x67: {  	s7 =	sadd.s32 $0x80, s29;
	s29 =	sadd.s32 $0xFFFFFFFF, s26;
	[sflag:s21] =	ssyncadd.s32 $0xFFFFF000  }
0x68: {  	[spmem:s1] =	stream.indirect.scatter.add.f32 [tilespmem:s18], [sflag:$0x3], $0x20, s7, s19, $0xb8;
	[tilespmem:$0xCA00] =	vst v63  }
0x69: {  	p1 =	sge.u32 s29, s5;
	_ =	swait.ge [sflag:s22], $0x1000  }
0x6a: {  	s0 =	sadd.s32 @!p1 $0x80, s31;
	[sflag:s22] =	ssyncset.done $0x0  }
0x6b: {  	s2 =	simm.s32 @!p1 $0x80;
	s3 =	simm.s32 @!p1 $0x5A00;
	[sflag:s22] =	ssyncadd.s32 $0xFFFFF000  }
0x6c: {  	[tilespmem:s3], [sflag:$0x1] =	stream.indirect.gather @!p1 [hbm4b:s4+s2], $0x20, s0, s2, $0xb8;
	[tilespmem:$0xCA00] =	vst v63  }
0x6d: {  	_ =	swait.ge [sflag:s23], $0x1000  }
0x6e: {  	[sflag:s23] =	ssyncset.done $0x0  }
0x6f: {  	[sflag:s23] =	ssyncadd.s32 $0xFFFFF000  }
0x70: {  	[spmem:s1] =	stream.indirect.scatter.add.f32 [tilespmem:s20], [sflag:$0x3], $0x20, s28, s19, $0xb8;
	[tilespmem:$0xCA00] =	vst v63  }
0x71: {  	s30 =	stileid.u32;
	s24 =	sadd.s32 $0x1, s24;
	_ =	swait.ge [sflag:s22], $0x1000  }
0x72: {  	s0 =	sadd.s32 $0x100, s25;
	p1 =	sge.u32 s26, s5;
	[sflag:s22] =	ssyncset.done $0x0  }
0x73: {  	s2 =	simm.s32 @!p1 $0x80;
	s3 =	simm.s32 @!p1 $0x6A00;
	[sflag:s22] =	ssyncadd.s32 $0xFFFFF000  }
0x74: {  	[tilespmem:s3], [sflag:$0x2] =	stream.indirect.gather @!p1 [hbm4b:s4+s2], $0x20, s0, s2, $0xb8;
	[tilespmem:$0xCA00] =	vst v63  }
0x75: {  	s31 =	sshrl.u32 s10, $0x3;
	s0 =	sshll.u32 s30, $0x6;
	p1 =	sne.s32 s24, s16  }
.Ltmp3:
0x76: {  	[bflag:$0x0] =	sbarrier.arrive $0xFFFF;
	s0 =	sor.u32 $0x1C03, s0;
	(pc) =	sbr.rel @p1 .LBB2_1-.Ltmp3, $4  }
0x77: {  	[hbm:s15], [sflag:s0] =	dma.local [spmem:s31], $0xA00  }
0x78: {  	_ =	swait.ge [sflag:s22], $0xA00  }
0x79: {  	[sflag:s22] =	ssyncset.done $0x0  }
0x7a: {  	[sflag:s22] =	ssyncadd.s32 $0xFFFFF600  }
0x7b: {  	_ =	sfence.sel $0x180000  }
0x7c: {  	[bflag:$0x0] =	sbarrier.arrive $0xFFFF  }
0x7d: {  	_ =	strace $0x90000050  }
0x7e: {  	s0 =	stileid.u32;
	[bflag:$0x2] =	sbarrier.arrive $0xFFFF  }
0x7f: {  	p0 =	sne.s32 s0, $0x0;
	s0 =	rddreg [dreg:$0x3]  }
0x80: {  	s0 =	sadd.s32 @!p0 $0x100000, s0  }
0x81: {  	[sflag:s0] =	ssyncadd.tile.s32 @!p0 $0x1;
	_ =	shalt  }
.Lfunc_end2:
_tile_overlayer_lowered:
.L_overlay_start_2:
0x82: {  	(tag) =	ssettag $0x2  }
0x83: {  	s0 =	rddreg [dreg:$0x0];
	s2 =	stileid.u32  }
0x84: {  	s1 =	rddreg [dreg:$0x1];
	p0 =	sne.s32 s2, $0x0  }
0x85: {  	s3 =	rddreg [dreg:$0x2];
	[bflag:$0x3] =	sbarrier.arrive $0xFFFF;
	s2 =	simm.s32 @!p0 $0x1C03  }
0x86: {  	[timem:s3], [sflag:s2] =	dma.local @!p0 [hbm:s0], s1  }
0x87: {  	s0 =	simm.s32 @!p0 $0x3  }
0x88: {  	_ =	swait.ge @!p0 [sflag:s0], s1  }
0x89: {  	s1 =	ssub.s32 @!p0 $0x0, s1;
	[sflag:s0] =	ssyncset.done @!p0 $0x0  }
0x8a: {  	[sflag:s0] =	ssyncadd.s32 @!p0 s1  }
0x8b: {  	[bflag:$0x3] =	sbarrier.arrive $0xFFFF  }
0x8c: {  	_ =	shalt  }

// kernel: kernel.24.cloned.1.call-start
scs
__scs_entry_jumppad:
0x0: {  	(pc) =	sbr.rel $0x88, $3  }
0x1: {  	(tag) =	ssettag $0x0;
	lr =	simm.s32 $0x1  }
0x2: {  	[smem:$0x3F97] =	sst lr;
	_ =	strace $0xD0000000  }
0x3: {  	_ = 	snop  }
0x4: {  	_ = 	snop  }
0x5: {  	_ = 	snop  }
0x6: {  	_ = 	snop  }
0x7: {  	_ = 	snop  }
__scs_overlays_trampoline_lowered:
0x8: {  	[smem:$0x3FA6] =	sst s0  }
0x9: {  	[smem:$0x3FA7] =	sst s1  }
0xa: {  	[smem:$0x3FA8] =	sst s2  }
0xb: {  	[smem:$0x3FA9] =	sst s3  }
0xc: {  	[smem:$0x3FAA] =	sst s4  }
0xd: {  	[smem:$0x3FAB] =	sst s5  }
0xe: {  	[smem:$0x3FAC] =	sst s6  }
0xf: {  	[smem:$0x3FAD] =	sst s7  }
0x10: {  	[smem:$0x3FAE] =	sst s8  }
0x11: {  	[smem:$0x3FAF] =	sst s9;
	s0 =	simm.s32 @!p0 $0x0  }
0x12: {  	s1 =	sld [smem:$0x3F95];
	s0 =	simm.s32 @p0 $0x1  }
0x13: {  	[smem:$0x3FB0] =	sst s0;
	s0 =	simm.s32 @!p1 $0x0  }
0x14: {  	s2 =	sld [smem:$0x3F94];
	s0 =	simm.s32 @p1 $0x1  }
0x15: {  	[smem:$0x3FB1] =	sst s0;
	s0 =	simm.s32 @!p2 $0x0  }
0x16: {  	s3 =	sld [smem:$0x3FDB];
	s0 =	simm.s32 @p2 $0x1  }
0x17: {  	s4 =	simm.s32 $0x1BF5;
	[smem:$0x3FB3] =	sst s0  }
0x18: {  	s0 =	sld [smem:$0x3F96];
	_ =	swait.ge [sflag:s4], $0x0  }
0x19: {  	s7 =	sld [smem:$0x3F97]  }
0x1a: {  	s8 =	sadd.s32 $0xFFFFE003, lr  }
0x1b: {  	s9 =	sadd.s32 $0xFFFFFEF7, lr;
	s5 =	simm.s32 $0xFFFFFFFF;
	p2 =	slt.u32 s8, $0xFFFFF086  }
0x1c: {  	p1 =	slt.u32 s9, $0xF7A;
	s5 =	simm.s32 @!p2 $0x0  }
0x1d: {  	s5 =	simm.s32 @p1 $0x1;
	p0 =	seq.s32 s7, s2  }
0x1e: {  	s7 =	smul.u32 @!p0 $0xF7A, s2;
	p2 =	seq.s32 @!p0 s5, $0x0  }
0x1f: {  	s9 =	smul.u32 $0xF7A, s1;
	s8 =	simm.s32 @!p0 $0x1BF5;
	p2 =	por !p2, p0  }
0x20: {  	[sflag:s8] =	ssyncset.s32 @!p0 $0xFFFFF086;
	s6 =	sadd.s32 @!p0 s3, s7;
	s7 =	simm.s32 @!p0 $0x108  }
0x21: {  	s3 =	sadd.s32 s3, s9;
	s6 =	sadd.s32 @!p0 $0x88, s6;
	s7 =	simm.s32 @p2 $0x1082  }
0x22: {  	[simem:s7], [sflag:s8] =	dma.local @!p0 [hbm:s6], $0xF7A  }
0x23: {  	s9 =	sor.u32 $0xD0000000, s2;
	s6 =	simm.s32 $0x108;
	_ =	swait.ge @!p0 [sflag:s8], $0x0  }
0x24: {  	s3 =	sadd.s32 $0x88, s3;
	s6 =	simm.s32 @!p1 $0x1082;
	[sflag:s4] =	ssyncset.s32 $0xFFFFF086  }
0x25: {  	[simem:s6], [sflag:s4] =	dma.local [hbm:s3], $0xF7A  }
0x26: {  	[smem:$0x3F97] =	sst s1;
	(tag) =	ssettag s2;
	_ =	strace s9  }
0x27: {  	s1 =	sld [smem:$0x3FA7]  }
0x28: {  	s2 =	sld [smem:$0x3FA8]  }
0x29: {  	s4 =	sld [smem:$0x3FAA]  }
0x2a: {  	p0 =	seq.s32 s5, $0x0;
	s5 =	sld [smem:$0x3FAB]  }
0x2b: {  	s6 =	sld [smem:$0x3FAC]  }
0x2c: {  	s7 =	sld [smem:$0x3FAD]  }
0x2d: {  	s3 =	simm.s32 $0x108;
	s8 =	sld [smem:$0x3FAE]  }
0x2e: {  	s3 =	simm.s32 @!p0 $0x1082;
	s9 =	sld [smem:$0x3FAF]  }
0x2f: {  	lr =	sadd.s32 s0, s3;
	s0 =	sld [smem:$0x3FA6]  }
0x30: {  	s3 =	sld [smem:$0x3FA9]  }
0x31: {  	[smem:$0x3FB2] =	sst s10  }
0x32: {  	s10 =	sld [smem:$0x3FB0];
	_ =	sdelay $0x3  }
0x33: {  	p0 =	seq.s32 s10, $0x1;
	s10 =	sld [smem:$0x3FB2];
	_ =	sdelay $0x3  }
0x34: {  	[smem:$0x3FB2] =	sst s10  }
0x35: {  	s10 =	sld [smem:$0x3FB1];
	_ =	sdelay $0x3  }
0x36: {  	p1 =	seq.s32 s10, $0x1;
	s10 =	sld [smem:$0x3FB2];
	_ =	sdelay $0x3  }
0x37: {  	[smem:$0x3FB2] =	sst s10  }
0x38: {  	s10 =	sld [smem:$0x3FB3]  }
0x39: {  	_ = 	snop;
	(pc) =	sbr.ind lr, $3  }
0x3a: {  	_ = 	snop  }
0x3b: {  	_ = 	snop  }
0x3c: {  	p2 =	seq.s32 s10, $0x1;
	s10 =	sld [smem:$0x3FB2]  }
0x3d: {  	_ =	shalt  }
0x3e: {  	_ =	shalt  }
0x3f: {  	_ =	shalt  }
0x40: {  	_ =	shalt  }
0x41: {  	_ =	shalt  }
0x42: {  	_ =	shalt  }
0x43: {  	_ =	shalt  }
0x44: {  	_ =	shalt  }
0x45: {  	_ =	shalt  }
0x46: {  	_ =	shalt  }
0x47: {  	_ =	shalt  }
0x48: {  	_ =	shalt  }
0x49: {  	_ =	shalt  }
0x4a: {  	_ =	shalt  }
0x4b: {  	_ =	shalt  }
0x4c: {  	_ =	shalt  }
0x4d: {  	_ =	shalt  }
0x4e: {  	_ =	shalt  }
0x4f: {  	_ =	shalt  }
0x50: {  	_ =	shalt  }
0x51: {  	_ =	shalt  }
0x52: {  	_ =	shalt  }
0x53: {  	_ =	shalt  }
0x54: {  	_ =	shalt  }
0x55: {  	_ =	shalt  }
0x56: {  	_ =	shalt  }
0x57: {  	_ =	shalt  }
0x58: {  	_ =	shalt  }
0x59: {  	_ =	shalt  }
0x5a: {  	_ =	shalt  }
0x5b: {  	_ =	shalt  }
0x5c: {  	_ =	shalt  }
0x5d: {  	_ =	shalt  }
0x5e: {  	_ =	shalt  }
0x5f: {  	_ =	shalt  }
0x60: {  	_ =	shalt  }
0x61: {  	_ =	shalt  }
0x62: {  	_ =	shalt  }
0x63: {  	_ =	shalt  }
0x64: {  	_ =	shalt  }
0x65: {  	_ =	shalt  }
0x66: {  	_ =	shalt  }
0x67: {  	_ =	shalt  }
0x68: {  	_ =	shalt  }
0x69: {  	_ =	shalt  }
0x6a: {  	_ =	shalt  }
0x6b: {  	_ =	shalt  }
0x6c: {  	_ =	shalt  }
0x6d: {  	_ =	shalt  }
0x6e: {  	_ =	shalt  }
0x6f: {  	_ =	shalt  }
0x70: {  	_ =	shalt  }
0x71: {  	_ =	shalt  }
0x72: {  	_ =	shalt  }
0x73: {  	_ =	shalt  }
0x74: {  	_ =	shalt  }
0x75: {  	_ =	shalt  }
0x76: {  	_ =	shalt  }
0x77: {  	_ =	shalt  }
0x78: {  	_ =	shalt  }
0x79: {  	_ =	shalt  }
0x7a: {  	_ =	shalt  }
0x7b: {  	_ =	shalt  }
0x7c: {  	_ =	shalt  }
0x7d: {  	_ =	shalt  }
0x7e: {  	_ =	shalt  }
0x7f: {  	_ =	shalt  }
0x80: {  	_ =	shalt  }
0x81: {  	_ =	shalt  }
0x82: {  	_ =	shalt  }
0x83: {  	_ =	shalt  }
0x84: {  	_ =	shalt  }
0x85: {  	_ =	shalt  }
0x86: {  	_ =	shalt  }
0x87: {  	_ =	shalt  }
.Lfunc_end0:
.L_simem_size_0:
called_computation.4_lowered:
.L_overlay_start_0:
0x88: {  	s2 =	sld [smem:$0x3FD9]  }
0x89: {  	s3 =	sld [smem:$0x3FFE];
	_ =	sdelay $0x1  }
0x8a: {  	s1 =	srdreg.scid  }
0x8b: {  	s0 =	sand.u32 $0x1, s1  }
0x8c: {  	s17 =	sshll.u32 s0, $0xA;
	s2 =	sadd.s32 s3, s2  }
0x8d: {  	s2 =	sadd.s32 s2, s17  }
0x8e: {  	[smem:$0x3FBE] =	sst s2  }
0x8f: {  	_ = 	snop  }
0x90: {  	s2 =	sld [smem:$0x3FD0];
	(tm) =	ssettm $0x1  }
0x91: {  	s18 =	sld [smem:$0x3FFB];
	_ =	sdelay $0x3  }
0x92: {  	_ =	strace s18  }
0x93: {  	s3 =	sld [smem:$0x3FFC];
	_ =	sdelay $0x3  }
0x94: {  	_ =	strace s3  }
0x95: {  	s3 =	sld [smem:$0x3FFD];
	_ =	sdelay $0x3  }
0x96: {  	_ =	strace s3  }
0x97: {  	_ =	strace $0x8FFFFFFF  }
0x98: {  	s19 =	sld [smem:$0x3FDB];
	_ =	sdelay $0x1  }
0x99: {  	s4 =	simm.s32 $_scs_section_size  }
0x9a: {  	s5 =	simm.s32 $_size__tile_overlayer_lowered;
	s6 =	simm.s32 $_tile_overlayer_lowered  }
0x9b: {  	s22 =	simm.s32 $0x1BFF;
	s21 =	sshll.u32 s6, $0x1;
	s3 =	sadd.s32 s4, s19  }
0x9c: {  	s7 =	simm.s32 $0x0;
	s20 =	sshll.u32 s5, $0x1;
	s5 =	sadd.s32 s21, s3  }
0x9d: {  	[timem:s7], [sflag:s22] =	dma.local [hbm:s5], s20  }
0x9e: {  	_ =	swait.ge [sflag:s22], s20  }
0x9f: {  	s4 =	ssub.s32 $0x0, s20;
	[sflag:s22] =	ssyncset.done $0x0  }
0xa0: {  	[sflag:s22] =	ssyncadd.s32 s4;
	_ =	sdelay $0x1  }
0xa1: {  	s23 =	simm.s32 $0x1B8B  }
0xa2: {  	_ =	swait.ge [sflag:s23], $0x1  }
0xa3: {  	[sflag:s23] =	ssyncset.done $0x0  }
0xa4: {  	s25 =	simm.s32 $0x1B8E;
	s24 =	sld [smem:$0x3FFE];
	[sflag:s23] =	ssyncadd.s32 $0xFFFFFFFF  }
0xa5: {  	s26 =	simm.s32 $execute0_lowered;
	[smem:$0x3FD2] =	sst s25  }
0xa6: {  	s5 =	sshll.u32 s26, $0x1;
	_ =	strace $0x80000052;
	[dreg:$0x1] =	wrdreg $0xFFFFFFFF  }
0xa7: {  	s28 =	simm.s32 $_size_execute0_lowered;
	s3 =	sadd.s32 s3, s5;
	[dreg:$0x0] =	wrdreg $0x0  }
0xa8: {  	s5 =	sshll.u32 s28, $0x1;
	[dreg:$0x2] =	wrdreg s3  }
0xa9: {  	[dreg:$0x3] =	wrdreg s5  }
0xaa: {  	[dreg:$0x4] =	wrdreg $0xC0  }
0xab: {  	_ =	task [dreg:s7], $0x5FFFF  }
0xac: {  	[dreg:$0x1] =	wrdreg $0xFFFFFFFF  }
0xad: {  	[dreg:$0x0] =	wrdreg $0x60  }
0xae: {  	[dreg:$0x2] =	wrdreg s24  }
0xaf: {  	[dreg:$0x3] =	wrdreg s2  }
0xb0: {  	[dreg:$0x4] =	wrdreg $0x7A000  }
0xb1: {  	[dreg:$0x5] =	wrdreg $0x9  }
0xb2: {  	_ =	task.clear_ibuf [dreg:s7], $0x6FFFF;
	_ =	strace $0x90000052  }
0xb3: {  	s29 =	simm.s32 $0x9;
	_ =	strace $0x80000054  }
0xb4: {  	_ =	swait.ge [sflag:s29], $0x1  }
0xb5: {  	[sflag:s29] =	ssyncadd.s32 $0xFFFFFFFF  }
0xb6: {  	_ =	strace $0x90000054  }
0xb7: {  	_ =	sfence  }
0xb8: {  	s30 =	sld [smem:$0x0];
	_ =	sdelay $0x2  }
0xb9: {  	s31 =	sshll.u32 s1, $0xD;
	s1 =	sshrl.u32 s1, $0x2  }
0xba: {  	s3 =	sand.u32 $0x4000, s31;
	s1 =	sadd.s32 s1, s30  }
0xbb: {  	s0 =	sor.u32 s3, s0;
	s1 =	sshll.u32 s1, $0x11  }
0xbc: {  	s0 =	sor.u32 s1, s0  }
0xbd: {  	s0 =	sadd.s32 $0x8F2B, s0  }
0xbe: {  	[sflag:s0] =	ssyncadd.remote.s32 $0x1  }
0xbf: {  	_ =	sfence.sel $0xFFFF  }
0xc0: {  	[dreg:$0x0] =	wrdreg $0xFFFFFFFF;
	(pc) =	sbr.abs _section_cstart, $3  }
0xc1: {  	[dreg:$0x1] =	wrdreg $0xFFFFFFFF  }
0xc2: {  	_ =	task.clear_ibuf [dreg:s7], $0x2FFFF;
	_ =	strace $0x9FFFFFFF  }
0xc3: {  	(tm) =	ssettm $0x7FFFFFFF  }
tec
execute0_lowered:
.L_overlay_start_1:
0x0: {  	(tag) =	ssettag $0x1  }
0x1: {  	s0 =	rddreg [dreg:$0x0]  }
0x2: {  	s2 =	rddreg [dreg:$0x1]  }
0x3: {  	s1 =	rddreg [dreg:$0x2]  }
0x4: {  	s4 =	simm.s32 $0x0;
	s3 =	srdreg.scid;
	s11 =	stileid.u32  }
0x5: {  	s18 =	simm.s32 $0x5A00;
	s19 =	simm.s32 $0x80;
	s20 =	simm.s32 $0x6A00  }
0x6: {  	s21 =	simm.s32 $0x1;
	s22 =	simm.s32 $0x3;
	s23 =	simm.s32 $0x2  }
0x7: {  	s24 =	simm.s32 $0x0;
	[smem:$0x7FF] =	sst s4;
	s26 =	smul.u32 $0x480, s11  }
0x8: {  	s3 =	sand.u32 $0x1, s3;
	s4 =	sadd.s32 $0x17600, s0;
	s9 =	smul.u32 $0x5A0, s11  }
0x9: {  	s8 =	sadd.s32 $0xD400, s0;
	s0 =	sadd.s32 $0x3200, s0;
	s10 =	smul.u32 $0x14000, s11  }
0xa: {  	s13 =	smul.u32 $0x5000, s11;
	_ =	strace $0x80000053;
	s5 =	ssub.s32 $0x2, s3  }
0xb: {  	p0 =	seq.s32 s3, $0x0;
	s14 =	smul.u32 $0x50000, s3;
	s6 =	sshrl.u32 s5, $0x1  }
0xc: {  	s7 =	sadd.s32 $0x5A00, s26;
	s29 =	sshrl.u32 s10, $0x2;
	s10 =	sadd.s32 s13, s1  }
0xd: {  	s16 =	ssub.s32 s5, s6;
	s5 =	simm.s32 $0x5A;
	s6 =	sadd.s32 s8, s7  }
0xe: {  	s28 =	sadd.s32 s0, s7;
	s8 =	sadd.s32 s8, s9;
	s9 =	sadd.s32 s0, s9  }
0xf: {  	s30 =	sadd.s32 s29, s1;
	s15 =	sadd.s32 s13, s14;
	[dreg:$0x4] =	wrdreg s6  }
0x10: {  	s5 =	simm.s32 @!p0 $0x48;
	[dreg:$0x5] =	wrdreg s28;
	s11 =	sadd.s32 $0x1000, s30  }
0x11: {  	s12 =	sadd.s32 $0x2000, s30;
	s13 =	sadd.s32 $0x3000, s30;
	s14 =	sadd.s32 $0x4000, s30  }
0x12: {  	s31 =	sshrl.u32 s15, $0x3;
	s16 =	smax.u32 s16, $0x1;
	s17 =	sshrl.u32 s5, $0x1  }
0x13: {  	v0 =	vimm.f32 $0.0e+00;
	p0 =	sne.s32 s3, $0x0;
	s15 =	sadd.s32 s2, s31;
	s17 =	sadd.s32 $0xFFFFFFFF, s17  }
.LBB2_1:
0x14: {  	s0 =	simm.s32 @p0 $0x0;
	s2 =	rddreg [dreg:$0x4]  }
0x15: {  	[tilespmem:s0], [sflag:$0x3] =	stream.linear.gather @p0 [hbm4b:s2+s0], $0x2400, $0x38;
	[tilespmem:$0xCA00] =	vst v63  }
0x16: {  	s2 =	simm.s32 @p0 $0x3  }
0x17: {  	_ =	swait.ge @p0 [sflag:s2], $0x2400  }
0x18: {  	[sflag:s2] =	ssyncset.done @p0 $0x0  }
0x19: {  	s3 =	simm.s32 @p0 $0x2D00;
	s6 =	rddreg [dreg:$0x5];
	[sflag:s2] =	ssyncadd.s32 @p0 $0xFFFFDC00  }
0x1a: {  	[tilespmem:s3], [sflag:$0x3] =	stream.linear.gather @p0 [hbm4b:s6+s0], $0x2400, $0x38;
	[tilespmem:$0xCA00] =	vst v63  }
0x1b: {  	_ =	swait.ge @p0 [sflag:s2], $0x2400  }
0x1c: {  	[sflag:s2] =	ssyncset.done @p0 $0x0  }
0x1d: {  	s0 =	simm.s32 @!p0 $0x0;
	[sflag:s2] =	ssyncadd.s32 @p0 $0xFFFFDC00;
	s2 =	simm.s32 @!p0 $0x3  }
0x1e: {  	[tilespmem:s0], [sflag:$0x3] =	stream.linear.gather @!p0 [hbm4b:s8+s0], $0x2D00, $0x38;
	[tilespmem:$0xCA00] =	vst v63  }
0x1f: {  	_ =	swait.ge @!p0 [sflag:s2], $0x2D00  }
0x20: {  	[sflag:s2] =	ssyncset.done @!p0 $0x0  }
0x21: {  	s3 =	simm.s32 @!p0 $0x2D00;
	[sflag:s2] =	ssyncadd.s32 @!p0 $0xFFFFD300  }
0x22: {  	[tilespmem:s3], [sflag:$0x3] =	stream.linear.gather @!p0 [hbm4b:s9+s0], $0x2D00, $0x38;
	[tilespmem:$0xCA00] =	vst v63  }
0x23: {  	_ =	swait.ge @!p0 [sflag:s2], $0x2D00  }
0x24: {  	[sflag:s2] =	ssyncset.done @!p0 $0x0  }
0x25: {  	s0 =	simm.s32 $0x80;
	[sflag:s2] =	ssyncadd.s32 @!p0 $0xFFFFD300;
	s2 =	simm.s32 $0x0  }
.LBB2_2:
0x26: {  	p1 =	sne.s32 s0, $0x3F80;
	[tilespmem:s2+$0x5A00] =	vst v0;
	s3 =	smov.u32 s0;
	s0 =	sadd.s32 $0x80, s0  }
.Ltmp0:
0x27: {  	[tilespmem:s2+$0x5A10] =	vst v0;
	(pc) =	sbr.rel @p1 .LBB2_2-.Ltmp0, $2  }
0x28: {  	_ =	sdelay $0x2  }
0x29: {  	s2 =	sshra.s32 s3, $0x2  }
0x2a: {  	[tilespmem:s2+$0x5A00] =	vst v0  }
0x2b: {  	[tilespmem:s2+$0x5A10] =	vst v0;
	s0 =	simm.s32 $0x3  }
0x2c: {  	[spmem:s10] =	stream.linear.scatter [tilespmem:s18], [sflag:$0x3], $0x1000, $0x38;
	[tilespmem:$0xCA00] =	vst v63  }
0x2d: {  	_ =	swait.ge [sflag:s0], $0x1000  }
0x2e: {  	[sflag:s0] =	ssyncset.done $0x0  }
0x2f: {  	[sflag:s0] =	ssyncadd.s32 $0xFFFFF000  }
0x30: {  	[spmem:s11] =	stream.linear.scatter [tilespmem:s18], [sflag:$0x3], $0x1000, $0x38;
	[tilespmem:$0xCA00] =	vst v63  }
0x31: {  	_ =	swait.ge [sflag:s0], $0x1000  }
0x32: {  	[sflag:s0] =	ssyncset.done $0x0  }
0x33: {  	[sflag:s0] =	ssyncadd.s32 $0xFFFFF000  }
0x34: {  	[spmem:s12] =	stream.linear.scatter [tilespmem:s18], [sflag:$0x3], $0x1000, $0x38;
	[tilespmem:$0xCA00] =	vst v63  }
0x35: {  	_ =	swait.ge [sflag:s0], $0x1000  }
0x36: {  	[sflag:s0] =	ssyncset.done $0x0  }
0x37: {  	[sflag:s0] =	ssyncadd.s32 $0xFFFFF000  }
0x38: {  	[spmem:s13] =	stream.linear.scatter [tilespmem:s18], [sflag:$0x3], $0x1000, $0x38;
	[tilespmem:$0xCA00] =	vst v63  }
0x39: {  	_ =	swait.ge [sflag:s0], $0x1000  }
0x3a: {  	[sflag:s0] =	ssyncset.done $0x0  }
0x3b: {  	[sflag:s0] =	ssyncadd.s32 $0xFFFFF000  }
0x3c: {  	[spmem:s14] =	stream.linear.scatter [tilespmem:s18], [sflag:$0x3], $0x1000, $0x38;
	[tilespmem:$0xCA00] =	vst v63  }
0x3d: {  	_ =	swait.ge [sflag:s0], $0x1000  }
0x3e: {  	[sflag:s0] =	ssyncset.done $0x0  }
0x3f: {  	[sflag:s0] =	ssyncadd.s32 $0xFFFFF000  }
0x40: {  	s25 =	simm.s32 $0x0;
	[bflag:$0x0] =	sbarrier.arrive $0xFFFF  }
0x41: {  	[tilespmem:s18], [sflag:$0x1] =	stream.indirect.gather [hbm4b:s4+s19], $0x20, s25, s19, $0xb8;
	[tilespmem:$0xCA00] =	vst v63  }
0x42: {  	_ = 	snop  }
0x43: {  	[tilespmem:s20], [sflag:$0x2] =	stream.indirect.gather [hbm4b:s4+s19], $0x20, s19, s19, $0xb8;
	[tilespmem:$0xCA00] =	vst v63  }
0x44: {  	_ =	swait.ge [sflag:s21], $0x1000  }
0x45: {  	[sflag:s21] =	ssyncset.done $0x0  }
0x46: {  	s26 =	simm.s32 $0x2D00;
	[sflag:s21] =	ssyncadd.s32 $0xFFFFF000  }
0x47: {  	[spmem:s1] =	stream.indirect.scatter.add.f32 [tilespmem:s18], [sflag:$0x3], $0x20, s26, s19, $0xb8;
	[tilespmem:$0xCA00] =	vst v63  }
0x48: {  	p1 =	sle.u32 s5, $0x2;
	s30 =	sadd.s32 $0xFFFFFFFF, s17;
	_ =	swait.ge [sflag:s22], $0x1000  }
0x49: {  	s29 =	simm.s32 $0x2D80;
	s2 =	simm.s32 @!p1 $0x80;
	[sflag:s22] =	ssyncset.done $0x0  }
0x4a: {  	s3 =	simm.s32 @!p1 $0x5A00;
	s0 =	simm.s32 @!p1 $0x100;
	[sflag:s22] =	ssyncadd.s32 $0xFFFFF000  }
0x4b: {  	[tilespmem:s3], [sflag:$0x1] =	stream.indirect.gather @!p1 [hbm4b:s4+s2], $0x20, s0, s2, $0xb8;
	[tilespmem:$0xCA00] =	vst v63  }
0x4c: {  	s28 =	simm.s32 $0x2E80;
	p1 =	sne.s32 s30, $0x0;
	_ =	swait.ge [sflag:s23], $0x1000  }
.Ltmp1:
0x4d: {  	p2 =	sle.u32 s5, $0x3;
	[sflag:s23] =	ssyncset.done $0x0;
	(pc) =	sbr.rel @!p1 .LBB2_5-.Ltmp1, $4  }
0x4e: {  	s31 =	simm.s32 $0x180;
	s25 =	simm.s32 $0x180;
	[sflag:s23] =	ssyncadd.s32 $0xFFFFF000  }
0x4f: {  	[spmem:s1] =	stream.indirect.scatter.add.f32 [tilespmem:s20], [sflag:$0x3], $0x20, s29, s19, $0xb8;
	[tilespmem:$0xCA00] =	vst v63  }
0x50: {  	s26 =	simm.s32 $0x5;
	s2 =	simm.s32 @!p2 $0x80;
	_ =	swait.ge [sflag:s22], $0x1000  }
0x51: {  	s3 =	simm.s32 @!p2 $0x6A00;
	s0 =	simm.s32 $0x180;
	[sflag:s22] =	ssyncset.done $0x0  }
.LBB2_4:
0x52: {  	s31 =	smov.u32 s25;
	s29 =	smov.u32 s28  }
0x53: {  	s30 =	sadd.s32 $0xFFFFFFFF, s30;
	s25 =	sadd.s32 $0x100, s25;
	[sflag:s22] =	ssyncadd.s32 $0xFFFFF000  }
0x54: {  	[tilespmem:s3], [sflag:$0x2] =	stream.indirect.gather @!p2 [hbm4b:s4+s2], $0x20, s0, s2, $0xb8;
	[tilespmem:$0xCA00] =	vst v63  }
0x55: {  	p1 =	sne.s32 s30, $0x0;
	s0 =	smov.u32 s25;
	_ =	swait.ge [sflag:s21], $0x1000  }
0x56: {  	s2 =	sadd.s32 $0xFFFFFF80, s28;
	s3 =	smov.u32 s28;
	[sflag:s21] =	ssyncset.done $0x0  }
0x57: {  	s6 =	sadd.s32 $0xFFFFFFFF, s26;
	[sflag:s21] =	ssyncadd.s32 $0xFFFFF000  }
0x58: {  	[spmem:s1] =	stream.indirect.scatter.add.f32 [tilespmem:s18], [sflag:$0x3], $0x20, s2, s19, $0xb8;
	[tilespmem:$0xCA00] =	vst v63  }
0x59: {  	p2 =	sge.u32 s6, s5;
	_ =	swait.ge [sflag:s22], $0x1000  }
0x5a: {  	s6 =	simm.s32 @!p2 $0x80;
	s2 =	sadd.s32 @!p2 $0xFFFFFF80, s25;
	[sflag:s22] =	ssyncset.done $0x0  }
0x5b: {  	s7 =	simm.s32 @!p2 $0x5A00;
	[sflag:s22] =	ssyncadd.s32 $0xFFFFF000  }
0x5c: {  	[tilespmem:s7], [sflag:$0x1] =	stream.indirect.gather @!p2 [hbm4b:s4+s6], $0x20, s2, s6, $0xb8;
	[tilespmem:$0xCA00] =	vst v63  }
0x5d: {  	_ =	swait.ge [sflag:s23], $0x1000  }
.Ltmp2:
0x5e: {  	[sflag:s23] =	ssyncset.done $0x0;
	(pc) =	sbr.rel @p1 .LBB2_4-.Ltmp2, $4  }
0x5f: {  	s28 =	sadd.s32 $0x100, s28;
	[sflag:s23] =	ssyncadd.s32 $0xFFFFF000  }
0x60: {  	[spmem:s1] =	stream.indirect.scatter.add.f32 [tilespmem:s20], [sflag:$0x3], $0x20, s3, s19, $0xb8;
	[tilespmem:$0xCA00] =	vst v63  }
0x61: {  	p2 =	sge.u32 s26, s5;
	s26 =	sadd.s32 $0x2, s26;
	_ =	swait.ge [sflag:s22], $0x1000  }
0x62: {  	s2 =	simm.s32 @!p2 $0x80;
	s3 =	simm.s32 @!p2 $0x6A00;
	[sflag:s22] =	ssyncset.done $0x0  }
.LBB2_5:
0x63: {  	[sflag:s22] =	ssyncadd.s32 $0xFFFFF000  }
0x64: {  	[tilespmem:s3], [sflag:$0x2] =	stream.indirect.gather @!p2 [hbm4b:s4+s2], $0x20, s0, s2, $0xb8;
	[tilespmem:$0xCA00] =	vst v63  }
0x65: {  	_ =	swait.ge [sflag:s21], $0x1000  }
0x66: {  	[sflag:s21] =	ssyncset.done $0x0  }
0x67: {  	s7 =	sadd.s32 $0x80, s29;
	s29 =	sadd.s32 $0xFFFFFFFF, s26;
	[sflag:s21] =	ssyncadd.s32 $0xFFFFF000  }
0x68: {  	[spmem:s1] =	stream.indirect.scatter.add.f32 [tilespmem:s18], [sflag:$0x3], $0x20, s7, s19, $0xb8;
	[tilespmem:$0xCA00] =	vst v63  }
0x69: {  	p1 =	sge.u32 s29, s5;
	_ =	swait.ge [sflag:s22], $0x1000  }
0x6a: {  	s0 =	sadd.s32 @!p1 $0x80, s31;
	[sflag:s22] =	ssyncset.done $0x0  }
0x6b: {  	s2 =	simm.s32 @!p1 $0x80;
	s3 =	simm.s32 @!p1 $0x5A00;
	[sflag:s22] =	ssyncadd.s32 $0xFFFFF000  }
0x6c: {  	[tilespmem:s3], [sflag:$0x1] =	stream.indirect.gather @!p1 [hbm4b:s4+s2], $0x20, s0, s2, $0xb8;
	[tilespmem:$0xCA00] =	vst v63  }
0x6d: {  	_ =	swait.ge [sflag:s23], $0x1000  }
0x6e: {  	[sflag:s23] =	ssyncset.done $0x0  }
0x6f: {  	[sflag:s23] =	ssyncadd.s32 $0xFFFFF000  }
0x70: {  	[spmem:s1] =	stream.indirect.scatter.add.f32 [tilespmem:s20], [sflag:$0x3], $0x20, s28, s19, $0xb8;
	[tilespmem:$0xCA00] =	vst v63  }
0x71: {  	s30 =	stileid.u32;
	s24 =	sadd.s32 $0x1, s24;
	_ =	swait.ge [sflag:s22], $0x1000  }
0x72: {  	s0 =	sadd.s32 $0x100, s25;
	p1 =	sge.u32 s26, s5;
	[sflag:s22] =	ssyncset.done $0x0  }
0x73: {  	s2 =	simm.s32 @!p1 $0x80;
	s3 =	simm.s32 @!p1 $0x6A00;
	[sflag:s22] =	ssyncadd.s32 $0xFFFFF000  }
0x74: {  	[tilespmem:s3], [sflag:$0x2] =	stream.indirect.gather @!p1 [hbm4b:s4+s2], $0x20, s0, s2, $0xb8;
	[tilespmem:$0xCA00] =	vst v63  }
0x75: {  	s31 =	sshrl.u32 s10, $0x3;
	s0 =	sshll.u32 s30, $0x6;
	p1 =	sne.s32 s24, s16  }
.Ltmp3:
0x76: {  	[bflag:$0x0] =	sbarrier.arrive $0xFFFF;
	s0 =	sor.u32 $0x1C03, s0;
	(pc) =	sbr.rel @p1 .LBB2_1-.Ltmp3, $4  }
0x77: {  	[hbm:s15], [sflag:s0] =	dma.local [spmem:s31], $0xA00  }
0x78: {  	_ =	swait.ge [sflag:s22], $0xA00  }
0x79: {  	[sflag:s22] =	ssyncset.done $0x0  }
0x7a: {  	[sflag:s22] =	ssyncadd.s32 $0xFFFFF600  }
0x7b: {  	_ =	sfence.sel $0x180000  }
0x7c: {  	[bflag:$0x0] =	sbarrier.arrive $0xFFFF  }
0x7d: {  	_ =	strace $0x90000053  }
0x7e: {  	s0 =	stileid.u32;
	[bflag:$0x2] =	sbarrier.arrive $0xFFFF  }
0x7f: {  	p0 =	sne.s32 s0, $0x0;
	s0 =	rddreg [dreg:$0x3]  }
0x80: {  	s0 =	sadd.s32 @!p0 $0x100000, s0  }
0x81: {  	[sflag:s0] =	ssyncadd.tile.s32 @!p0 $0x1;
	_ =	shalt  }
.Lfunc_end2:
_tile_overlayer_lowered:
.L_overlay_start_2:
0x82: {  	(tag) =	ssettag $0x2  }
0x83: {  	s0 =	rddreg [dreg:$0x0];
	s2 =	stileid.u32  }
0x84: {  	s1 =	rddreg [dreg:$0x1];
	p0 =	sne.s32 s2, $0x0  }
0x85: {  	s3 =	rddreg [dreg:$0x2];
	[bflag:$0x3] =	sbarrier.arrive $0xFFFF;
	s2 =	simm.s32 @!p0 $0x1C03  }
0x86: {  	[timem:s3], [sflag:s2] =	dma.local @!p0 [hbm:s0], s1  }
0x87: {  	s0 =	simm.s32 @!p0 $0x3  }
0x88: {  	_ =	swait.ge @!p0 [sflag:s0], s1  }
0x89: {  	s1 =	ssub.s32 @!p0 $0x0, s1;
	[sflag:s0] =	ssyncset.done @!p0 $0x0  }
0x8a: {  	[sflag:s0] =	ssyncadd.s32 @!p0 s1  }
0x8b: {  	[bflag:$0x3] =	sbarrier.arrive $0xFFFF  }
0x8c: {  	_ =	shalt  }

</sc_bundles>
